<compile_context>
chip_gen: v7x
topology: tpu7x:2x2x1
jax: 0.10.2.dev20260603
libtpu: 0.0.44.dev20260713+nightly
codegen_flags: <defaults>
</compile_context>

<pallas_src>
import dataclasses
import functools

import jax
import jax.numpy as jnp
from jax import lax
from jax.experimental import pallas as pl
from jax.experimental.pallas import tpu as pltpu
from jax.experimental.pallas import tpu_sc as plsc

NC = 2
NS = 16
LANES = 16


def _matmul(x, W):
    n, d_in = x.shape
    d_out = W.shape[1]
    blk = 2000

    def body(x_ref, w_ref, o_ref):
        o_ref[...] = jnp.dot(
            x_ref[...], w_ref[...],
            preferred_element_type=jnp.float32,
            precision=lax.Precision.HIGHEST,
        )

    return pl.pallas_call(
        body,
        grid=(n // blk,),
        in_specs=[
            pl.BlockSpec((blk, d_in), lambda i: (i, 0)),
            pl.BlockSpec((d_in, d_out), lambda i: (0, 0)),
        ],
        out_specs=pl.BlockSpec((blk, d_out), lambda i: (i, 0)),
        out_shape=jax.ShapeDtypeStruct((n, d_out), jnp.float32),
    )(x, W)


def _scatter_partials(xw, src, dst, ev, zeros):
    n, d = xw.shape
    e = src.shape[0]
    nw = NC * NS
    epw = e // nw
    chunk = 64
    nchunk = epw // chunk
    n_pad = zeros.shape[0]
    rows_per_sub = n_pad // NS
    nbuf = 4

    ngroup = 4
    g_e = epw // ngroup
    nchunk_g = g_e // chunk

    src = src.reshape(nw, ngroup, g_e)
    dst = dst.reshape(nw, ngroup, nchunk_g, chunk)
    ev = ev.reshape(nw, ngroup, g_e)

    mesh = plsc.VectorSubcoreMesh(core_axis_name="c", subcore_axis_name="s")
    cp = pltpu.CompilerParams()
    if "needs_layout_passes" in pltpu.CompilerParams.__dataclass_fields__:
        cp = dataclasses.replace(cp, needs_layout_passes=False)

    @functools.partial(
        pl.kernel,
        mesh=mesh,
        compiler_params=cp,
        out_type=jax.ShapeDtypeStruct((NC * n_pad, d), jnp.float32),
        scratch_types=[
            pltpu.VMEM((g_e,), jnp.int32),
            pltpu.VMEM((nchunk_g, chunk), jnp.int32),
            pltpu.VMEM((g_e,), jnp.float32),
            pltpu.VMEM((nbuf, chunk, d), jnp.float32),
            pltpu.VMEM_SHARED((n_pad, d), jnp.float32),
        ] + [pltpu.SemaphoreType.DMA] * (2 * nbuf + 1),
    )
    def k(xw_hbm, src_hbm, dst_hbm, ev_hbm, z_hbm, out_hbm,
          src_v, dst_v, ev_v, rows_v, acc, *sems_all):
        c = lax.axis_index("c")
        s = lax.axis_index("s")
        my_rows = pl.ds(s * rows_per_sub, rows_per_sub)
        pltpu.sync_copy(z_hbm.at[my_rows], acc.at[my_rows])

        wid = s * NC + c
        plsc.subcore_barrier()

        gsems = list(sems_all[:nbuf])
        ssems = list(sems_all[nbuf:2 * nbuf])
        isem = sems_all[2 * nbuf]

        def gather(ci, b):
            idx = src_v.at[pl.ds(ci * chunk, chunk)]
            return pltpu.make_async_copy(
                xw_hbm.at[idx], rows_v.at[b], gsems[b])

        def scatter(ci, b):
            return pltpu.make_async_copy(
                rows_v.at[b], acc.at[dst_v.at[ci]], ssems[b])

        def process(ci, b):
            gather(ci, b).wait()
            rows_b = rows_v.at[b]

            @pl.loop(0, chunk, step=4)
            def _(i):
                for t in range(4):
                    scale = plsc.load_gather(
                        ev_v,
                        [jnp.full((LANES,), ci * chunk + i + t, jnp.int32)])
                    for j in range(d // LANES):
                        sl = (i + t, pl.ds(j * LANES, LANES))
                        rows_b.at[*sl][...] = rows_b.at[*sl][...] * scale

            scatter(ci, b).start(add=True)
            pb = (b - 1) % nbuf

            @pl.when(ci >= 1)
            def _():
                scatter(ci - 1, pb).wait()

                @pl.when(ci + 3 < nchunk_g)
                def _():
                    gather(ci + 3, pb).start()

        @pl.loop(0, ngroup)
        def _(grp):
            c1 = pltpu.make_async_copy(src_hbm.at[wid, grp], src_v, isem)
            c2 = pltpu.make_async_copy(dst_hbm.at[wid, grp], dst_v, isem)
            c3 = pltpu.make_async_copy(ev_hbm.at[wid, grp], ev_v, isem)
            c1.start(); c2.start(); c3.start()
            c1.wait(); c2.wait(); c3.wait()

            for b in range(nbuf):
                gather(b, b).start()

            @pl.loop(0, nchunk_g, step=nbuf)
            def _(g):
                for b in range(nbuf):
                    process(g + b, b)

            scatter(nchunk_g - 1, (nchunk_g - 1) % nbuf).wait()

        plsc.subcore_barrier()
        pltpu.sync_copy(
            acc.at[my_rows],
            out_hbm.at[pl.ds(c * n_pad + s * rows_per_sub, rows_per_sub)])

    return k(xw, src, dst, ev, zeros)


def _combine_relu(partials, n):
    d = partials.shape[-1]
    blk = 2000

    def body(p_ref, o_ref):
        o_ref[...] = jnp.maximum(p_ref[0] + p_ref[1], 0.0)

    return pl.pallas_call(
        body,
        grid=(n // blk,),
        in_specs=[pl.BlockSpec((NC, blk, d), lambda i: (0, i, 0))],
        out_specs=pl.BlockSpec((blk, d), lambda i: (i, 0)),
        out_shape=jax.ShapeDtypeStruct((n, d), jnp.float32),
    )(partials)


def kernel(x, edge_index, edge_values, W):
    n, _ = x.shape
    d = W.shape[1]
    xw = _matmul(x, W)
    n_pad = ((n + 8 * NS - 1) // (8 * NS)) * (8 * NS)
    e = edge_index.shape[1]
    nw = NC * NS
    epw = -(-e // (nw * 640)) * 640
    e_pad = nw * epw
    npad_rows = ((n + 8 * NS - 1) // (8 * NS)) * (8 * NS) - n
    fill = jnp.arange(e_pad - e, dtype=jnp.int32)
    src = jnp.concatenate([edge_index[1], fill % n])
    dst = jnp.concatenate([edge_index[0], n + fill % npad_rows])
    ev = jnp.concatenate(
        [edge_values, jnp.zeros((e_pad - e,), jnp.float32)])
    zeros = jnp.zeros((n_pad, d), jnp.float32)
    partials = _scatter_partials(xw, src, dst, ev, zeros)
    return _combine_relu(partials.reshape(NC, n_pad, d), n)

# --- scband reference (transcript-rebuilt; emitter-appended) ---
"""Pipeline reference for scband-graph-convolution-layer-14181982011963 (READ-ONLY COPY).

The authoritative reference and input builder live on the scoring server;
editing this copy changes nothing except your own understanding.
"""

import jax, jax.numpy as jnp
import numpy as np

N_NODES = 10000
N_EDGES = 320000
D_IN = 128
D_OUT = 128


def setup_inputs(seed: int = 0) -> dict:
    key = jax.random.key(seed)
    k1, k2, k3, k4 = jax.random.split(key, 4)
    x = jax.random.normal(k1, (N_NODES, D_IN), dtype=jnp.float32)
    edge_index = jax.random.randint(k2, (2, N_EDGES), 0, N_NODES, dtype=jnp.int32)
    edge_values = jax.random.uniform(k3, (N_EDGES,), dtype=jnp.float32)
    W = jax.random.normal(k4, (D_IN, D_OUT), dtype=jnp.float32)
    return {"x": x, "edge_index": edge_index, "edge_values": edge_values, "W": W}


def reference(x, edge_index, edge_values, W):
    # forward of GraphConvolutionLayer with training=False (dropout is a no-op)
    # xw = x @ W  (dense mm)
    xw = jnp.dot(x, W)
    # out = torch.sparse.mm(support, xw) where support is COO:
    #   row = edge_index[0] (dst), col = edge_index[1] (src), values = edge_values
    # out[i] = sum_{e: row[e]==i} edge_values[e] * xw[col[e]]
    gathered = jnp.take(xw, edge_index[1], axis=0) * edge_values[:, None]
    out = jax.ops.segment_sum(gathered, edge_index[0], num_segments=N_NODES)
    # bias=False, activation=F.relu
    return jax.nn.relu(out)

if __name__ == "__main__":
    import jax
    _d = setup_inputs()
    print(jax.jit(kernel)(*tuple(_d.values())))

</pallas_src>

<mosaic_0001>
#map = affine_map<(d0, d1) -> (0, 0)>
#map1 = affine_map<(d0, d1) -> (0, 0, 0)>
#map2 = affine_map<(d0, d1) -> (0, 0, 0, 0)>
module attributes {stable_mosaic.version = 14 : i64} {
  func.func @k(%arg0: i32, %arg1: i32, %arg2: memref<10000x128xf32, #tpu.memory_space<hbm>>, %arg3: memref<32x4x2560xi32, #tpu.memory_space<hbm>>, %arg4: memref<32x4x40x64xi32, #tpu.memory_space<hbm>>, %arg5: memref<32x4x2560xf32, #tpu.memory_space<hbm>>, %arg6: memref<10112x128xf32, #tpu.memory_space<hbm>>, %arg7: memref<20224x128xf32, #tpu.memory_space<hbm>>, %arg8: memref<2560xi32, #tpu.memory_space<vmem>>, %arg9: memref<40x64xi32, #tpu.memory_space<vmem>>, %arg10: memref<2560xf32, #tpu.memory_space<vmem>>, %arg11: memref<4x64x128xf32, #tpu.memory_space<vmem>>, %arg12: memref<10112x128xf32, #tpu.memory_space<vmem_shared>>, %arg13: memref<!tpu.dma_semaphore, #tpu.memory_space<semaphore_mem>>, %arg14: memref<!tpu.dma_semaphore, #tpu.memory_space<semaphore_mem>>, %arg15: memref<!tpu.dma_semaphore, #tpu.memory_space<semaphore_mem>>, %arg16: memref<!tpu.dma_semaphore, #tpu.memory_space<semaphore_mem>>, %arg17: memref<!tpu.dma_semaphore, #tpu.memory_space<semaphore_mem>>, %arg18: memref<!tpu.dma_semaphore, #tpu.memory_space<semaphore_mem>>, %arg19: memref<!tpu.dma_semaphore, #tpu.memory_space<semaphore_mem>>, %arg20: memref<!tpu.dma_semaphore, #tpu.memory_space<semaphore_mem>>, %arg21: memref<!tpu.dma_semaphore, #tpu.memory_space<semaphore_mem>>) attributes {dimension_semantics = [#tpu.dimension_semantics<core_parallel>, #tpu.dimension_semantics<subcore_parallel>], iteration_bounds = array<i64: 2, 16>, scalar_prefetch = 0 : i64, scratch_operands = 14 : i64, tpu.core_type = #tpu.core_type<sc_vector_subcore>, window_params = [{transform_indices = #map}, {transform_indices = #map1}, {transform_indices = #map2}, {transform_indices = #map1}, {transform_indices = #map}, {transform_indices = #map}]} {
    %mul3A = arith.constant 632 : i32
    %mul3A_0 = arith.muli %arg1, %mul3A : i32
    "tpu.region"() ({
      %run_scoped3A = tpu.sem_alloc : memref<!tpu.dma_semaphore, #tpu.memory_space<semaphore_mem>>
      %dma_start3A = arith.constant 0 : i32
      %dma_start3A_13 = tpu.memref_slice %arg12[%mul3A_0, %dma_start3A] : memref<10112x128xf32, #tpu.memory_space<vmem_shared>> -> memref<632x128xf32, #tpu.memory_space<vmem_shared>>
      %dma_start3A_14 = arith.constant 0 : i32
      %dma_start3A_15 = tpu.memref_slice %arg6[%mul3A_0, %dma_start3A_14] : memref<10112x128xf32, #tpu.memory_space<hbm>> -> memref<632x128xf32, #tpu.memory_space<hbm>>
      tpu.enqueue_dma source(%dma_start3A_15 : memref<632x128xf32, #tpu.memory_space<hbm>>) target(%dma_start3A_13 : memref<632x128xf32, #tpu.memory_space<vmem_shared>>) target_semaphore(%run_scoped3A : memref<!tpu.dma_semaphore, #tpu.memory_space<semaphore_mem>>)
      %dma_wait3A = arith.constant 0 : i32
      %dma_wait3A_16 = tpu.memref_slice %arg12[%mul3A_0, %dma_wait3A] : memref<10112x128xf32, #tpu.memory_space<vmem_shared>> -> memref<632x128xf32, #tpu.memory_space<vmem_shared>>
      %dma_wait3A_17 = arith.constant 0 : i32
      %dma_wait3A_18 = tpu.memref_slice %arg6[%mul3A_0, %dma_wait3A_17] : memref<10112x128xf32, #tpu.memory_space<hbm>> -> memref<632x128xf32, #tpu.memory_space<hbm>>
      tpu.wait_dma2 semaphore(%run_scoped3A : memref<!tpu.dma_semaphore, #tpu.memory_space<semaphore_mem>>) src(%dma_wait3A_18 : memref<632x128xf32, #tpu.memory_space<hbm>>) dst(%dma_wait3A_16 : memref<632x128xf32, #tpu.memory_space<vmem_shared>>)
      tpu.yield
    }) : () -> ()
    %mul3A_1 = arith.constant 2 : i32
    %mul3A_2 = arith.muli %arg1, %mul3A_1 : i32
    %add3A = arith.addi %mul3A_2, %arg0 : i32
    %barrier3A = arith.constant 0 : index
    tpu.barrier barrier_id(%barrier3A)
    %scan3A = arith.constant 0 : i32
    %scan3A_3 = arith.constant 4 : i32
    %scan3A_4 = arith.addi %scan3A, %scan3A_3 : i32
    %scan3A_5 = arith.constant 1 : i32
    scf.for %scan3A_13 = %scan3A to %scan3A_4 step %scan3A_5  : i32 {
      %mul3A_14 = arith.constant 1 : i32
      %mul3A_15 = arith.muli %scan3A_13, %mul3A_14 : i32
      %add3A_16 = arith.constant 0 : i32
      %add3A_17 = arith.addi %add3A_16, %mul3A_15 : i32
      %dma_start3A = arith.constant 0 : i32
      %dma_start3A_18 = tpu.memref_slice %arg3[%add3A, %add3A_17, %dma_start3A] : memref<32x4x2560xi32, #tpu.memory_space<hbm>> -> memref<1x1x2560xi32, #tpu.memory_space<hbm>>
      %dma_start3A_19 = tpu.memref_squeeze %dma_start3A_18 : memref<1x1x2560xi32, #tpu.memory_space<hbm>> -> memref<2560xi32, #tpu.memory_space<hbm>>
      %dma_start3A_20 = arith.constant 0 : i32
      %dma_start3A_21 = tpu.memref_slice %arg3[%add3A, %add3A_17, %dma_start3A_20] : memref<32x4x2560xi32, #tpu.memory_space<hbm>> -> memref<1x1x2560xi32, #tpu.memory_space<hbm>>
      %dma_start3A_22 = tpu.memref_squeeze %dma_start3A_21 : memref<1x1x2560xi32, #tpu.memory_space<hbm>> -> memref<2560xi32, #tpu.memory_space<hbm>>
      tpu.enqueue_dma source(%dma_start3A_22 : memref<2560xi32, #tpu.memory_space<hbm>>) target(%arg8 : memref<2560xi32, #tpu.memory_space<vmem>>) target_semaphore(%arg21 : memref<!tpu.dma_semaphore, #tpu.memory_space<semaphore_mem>>)
      %dma_start3A_23 = arith.constant 0 : i32
      %dma_start3A_24 = arith.constant 0 : i32
      %dma_start3A_25 = tpu.memref_slice %arg4[%add3A, %add3A_17, %dma_start3A_23, %dma_start3A_24] : memref<32x4x40x64xi32, #tpu.memory_space<hbm>> -> memref<1x1x40x64xi32, #tpu.memory_space<hbm>>
      %dma_start3A_26 = tpu.memref_squeeze %dma_start3A_25 : memref<1x1x40x64xi32, #tpu.memory_space<hbm>> -> memref<40x64xi32, #tpu.memory_space<hbm>>
      %dma_start3A_27 = arith.constant 0 : i32
      %dma_start3A_28 = arith.constant 0 : i32
      %dma_start3A_29 = tpu.memref_slice %arg4[%add3A, %add3A_17, %dma_start3A_27, %dma_start3A_28] : memref<32x4x40x64xi32, #tpu.memory_space<hbm>> -> memref<1x1x40x64xi32, #tpu.memory_space<hbm>>
      %dma_start3A_30 = tpu.memref_squeeze %dma_start3A_29 : memref<1x1x40x64xi32, #tpu.memory_space<hbm>> -> memref<40x64xi32, #tpu.memory_space<hbm>>
      tpu.enqueue_dma source(%dma_start3A_30 : memref<40x64xi32, #tpu.memory_space<hbm>>) target(%arg9 : memref<40x64xi32, #tpu.memory_space<vmem>>) target_semaphore(%arg21 : memref<!tpu.dma_semaphore, #tpu.memory_space<semaphore_mem>>)
      %dma_start3A_31 = arith.constant 0 : i32
      %dma_start3A_32 = tpu.memref_slice %arg5[%add3A, %add3A_17, %dma_start3A_31] : memref<32x4x2560xf32, #tpu.memory_space<hbm>> -> memref<1x1x2560xf32, #tpu.memory_space<hbm>>
      %dma_start3A_33 = tpu.memref_squeeze %dma_start3A_32 : memref<1x1x2560xf32, #tpu.memory_space<hbm>> -> memref<2560xf32, #tpu.memory_space<hbm>>
      %dma_start3A_34 = arith.constant 0 : i32
      %dma_start3A_35 = tpu.memref_slice %arg5[%add3A, %add3A_17, %dma_start3A_34] : memref<32x4x2560xf32, #tpu.memory_space<hbm>> -> memref<1x1x2560xf32, #tpu.memory_space<hbm>>
      %dma_start3A_36 = tpu.memref_squeeze %dma_start3A_35 : memref<1x1x2560xf32, #tpu.memory_space<hbm>> -> memref<2560xf32, #tpu.memory_space<hbm>>
      tpu.enqueue_dma source(%dma_start3A_36 : memref<2560xf32, #tpu.memory_space<hbm>>) target(%arg10 : memref<2560xf32, #tpu.memory_space<vmem>>) target_semaphore(%arg21 : memref<!tpu.dma_semaphore, #tpu.memory_space<semaphore_mem>>)
      %dma_wait3A = arith.constant 0 : i32
      %dma_wait3A_37 = tpu.memref_slice %arg3[%add3A, %add3A_17, %dma_wait3A] : memref<32x4x2560xi32, #tpu.memory_space<hbm>> -> memref<1x1x2560xi32, #tpu.memory_space<hbm>>
      %dma_wait3A_38 = tpu.memref_squeeze %dma_wait3A_37 : memref<1x1x2560xi32, #tpu.memory_space<hbm>> -> memref<2560xi32, #tpu.memory_space<hbm>>
      %dma_wait3A_39 = arith.constant 0 : i32
      %dma_wait3A_40 = tpu.memref_slice %arg3[%add3A, %add3A_17, %dma_wait3A_39] : memref<32x4x2560xi32, #tpu.memory_space<hbm>> -> memref<1x1x2560xi32, #tpu.memory_space<hbm>>
      %dma_wait3A_41 = tpu.memref_squeeze %dma_wait3A_40 : memref<1x1x2560xi32, #tpu.memory_space<hbm>> -> memref<2560xi32, #tpu.memory_space<hbm>>
      tpu.wait_dma2 semaphore(%arg21 : memref<!tpu.dma_semaphore, #tpu.memory_space<semaphore_mem>>) src(%dma_wait3A_41 : memref<2560xi32, #tpu.memory_space<hbm>>) dst(%arg8 : memref<2560xi32, #tpu.memory_space<vmem>>)
      %dma_wait3A_42 = arith.constant 0 : i32
      %dma_wait3A_43 = arith.constant 0 : i32
      %dma_wait3A_44 = tpu.memref_slice %arg4[%add3A, %add3A_17, %dma_wait3A_42, %dma_wait3A_43] : memref<32x4x40x64xi32, #tpu.memory_space<hbm>> -> memref<1x1x40x64xi32, #tpu.memory_space<hbm>>
      %dma_wait3A_45 = tpu.memref_squeeze %dma_wait3A_44 : memref<1x1x40x64xi32, #tpu.memory_space<hbm>> -> memref<40x64xi32, #tpu.memory_space<hbm>>
      %dma_wait3A_46 = arith.constant 0 : i32
      %dma_wait3A_47 = arith.constant 0 : i32
      %dma_wait3A_48 = tpu.memref_slice %arg4[%add3A, %add3A_17, %dma_wait3A_46, %dma_wait3A_47] : memref<32x4x40x64xi32, #tpu.memory_space<hbm>> -> memref<1x1x40x64xi32, #tpu.memory_space<hbm>>
      %dma_wait3A_49 = tpu.memref_squeeze %dma_wait3A_48 : memref<1x1x40x64xi32, #tpu.memory_space<hbm>> -> memref<40x64xi32, #tpu.memory_space<hbm>>
      tpu.wait_dma2 semaphore(%arg21 : memref<!tpu.dma_semaphore, #tpu.memory_space<semaphore_mem>>) src(%dma_wait3A_49 : memref<40x64xi32, #tpu.memory_space<hbm>>) dst(%arg9 : memref<40x64xi32, #tpu.memory_space<vmem>>)
      %dma_wait3A_50 = arith.constant 0 : i32
      %dma_wait3A_51 = tpu.memref_slice %arg5[%add3A, %add3A_17, %dma_wait3A_50] : memref<32x4x2560xf32, #tpu.memory_space<hbm>> -> memref<1x1x2560xf32, #tpu.memory_space<hbm>>
      %dma_wait3A_52 = tpu.memref_squeeze %dma_wait3A_51 : memref<1x1x2560xf32, #tpu.memory_space<hbm>> -> memref<2560xf32, #tpu.memory_space<hbm>>
      %dma_wait3A_53 = arith.constant 0 : i32
      %dma_wait3A_54 = tpu.memref_slice %arg5[%add3A, %add3A_17, %dma_wait3A_53] : memref<32x4x2560xf32, #tpu.memory_space<hbm>> -> memref<1x1x2560xf32, #tpu.memory_space<hbm>>
      %dma_wait3A_55 = tpu.memref_squeeze %dma_wait3A_54 : memref<1x1x2560xf32, #tpu.memory_space<hbm>> -> memref<2560xf32, #tpu.memory_space<hbm>>
      tpu.wait_dma2 semaphore(%arg21 : memref<!tpu.dma_semaphore, #tpu.memory_space<semaphore_mem>>) src(%dma_wait3A_55 : memref<2560xf32, #tpu.memory_space<hbm>>) dst(%arg10 : memref<2560xf32, #tpu.memory_space<vmem>>)
      %dma_start3A_56 = arith.constant 0 : i32
      %dma_start3A_57 = arith.constant 0 : i32
      %dma_start3A_58 = arith.constant 0 : i32
      %dma_start3A_59 = tpu.memref_slice %arg11[%dma_start3A_56, %dma_start3A_57, %dma_start3A_58] : memref<4x64x128xf32, #tpu.memory_space<vmem>> -> memref<1x64x128xf32, #tpu.memory_space<vmem>>
      %dma_start3A_60 = tpu.memref_squeeze %dma_start3A_59 : memref<1x64x128xf32, #tpu.memory_space<vmem>> -> memref<64x128xf32, #tpu.memory_space<vmem>>
      %dma_start3A_61 = arith.constant 0 : i32
      %dma_start3A_62 = tpu.memref_slice %arg8[%dma_start3A_61] : memref<2560xi32, #tpu.memory_space<vmem>> -> memref<64xi32, #tpu.memory_space<vmem>>
      %dma_start3A_63 = arith.constant 0 : i32
      %dma_start3A_64 = arith.constant 0 : i32
      %dma_start3A_65 = tpu.memref_slice %arg2[%dma_start3A_63, %dma_start3A_64] : memref<10000x128xf32, #tpu.memory_space<hbm>> -> memref<10000x128xf32, #tpu.memory_space<hbm>>
      tpu.enqueue_indirect_dma source(%dma_start3A_65 : memref<10000x128xf32, #tpu.memory_space<hbm>>) target(%dma_start3A_60 : memref<64x128xf32, #tpu.memory_space<vmem>>) offsets(%dma_start3A_62 : memref<64xi32, #tpu.memory_space<vmem>>) semaphore(%arg13 : memref<!tpu.dma_semaphore, #tpu.memory_space<semaphore_mem>>)
      %dma_start3A_66 = arith.constant 1 : i32
      %dma_start3A_67 = arith.constant 0 : i32
      %dma_start3A_68 = arith.constant 0 : i32
      %dma_start3A_69 = tpu.memref_slice %arg11[%dma_start3A_66, %dma_start3A_67, %dma_start3A_68] : memref<4x64x128xf32, #tpu.memory_space<vmem>> -> memref<1x64x128xf32, #tpu.memory_space<vmem>>
      %dma_start3A_70 = tpu.memref_squeeze %dma_start3A_69 : memref<1x64x128xf32, #tpu.memory_space<vmem>> -> memref<64x128xf32, #tpu.memory_space<vmem>>
      %dma_start3A_71 = arith.constant 64 : i32
      %dma_start3A_72 = tpu.memref_slice %arg8[%dma_start3A_71] : memref<2560xi32, #tpu.memory_space<vmem>> -> memref<64xi32, #tpu.memory_space<vmem>>
      %dma_start3A_73 = arith.constant 0 : i32
      %dma_start3A_74 = arith.constant 0 : i32
      %dma_start3A_75 = tpu.memref_slice %arg2[%dma_start3A_73, %dma_start3A_74] : memref<10000x128xf32, #tpu.memory_space<hbm>> -> memref<10000x128xf32, #tpu.memory_space<hbm>>
      tpu.enqueue_indirect_dma source(%dma_start3A_75 : memref<10000x128xf32, #tpu.memory_space<hbm>>) target(%dma_start3A_70 : memref<64x128xf32, #tpu.memory_space<vmem>>) offsets(%dma_start3A_72 : memref<64xi32, #tpu.memory_space<vmem>>) semaphore(%arg14 : memref<!tpu.dma_semaphore, #tpu.memory_space<semaphore_mem>>)
      %dma_start3A_76 = arith.constant 2 : i32
      %dma_start3A_77 = arith.constant 0 : i32
      %dma_start3A_78 = arith.constant 0 : i32
      %dma_start3A_79 = tpu.memref_slice %arg11[%dma_start3A_76, %dma_start3A_77, %dma_start3A_78] : memref<4x64x128xf32, #tpu.memory_space<vmem>> -> memref<1x64x128xf32, #tpu.memory_space<vmem>>
      %dma_start3A_80 = tpu.memref_squeeze %dma_start3A_79 : memref<1x64x128xf32, #tpu.memory_space<vmem>> -> memref<64x128xf32, #tpu.memory_space<vmem>>
      %dma_start3A_81 = arith.constant 128 : i32
      %dma_start3A_82 = tpu.memref_slice %arg8[%dma_start3A_81] : memref<2560xi32, #tpu.memory_space<vmem>> -> memref<64xi32, #tpu.memory_space<vmem>>
      %dma_start3A_83 = arith.constant 0 : i32
      %dma_start3A_84 = arith.constant 0 : i32
      %dma_start3A_85 = tpu.memref_slice %arg2[%dma_start3A_83, %dma_start3A_84] : memref<10000x128xf32, #tpu.memory_space<hbm>> -> memref<10000x128xf32, #tpu.memory_space<hbm>>
      tpu.enqueue_indirect_dma source(%dma_start3A_85 : memref<10000x128xf32, #tpu.memory_space<hbm>>) target(%dma_start3A_80 : memref<64x128xf32, #tpu.memory_space<vmem>>) offsets(%dma_start3A_82 : memref<64xi32, #tpu.memory_space<vmem>>) semaphore(%arg15 : memref<!tpu.dma_semaphore, #tpu.memory_space<semaphore_mem>>)
      %dma_start3A_86 = arith.constant 3 : i32
      %dma_start3A_87 = arith.constant 0 : i32
      %dma_start3A_88 = arith.constant 0 : i32
      %dma_start3A_89 = tpu.memref_slice %arg11[%dma_start3A_86, %dma_start3A_87, %dma_start3A_88] : memref<4x64x128xf32, #tpu.memory_space<vmem>> -> memref<1x64x128xf32, #tpu.memory_space<vmem>>
      %dma_start3A_90 = tpu.memref_squeeze %dma_start3A_89 : memref<1x64x128xf32, #tpu.memory_space<vmem>> -> memref<64x128xf32, #tpu.memory_space<vmem>>
      %dma_start3A_91 = arith.constant 192 : i32
      %dma_start3A_92 = tpu.memref_slice %arg8[%dma_start3A_91] : memref<2560xi32, #tpu.memory_space<vmem>> -> memref<64xi32, #tpu.memory_space<vmem>>
      %dma_start3A_93 = arith.constant 0 : i32
      %dma_start3A_94 = arith.constant 0 : i32
      %dma_start3A_95 = tpu.memref_slice %arg2[%dma_start3A_93, %dma_start3A_94] : memref<10000x128xf32, #tpu.memory_space<hbm>> -> memref<10000x128xf32, #tpu.memory_space<hbm>>
      tpu.enqueue_indirect_dma source(%dma_start3A_95 : memref<10000x128xf32, #tpu.memory_space<hbm>>) target(%dma_start3A_90 : memref<64x128xf32, #tpu.memory_space<vmem>>) offsets(%dma_start3A_92 : memref<64xi32, #tpu.memory_space<vmem>>) semaphore(%arg16 : memref<!tpu.dma_semaphore, #tpu.memory_space<semaphore_mem>>)
      %scan3A_96 = arith.constant 0 : i32
      %scan3A_97 = arith.constant 10 : i32
      %scan3A_98 = arith.addi %scan3A_96, %scan3A_97 : i32
      %scan3A_99 = arith.constant 1 : i32
      scf.for %scan3A_113 = %scan3A_96 to %scan3A_98 step %scan3A_99  : i32 {
        %mul3A_114 = arith.constant 4 : i32
        %mul3A_115 = arith.muli %scan3A_113, %mul3A_114 : i32
        %add3A_116 = arith.constant 0 : i32
        %add3A_117 = arith.addi %add3A_116, %mul3A_115 : i32
        %add3A_118 = arith.constant 0 : i32
        %add3A_119 = arith.addi %add3A_117, %add3A_118 : i32
        %mul3A_120 = arith.constant 64 : i32
        %mul3A_121 = arith.muli %add3A_119, %mul3A_120 : i32
        %dma_wait3A_122 = arith.constant 0 : i32
        %dma_wait3A_123 = arith.constant 0 : i32
        %dma_wait3A_124 = arith.constant 0 : i32
        %dma_wait3A_125 = tpu.memref_slice %arg11[%dma_wait3A_122, %dma_wait3A_123, %dma_wait3A_124] : memref<4x64x128xf32, #tpu.memory_space<vmem>> -> memref<1x64x128xf32, #tpu.memory_space<vmem>>
        %dma_wait3A_126 = tpu.memref_squeeze %dma_wait3A_125 : memref<1x64x128xf32, #tpu.memory_space<vmem>> -> memref<64x128xf32, #tpu.memory_space<vmem>>
        %dma_wait3A_127 = tpu.memref_slice %arg8[%mul3A_121] : memref<2560xi32, #tpu.memory_space<vmem>> -> memref<64xi32, #tpu.memory_space<vmem>>
        %dma_wait3A_128 = arith.constant 0 : i32
        %dma_wait3A_129 = arith.constant 0 : i32
        %dma_wait3A_130 = tpu.memref_slice %arg2[%dma_wait3A_128, %dma_wait3A_129] : memref<10000x128xf32, #tpu.memory_space<hbm>> -> memref<10000x128xf32, #tpu.memory_space<hbm>>
        tpu.wait_indirect_dma semaphore(%arg13 : memref<!tpu.dma_semaphore, #tpu.memory_space<semaphore_mem>>) src(%dma_wait3A_130 : memref<10000x128xf32, #tpu.memory_space<hbm>>) dst(%dma_wait3A_126 : memref<64x128xf32, #tpu.memory_space<vmem>>)
        %scan3A_131 = arith.constant 0 : i32
        %scan3A_132 = arith.constant 0 : i32
        %scan3A_133 = arith.constant 16 : i32
        %scan3A_134 = arith.addi %scan3A_132, %scan3A_133 : i32
        %scan3A_135 = arith.constant 1 : i32
        scf.for %scan3A_255 = %scan3A_132 to %scan3A_134 step %scan3A_135  : i32 {
          %mul3A_256 = arith.constant 4 : i32
          %mul3A_257 = arith.muli %scan3A_255, %mul3A_256 : i32
          %add3A_258 = arith.constant 0 : i32
          %add3A_259 = arith.addi %add3A_258, %mul3A_257 : i32
          %mul3A_260 = arith.constant 64 : i32
          %mul3A_261 = arith.muli %add3A_119, %mul3A_260 : i32
          %add3A_262 = arith.addi %mul3A_261, %add3A_259 : i32
          %add3A_263 = arith.constant 0 : i32
          %add3A_264 = arith.addi %add3A_262, %add3A_263 : i32
          %broadcast_in_dim3A = vector.broadcast %add3A_264 : i32 to vector<16xi32>
          %gather3A = tpu.vector_load_idx %arg10[%broadcast_in_dim3A] : memref<2560xf32, #tpu.memory_space<vmem>>[vector<16xi32>], vector<16xf32>,
          %add3A_265 = arith.constant 0 : i32
          %add3A_266 = arith.addi %add3A_259, %add3A_265 : i32
          %get3A = arith.constant 0 : i32
          %get3A_267 = arith.constant 0 : i32
          %get3A_268 = tpu.memref_slice %arg11[%scan3A_131, %get3A, %get3A_267] : memref<4x64x128xf32, #tpu.memory_space<vmem>> -> memref<1x64x128xf32, #tpu.memory_space<vmem>>
          %get3A_269 = tpu.memref_squeeze %get3A_268 : memref<1x64x128xf32, #tpu.memory_space<vmem>> -> memref<64x128xf32, #tpu.memory_space<vmem>>
          %get3A_270 = arith.index_cast %add3A_266 : i32 to index
          %get3A_271 = arith.constant 0 : index
          %get3A_272 = tpu.vector_load %get3A_269[%get3A_270, %get3A_271] {strides = array<i32>} : memref<64x128xf32, #tpu.memory_space<vmem>>, vector<16xf32>,
          %mul3A_273 = arith.mulf %get3A_272, %gather3A : vector<16xf32>
          %swap3A = arith.constant 0 : i32
          %swap3A_274 = arith.constant 0 : i32
          %swap3A_275 = tpu.memref_slice %arg11[%scan3A_131, %swap3A, %swap3A_274] : memref<4x64x128xf32, #tpu.memory_space<vmem>> -> memref<1x64x128xf32, #tpu.memory_space<vmem>>
          %swap3A_276 = tpu.memref_squeeze %swap3A_275 : memref<1x64x128xf32, #tpu.memory_space<vmem>> -> memref<64x128xf32, #tpu.memory_space<vmem>>
          %swap3A_277 = arith.index_cast %add3A_266 : i32 to index
          %swap3A_278 = arith.constant 0 : index
          %swap3A_279 = tpu.vector_load %swap3A_276[%swap3A_277, %swap3A_278] {strides = array<i32>} : memref<64x128xf32, #tpu.memory_space<vmem>>, vector<16xf32>,
          tpu.vector_store %swap3A_276[%swap3A_277, %swap3A_278], %mul3A_273 {strides = array<i32>} : memref<64x128xf32, #tpu.memory_space<vmem>>, vector<16xf32>,
          %add3A_280 = arith.constant 0 : i32
          %add3A_281 = arith.addi %add3A_259, %add3A_280 : i32
          %get3A_282 = arith.constant 0 : i32
          %get3A_283 = arith.constant 0 : i32
          %get3A_284 = tpu.memref_slice %arg11[%scan3A_131, %get3A_282, %get3A_283] : memref<4x64x128xf32, #tpu.memory_space<vmem>> -> memref<1x64x128xf32, #tpu.memory_space<vmem>>
          %get3A_285 = tpu.memref_squeeze %get3A_284 : memref<1x64x128xf32, #tpu.memory_space<vmem>> -> memref<64x128xf32, #tpu.memory_space<vmem>>
          %get3A_286 = arith.index_cast %add3A_281 : i32 to index
          %get3A_287 = arith.constant 16 : index
          %get3A_288 = tpu.vector_load %get3A_285[%get3A_286, %get3A_287] {strides = array<i32>} : memref<64x128xf32, #tpu.memory_space<vmem>>, vector<16xf32>,
          %mul3A_289 = arith.mulf %get3A_288, %gather3A : vector<16xf32>
          %swap3A_290 = arith.constant 0 : i32
          %swap3A_291 = arith.constant 0 : i32
          %swap3A_292 = tpu.memref_slice %arg11[%scan3A_131, %swap3A_290, %swap3A_291] : memref<4x64x128xf32, #tpu.memory_space<vmem>> -> memref<1x64x128xf32, #tpu.memory_space<vmem>>
          %swap3A_293 = tpu.memref_squeeze %swap3A_292 : memref<1x64x128xf32, #tpu.memory_space<vmem>> -> memref<64x128xf32, #tpu.memory_space<vmem>>
          %swap3A_294 = arith.index_cast %add3A_281 : i32 to index
          %swap3A_295 = arith.constant 16 : index
          %swap3A_296 = tpu.vector_load %swap3A_293[%swap3A_294, %swap3A_295] {strides = array<i32>} : memref<64x128xf32, #tpu.memory_space<vmem>>, vector<16xf32>,
          tpu.vector_store %swap3A_293[%swap3A_294, %swap3A_295], %mul3A_289 {strides = array<i32>} : memref<64x128xf32, #tpu.memory_space<vmem>>, vector<16xf32>,
          %add3A_297 = arith.constant 0 : i32
          %add3A_298 = arith.addi %add3A_259, %add3A_297 : i32
          %get3A_299 = arith.constant 0 : i32
          %get3A_300 = arith.constant 0 : i32
          %get3A_301 = tpu.memref_slice %arg11[%scan3A_131, %get3A_299, %get3A_300] : memref<4x64x128xf32, #tpu.memory_space<vmem>> -> memref<1x64x128xf32, #tpu.memory_space<vmem>>
          %get3A_302 = tpu.memref_squeeze %get3A_301 : memref<1x64x128xf32, #tpu.memory_space<vmem>> -> memref<64x128xf32, #tpu.memory_space<vmem>>
          %get3A_303 = arith.index_cast %add3A_298 : i32 to index
          %get3A_304 = arith.constant 32 : index
          %get3A_305 = tpu.vector_load %get3A_302[%get3A_303, %get3A_304] {strides = array<i32>} : memref<64x128xf32, #tpu.memory_space<vmem>>, vector<16xf32>,
          %mul3A_306 = arith.mulf %get3A_305, %gather3A : vector<16xf32>
          %swap3A_307 = arith.constant 0 : i32
          %swap3A_308 = arith.constant 0 : i32
          %swap3A_309 = tpu.memref_slice %arg11[%scan3A_131, %swap3A_307, %swap3A_308] : memref<4x64x128xf32, #tpu.memory_space<vmem>> -> memref<1x64x128xf32, #tpu.memory_space<vmem>>
          %swap3A_310 = tpu.memref_squeeze %swap3A_309 : memref<1x64x128xf32, #tpu.memory_space<vmem>> -> memref<64x128xf32, #tpu.memory_space<vmem>>
          %swap3A_311 = arith.index_cast %add3A_298 : i32 to index
          %swap3A_312 = arith.constant 32 : index
          %swap3A_313 = tpu.vector_load %swap3A_310[%swap3A_311, %swap3A_312] {strides = array<i32>} : memref<64x128xf32, #tpu.memory_space<vmem>>, vector<16xf32>,
          tpu.vector_store %swap3A_310[%swap3A_311, %swap3A_312], %mul3A_306 {strides = array<i32>} : memref<64x128xf32, #tpu.memory_space<vmem>>, vector<16xf32>,
          %add3A_314 = arith.constant 0 : i32
          %add3A_315 = arith.addi %add3A_259, %add3A_314 : i32
          %get3A_316 = arith.constant 0 : i32
          %get3A_317 = arith.constant 0 : i32
          %get3A_318 = tpu.memref_slice %arg11[%scan3A_131, %get3A_316, %get3A_317] : memref<4x64x128xf32, #tpu.memory_space<vmem>> -> memref<1x64x128xf32, #tpu.memory_space<vmem>>
          %get3A_319 = tpu.memref_squeeze %get3A_318 : memref<1x64x128xf32, #tpu.memory_space<vmem>> -> memref<64x128xf32, #tpu.memory_space<vmem>>
          %get3A_320 = arith.index_cast %add3A_315 : i32 to index
          %get3A_321 = arith.constant 48 : index
          %get3A_322 = tpu.vector_load %get3A_319[%get3A_320, %get3A_321] {strides = array<i32>} : memref<64x128xf32, #tpu.memory_space<vmem>>, vector<16xf32>,
          %mul3A_323 = arith.mulf %get3A_322, %gather3A : vector<16xf32>
          %swap3A_324 = arith.constant 0 : i32
          %swap3A_325 = arith.constant 0 : i32
          %swap3A_326 = tpu.memref_slice %arg11[%scan3A_131, %swap3A_324, %swap3A_325] : memref<4x64x128xf32, #tpu.memory_space<vmem>> -> memref<1x64x128xf32, #tpu.memory_space<vmem>>
          %swap3A_327 = tpu.memref_squeeze %swap3A_326 : memref<1x64x128xf32, #tpu.memory_space<vmem>> -> memref<64x128xf32, #tpu.memory_space<vmem>>
          %swap3A_328 = arith.index_cast %add3A_315 : i32 to index
          %swap3A_329 = arith.constant 48 : index
          %swap3A_330 = tpu.vector_load %swap3A_327[%swap3A_328, %swap3A_329] {strides = array<i32>} : memref<64x128xf32, #tpu.memory_space<vmem>>, vector<16xf32>,
          tpu.vector_store %swap3A_327[%swap3A_328, %swap3A_329], %mul3A_323 {strides = array<i32>} : memref<64x128xf32, #tpu.memory_space<vmem>>, vector<16xf32>,
          %add3A_331 = arith.constant 0 : i32
          %add3A_332 = arith.addi %add3A_259, %add3A_331 : i32
          %get3A_333 = arith.constant 0 : i32
          %get3A_334 = arith.constant 0 : i32
          %get3A_335 = tpu.memref_slice %arg11[%scan3A_131, %get3A_333, %get3A_334] : memref<4x64x128xf32, #tpu.memory_space<vmem>> -> memref<1x64x128xf32, #tpu.memory_space<vmem>>
          %get3A_336 = tpu.memref_squeeze %get3A_335 : memref<1x64x128xf32, #tpu.memory_space<vmem>> -> memref<64x128xf32, #tpu.memory_space<vmem>>
          %get3A_337 = arith.index_cast %add3A_332 : i32 to index
          %get3A_338 = arith.constant 64 : index
          %get3A_339 = tpu.vector_load %get3A_336[%get3A_337, %get3A_338] {strides = array<i32>} : memref<64x128xf32, #tpu.memory_space<vmem>>, vector<16xf32>,
          %mul3A_340 = arith.mulf %get3A_339, %gather3A : vector<16xf32>
          %swap3A_341 = arith.constant 0 : i32
          %swap3A_342 = arith.constant 0 : i32
          %swap3A_343 = tpu.memref_slice %arg11[%scan3A_131, %swap3A_341, %swap3A_342] : memref<4x64x128xf32, #tpu.memory_space<vmem>> -> memref<1x64x128xf32, #tpu.memory_space<vmem>>
          %swap3A_344 = tpu.memref_squeeze %swap3A_343 : memref<1x64x128xf32, #tpu.memory_space<vmem>> -> memref<64x128xf32, #tpu.memory_space<vmem>>
          %swap3A_345 = arith.index_cast %add3A_332 : i32 to index
          %swap3A_346 = arith.constant 64 : index
          %swap3A_347 = tpu.vector_load %swap3A_344[%swap3A_345, %swap3A_346] {strides = array<i32>} : memref<64x128xf32, #tpu.memory_space<vmem>>, vector<16xf32>,
          tpu.vector_store %swap3A_344[%swap3A_345, %swap3A_346], %mul3A_340 {strides = array<i32>} : memref<64x128xf32, #tpu.memory_space<vmem>>, vector<16xf32>,
          %add3A_348 = arith.constant 0 : i32
          %add3A_349 = arith.addi %add3A_259, %add3A_348 : i32
          %get3A_350 = arith.constant 0 : i32
          %get3A_351 = arith.constant 0 : i32
          %get3A_352 = tpu.memref_slice %arg11[%scan3A_131, %get3A_350, %get3A_351] : memref<4x64x128xf32, #tpu.memory_space<vmem>> -> memref<1x64x128xf32, #tpu.memory_space<vmem>>
          %get3A_353 = tpu.memref_squeeze %get3A_352 : memref<1x64x128xf32, #tpu.memory_space<vmem>> -> memref<64x128xf32, #tpu.memory_space<vmem>>
          %get3A_354 = arith.index_cast %add3A_349 : i32 to index
          %get3A_355 = arith.constant 80 : index
          %get3A_356 = tpu.vector_load %get3A_353[%get3A_354, %get3A_355] {strides = array<i32>} : memref<64x128xf32, #tpu.memory_space<vmem>>, vector<16xf32>,
          %mul3A_357 = arith.mulf %get3A_356, %gather3A : vector<16xf32>
          %swap3A_358 = arith.constant 0 : i32
          %swap3A_359 = arith.constant 0 : i32
          %swap3A_360 = tpu.memref_slice %arg11[%scan3A_131, %swap3A_358, %swap3A_359] : memref<4x64x128xf32, #tpu.memory_space<vmem>> -> memref<1x64x128xf32, #tpu.memory_space<vmem>>
          %swap3A_361 = tpu.memref_squeeze %swap3A_360 : memref<1x64x128xf32, #tpu.memory_space<vmem>> -> memref<64x128xf32, #tpu.memory_space<vmem>>
          %swap3A_362 = arith.index_cast %add3A_349 : i32 to index
          %swap3A_363 = arith.constant 80 : index
          %swap3A_364 = tpu.vector_load %swap3A_361[%swap3A_362, %swap3A_363] {strides = array<i32>} : memref<64x128xf32, #tpu.memory_space<vmem>>, vector<16xf32>,
          tpu.vector_store %swap3A_361[%swap3A_362, %swap3A_363], %mul3A_357 {strides = array<i32>} : memref<64x128xf32, #tpu.memory_space<vmem>>, vector<16xf32>,
          %add3A_365 = arith.constant 0 : i32
          %add3A_366 = arith.addi %add3A_259, %add3A_365 : i32
          %get3A_367 = arith.constant 0 : i32
          %get3A_368 = arith.constant 0 : i32
          %get3A_369 = tpu.memref_slice %arg11[%scan3A_131, %get3A_367, %get3A_368] : memref<4x64x128xf32, #tpu.memory_space<vmem>> -> memref<1x64x128xf32, #tpu.memory_space<vmem>>
          %get3A_370 = tpu.memref_squeeze %get3A_369 : memref<1x64x128xf32, #tpu.memory_space<vmem>> -> memref<64x128xf32, #tpu.memory_space<vmem>>
          %get3A_371 = arith.index_cast %add3A_366 : i32 to index
          %get3A_372 = arith.constant 96 : index
          %get3A_373 = tpu.vector_load %get3A_370[%get3A_371, %get3A_372] {strides = array<i32>} : memref<64x128xf32, #tpu.memory_space<vmem>>, vector<16xf32>,
          %mul3A_374 = arith.mulf %get3A_373, %gather3A : vector<16xf32>
          %swap3A_375 = arith.constant 0 : i32
          %swap3A_376 = arith.constant 0 : i32
          %swap3A_377 = tpu.memref_slice %arg11[%scan3A_131, %swap3A_375, %swap3A_376] : memref<4x64x128xf32, #tpu.memory_space<vmem>> -> memref<1x64x128xf32, #tpu.memory_space<vmem>>
          %swap3A_378 = tpu.memref_squeeze %swap3A_377 : memref<1x64x128xf32, #tpu.memory_space<vmem>> -> memref<64x128xf32, #tpu.memory_space<vmem>>
          %swap3A_379 = arith.index_cast %add3A_366 : i32 to index
          %swap3A_380 = arith.constant 96 : index
          %swap3A_381 = tpu.vector_load %swap3A_378[%swap3A_379, %swap3A_380] {strides = array<i32>} : memref<64x128xf32, #tpu.memory_space<vmem>>, vector<16xf32>,
          tpu.vector_store %swap3A_378[%swap3A_379, %swap3A_380], %mul3A_374 {strides = array<i32>} : memref<64x128xf32, #tpu.memory_space<vmem>>, vector<16xf32>,
          %add3A_382 = arith.constant 0 : i32
          %add3A_383 = arith.addi %add3A_259, %add3A_382 : i32
          %get3A_384 = arith.constant 0 : i32
          %get3A_385 = arith.constant 0 : i32
          %get3A_386 = tpu.memref_slice %arg11[%scan3A_131, %get3A_384, %get3A_385] : memref<4x64x128xf32, #tpu.memory_space<vmem>> -> memref<1x64x128xf32, #tpu.memory_space<vmem>>
          %get3A_387 = tpu.memref_squeeze %get3A_386 : memref<1x64x128xf32, #tpu.memory_space<vmem>> -> memref<64x128xf32, #tpu.memory_space<vmem>>
          %get3A_388 = arith.index_cast %add3A_383 : i32 to index
          %get3A_389 = arith.constant 112 : index
          %get3A_390 = tpu.vector_load %get3A_387[%get3A_388, %get3A_389] {strides = array<i32>} : memref<64x128xf32, #tpu.memory_space<vmem>>, vector<16xf32>,
          %mul3A_391 = arith.mulf %get3A_390, %gather3A : vector<16xf32>
          %swap3A_392 = arith.constant 0 : i32
          %swap3A_393 = arith.constant 0 : i32
          %swap3A_394 = tpu.memref_slice %arg11[%scan3A_131, %swap3A_392, %swap3A_393] : memref<4x64x128xf32, #tpu.memory_space<vmem>> -> memref<1x64x128xf32, #tpu.memory_space<vmem>>
          %swap3A_395 = tpu.memref_squeeze %swap3A_394 : memref<1x64x128xf32, #tpu.memory_space<vmem>> -> memref<64x128xf32, #tpu.memory_space<vmem>>
          %swap3A_396 = arith.index_cast %add3A_383 : i32 to index
          %swap3A_397 = arith.constant 112 : index
          %swap3A_398 = tpu.vector_load %swap3A_395[%swap3A_396, %swap3A_397] {strides = array<i32>} : memref<64x128xf32, #tpu.memory_space<vmem>>, vector<16xf32>,
          tpu.vector_store %swap3A_395[%swap3A_396, %swap3A_397], %mul3A_391 {strides = array<i32>} : memref<64x128xf32, #tpu.memory_space<vmem>>, vector<16xf32>,
          %mul3A_399 = arith.constant 64 : i32
          %mul3A_400 = arith.muli %add3A_119, %mul3A_399 : i32
          %add3A_401 = arith.addi %mul3A_400, %add3A_259 : i32
          %add3A_402 = arith.constant 1 : i32
          %add3A_403 = arith.addi %add3A_401, %add3A_402 : i32
          %broadcast_in_dim3A_404 = vector.broadcast %add3A_403 : i32 to vector<16xi32>
          %gather3A_405 = tpu.vector_load_idx %arg10[%broadcast_in_dim3A_404] : memref<2560xf32, #tpu.memory_space<vmem>>[vector<16xi32>], vector<16xf32>,
          %add3A_406 = arith.constant 1 : i32
          %add3A_407 = arith.addi %add3A_259, %add3A_406 : i32
          %get3A_408 = arith.constant 0 : i32
          %get3A_409 = arith.constant 0 : i32
          %get3A_410 = tpu.memref_slice %arg11[%scan3A_131, %get3A_408, %get3A_409] : memref<4x64x128xf32, #tpu.memory_space<vmem>> -> memref<1x64x128xf32, #tpu.memory_space<vmem>>
          %get3A_411 = tpu.memref_squeeze %get3A_410 : memref<1x64x128xf32, #tpu.memory_space<vmem>> -> memref<64x128xf32, #tpu.memory_space<vmem>>
          %get3A_412 = arith.index_cast %add3A_407 : i32 to index
          %get3A_413 = arith.constant 0 : index
          %get3A_414 = tpu.vector_load %get3A_411[%get3A_412, %get3A_413] {strides = array<i32>} : memref<64x128xf32, #tpu.memory_space<vmem>>, vector<16xf32>,
          %mul3A_415 = arith.mulf %get3A_414, %gather3A_405 : vector<16xf32>
          %swap3A_416 = arith.constant 0 : i32
          %swap3A_417 = arith.constant 0 : i32
          %swap3A_418 = tpu.memref_slice %arg11[%scan3A_131, %swap3A_416, %swap3A_417] : memref<4x64x128xf32, #tpu.memory_space<vmem>> -> memref<1x64x128xf32, #tpu.memory_space<vmem>>
          %swap3A_419 = tpu.memref_squeeze %swap3A_418 : memref<1x64x128xf32, #tpu.memory_space<vmem>> -> memref<64x128xf32, #tpu.memory_space<vmem>>
          %swap3A_420 = arith.index_cast %add3A_407 : i32 to index
          %swap3A_421 = arith.constant 0 : index
          %swap3A_422 = tpu.vector_load %swap3A_419[%swap3A_420, %swap3A_421] {strides = array<i32>} : memref<64x128xf32, #tpu.memory_space<vmem>>, vector<16xf32>,
          tpu.vector_store %swap3A_419[%swap3A_420, %swap3A_421], %mul3A_415 {strides = array<i32>} : memref<64x128xf32, #tpu.memory_space<vmem>>, vector<16xf32>,
          %add3A_423 = arith.constant 1 : i32
          %add3A_424 = arith.addi %add3A_259, %add3A_423 : i32
          %get3A_425 = arith.constant 0 : i32
          %get3A_426 = arith.constant 0 : i32
          %get3A_427 = tpu.memref_slice %arg11[%scan3A_131, %get3A_425, %get3A_426] : memref<4x64x128xf32, #tpu.memory_space<vmem>> -> memref<1x64x128xf32, #tpu.memory_space<vmem>>
          %get3A_428 = tpu.memref_squeeze %get3A_427 : memref<1x64x128xf32, #tpu.memory_space<vmem>> -> memref<64x128xf32, #tpu.memory_space<vmem>>
          %get3A_429 = arith.index_cast %add3A_424 : i32 to index
          %get3A_430 = arith.constant 16 : index
          %get3A_431 = tpu.vector_load %get3A_428[%get3A_429, %get3A_430] {strides = array<i32>} : memref<64x128xf32, #tpu.memory_space<vmem>>, vector<16xf32>,
          %mul3A_432 = arith.mulf %get3A_431, %gather3A_405 : vector<16xf32>
          %swap3A_433 = arith.constant 0 : i32
          %swap3A_434 = arith.constant 0 : i32
          %swap3A_435 = tpu.memref_slice %arg11[%scan3A_131, %swap3A_433, %swap3A_434] : memref<4x64x128xf32, #tpu.memory_space<vmem>> -> memref<1x64x128xf32, #tpu.memory_space<vmem>>
          %swap3A_436 = tpu.memref_squeeze %swap3A_435 : memref<1x64x128xf32, #tpu.memory_space<vmem>> -> memref<64x128xf32, #tpu.memory_space<vmem>>
          %swap3A_437 = arith.index_cast %add3A_424 : i32 to index
          %swap3A_438 = arith.constant 16 : index
          %swap3A_439 = tpu.vector_load %swap3A_436[%swap3A_437, %swap3A_438] {strides = array<i32>} : memref<64x128xf32, #tpu.memory_space<vmem>>, vector<16xf32>,
          tpu.vector_store %swap3A_436[%swap3A_437, %swap3A_438], %mul3A_432 {strides = array<i32>} : memref<64x128xf32, #tpu.memory_space<vmem>>, vector<16xf32>,
          %add3A_440 = arith.constant 1 : i32
          %add3A_441 = arith.addi %add3A_259, %add3A_440 : i32
          %get3A_442 = arith.constant 0 : i32
          %get3A_443 = arith.constant 0 : i32
          %get3A_444 = tpu.memref_slice %arg11[%scan3A_131, %get3A_442, %get3A_443] : memref<4x64x128xf32, #tpu.memory_space<vmem>> -> memref<1x64x128xf32, #tpu.memory_space<vmem>>
          %get3A_445 = tpu.memref_squeeze %get3A_444 : memref<1x64x128xf32, #tpu.memory_space<vmem>> -> memref<64x128xf32, #tpu.memory_space<vmem>>
          %get3A_446 = arith.index_cast %add3A_441 : i32 to index
          %get3A_447 = arith.constant 32 : index
          %get3A_448 = tpu.vector_load %get3A_445[%get3A_446, %get3A_447] {strides = array<i32>} : memref<64x128xf32, #tpu.memory_space<vmem>>, vector<16xf32>,
          %mul3A_449 = arith.mulf %get3A_448, %gather3A_405 : vector<16xf32>
          %swap3A_450 = arith.constant 0 : i32
          %swap3A_451 = arith.constant 0 : i32
          %swap3A_452 = tpu.memref_slice %arg11[%scan3A_131, %swap3A_450, %swap3A_451] : memref<4x64x128xf32, #tpu.memory_space<vmem>> -> memref<1x64x128xf32, #tpu.memory_space<vmem>>
          %swap3A_453 = tpu.memref_squeeze %swap3A_452 : memref<1x64x128xf32, #tpu.memory_space<vmem>> -> memref<64x128xf32, #tpu.memory_space<vmem>>
          %swap3A_454 = arith.index_cast %add3A_441 : i32 to index
          %swap3A_455 = arith.constant 32 : index
          %swap3A_456 = tpu.vector_load %swap3A_453[%swap3A_454, %swap3A_455] {strides = array<i32>} : memref<64x128xf32, #tpu.memory_space<vmem>>, vector<16xf32>,
          tpu.vector_store %swap3A_453[%swap3A_454, %swap3A_455], %mul3A_449 {strides = array<i32>} : memref<64x128xf32, #tpu.memory_space<vmem>>, vector<16xf32>,
          %add3A_457 = arith.constant 1 : i32
          %add3A_458 = arith.addi %add3A_259, %add3A_457 : i32
          %get3A_459 = arith.constant 0 : i32
          %get3A_460 = arith.constant 0 : i32
          %get3A_461 = tpu.memref_slice %arg11[%scan3A_131, %get3A_459, %get3A_460] : memref<4x64x128xf32, #tpu.memory_space<vmem>> -> memref<1x64x128xf32, #tpu.memory_space<vmem>>
          %get3A_462 = tpu.memref_squeeze %get3A_461 : memref<1x64x128xf32, #tpu.memory_space<vmem>> -> memref<64x128xf32, #tpu.memory_space<vmem>>
          %get3A_463 = arith.index_cast %add3A_458 : i32 to index
          %get3A_464 = arith.constant 48 : index
          %get3A_465 = tpu.vector_load %get3A_462[%get3A_463, %get3A_464] {strides = array<i32>} : memref<64x128xf32, #tpu.memory_space<vmem>>, vector<16xf32>,
          %mul3A_466 = arith.mulf %get3A_465, %gather3A_405 : vector<16xf32>
          %swap3A_467 = arith.constant 0 : i32
          %swap3A_468 = arith.constant 0 : i32
          %swap3A_469 = tpu.memref_slice %arg11[%scan3A_131, %swap3A_467, %swap3A_468] : memref<4x64x128xf32, #tpu.memory_space<vmem>> -> memref<1x64x128xf32, #tpu.memory_space<vmem>>
          %swap3A_470 = tpu.memref_squeeze %swap3A_469 : memref<1x64x128xf32, #tpu.memory_space<vmem>> -> memref<64x128xf32, #tpu.memory_space<vmem>>
          %swap3A_471 = arith.index_cast %add3A_458 : i32 to index
          %swap3A_472 = arith.constant 48 : index
          %swap3A_473 = tpu.vector_load %swap3A_470[%swap3A_471, %swap3A_472] {strides = array<i32>} : memref<64x128xf32, #tpu.memory_space<vmem>>, vector<16xf32>,
          tpu.vector_store %swap3A_470[%swap3A_471, %swap3A_472], %mul3A_466 {strides = array<i32>} : memref<64x128xf32, #tpu.memory_space<vmem>>, vector<16xf32>,
          %add3A_474 = arith.constant 1 : i32
          %add3A_475 = arith.addi %add3A_259, %add3A_474 : i32
          %get3A_476 = arith.constant 0 : i32
          %get3A_477 = arith.constant 0 : i32
          %get3A_478 = tpu.memref_slice %arg11[%scan3A_131, %get3A_476, %get3A_477] : memref<4x64x128xf32, #tpu.memory_space<vmem>> -> memref<1x64x128xf32, #tpu.memory_space<vmem>>
          %get3A_479 = tpu.memref_squeeze %get3A_478 : memref<1x64x128xf32, #tpu.memory_space<vmem>> -> memref<64x128xf32, #tpu.memory_space<vmem>>
          %get3A_480 = arith.index_cast %add3A_475 : i32 to index
          %get3A_481 = arith.constant 64 : index
          %get3A_482 = tpu.vector_load %get3A_479[%get3A_480, %get3A_481] {strides = array<i32>} : memref<64x128xf32, #tpu.memory_space<vmem>>, vector<16xf32>,
          %mul3A_483 = arith.mulf %get3A_482, %gather3A_405 : vector<16xf32>
          %swap3A_484 = arith.constant 0 : i32
          %swap3A_485 = arith.constant 0 : i32
          %swap3A_486 = tpu.memref_slice %arg11[%scan3A_131, %swap3A_484, %swap3A_485] : memref<4x64x128xf32, #tpu.memory_space<vmem>> -> memref<1x64x128xf32, #tpu.memory_space<vmem>>
          %swap3A_487 = tpu.memref_squeeze %swap3A_486 : memref<1x64x128xf32, #tpu.memory_space<vmem>> -> memref<64x128xf32, #tpu.memory_space<vmem>>
          %swap3A_488 = arith.index_cast %add3A_475 : i32 to index
          %swap3A_489 = arith.constant 64 : index
          %swap3A_490 = tpu.vector_load %swap3A_487[%swap3A_488, %swap3A_489] {strides = array<i32>} : memref<64x128xf32, #tpu.memory_space<vmem>>, vector<16xf32>,
          tpu.vector_store %swap3A_487[%swap3A_488, %swap3A_489], %mul3A_483 {strides = array<i32>} : memref<64x128xf32, #tpu.memory_space<vmem>>, vector<16xf32>,
          %add3A_491 = arith.constant 1 : i32
          %add3A_492 = arith.addi %add3A_259, %add3A_491 : i32
          %get3A_493 = arith.constant 0 : i32
          %get3A_494 = arith.constant 0 : i32
          %get3A_495 = tpu.memref_slice %arg11[%scan3A_131, %get3A_493, %get3A_494] : memref<4x64x128xf32, #tpu.memory_space<vmem>> -> memref<1x64x128xf32, #tpu.memory_space<vmem>>
          %get3A_496 = tpu.memref_squeeze %get3A_495 : memref<1x64x128xf32, #tpu.memory_space<vmem>> -> memref<64x128xf32, #tpu.memory_space<vmem>>
          %get3A_497 = arith.index_cast %add3A_492 : i32 to index
          %get3A_498 = arith.constant 80 : index
          %get3A_499 = tpu.vector_load %get3A_496[%get3A_497, %get3A_498] {strides = array<i32>} : memref<64x128xf32, #tpu.memory_space<vmem>>, vector<16xf32>,
          %mul3A_500 = arith.mulf %get3A_499, %gather3A_405 : vector<16xf32>
          %swap3A_501 = arith.constant 0 : i32
          %swap3A_502 = arith.constant 0 : i32
          %swap3A_503 = tpu.memref_slice %arg11[%scan3A_131, %swap3A_501, %swap3A_502] : memref<4x64x128xf32, #tpu.memory_space<vmem>> -> memref<1x64x128xf32, #tpu.memory_space<vmem>>
          %swap3A_504 = tpu.memref_squeeze %swap3A_503 : memref<1x64x128xf32, #tpu.memory_space<vmem>> -> memref<64x128xf32, #tpu.memory_space<vmem>>
          %swap3A_505 = arith.index_cast %add3A_492 : i32 to index
          %swap3A_506 = arith.constant 80 : index
          %swap3A_507 = tpu.vector_load %swap3A_504[%swap3A_505, %swap3A_506] {strides = array<i32>} : memref<64x128xf32, #tpu.memory_space<vmem>>, vector<16xf32>,
          tpu.vector_store %swap3A_504[%swap3A_505, %swap3A_506], %mul3A_500 {strides = array<i32>} : memref<64x128xf32, #tpu.memory_space<vmem>>, vector<16xf32>,
          %add3A_508 = arith.constant 1 : i32
          %add3A_509 = arith.addi %add3A_259, %add3A_508 : i32
          %get3A_510 = arith.constant 0 : i32
          %get3A_511 = arith.constant 0 : i32
          %get3A_512 = tpu.memref_slice %arg11[%scan3A_131, %get3A_510, %get3A_511] : memref<4x64x128xf32, #tpu.memory_space<vmem>> -> memref<1x64x128xf32, #tpu.memory_space<vmem>>
          %get3A_513 = tpu.memref_squeeze %get3A_512 : memref<1x64x128xf32, #tpu.memory_space<vmem>> -> memref<64x128xf32, #tpu.memory_space<vmem>>
          %get3A_514 = arith.index_cast %add3A_509 : i32 to index
          %get3A_515 = arith.constant 96 : index
          %get3A_516 = tpu.vector_load %get3A_513[%get3A_514, %get3A_515] {strides = array<i32>} : memref<64x128xf32, #tpu.memory_space<vmem>>, vector<16xf32>,
          %mul3A_517 = arith.mulf %get3A_516, %gather3A_405 : vector<16xf32>
          %swap3A_518 = arith.constant 0 : i32
          %swap3A_519 = arith.constant 0 : i32
          %swap3A_520 = tpu.memref_slice %arg11[%scan3A_131, %swap3A_518, %swap3A_519] : memref<4x64x128xf32, #tpu.memory_space<vmem>> -> memref<1x64x128xf32, #tpu.memory_space<vmem>>
          %swap3A_521 = tpu.memref_squeeze %swap3A_520 : memref<1x64x128xf32, #tpu.memory_space<vmem>> -> memref<64x128xf32, #tpu.memory_space<vmem>>
          %swap3A_522 = arith.index_cast %add3A_509 : i32 to index
          %swap3A_523 = arith.constant 96 : index
          %swap3A_524 = tpu.vector_load %swap3A_521[%swap3A_522, %swap3A_523] {strides = array<i32>} : memref<64x128xf32, #tpu.memory_space<vmem>>, vector<16xf32>,
          tpu.vector_store %swap3A_521[%swap3A_522, %swap3A_523], %mul3A_517 {strides = array<i32>} : memref<64x128xf32, #tpu.memory_space<vmem>>, vector<16xf32>,
          %add3A_525 = arith.constant 1 : i32
          %add3A_526 = arith.addi %add3A_259, %add3A_525 : i32
          %get3A_527 = arith.constant 0 : i32
          %get3A_528 = arith.constant 0 : i32
          %get3A_529 = tpu.memref_slice %arg11[%scan3A_131, %get3A_527, %get3A_528] : memref<4x64x128xf32, #tpu.memory_space<vmem>> -> memref<1x64x128xf32, #tpu.memory_space<vmem>>
          %get3A_530 = tpu.memref_squeeze %get3A_529 : memref<1x64x128xf32, #tpu.memory_space<vmem>> -> memref<64x128xf32, #tpu.memory_space<vmem>>
          %get3A_531 = arith.index_cast %add3A_526 : i32 to index
          %get3A_532 = arith.constant 112 : index
          %get3A_533 = tpu.vector_load %get3A_530[%get3A_531, %get3A_532] {strides = array<i32>} : memref<64x128xf32, #tpu.memory_space<vmem>>, vector<16xf32>,
          %mul3A_534 = arith.mulf %get3A_533, %gather3A_405 : vector<16xf32>
          %swap3A_535 = arith.constant 0 : i32
          %swap3A_536 = arith.constant 0 : i32
          %swap3A_537 = tpu.memref_slice %arg11[%scan3A_131, %swap3A_535, %swap3A_536] : memref<4x64x128xf32, #tpu.memory_space<vmem>> -> memref<1x64x128xf32, #tpu.memory_space<vmem>>
          %swap3A_538 = tpu.memref_squeeze %swap3A_537 : memref<1x64x128xf32, #tpu.memory_space<vmem>> -> memref<64x128xf32, #tpu.memory_space<vmem>>
          %swap3A_539 = arith.index_cast %add3A_526 : i32 to index
          %swap3A_540 = arith.constant 112 : index
          %swap3A_541 = tpu.vector_load %swap3A_538[%swap3A_539, %swap3A_540] {strides = array<i32>} : memref<64x128xf32, #tpu.memory_space<vmem>>, vector<16xf32>,
          tpu.vector_store %swap3A_538[%swap3A_539, %swap3A_540], %mul3A_534 {strides = array<i32>} : memref<64x128xf32, #tpu.memory_space<vmem>>, vector<16xf32>,
          %mul3A_542 = arith.constant 64 : i32
          %mul3A_543 = arith.muli %add3A_119, %mul3A_542 : i32
          %add3A_544 = arith.addi %mul3A_543, %add3A_259 : i32
          %add3A_545 = arith.constant 2 : i32
          %add3A_546 = arith.addi %add3A_544, %add3A_545 : i32
          %broadcast_in_dim3A_547 = vector.broadcast %add3A_546 : i32 to vector<16xi32>
          %gather3A_548 = tpu.vector_load_idx %arg10[%broadcast_in_dim3A_547] : memref<2560xf32, #tpu.memory_space<vmem>>[vector<16xi32>], vector<16xf32>,
          %add3A_549 = arith.constant 2 : i32
          %add3A_550 = arith.addi %add3A_259, %add3A_549 : i32
          %get3A_551 = arith.constant 0 : i32
          %get3A_552 = arith.constant 0 : i32
          %get3A_553 = tpu.memref_slice %arg11[%scan3A_131, %get3A_551, %get3A_552] : memref<4x64x128xf32, #tpu.memory_space<vmem>> -> memref<1x64x128xf32, #tpu.memory_space<vmem>>
          %get3A_554 = tpu.memref_squeeze %get3A_553 : memref<1x64x128xf32, #tpu.memory_space<vmem>> -> memref<64x128xf32, #tpu.memory_space<vmem>>
          %get3A_555 = arith.index_cast %add3A_550 : i32 to index
          %get3A_556 = arith.constant 0 : index
          %get3A_557 = tpu.vector_load %get3A_554[%get3A_555, %get3A_556] {strides = array<i32>} : memref<64x128xf32, #tpu.memory_space<vmem>>, vector<16xf32>,
          %mul3A_558 = arith.mulf %get3A_557, %gather3A_548 : vector<16xf32>
          %swap3A_559 = arith.constant 0 : i32
          %swap3A_560 = arith.constant 0 : i32
          %swap3A_561 = tpu.memref_slice %arg11[%scan3A_131, %swap3A_559, %swap3A_560] : memref<4x64x128xf32, #tpu.memory_space<vmem>> -> memref<1x64x128xf32, #tpu.memory_space<vmem>>
          %swap3A_562 = tpu.memref_squeeze %swap3A_561 : memref<1x64x128xf32, #tpu.memory_space<vmem>> -> memref<64x128xf32, #tpu.memory_space<vmem>>
          %swap3A_563 = arith.index_cast %add3A_550 : i32 to index
          %swap3A_564 = arith.constant 0 : index
          %swap3A_565 = tpu.vector_load %swap3A_562[%swap3A_563, %swap3A_564] {strides = array<i32>} : memref<64x128xf32, #tpu.memory_space<vmem>>, vector<16xf32>,
          tpu.vector_store %swap3A_562[%swap3A_563, %swap3A_564], %mul3A_558 {strides = array<i32>} : memref<64x128xf32, #tpu.memory_space<vmem>>, vector<16xf32>,
          %add3A_566 = arith.constant 2 : i32
          %add3A_567 = arith.addi %add3A_259, %add3A_566 : i32
          %get3A_568 = arith.constant 0 : i32
          %get3A_569 = arith.constant 0 : i32
          %get3A_570 = tpu.memref_slice %arg11[%scan3A_131, %get3A_568, %get3A_569] : memref<4x64x128xf32, #tpu.memory_space<vmem>> -> memref<1x64x128xf32, #tpu.memory_space<vmem>>
          %get3A_571 = tpu.memref_squeeze %get3A_570 : memref<1x64x128xf32, #tpu.memory_space<vmem>> -> memref<64x128xf32, #tpu.memory_space<vmem>>
          %get3A_572 = arith.index_cast %add3A_567 : i32 to index
          %get3A_573 = arith.constant 16 : index
          %get3A_574 = tpu.vector_load %get3A_571[%get3A_572, %get3A_573] {strides = array<i32>} : memref<64x128xf32, #tpu.memory_space<vmem>>, vector<16xf32>,
          %mul3A_575 = arith.mulf %get3A_574, %gather3A_548 : vector<16xf32>
          %swap3A_576 = arith.constant 0 : i32
          %swap3A_577 = arith.constant 0 : i32
          %swap3A_578 = tpu.memref_slice %arg11[%scan3A_131, %swap3A_576, %swap3A_577] : memref<4x64x128xf32, #tpu.memory_space<vmem>> -> memref<1x64x128xf32, #tpu.memory_space<vmem>>
          %swap3A_579 = tpu.memref_squeeze %swap3A_578 : memref<1x64x128xf32, #tpu.memory_space<vmem>> -> memref<64x128xf32, #tpu.memory_space<vmem>>
          %swap3A_580 = arith.index_cast %add3A_567 : i32 to index
          %swap3A_581 = arith.constant 16 : index
          %swap3A_582 = tpu.vector_load %swap3A_579[%swap3A_580, %swap3A_581] {strides = array<i32>} : memref<64x128xf32, #tpu.memory_space<vmem>>, vector<16xf32>,
          tpu.vector_store %swap3A_579[%swap3A_580, %swap3A_581], %mul3A_575 {strides = array<i32>} : memref<64x128xf32, #tpu.memory_space<vmem>>, vector<16xf32>,
          %add3A_583 = arith.constant 2 : i32
          %add3A_584 = arith.addi %add3A_259, %add3A_583 : i32
          %get3A_585 = arith.constant 0 : i32
          %get3A_586 = arith.constant 0 : i32
          %get3A_587 = tpu.memref_slice %arg11[%scan3A_131, %get3A_585, %get3A_586] : memref<4x64x128xf32, #tpu.memory_space<vmem>> -> memref<1x64x128xf32, #tpu.memory_space<vmem>>
          %get3A_588 = tpu.memref_squeeze %get3A_587 : memref<1x64x128xf32, #tpu.memory_space<vmem>> -> memref<64x128xf32, #tpu.memory_space<vmem>>
          %get3A_589 = arith.index_cast %add3A_584 : i32 to index
          %get3A_590 = arith.constant 32 : index
          %get3A_591 = tpu.vector_load %get3A_588[%get3A_589, %get3A_590] {strides = array<i32>} : memref<64x128xf32, #tpu.memory_space<vmem>>, vector<16xf32>,
          %mul3A_592 = arith.mulf %get3A_591, %gather3A_548 : vector<16xf32>
          %swap3A_593 = arith.constant 0 : i32
          %swap3A_594 = arith.constant 0 : i32
          %swap3A_595 = tpu.memref_slice %arg11[%scan3A_131, %swap3A_593, %swap3A_594] : memref<4x64x128xf32, #tpu.memory_space<vmem>> -> memref<1x64x128xf32, #tpu.memory_space<vmem>>
          %swap3A_596 = tpu.memref_squeeze %swap3A_595 : memref<1x64x128xf32, #tpu.memory_space<vmem>> -> memref<64x128xf32, #tpu.memory_space<vmem>>
          %swap3A_597 = arith.index_cast %add3A_584 : i32 to index
          %swap3A_598 = arith.constant 32 : index
          %swap3A_599 = tpu.vector_load %swap3A_596[%swap3A_597, %swap3A_598] {strides = array<i32>} : memref<64x128xf32, #tpu.memory_space<vmem>>, vector<16xf32>,
          tpu.vector_store %swap3A_596[%swap3A_597, %swap3A_598], %mul3A_592 {strides = array<i32>} : memref<64x128xf32, #tpu.memory_space<vmem>>, vector<16xf32>,
          %add3A_600 = arith.constant 2 : i32
          %add3A_601 = arith.addi %add3A_259, %add3A_600 : i32
          %get3A_602 = arith.constant 0 : i32
          %get3A_603 = arith.constant 0 : i32
          %get3A_604 = tpu.memref_slice %arg11[%scan3A_131, %get3A_602, %get3A_603] : memref<4x64x128xf32, #tpu.memory_space<vmem>> -> memref<1x64x128xf32, #tpu.memory_space<vmem>>
          %get3A_605 = tpu.memref_squeeze %get3A_604 : memref<1x64x128xf32, #tpu.memory_space<vmem>> -> memref<64x128xf32, #tpu.memory_space<vmem>>
          %get3A_606 = arith.index_cast %add3A_601 : i32 to index
          %get3A_607 = arith.constant 48 : index
          %get3A_608 = tpu.vector_load %get3A_605[%get3A_606, %get3A_607] {strides = array<i32>} : memref<64x128xf32, #tpu.memory_space<vmem>>, vector<16xf32>,
          %mul3A_609 = arith.mulf %get3A_608, %gather3A_548 : vector<16xf32>
          %swap3A_610 = arith.constant 0 : i32
          %swap3A_611 = arith.constant 0 : i32
          %swap3A_612 = tpu.memref_slice %arg11[%scan3A_131, %swap3A_610, %swap3A_611] : memref<4x64x128xf32, #tpu.memory_space<vmem>> -> memref<1x64x128xf32, #tpu.memory_space<vmem>>
          %swap3A_613 = tpu.memref_squeeze %swap3A_612 : memref<1x64x128xf32, #tpu.memory_space<vmem>> -> memref<64x128xf32, #tpu.memory_space<vmem>>
          %swap3A_614 = arith.index_cast %add3A_601 : i32 to index
          %swap3A_615 = arith.constant 48 : index
          %swap3A_616 = tpu.vector_load %swap3A_613[%swap3A_614, %swap3A_615] {strides = array<i32>} : memref<64x128xf32, #tpu.memory_space<vmem>>, vector<16xf32>,
          tpu.vector_store %swap3A_613[%swap3A_614, %swap3A_615], %mul3A_609 {strides = array<i32>} : memref<64x128xf32, #tpu.memory_space<vmem>>, vector<16xf32>,
          %add3A_617 = arith.constant 2 : i32
          %add3A_618 = arith.addi %add3A_259, %add3A_617 : i32
          %get3A_619 = arith.constant 0 : i32
          %get3A_620 = arith.constant 0 : i32
          %get3A_621 = tpu.memref_slice %arg11[%scan3A_131, %get3A_619, %get3A_620] : memref<4x64x128xf32, #tpu.memory_space<vmem>> -> memref<1x64x128xf32, #tpu.memory_space<vmem>>
          %get3A_622 = tpu.memref_squeeze %get3A_621 : memref<1x64x128xf32, #tpu.memory_space<vmem>> -> memref<64x128xf32, #tpu.memory_space<vmem>>
          %get3A_623 = arith.index_cast %add3A_618 : i32 to index
          %get3A_624 = arith.constant 64 : index
          %get3A_625 = tpu.vector_load %get3A_622[%get3A_623, %get3A_624] {strides = array<i32>} : memref<64x128xf32, #tpu.memory_space<vmem>>, vector<16xf32>,
          %mul3A_626 = arith.mulf %get3A_625, %gather3A_548 : vector<16xf32>
          %swap3A_627 = arith.constant 0 : i32
          %swap3A_628 = arith.constant 0 : i32
          %swap3A_629 = tpu.memref_slice %arg11[%scan3A_131, %swap3A_627, %swap3A_628] : memref<4x64x128xf32, #tpu.memory_space<vmem>> -> memref<1x64x128xf32, #tpu.memory_space<vmem>>
          %swap3A_630 = tpu.memref_squeeze %swap3A_629 : memref<1x64x128xf32, #tpu.memory_space<vmem>> -> memref<64x128xf32, #tpu.memory_space<vmem>>
          %swap3A_631 = arith.index_cast %add3A_618 : i32 to index
          %swap3A_632 = arith.constant 64 : index
          %swap3A_633 = tpu.vector_load %swap3A_630[%swap3A_631, %swap3A_632] {strides = array<i32>} : memref<64x128xf32, #tpu.memory_space<vmem>>, vector<16xf32>,
          tpu.vector_store %swap3A_630[%swap3A_631, %swap3A_632], %mul3A_626 {strides = array<i32>} : memref<64x128xf32, #tpu.memory_space<vmem>>, vector<16xf32>,
          %add3A_634 = arith.constant 2 : i32
          %add3A_635 = arith.addi %add3A_259, %add3A_634 : i32
          %get3A_636 = arith.constant 0 : i32
          %get3A_637 = arith.constant 0 : i32
          %get3A_638 = tpu.memref_slice %arg11[%scan3A_131, %get3A_636, %get3A_637] : memref<4x64x128xf32, #tpu.memory_space<vmem>> -> memref<1x64x128xf32, #tpu.memory_space<vmem>>
          %get3A_639 = tpu.memref_squeeze %get3A_638 : memref<1x64x128xf32, #tpu.memory_space<vmem>> -> memref<64x128xf32, #tpu.memory_space<vmem>>
          %get3A_640 = arith.index_cast %add3A_635 : i32 to index
          %get3A_641 = arith.constant 80 : index
          %get3A_642 = tpu.vector_load %get3A_639[%get3A_640, %get3A_641] {strides = array<i32>} : memref<64x128xf32, #tpu.memory_space<vmem>>, vector<16xf32>,
          %mul3A_643 = arith.mulf %get3A_642, %gather3A_548 : vector<16xf32>
          %swap3A_644 = arith.constant 0 : i32
          %swap3A_645 = arith.constant 0 : i32
          %swap3A_646 = tpu.memref_slice %arg11[%scan3A_131, %swap3A_644, %swap3A_645] : memref<4x64x128xf32, #tpu.memory_space<vmem>> -> memref<1x64x128xf32, #tpu.memory_space<vmem>>
          %swap3A_647 = tpu.memref_squeeze %swap3A_646 : memref<1x64x128xf32, #tpu.memory_space<vmem>> -> memref<64x128xf32, #tpu.memory_space<vmem>>
          %swap3A_648 = arith.index_cast %add3A_635 : i32 to index
          %swap3A_649 = arith.constant 80 : index
          %swap3A_650 = tpu.vector_load %swap3A_647[%swap3A_648, %swap3A_649] {strides = array<i32>} : memref<64x128xf32, #tpu.memory_space<vmem>>, vector<16xf32>,
          tpu.vector_store %swap3A_647[%swap3A_648, %swap3A_649], %mul3A_643 {strides = array<i32>} : memref<64x128xf32, #tpu.memory_space<vmem>>, vector<16xf32>,
          %add3A_651 = arith.constant 2 : i32
          %add3A_652 = arith.addi %add3A_259, %add3A_651 : i32
          %get3A_653 = arith.constant 0 : i32
          %get3A_654 = arith.constant 0 : i32
          %get3A_655 = tpu.memref_slice %arg11[%scan3A_131, %get3A_653, %get3A_654] : memref<4x64x128xf32, #tpu.memory_space<vmem>> -> memref<1x64x128xf32, #tpu.memory_space<vmem>>
          %get3A_656 = tpu.memref_squeeze %get3A_655 : memref<1x64x128xf32, #tpu.memory_space<vmem>> -> memref<64x128xf32, #tpu.memory_space<vmem>>
          %get3A_657 = arith.index_cast %add3A_652 : i32 to index
          %get3A_658 = arith.constant 96 : index
          %get3A_659 = tpu.vector_load %get3A_656[%get3A_657, %get3A_658] {strides = array<i32>} : memref<64x128xf32, #tpu.memory_space<vmem>>, vector<16xf32>,
          %mul3A_660 = arith.mulf %get3A_659, %gather3A_548 : vector<16xf32>
          %swap3A_661 = arith.constant 0 : i32
          %swap3A_662 = arith.constant 0 : i32
          %swap3A_663 = tpu.memref_slice %arg11[%scan3A_131, %swap3A_661, %swap3A_662] : memref<4x64x128xf32, #tpu.memory_space<vmem>> -> memref<1x64x128xf32, #tpu.memory_space<vmem>>
          %swap3A_664 = tpu.memref_squeeze %swap3A_663 : memref<1x64x128xf32, #tpu.memory_space<vmem>> -> memref<64x128xf32, #tpu.memory_space<vmem>>
          %swap3A_665 = arith.index_cast %add3A_652 : i32 to index
          %swap3A_666 = arith.constant 96 : index
          %swap3A_667 = tpu.vector_load %swap3A_664[%swap3A_665, %swap3A_666] {strides = array<i32>} : memref<64x128xf32, #tpu.memory_space<vmem>>, vector<16xf32>,
          tpu.vector_store %swap3A_664[%swap3A_665, %swap3A_666], %mul3A_660 {strides = array<i32>} : memref<64x128xf32, #tpu.memory_space<vmem>>, vector<16xf32>,
          %add3A_668 = arith.constant 2 : i32
          %add3A_669 = arith.addi %add3A_259, %add3A_668 : i32
          %get3A_670 = arith.constant 0 : i32
          %get3A_671 = arith.constant 0 : i32
          %get3A_672 = tpu.memref_slice %arg11[%scan3A_131, %get3A_670, %get3A_671] : memref<4x64x128xf32, #tpu.memory_space<vmem>> -> memref<1x64x128xf32, #tpu.memory_space<vmem>>
          %get3A_673 = tpu.memref_squeeze %get3A_672 : memref<1x64x128xf32, #tpu.memory_space<vmem>> -> memref<64x128xf32, #tpu.memory_space<vmem>>
          %get3A_674 = arith.index_cast %add3A_669 : i32 to index
          %get3A_675 = arith.constant 112 : index
          %get3A_676 = tpu.vector_load %get3A_673[%get3A_674, %get3A_675] {strides = array<i32>} : memref<64x128xf32, #tpu.memory_space<vmem>>, vector<16xf32>,
          %mul3A_677 = arith.mulf %get3A_676, %gather3A_548 : vector<16xf32>
          %swap3A_678 = arith.constant 0 : i32
          %swap3A_679 = arith.constant 0 : i32
          %swap3A_680 = tpu.memref_slice %arg11[%scan3A_131, %swap3A_678, %swap3A_679] : memref<4x64x128xf32, #tpu.memory_space<vmem>> -> memref<1x64x128xf32, #tpu.memory_space<vmem>>
          %swap3A_681 = tpu.memref_squeeze %swap3A_680 : memref<1x64x128xf32, #tpu.memory_space<vmem>> -> memref<64x128xf32, #tpu.memory_space<vmem>>
          %swap3A_682 = arith.index_cast %add3A_669 : i32 to index
          %swap3A_683 = arith.constant 112 : index
          %swap3A_684 = tpu.vector_load %swap3A_681[%swap3A_682, %swap3A_683] {strides = array<i32>} : memref<64x128xf32, #tpu.memory_space<vmem>>, vector<16xf32>,
          tpu.vector_store %swap3A_681[%swap3A_682, %swap3A_683], %mul3A_677 {strides = array<i32>} : memref<64x128xf32, #tpu.memory_space<vmem>>, vector<16xf32>,
          %mul3A_685 = arith.constant 64 : i32
          %mul3A_686 = arith.muli %add3A_119, %mul3A_685 : i32
          %add3A_687 = arith.addi %mul3A_686, %add3A_259 : i32
          %add3A_688 = arith.constant 3 : i32
          %add3A_689 = arith.addi %add3A_687, %add3A_688 : i32
          %broadcast_in_dim3A_690 = vector.broadcast %add3A_689 : i32 to vector<16xi32>
          %gather3A_691 = tpu.vector_load_idx %arg10[%broadcast_in_dim3A_690] : memref<2560xf32, #tpu.memory_space<vmem>>[vector<16xi32>], vector<16xf32>,
          %add3A_692 = arith.constant 3 : i32
          %add3A_693 = arith.addi %add3A_259, %add3A_692 : i32
          %get3A_694 = arith.constant 0 : i32
          %get3A_695 = arith.constant 0 : i32
          %get3A_696 = tpu.memref_slice %arg11[%scan3A_131, %get3A_694, %get3A_695] : memref<4x64x128xf32, #tpu.memory_space<vmem>> -> memref<1x64x128xf32, #tpu.memory_space<vmem>>
          %get3A_697 = tpu.memref_squeeze %get3A_696 : memref<1x64x128xf32, #tpu.memory_space<vmem>> -> memref<64x128xf32, #tpu.memory_space<vmem>>
          %get3A_698 = arith.index_cast %add3A_693 : i32 to index
          %get3A_699 = arith.constant 0 : index
          %get3A_700 = tpu.vector_load %get3A_697[%get3A_698, %get3A_699] {strides = array<i32>} : memref<64x128xf32, #tpu.memory_space<vmem>>, vector<16xf32>,
          %mul3A_701 = arith.mulf %get3A_700, %gather3A_691 : vector<16xf32>
          %swap3A_702 = arith.constant 0 : i32
          %swap3A_703 = arith.constant 0 : i32
          %swap3A_704 = tpu.memref_slice %arg11[%scan3A_131, %swap3A_702, %swap3A_703] : memref<4x64x128xf32, #tpu.memory_space<vmem>> -> memref<1x64x128xf32, #tpu.memory_space<vmem>>
          %swap3A_705 = tpu.memref_squeeze %swap3A_704 : memref<1x64x128xf32, #tpu.memory_space<vmem>> -> memref<64x128xf32, #tpu.memory_space<vmem>>
          %swap3A_706 = arith.index_cast %add3A_693 : i32 to index
          %swap3A_707 = arith.constant 0 : index
          %swap3A_708 = tpu.vector_load %swap3A_705[%swap3A_706, %swap3A_707] {strides = array<i32>} : memref<64x128xf32, #tpu.memory_space<vmem>>, vector<16xf32>,
          tpu.vector_store %swap3A_705[%swap3A_706, %swap3A_707], %mul3A_701 {strides = array<i32>} : memref<64x128xf32, #tpu.memory_space<vmem>>, vector<16xf32>,
          %add3A_709 = arith.constant 3 : i32
          %add3A_710 = arith.addi %add3A_259, %add3A_709 : i32
          %get3A_711 = arith.constant 0 : i32
          %get3A_712 = arith.constant 0 : i32
          %get3A_713 = tpu.memref_slice %arg11[%scan3A_131, %get3A_711, %get3A_712] : memref<4x64x128xf32, #tpu.memory_space<vmem>> -> memref<1x64x128xf32, #tpu.memory_space<vmem>>
          %get3A_714 = tpu.memref_squeeze %get3A_713 : memref<1x64x128xf32, #tpu.memory_space<vmem>> -> memref<64x128xf32, #tpu.memory_space<vmem>>
          %get3A_715 = arith.index_cast %add3A_710 : i32 to index
          %get3A_716 = arith.constant 16 : index
          %get3A_717 = tpu.vector_load %get3A_714[%get3A_715, %get3A_716] {strides = array<i32>} : memref<64x128xf32, #tpu.memory_space<vmem>>, vector<16xf32>,
          %mul3A_718 = arith.mulf %get3A_717, %gather3A_691 : vector<16xf32>
          %swap3A_719 = arith.constant 0 : i32
          %swap3A_720 = arith.constant 0 : i32
          %swap3A_721 = tpu.memref_slice %arg11[%scan3A_131, %swap3A_719, %swap3A_720] : memref<4x64x128xf32, #tpu.memory_space<vmem>> -> memref<1x64x128xf32, #tpu.memory_space<vmem>>
          %swap3A_722 = tpu.memref_squeeze %swap3A_721 : memref<1x64x128xf32, #tpu.memory_space<vmem>> -> memref<64x128xf32, #tpu.memory_space<vmem>>
          %swap3A_723 = arith.index_cast %add3A_710 : i32 to index
          %swap3A_724 = arith.constant 16 : index
          %swap3A_725 = tpu.vector_load %swap3A_722[%swap3A_723, %swap3A_724] {strides = array<i32>} : memref<64x128xf32, #tpu.memory_space<vmem>>, vector<16xf32>,
          tpu.vector_store %swap3A_722[%swap3A_723, %swap3A_724], %mul3A_718 {strides = array<i32>} : memref<64x128xf32, #tpu.memory_space<vmem>>, vector<16xf32>,
          %add3A_726 = arith.constant 3 : i32
          %add3A_727 = arith.addi %add3A_259, %add3A_726 : i32
          %get3A_728 = arith.constant 0 : i32
          %get3A_729 = arith.constant 0 : i32
          %get3A_730 = tpu.memref_slice %arg11[%scan3A_131, %get3A_728, %get3A_729] : memref<4x64x128xf32, #tpu.memory_space<vmem>> -> memref<1x64x128xf32, #tpu.memory_space<vmem>>
          %get3A_731 = tpu.memref_squeeze %get3A_730 : memref<1x64x128xf32, #tpu.memory_space<vmem>> -> memref<64x128xf32, #tpu.memory_space<vmem>>
          %get3A_732 = arith.index_cast %add3A_727 : i32 to index
          %get3A_733 = arith.constant 32 : index
          %get3A_734 = tpu.vector_load %get3A_731[%get3A_732, %get3A_733] {strides = array<i32>} : memref<64x128xf32, #tpu.memory_space<vmem>>, vector<16xf32>,
          %mul3A_735 = arith.mulf %get3A_734, %gather3A_691 : vector<16xf32>
          %swap3A_736 = arith.constant 0 : i32
          %swap3A_737 = arith.constant 0 : i32
          %swap3A_738 = tpu.memref_slice %arg11[%scan3A_131, %swap3A_736, %swap3A_737] : memref<4x64x128xf32, #tpu.memory_space<vmem>> -> memref<1x64x128xf32, #tpu.memory_space<vmem>>
          %swap3A_739 = tpu.memref_squeeze %swap3A_738 : memref<1x64x128xf32, #tpu.memory_space<vmem>> -> memref<64x128xf32, #tpu.memory_space<vmem>>
          %swap3A_740 = arith.index_cast %add3A_727 : i32 to index
          %swap3A_741 = arith.constant 32 : index
          %swap3A_742 = tpu.vector_load %swap3A_739[%swap3A_740, %swap3A_741] {strides = array<i32>} : memref<64x128xf32, #tpu.memory_space<vmem>>, vector<16xf32>,
          tpu.vector_store %swap3A_739[%swap3A_740, %swap3A_741], %mul3A_735 {strides = array<i32>} : memref<64x128xf32, #tpu.memory_space<vmem>>, vector<16xf32>,
          %add3A_743 = arith.constant 3 : i32
          %add3A_744 = arith.addi %add3A_259, %add3A_743 : i32
          %get3A_745 = arith.constant 0 : i32
          %get3A_746 = arith.constant 0 : i32
          %get3A_747 = tpu.memref_slice %arg11[%scan3A_131, %get3A_745, %get3A_746] : memref<4x64x128xf32, #tpu.memory_space<vmem>> -> memref<1x64x128xf32, #tpu.memory_space<vmem>>
          %get3A_748 = tpu.memref_squeeze %get3A_747 : memref<1x64x128xf32, #tpu.memory_space<vmem>> -> memref<64x128xf32, #tpu.memory_space<vmem>>
          %get3A_749 = arith.index_cast %add3A_744 : i32 to index
          %get3A_750 = arith.constant 48 : index
          %get3A_751 = tpu.vector_load %get3A_748[%get3A_749, %get3A_750] {strides = array<i32>} : memref<64x128xf32, #tpu.memory_space<vmem>>, vector<16xf32>,
          %mul3A_752 = arith.mulf %get3A_751, %gather3A_691 : vector<16xf32>
          %swap3A_753 = arith.constant 0 : i32
          %swap3A_754 = arith.constant 0 : i32
          %swap3A_755 = tpu.memref_slice %arg11[%scan3A_131, %swap3A_753, %swap3A_754] : memref<4x64x128xf32, #tpu.memory_space<vmem>> -> memref<1x64x128xf32, #tpu.memory_space<vmem>>
          %swap3A_756 = tpu.memref_squeeze %swap3A_755 : memref<1x64x128xf32, #tpu.memory_space<vmem>> -> memref<64x128xf32, #tpu.memory_space<vmem>>
          %swap3A_757 = arith.index_cast %add3A_744 : i32 to index
          %swap3A_758 = arith.constant 48 : index
          %swap3A_759 = tpu.vector_load %swap3A_756[%swap3A_757, %swap3A_758] {strides = array<i32>} : memref<64x128xf32, #tpu.memory_space<vmem>>, vector<16xf32>,
          tpu.vector_store %swap3A_756[%swap3A_757, %swap3A_758], %mul3A_752 {strides = array<i32>} : memref<64x128xf32, #tpu.memory_space<vmem>>, vector<16xf32>,
          %add3A_760 = arith.constant 3 : i32
          %add3A_761 = arith.addi %add3A_259, %add3A_760 : i32
          %get3A_762 = arith.constant 0 : i32
          %get3A_763 = arith.constant 0 : i32
          %get3A_764 = tpu.memref_slice %arg11[%scan3A_131, %get3A_762, %get3A_763] : memref<4x64x128xf32, #tpu.memory_space<vmem>> -> memref<1x64x128xf32, #tpu.memory_space<vmem>>
          %get3A_765 = tpu.memref_squeeze %get3A_764 : memref<1x64x128xf32, #tpu.memory_space<vmem>> -> memref<64x128xf32, #tpu.memory_space<vmem>>
          %get3A_766 = arith.index_cast %add3A_761 : i32 to index
          %get3A_767 = arith.constant 64 : index
          %get3A_768 = tpu.vector_load %get3A_765[%get3A_766, %get3A_767] {strides = array<i32>} : memref<64x128xf32, #tpu.memory_space<vmem>>, vector<16xf32>,
          %mul3A_769 = arith.mulf %get3A_768, %gather3A_691 : vector<16xf32>
          %swap3A_770 = arith.constant 0 : i32
          %swap3A_771 = arith.constant 0 : i32
          %swap3A_772 = tpu.memref_slice %arg11[%scan3A_131, %swap3A_770, %swap3A_771] : memref<4x64x128xf32, #tpu.memory_space<vmem>> -> memref<1x64x128xf32, #tpu.memory_space<vmem>>
          %swap3A_773 = tpu.memref_squeeze %swap3A_772 : memref<1x64x128xf32, #tpu.memory_space<vmem>> -> memref<64x128xf32, #tpu.memory_space<vmem>>
          %swap3A_774 = arith.index_cast %add3A_761 : i32 to index
          %swap3A_775 = arith.constant 64 : index
          %swap3A_776 = tpu.vector_load %swap3A_773[%swap3A_774, %swap3A_775] {strides = array<i32>} : memref<64x128xf32, #tpu.memory_space<vmem>>, vector<16xf32>,
          tpu.vector_store %swap3A_773[%swap3A_774, %swap3A_775], %mul3A_769 {strides = array<i32>} : memref<64x128xf32, #tpu.memory_space<vmem>>, vector<16xf32>,
          %add3A_777 = arith.constant 3 : i32
          %add3A_778 = arith.addi %add3A_259, %add3A_777 : i32
          %get3A_779 = arith.constant 0 : i32
          %get3A_780 = arith.constant 0 : i32
          %get3A_781 = tpu.memref_slice %arg11[%scan3A_131, %get3A_779, %get3A_780] : memref<4x64x128xf32, #tpu.memory_space<vmem>> -> memref<1x64x128xf32, #tpu.memory_space<vmem>>
          %get3A_782 = tpu.memref_squeeze %get3A_781 : memref<1x64x128xf32, #tpu.memory_space<vmem>> -> memref<64x128xf32, #tpu.memory_space<vmem>>
          %get3A_783 = arith.index_cast %add3A_778 : i32 to index
          %get3A_784 = arith.constant 80 : index
          %get3A_785 = tpu.vector_load %get3A_782[%get3A_783, %get3A_784] {strides = array<i32>} : memref<64x128xf32, #tpu.memory_space<vmem>>, vector<16xf32>,
          %mul3A_786 = arith.mulf %get3A_785, %gather3A_691 : vector<16xf32>
          %swap3A_787 = arith.constant 0 : i32
          %swap3A_788 = arith.constant 0 : i32
          %swap3A_789 = tpu.memref_slice %arg11[%scan3A_131, %swap3A_787, %swap3A_788] : memref<4x64x128xf32, #tpu.memory_space<vmem>> -> memref<1x64x128xf32, #tpu.memory_space<vmem>>
          %swap3A_790 = tpu.memref_squeeze %swap3A_789 : memref<1x64x128xf32, #tpu.memory_space<vmem>> -> memref<64x128xf32, #tpu.memory_space<vmem>>
          %swap3A_791 = arith.index_cast %add3A_778 : i32 to index
          %swap3A_792 = arith.constant 80 : index
          %swap3A_793 = tpu.vector_load %swap3A_790[%swap3A_791, %swap3A_792] {strides = array<i32>} : memref<64x128xf32, #tpu.memory_space<vmem>>, vector<16xf32>,
          tpu.vector_store %swap3A_790[%swap3A_791, %swap3A_792], %mul3A_786 {strides = array<i32>} : memref<64x128xf32, #tpu.memory_space<vmem>>, vector<16xf32>,
          %add3A_794 = arith.constant 3 : i32
          %add3A_795 = arith.addi %add3A_259, %add3A_794 : i32
          %get3A_796 = arith.constant 0 : i32
          %get3A_797 = arith.constant 0 : i32
          %get3A_798 = tpu.memref_slice %arg11[%scan3A_131, %get3A_796, %get3A_797] : memref<4x64x128xf32, #tpu.memory_space<vmem>> -> memref<1x64x128xf32, #tpu.memory_space<vmem>>
          %get3A_799 = tpu.memref_squeeze %get3A_798 : memref<1x64x128xf32, #tpu.memory_space<vmem>> -> memref<64x128xf32, #tpu.memory_space<vmem>>
          %get3A_800 = arith.index_cast %add3A_795 : i32 to index
          %get3A_801 = arith.constant 96 : index
          %get3A_802 = tpu.vector_load %get3A_799[%get3A_800, %get3A_801] {strides = array<i32>} : memref<64x128xf32, #tpu.memory_space<vmem>>, vector<16xf32>,
          %mul3A_803 = arith.mulf %get3A_802, %gather3A_691 : vector<16xf32>
          %swap3A_804 = arith.constant 0 : i32
          %swap3A_805 = arith.constant 0 : i32
          %swap3A_806 = tpu.memref_slice %arg11[%scan3A_131, %swap3A_804, %swap3A_805] : memref<4x64x128xf32, #tpu.memory_space<vmem>> -> memref<1x64x128xf32, #tpu.memory_space<vmem>>
          %swap3A_807 = tpu.memref_squeeze %swap3A_806 : memref<1x64x128xf32, #tpu.memory_space<vmem>> -> memref<64x128xf32, #tpu.memory_space<vmem>>
          %swap3A_808 = arith.index_cast %add3A_795 : i32 to index
          %swap3A_809 = arith.constant 96 : index
          %swap3A_810 = tpu.vector_load %swap3A_807[%swap3A_808, %swap3A_809] {strides = array<i32>} : memref<64x128xf32, #tpu.memory_space<vmem>>, vector<16xf32>,
          tpu.vector_store %swap3A_807[%swap3A_808, %swap3A_809], %mul3A_803 {strides = array<i32>} : memref<64x128xf32, #tpu.memory_space<vmem>>, vector<16xf32>,
          %add3A_811 = arith.constant 3 : i32
          %add3A_812 = arith.addi %add3A_259, %add3A_811 : i32
          %get3A_813 = arith.constant 0 : i32
          %get3A_814 = arith.constant 0 : i32
          %get3A_815 = tpu.memref_slice %arg11[%scan3A_131, %get3A_813, %get3A_814] : memref<4x64x128xf32, #tpu.memory_space<vmem>> -> memref<1x64x128xf32, #tpu.memory_space<vmem>>
          %get3A_816 = tpu.memref_squeeze %get3A_815 : memref<1x64x128xf32, #tpu.memory_space<vmem>> -> memref<64x128xf32, #tpu.memory_space<vmem>>
          %get3A_817 = arith.index_cast %add3A_812 : i32 to index
          %get3A_818 = arith.constant 112 : index
          %get3A_819 = tpu.vector_load %get3A_816[%get3A_817, %get3A_818] {strides = array<i32>} : memref<64x128xf32, #tpu.memory_space<vmem>>, vector<16xf32>,
          %mul3A_820 = arith.mulf %get3A_819, %gather3A_691 : vector<16xf32>
          %swap3A_821 = arith.constant 0 : i32
          %swap3A_822 = arith.constant 0 : i32
          %swap3A_823 = tpu.memref_slice %arg11[%scan3A_131, %swap3A_821, %swap3A_822] : memref<4x64x128xf32, #tpu.memory_space<vmem>> -> memref<1x64x128xf32, #tpu.memory_space<vmem>>
          %swap3A_824 = tpu.memref_squeeze %swap3A_823 : memref<1x64x128xf32, #tpu.memory_space<vmem>> -> memref<64x128xf32, #tpu.memory_space<vmem>>
          %swap3A_825 = arith.index_cast %add3A_812 : i32 to index
          %swap3A_826 = arith.constant 112 : index
          %swap3A_827 = tpu.vector_load %swap3A_824[%swap3A_825, %swap3A_826] {strides = array<i32>} : memref<64x128xf32, #tpu.memory_space<vmem>>, vector<16xf32>,
          tpu.vector_store %swap3A_824[%swap3A_825, %swap3A_826], %mul3A_820 {strides = array<i32>} : memref<64x128xf32, #tpu.memory_space<vmem>>, vector<16xf32>,
        }
        %scan3A_136 = arith.constant 16 : i32
        %dma_start3A_137 = arith.constant 0 : i32
        %dma_start3A_138 = arith.constant 0 : i32
        %dma_start3A_139 = arith.constant 0 : i32
        %dma_start3A_140 = tpu.memref_slice %arg11[%dma_start3A_137, %dma_start3A_138, %dma_start3A_139] : memref<4x64x128xf32, #tpu.memory_space<vmem>> -> memref<1x64x128xf32, #tpu.memory_space<vmem>>
        %dma_start3A_141 = tpu.memref_squeeze %dma_start3A_140 : memref<1x64x128xf32, #tpu.memory_space<vmem>> -> memref<64x128xf32, #tpu.memory_space<vmem>>
        %dma_start3A_142 = arith.constant 0 : i32
        %dma_start3A_143 = tpu.memref_slice %arg9[%add3A_119, %dma_start3A_142] : memref<40x64xi32, #tpu.memory_space<vmem>> -> memref<1x64xi32, #tpu.memory_space<vmem>>
        %dma_start3A_144 = tpu.memref_squeeze %dma_start3A_143 : memref<1x64xi32, #tpu.memory_space<vmem>> -> memref<64xi32, #tpu.memory_space<vmem>>
        %dma_start3A_145 = arith.constant 0 : i32
        %dma_start3A_146 = arith.constant 0 : i32
        %dma_start3A_147 = tpu.memref_slice %arg12[%dma_start3A_145, %dma_start3A_146] : memref<10112x128xf32, #tpu.memory_space<vmem_shared>> -> memref<10112x128xf32, #tpu.memory_space<vmem_shared>>
        tpu.enqueue_indirect_dma source(%dma_start3A_141 : memref<64x128xf32, #tpu.memory_space<vmem>>) target(%dma_start3A_147 : memref<10112x128xf32, #tpu.memory_space<vmem_shared>>) offsets(%dma_start3A_144 : memref<64xi32, #tpu.memory_space<vmem>>) semaphore(%arg17 : memref<!tpu.dma_semaphore, #tpu.memory_space<semaphore_mem>>) {add = true}
        %ge3A = arith.constant 1 : i32
        %ge3A_148 = arith.cmpi sge, %add3A_119, %ge3A : i32
        %convert_element_type3A = arith.extui %ge3A_148 : i1 to i32
        %cond3A = arith.constant 0 : i32
        %cond3A_149 = arith.cmpi ne, %convert_element_type3A, %cond3A : i32
        scf.if %cond3A_149 {
          %sub3A = arith.constant 1 : i32
          %sub3A_255 = arith.subi %add3A_119, %sub3A : i32
          %dma_wait3A_256 = arith.constant 3 : i32
          %dma_wait3A_257 = arith.constant 0 : i32
          %dma_wait3A_258 = arith.constant 0 : i32
          %dma_wait3A_259 = tpu.memref_slice %arg11[%dma_wait3A_256, %dma_wait3A_257, %dma_wait3A_258] : memref<4x64x128xf32, #tpu.memory_space<vmem>> -> memref<1x64x128xf32, #tpu.memory_space<vmem>>
          %dma_wait3A_260 = tpu.memref_squeeze %dma_wait3A_259 : memref<1x64x128xf32, #tpu.memory_space<vmem>> -> memref<64x128xf32, #tpu.memory_space<vmem>>
          %dma_wait3A_261 = arith.constant 0 : i32
          %dma_wait3A_262 = tpu.memref_slice %arg9[%sub3A_255, %dma_wait3A_261] : memref<40x64xi32, #tpu.memory_space<vmem>> -> memref<1x64xi32, #tpu.memory_space<vmem>>
          %dma_wait3A_263 = tpu.memref_squeeze %dma_wait3A_262 : memref<1x64xi32, #tpu.memory_space<vmem>> -> memref<64xi32, #tpu.memory_space<vmem>>
          %dma_wait3A_264 = arith.constant 0 : i32
          %dma_wait3A_265 = arith.constant 0 : i32
          %dma_wait3A_266 = tpu.memref_slice %arg12[%dma_wait3A_264, %dma_wait3A_265] : memref<10112x128xf32, #tpu.memory_space<vmem_shared>> -> memref<10112x128xf32, #tpu.memory_space<vmem_shared>>
          tpu.wait_indirect_dma semaphore(%arg20 : memref<!tpu.dma_semaphore, #tpu.memory_space<semaphore_mem>>) src(%dma_wait3A_260 : memref<64x128xf32, #tpu.memory_space<vmem>>) dst(%dma_wait3A_266 : memref<10112x128xf32, #tpu.memory_space<vmem_shared>>)
          %add3A_267 = arith.constant 3 : i32
          %add3A_268 = arith.addi %add3A_119, %add3A_267 : i32
          %lt3A = arith.constant 40 : i32
          %lt3A_269 = arith.cmpi slt, %add3A_268, %lt3A : i32
          %convert_element_type3A_270 = arith.extui %lt3A_269 : i1 to i32
          %cond3A_271 = arith.constant 0 : i32
          %cond3A_272 = arith.cmpi ne, %convert_element_type3A_270, %cond3A_271 : i32
          scf.if %cond3A_272 {
            %add3A_273 = arith.constant 3 : i32
            %add3A_274 = arith.addi %add3A_119, %add3A_273 : i32
            %mul3A_275 = arith.constant 64 : i32
            %mul3A_276 = arith.muli %add3A_274, %mul3A_275 : i32
            %dma_start3A_277 = arith.constant 3 : i32
            %dma_start3A_278 = arith.constant 0 : i32
            %dma_start3A_279 = arith.constant 0 : i32
            %dma_start3A_280 = tpu.memref_slice %arg11[%dma_start3A_277, %dma_start3A_278, %dma_start3A_279] : memref<4x64x128xf32, #tpu.memory_space<vmem>> -> memref<1x64x128xf32, #tpu.memory_space<vmem>>
            %dma_start3A_281 = tpu.memref_squeeze %dma_start3A_280 : memref<1x64x128xf32, #tpu.memory_space<vmem>> -> memref<64x128xf32, #tpu.memory_space<vmem>>
            %dma_start3A_282 = tpu.memref_slice %arg8[%mul3A_276] : memref<2560xi32, #tpu.memory_space<vmem>> -> memref<64xi32, #tpu.memory_space<vmem>>
            %dma_start3A_283 = arith.constant 0 : i32
            %dma_start3A_284 = arith.constant 0 : i32
            %dma_start3A_285 = tpu.memref_slice %arg2[%dma_start3A_283, %dma_start3A_284] : memref<10000x128xf32, #tpu.memory_space<hbm>> -> memref<10000x128xf32, #tpu.memory_space<hbm>>
            tpu.enqueue_indirect_dma source(%dma_start3A_285 : memref<10000x128xf32, #tpu.memory_space<hbm>>) target(%dma_start3A_281 : memref<64x128xf32, #tpu.memory_space<vmem>>) offsets(%dma_start3A_282 : memref<64xi32, #tpu.memory_space<vmem>>) semaphore(%arg16 : memref<!tpu.dma_semaphore, #tpu.memory_space<semaphore_mem>>)
          } else {
          }
        } else {
        }
        %add3A_150 = arith.constant 1 : i32
        %add3A_151 = arith.addi %add3A_117, %add3A_150 : i32
        %mul3A_152 = arith.constant 64 : i32
        %mul3A_153 = arith.muli %add3A_151, %mul3A_152 : i32
        %dma_wait3A_154 = arith.constant 1 : i32
        %dma_wait3A_155 = arith.constant 0 : i32
        %dma_wait3A_156 = arith.constant 0 : i32
        %dma_wait3A_157 = tpu.memref_slice %arg11[%dma_wait3A_154, %dma_wait3A_155, %dma_wait3A_156] : memref<4x64x128xf32, #tpu.memory_space<vmem>> -> memref<1x64x128xf32, #tpu.memory_space<vmem>>
        %dma_wait3A_158 = tpu.memref_squeeze %dma_wait3A_157 : memref<1x64x128xf32, #tpu.memory_space<vmem>> -> memref<64x128xf32, #tpu.memory_space<vmem>>
        %dma_wait3A_159 = tpu.memref_slice %arg8[%mul3A_153] : memref<2560xi32, #tpu.memory_space<vmem>> -> memref<64xi32, #tpu.memory_space<vmem>>
        %dma_wait3A_160 = arith.constant 0 : i32
        %dma_wait3A_161 = arith.constant 0 : i32
        %dma_wait3A_162 = tpu.memref_slice %arg2[%dma_wait3A_160, %dma_wait3A_161] : memref<10000x128xf32, #tpu.memory_space<hbm>> -> memref<10000x128xf32, #tpu.memory_space<hbm>>
        tpu.wait_indirect_dma semaphore(%arg14 : memref<!tpu.dma_semaphore, #tpu.memory_space<semaphore_mem>>) src(%dma_wait3A_162 : memref<10000x128xf32, #tpu.memory_space<hbm>>) dst(%dma_wait3A_158 : memref<64x128xf32, #tpu.memory_space<vmem>>)
        %scan3A_163 = arith.constant 1 : i32
        %scan3A_164 = arith.constant 0 : i32
        %scan3A_165 = arith.constant 16 : i32
        %scan3A_166 = arith.addi %scan3A_164, %scan3A_165 : i32
        %scan3A_167 = arith.constant 1 : i32
        scf.for %scan3A_255 = %scan3A_164 to %scan3A_166 step %scan3A_167  : i32 {
          %mul3A_256 = arith.constant 4 : i32
          %mul3A_257 = arith.muli %scan3A_255, %mul3A_256 : i32
          %add3A_258 = arith.constant 0 : i32
          %add3A_259 = arith.addi %add3A_258, %mul3A_257 : i32
          %mul3A_260 = arith.constant 64 : i32
          %mul3A_261 = arith.muli %add3A_151, %mul3A_260 : i32
          %add3A_262 = arith.addi %mul3A_261, %add3A_259 : i32
          %add3A_263 = arith.constant 0 : i32
          %add3A_264 = arith.addi %add3A_262, %add3A_263 : i32
          %broadcast_in_dim3A = vector.broadcast %add3A_264 : i32 to vector<16xi32>
          %gather3A = tpu.vector_load_idx %arg10[%broadcast_in_dim3A] : memref<2560xf32, #tpu.memory_space<vmem>>[vector<16xi32>], vector<16xf32>,
          %add3A_265 = arith.constant 0 : i32
          %add3A_266 = arith.addi %add3A_259, %add3A_265 : i32
          %get3A = arith.constant 0 : i32
          %get3A_267 = arith.constant 0 : i32
          %get3A_268 = tpu.memref_slice %arg11[%scan3A_163, %get3A, %get3A_267] : memref<4x64x128xf32, #tpu.memory_space<vmem>> -> memref<1x64x128xf32, #tpu.memory_space<vmem>>
          %get3A_269 = tpu.memref_squeeze %get3A_268 : memref<1x64x128xf32, #tpu.memory_space<vmem>> -> memref<64x128xf32, #tpu.memory_space<vmem>>
          %get3A_270 = arith.index_cast %add3A_266 : i32 to index
          %get3A_271 = arith.constant 0 : index
          %get3A_272 = tpu.vector_load %get3A_269[%get3A_270, %get3A_271] {strides = array<i32>} : memref<64x128xf32, #tpu.memory_space<vmem>>, vector<16xf32>,
          %mul3A_273 = arith.mulf %get3A_272, %gather3A : vector<16xf32>
          %swap3A = arith.constant 0 : i32
          %swap3A_274 = arith.constant 0 : i32
          %swap3A_275 = tpu.memref_slice %arg11[%scan3A_163, %swap3A, %swap3A_274] : memref<4x64x128xf32, #tpu.memory_space<vmem>> -> memref<1x64x128xf32, #tpu.memory_space<vmem>>
          %swap3A_276 = tpu.memref_squeeze %swap3A_275 : memref<1x64x128xf32, #tpu.memory_space<vmem>> -> memref<64x128xf32, #tpu.memory_space<vmem>>
          %swap3A_277 = arith.index_cast %add3A_266 : i32 to index
          %swap3A_278 = arith.constant 0 : index
          %swap3A_279 = tpu.vector_load %swap3A_276[%swap3A_277, %swap3A_278] {strides = array<i32>} : memref<64x128xf32, #tpu.memory_space<vmem>>, vector<16xf32>,
          tpu.vector_store %swap3A_276[%swap3A_277, %swap3A_278], %mul3A_273 {strides = array<i32>} : memref<64x128xf32, #tpu.memory_space<vmem>>, vector<16xf32>,
          %add3A_280 = arith.constant 0 : i32
          %add3A_281 = arith.addi %add3A_259, %add3A_280 : i32
          %get3A_282 = arith.constant 0 : i32
          %get3A_283 = arith.constant 0 : i32
          %get3A_284 = tpu.memref_slice %arg11[%scan3A_163, %get3A_282, %get3A_283] : memref<4x64x128xf32, #tpu.memory_space<vmem>> -> memref<1x64x128xf32, #tpu.memory_space<vmem>>
          %get3A_285 = tpu.memref_squeeze %get3A_284 : memref<1x64x128xf32, #tpu.memory_space<vmem>> -> memref<64x128xf32, #tpu.memory_space<vmem>>
          %get3A_286 = arith.index_cast %add3A_281 : i32 to index
          %get3A_287 = arith.constant 16 : index
          %get3A_288 = tpu.vector_load %get3A_285[%get3A_286, %get3A_287] {strides = array<i32>} : memref<64x128xf32, #tpu.memory_space<vmem>>, vector<16xf32>,
          %mul3A_289 = arith.mulf %get3A_288, %gather3A : vector<16xf32>
          %swap3A_290 = arith.constant 0 : i32
          %swap3A_291 = arith.constant 0 : i32
          %swap3A_292 = tpu.memref_slice %arg11[%scan3A_163, %swap3A_290, %swap3A_291] : memref<4x64x128xf32, #tpu.memory_space<vmem>> -> memref<1x64x128xf32, #tpu.memory_space<vmem>>
          %swap3A_293 = tpu.memref_squeeze %swap3A_292 : memref<1x64x128xf32, #tpu.memory_space<vmem>> -> memref<64x128xf32, #tpu.memory_space<vmem>>
          %swap3A_294 = arith.index_cast %add3A_281 : i32 to index
          %swap3A_295 = arith.constant 16 : index
          %swap3A_296 = tpu.vector_load %swap3A_293[%swap3A_294, %swap3A_295] {strides = array<i32>} : memref<64x128xf32, #tpu.memory_space<vmem>>, vector<16xf32>,
          tpu.vector_store %swap3A_293[%swap3A_294, %swap3A_295], %mul3A_289 {strides = array<i32>} : memref<64x128xf32, #tpu.memory_space<vmem>>, vector<16xf32>,
          %add3A_297 = arith.constant 0 : i32
          %add3A_298 = arith.addi %add3A_259, %add3A_297 : i32
          %get3A_299 = arith.constant 0 : i32
          %get3A_300 = arith.constant 0 : i32
          %get3A_301 = tpu.memref_slice %arg11[%scan3A_163, %get3A_299, %get3A_300] : memref<4x64x128xf32, #tpu.memory_space<vmem>> -> memref<1x64x128xf32, #tpu.memory_space<vmem>>
          %get3A_302 = tpu.memref_squeeze %get3A_301 : memref<1x64x128xf32, #tpu.memory_space<vmem>> -> memref<64x128xf32, #tpu.memory_space<vmem>>
          %get3A_303 = arith.index_cast %add3A_298 : i32 to index
          %get3A_304 = arith.constant 32 : index
          %get3A_305 = tpu.vector_load %get3A_302[%get3A_303, %get3A_304] {strides = array<i32>} : memref<64x128xf32, #tpu.memory_space<vmem>>, vector<16xf32>,
          %mul3A_306 = arith.mulf %get3A_305, %gather3A : vector<16xf32>
          %swap3A_307 = arith.constant 0 : i32
          %swap3A_308 = arith.constant 0 : i32
          %swap3A_309 = tpu.memref_slice %arg11[%scan3A_163, %swap3A_307, %swap3A_308] : memref<4x64x128xf32, #tpu.memory_space<vmem>> -> memref<1x64x128xf32, #tpu.memory_space<vmem>>
          %swap3A_310 = tpu.memref_squeeze %swap3A_309 : memref<1x64x128xf32, #tpu.memory_space<vmem>> -> memref<64x128xf32, #tpu.memory_space<vmem>>
          %swap3A_311 = arith.index_cast %add3A_298 : i32 to index
          %swap3A_312 = arith.constant 32 : index
          %swap3A_313 = tpu.vector_load %swap3A_310[%swap3A_311, %swap3A_312] {strides = array<i32>} : memref<64x128xf32, #tpu.memory_space<vmem>>, vector<16xf32>,
          tpu.vector_store %swap3A_310[%swap3A_311, %swap3A_312], %mul3A_306 {strides = array<i32>} : memref<64x128xf32, #tpu.memory_space<vmem>>, vector<16xf32>,
          %add3A_314 = arith.constant 0 : i32
          %add3A_315 = arith.addi %add3A_259, %add3A_314 : i32
          %get3A_316 = arith.constant 0 : i32
          %get3A_317 = arith.constant 0 : i32
          %get3A_318 = tpu.memref_slice %arg11[%scan3A_163, %get3A_316, %get3A_317] : memref<4x64x128xf32, #tpu.memory_space<vmem>> -> memref<1x64x128xf32, #tpu.memory_space<vmem>>
          %get3A_319 = tpu.memref_squeeze %get3A_318 : memref<1x64x128xf32, #tpu.memory_space<vmem>> -> memref<64x128xf32, #tpu.memory_space<vmem>>
          %get3A_320 = arith.index_cast %add3A_315 : i32 to index
          %get3A_321 = arith.constant 48 : index
          %get3A_322 = tpu.vector_load %get3A_319[%get3A_320, %get3A_321] {strides = array<i32>} : memref<64x128xf32, #tpu.memory_space<vmem>>, vector<16xf32>,
          %mul3A_323 = arith.mulf %get3A_322, %gather3A : vector<16xf32>
          %swap3A_324 = arith.constant 0 : i32
          %swap3A_325 = arith.constant 0 : i32
          %swap3A_326 = tpu.memref_slice %arg11[%scan3A_163, %swap3A_324, %swap3A_325] : memref<4x64x128xf32, #tpu.memory_space<vmem>> -> memref<1x64x128xf32, #tpu.memory_space<vmem>>
          %swap3A_327 = tpu.memref_squeeze %swap3A_326 : memref<1x64x128xf32, #tpu.memory_space<vmem>> -> memref<64x128xf32, #tpu.memory_space<vmem>>
          %swap3A_328 = arith.index_cast %add3A_315 : i32 to index
          %swap3A_329 = arith.constant 48 : index
          %swap3A_330 = tpu.vector_load %swap3A_327[%swap3A_328, %swap3A_329] {strides = array<i32>} : memref<64x128xf32, #tpu.memory_space<vmem>>, vector<16xf32>,
          tpu.vector_store %swap3A_327[%swap3A_328, %swap3A_329], %mul3A_323 {strides = array<i32>} : memref<64x128xf32, #tpu.memory_space<vmem>>, vector<16xf32>,
          %add3A_331 = arith.constant 0 : i32
          %add3A_332 = arith.addi %add3A_259, %add3A_331 : i32
          %get3A_333 = arith.constant 0 : i32
          %get3A_334 = arith.constant 0 : i32
          %get3A_335 = tpu.memref_slice %arg11[%scan3A_163, %get3A_333, %get3A_334] : memref<4x64x128xf32, #tpu.memory_space<vmem>> -> memref<1x64x128xf32, #tpu.memory_space<vmem>>
          %get3A_336 = tpu.memref_squeeze %get3A_335 : memref<1x64x128xf32, #tpu.memory_space<vmem>> -> memref<64x128xf32, #tpu.memory_space<vmem>>
          %get3A_337 = arith.index_cast %add3A_332 : i32 to index
          %get3A_338 = arith.constant 64 : index
          %get3A_339 = tpu.vector_load %get3A_336[%get3A_337, %get3A_338] {strides = array<i32>} : memref<64x128xf32, #tpu.memory_space<vmem>>, vector<16xf32>,
          %mul3A_340 = arith.mulf %get3A_339, %gather3A : vector<16xf32>
          %swap3A_341 = arith.constant 0 : i32
          %swap3A_342 = arith.constant 0 : i32
          %swap3A_343 = tpu.memref_slice %arg11[%scan3A_163, %swap3A_341, %swap3A_342] : memref<4x64x128xf32, #tpu.memory_space<vmem>> -> memref<1x64x128xf32, #tpu.memory_space<vmem>>
          %swap3A_344 = tpu.memref_squeeze %swap3A_343 : memref<1x64x128xf32, #tpu.memory_space<vmem>> -> memref<64x128xf32, #tpu.memory_space<vmem>>
          %swap3A_345 = arith.index_cast %add3A_332 : i32 to index
          %swap3A_346 = arith.constant 64 : index
          %swap3A_347 = tpu.vector_load %swap3A_344[%swap3A_345, %swap3A_346] {strides = array<i32>} : memref<64x128xf32, #tpu.memory_space<vmem>>, vector<16xf32>,
          tpu.vector_store %swap3A_344[%swap3A_345, %swap3A_346], %mul3A_340 {strides = array<i32>} : memref<64x128xf32, #tpu.memory_space<vmem>>, vector<16xf32>,
          %add3A_348 = arith.constant 0 : i32
          %add3A_349 = arith.addi %add3A_259, %add3A_348 : i32
          %get3A_350 = arith.constant 0 : i32
          %get3A_351 = arith.constant 0 : i32
          %get3A_352 = tpu.memref_slice %arg11[%scan3A_163, %get3A_350, %get3A_351] : memref<4x64x128xf32, #tpu.memory_space<vmem>> -> memref<1x64x128xf32, #tpu.memory_space<vmem>>
          %get3A_353 = tpu.memref_squeeze %get3A_352 : memref<1x64x128xf32, #tpu.memory_space<vmem>> -> memref<64x128xf32, #tpu.memory_space<vmem>>
          %get3A_354 = arith.index_cast %add3A_349 : i32 to index
          %get3A_355 = arith.constant 80 : index
          %get3A_356 = tpu.vector_load %get3A_353[%get3A_354, %get3A_355] {strides = array<i32>} : memref<64x128xf32, #tpu.memory_space<vmem>>, vector<16xf32>,
          %mul3A_357 = arith.mulf %get3A_356, %gather3A : vector<16xf32>
          %swap3A_358 = arith.constant 0 : i32
          %swap3A_359 = arith.constant 0 : i32
          %swap3A_360 = tpu.memref_slice %arg11[%scan3A_163, %swap3A_358, %swap3A_359] : memref<4x64x128xf32, #tpu.memory_space<vmem>> -> memref<1x64x128xf32, #tpu.memory_space<vmem>>
          %swap3A_361 = tpu.memref_squeeze %swap3A_360 : memref<1x64x128xf32, #tpu.memory_space<vmem>> -> memref<64x128xf32, #tpu.memory_space<vmem>>
          %swap3A_362 = arith.index_cast %add3A_349 : i32 to index
          %swap3A_363 = arith.constant 80 : index
          %swap3A_364 = tpu.vector_load %swap3A_361[%swap3A_362, %swap3A_363] {strides = array<i32>} : memref<64x128xf32, #tpu.memory_space<vmem>>, vector<16xf32>,
          tpu.vector_store %swap3A_361[%swap3A_362, %swap3A_363], %mul3A_357 {strides = array<i32>} : memref<64x128xf32, #tpu.memory_space<vmem>>, vector<16xf32>,
          %add3A_365 = arith.constant 0 : i32
          %add3A_366 = arith.addi %add3A_259, %add3A_365 : i32
          %get3A_367 = arith.constant 0 : i32
          %get3A_368 = arith.constant 0 : i32
          %get3A_369 = tpu.memref_slice %arg11[%scan3A_163, %get3A_367, %get3A_368] : memref<4x64x128xf32, #tpu.memory_space<vmem>> -> memref<1x64x128xf32, #tpu.memory_space<vmem>>
          %get3A_370 = tpu.memref_squeeze %get3A_369 : memref<1x64x128xf32, #tpu.memory_space<vmem>> -> memref<64x128xf32, #tpu.memory_space<vmem>>
          %get3A_371 = arith.index_cast %add3A_366 : i32 to index
          %get3A_372 = arith.constant 96 : index
          %get3A_373 = tpu.vector_load %get3A_370[%get3A_371, %get3A_372] {strides = array<i32>} : memref<64x128xf32, #tpu.memory_space<vmem>>, vector<16xf32>,
          %mul3A_374 = arith.mulf %get3A_373, %gather3A : vector<16xf32>
          %swap3A_375 = arith.constant 0 : i32
          %swap3A_376 = arith.constant 0 : i32
          %swap3A_377 = tpu.memref_slice %arg11[%scan3A_163, %swap3A_375, %swap3A_376] : memref<4x64x128xf32, #tpu.memory_space<vmem>> -> memref<1x64x128xf32, #tpu.memory_space<vmem>>
          %swap3A_378 = tpu.memref_squeeze %swap3A_377 : memref<1x64x128xf32, #tpu.memory_space<vmem>> -> memref<64x128xf32, #tpu.memory_space<vmem>>
          %swap3A_379 = arith.index_cast %add3A_366 : i32 to index
          %swap3A_380 = arith.constant 96 : index
          %swap3A_381 = tpu.vector_load %swap3A_378[%swap3A_379, %swap3A_380] {strides = array<i32>} : memref<64x128xf32, #tpu.memory_space<vmem>>, vector<16xf32>,
          tpu.vector_store %swap3A_378[%swap3A_379, %swap3A_380], %mul3A_374 {strides = array<i32>} : memref<64x128xf32, #tpu.memory_space<vmem>>, vector<16xf32>,
          %add3A_382 = arith.constant 0 : i32
          %add3A_383 = arith.addi %add3A_259, %add3A_382 : i32
          %get3A_384 = arith.constant 0 : i32
          %get3A_385 = arith.constant 0 : i32
          %get3A_386 = tpu.memref_slice %arg11[%scan3A_163, %get3A_384, %get3A_385] : memref<4x64x128xf32, #tpu.memory_space<vmem>> -> memref<1x64x128xf32, #tpu.memory_space<vmem>>
          %get3A_387 = tpu.memref_squeeze %get3A_386 : memref<1x64x128xf32, #tpu.memory_space<vmem>> -> memref<64x128xf32, #tpu.memory_space<vmem>>
          %get3A_388 = arith.index_cast %add3A_383 : i32 to index
          %get3A_389 = arith.constant 112 : index
          %get3A_390 = tpu.vector_load %get3A_387[%get3A_388, %get3A_389] {strides = array<i32>} : memref<64x128xf32, #tpu.memory_space<vmem>>, vector<16xf32>,
          %mul3A_391 = arith.mulf %get3A_390, %gather3A : vector<16xf32>
          %swap3A_392 = arith.constant 0 : i32
          %swap3A_393 = arith.constant 0 : i32
          %swap3A_394 = tpu.memref_slice %arg11[%scan3A_163, %swap3A_392, %swap3A_393] : memref<4x64x128xf32, #tpu.memory_space<vmem>> -> memref<1x64x128xf32, #tpu.memory_space<vmem>>
          %swap3A_395 = tpu.memref_squeeze %swap3A_394 : memref<1x64x128xf32, #tpu.memory_space<vmem>> -> memref<64x128xf32, #tpu.memory_space<vmem>>
          %swap3A_396 = arith.index_cast %add3A_383 : i32 to index
          %swap3A_397 = arith.constant 112 : index
          %swap3A_398 = tpu.vector_load %swap3A_395[%swap3A_396, %swap3A_397] {strides = array<i32>} : memref<64x128xf32, #tpu.memory_space<vmem>>, vector<16xf32>,
          tpu.vector_store %swap3A_395[%swap3A_396, %swap3A_397], %mul3A_391 {strides = array<i32>} : memref<64x128xf32, #tpu.memory_space<vmem>>, vector<16xf32>,
          %mul3A_399 = arith.constant 64 : i32
          %mul3A_400 = arith.muli %add3A_151, %mul3A_399 : i32
          %add3A_401 = arith.addi %mul3A_400, %add3A_259 : i32
          %add3A_402 = arith.constant 1 : i32
          %add3A_403 = arith.addi %add3A_401, %add3A_402 : i32
          %broadcast_in_dim3A_404 = vector.broadcast %add3A_403 : i32 to vector<16xi32>
          %gather3A_405 = tpu.vector_load_idx %arg10[%broadcast_in_dim3A_404] : memref<2560xf32, #tpu.memory_space<vmem>>[vector<16xi32>], vector<16xf32>,
          %add3A_406 = arith.constant 1 : i32
          %add3A_407 = arith.addi %add3A_259, %add3A_406 : i32
          %get3A_408 = arith.constant 0 : i32
          %get3A_409 = arith.constant 0 : i32
          %get3A_410 = tpu.memref_slice %arg11[%scan3A_163, %get3A_408, %get3A_409] : memref<4x64x128xf32, #tpu.memory_space<vmem>> -> memref<1x64x128xf32, #tpu.memory_space<vmem>>
          %get3A_411 = tpu.memref_squeeze %get3A_410 : memref<1x64x128xf32, #tpu.memory_space<vmem>> -> memref<64x128xf32, #tpu.memory_space<vmem>>
          %get3A_412 = arith.index_cast %add3A_407 : i32 to index
          %get3A_413 = arith.constant 0 : index
          %get3A_414 = tpu.vector_load %get3A_411[%get3A_412, %get3A_413] {strides = array<i32>} : memref<64x128xf32, #tpu.memory_space<vmem>>, vector<16xf32>,
          %mul3A_415 = arith.mulf %get3A_414, %gather3A_405 : vector<16xf32>
          %swap3A_416 = arith.constant 0 : i32
          %swap3A_417 = arith.constant 0 : i32
          %swap3A_418 = tpu.memref_slice %arg11[%scan3A_163, %swap3A_416, %swap3A_417] : memref<4x64x128xf32, #tpu.memory_space<vmem>> -> memref<1x64x128xf32, #tpu.memory_space<vmem>>
          %swap3A_419 = tpu.memref_squeeze %swap3A_418 : memref<1x64x128xf32, #tpu.memory_space<vmem>> -> memref<64x128xf32, #tpu.memory_space<vmem>>
          %swap3A_420 = arith.index_cast %add3A_407 : i32 to index
          %swap3A_421 = arith.constant 0 : index
          %swap3A_422 = tpu.vector_load %swap3A_419[%swap3A_420, %swap3A_421] {strides = array<i32>} : memref<64x128xf32, #tpu.memory_space<vmem>>, vector<16xf32>,
          tpu.vector_store %swap3A_419[%swap3A_420, %swap3A_421], %mul3A_415 {strides = array<i32>} : memref<64x128xf32, #tpu.memory_space<vmem>>, vector<16xf32>,
          %add3A_423 = arith.constant 1 : i32
          %add3A_424 = arith.addi %add3A_259, %add3A_423 : i32
          %get3A_425 = arith.constant 0 : i32
          %get3A_426 = arith.constant 0 : i32
          %get3A_427 = tpu.memref_slice %arg11[%scan3A_163, %get3A_425, %get3A_426] : memref<4x64x128xf32, #tpu.memory_space<vmem>> -> memref<1x64x128xf32, #tpu.memory_space<vmem>>
          %get3A_428 = tpu.memref_squeeze %get3A_427 : memref<1x64x128xf32, #tpu.memory_space<vmem>> -> memref<64x128xf32, #tpu.memory_space<vmem>>
          %get3A_429 = arith.index_cast %add3A_424 : i32 to index
          %get3A_430 = arith.constant 16 : index
          %get3A_431 = tpu.vector_load %get3A_428[%get3A_429, %get3A_430] {strides = array<i32>} : memref<64x128xf32, #tpu.memory_space<vmem>>, vector<16xf32>,
          %mul3A_432 = arith.mulf %get3A_431, %gather3A_405 : vector<16xf32>
          %swap3A_433 = arith.constant 0 : i32
          %swap3A_434 = arith.constant 0 : i32
          %swap3A_435 = tpu.memref_slice %arg11[%scan3A_163, %swap3A_433, %swap3A_434] : memref<4x64x128xf32, #tpu.memory_space<vmem>> -> memref<1x64x128xf32, #tpu.memory_space<vmem>>
          %swap3A_436 = tpu.memref_squeeze %swap3A_435 : memref<1x64x128xf32, #tpu.memory_space<vmem>> -> memref<64x128xf32, #tpu.memory_space<vmem>>
          %swap3A_437 = arith.index_cast %add3A_424 : i32 to index
          %swap3A_438 = arith.constant 16 : index
          %swap3A_439 = tpu.vector_load %swap3A_436[%swap3A_437, %swap3A_438] {strides = array<i32>} : memref<64x128xf32, #tpu.memory_space<vmem>>, vector<16xf32>,
          tpu.vector_store %swap3A_436[%swap3A_437, %swap3A_438], %mul3A_432 {strides = array<i32>} : memref<64x128xf32, #tpu.memory_space<vmem>>, vector<16xf32>,
          %add3A_440 = arith.constant 1 : i32
          %add3A_441 = arith.addi %add3A_259, %add3A_440 : i32
          %get3A_442 = arith.constant 0 : i32
          %get3A_443 = arith.constant 0 : i32
          %get3A_444 = tpu.memref_slice %arg11[%scan3A_163, %get3A_442, %get3A_443] : memref<4x64x128xf32, #tpu.memory_space<vmem>> -> memref<1x64x128xf32, #tpu.memory_space<vmem>>
          %get3A_445 = tpu.memref_squeeze %get3A_444 : memref<1x64x128xf32, #tpu.memory_space<vmem>> -> memref<64x128xf32, #tpu.memory_space<vmem>>
          %get3A_446 = arith.index_cast %add3A_441 : i32 to index
          %get3A_447 = arith.constant 32 : index
          %get3A_448 = tpu.vector_load %get3A_445[%get3A_446, %get3A_447] {strides = array<i32>} : memref<64x128xf32, #tpu.memory_space<vmem>>, vector<16xf32>,
          %mul3A_449 = arith.mulf %get3A_448, %gather3A_405 : vector<16xf32>
          %swap3A_450 = arith.constant 0 : i32
          %swap3A_451 = arith.constant 0 : i32
          %swap3A_452 = tpu.memref_slice %arg11[%scan3A_163, %swap3A_450, %swap3A_451] : memref<4x64x128xf32, #tpu.memory_space<vmem>> -> memref<1x64x128xf32, #tpu.memory_space<vmem>>
          %swap3A_453 = tpu.memref_squeeze %swap3A_452 : memref<1x64x128xf32, #tpu.memory_space<vmem>> -> memref<64x128xf32, #tpu.memory_space<vmem>>
          %swap3A_454 = arith.index_cast %add3A_441 : i32 to index
          %swap3A_455 = arith.constant 32 : index
          %swap3A_456 = tpu.vector_load %swap3A_453[%swap3A_454, %swap3A_455] {strides = array<i32>} : memref<64x128xf32, #tpu.memory_space<vmem>>, vector<16xf32>,
          tpu.vector_store %swap3A_453[%swap3A_454, %swap3A_455], %mul3A_449 {strides = array<i32>} : memref<64x128xf32, #tpu.memory_space<vmem>>, vector<16xf32>,
          %add3A_457 = arith.constant 1 : i32
          %add3A_458 = arith.addi %add3A_259, %add3A_457 : i32
          %get3A_459 = arith.constant 0 : i32
          %get3A_460 = arith.constant 0 : i32
          %get3A_461 = tpu.memref_slice %arg11[%scan3A_163, %get3A_459, %get3A_460] : memref<4x64x128xf32, #tpu.memory_space<vmem>> -> memref<1x64x128xf32, #tpu.memory_space<vmem>>
          %get3A_462 = tpu.memref_squeeze %get3A_461 : memref<1x64x128xf32, #tpu.memory_space<vmem>> -> memref<64x128xf32, #tpu.memory_space<vmem>>
          %get3A_463 = arith.index_cast %add3A_458 : i32 to index
          %get3A_464 = arith.constant 48 : index
          %get3A_465 = tpu.vector_load %get3A_462[%get3A_463, %get3A_464] {strides = array<i32>} : memref<64x128xf32, #tpu.memory_space<vmem>>, vector<16xf32>,
          %mul3A_466 = arith.mulf %get3A_465, %gather3A_405 : vector<16xf32>
          %swap3A_467 = arith.constant 0 : i32
          %swap3A_468 = arith.constant 0 : i32
          %swap3A_469 = tpu.memref_slice %arg11[%scan3A_163, %swap3A_467, %swap3A_468] : memref<4x64x128xf32, #tpu.memory_space<vmem>> -> memref<1x64x128xf32, #tpu.memory_space<vmem>>
          %swap3A_470 = tpu.memref_squeeze %swap3A_469 : memref<1x64x128xf32, #tpu.memory_space<vmem>> -> memref<64x128xf32, #tpu.memory_space<vmem>>
          %swap3A_471 = arith.index_cast %add3A_458 : i32 to index
          %swap3A_472 = arith.constant 48 : index
          %swap3A_473 = tpu.vector_load %swap3A_470[%swap3A_471, %swap3A_472] {strides = array<i32>} : memref<64x128xf32, #tpu.memory_space<vmem>>, vector<16xf32>,
          tpu.vector_store %swap3A_470[%swap3A_471, %swap3A_472], %mul3A_466 {strides = array<i32>} : memref<64x128xf32, #tpu.memory_space<vmem>>, vector<16xf32>,
          %add3A_474 = arith.constant 1 : i32
          %add3A_475 = arith.addi %add3A_259, %add3A_474 : i32
          %get3A_476 = arith.constant 0 : i32
          %get3A_477 = arith.constant 0 : i32
          %get3A_478 = tpu.memref_slice %arg11[%scan3A_163, %get3A_476, %get3A_477] : memref<4x64x128xf32, #tpu.memory_space<vmem>> -> memref<1x64x128xf32, #tpu.memory_space<vmem>>
          %get3A_479 = tpu.memref_squeeze %get3A_478 : memref<1x64x128xf32, #tpu.memory_space<vmem>> -> memref<64x128xf32, #tpu.memory_space<vmem>>
          %get3A_480 = arith.index_cast %add3A_475 : i32 to index
          %get3A_481 = arith.constant 64 : index
          %get3A_482 = tpu.vector_load %get3A_479[%get3A_480, %get3A_481] {strides = array<i32>} : memref<64x128xf32, #tpu.memory_space<vmem>>, vector<16xf32>,
          %mul3A_483 = arith.mulf %get3A_482, %gather3A_405 : vector<16xf32>
          %swap3A_484 = arith.constant 0 : i32
          %swap3A_485 = arith.constant 0 : i32
          %swap3A_486 = tpu.memref_slice %arg11[%scan3A_163, %swap3A_484, %swap3A_485] : memref<4x64x128xf32, #tpu.memory_space<vmem>> -> memref<1x64x128xf32, #tpu.memory_space<vmem>>
          %swap3A_487 = tpu.memref_squeeze %swap3A_486 : memref<1x64x128xf32, #tpu.memory_space<vmem>> -> memref<64x128xf32, #tpu.memory_space<vmem>>
          %swap3A_488 = arith.index_cast %add3A_475 : i32 to index
          %swap3A_489 = arith.constant 64 : index
          %swap3A_490 = tpu.vector_load %swap3A_487[%swap3A_488, %swap3A_489] {strides = array<i32>} : memref<64x128xf32, #tpu.memory_space<vmem>>, vector<16xf32>,
          tpu.vector_store %swap3A_487[%swap3A_488, %swap3A_489], %mul3A_483 {strides = array<i32>} : memref<64x128xf32, #tpu.memory_space<vmem>>, vector<16xf32>,
          %add3A_491 = arith.constant 1 : i32
          %add3A_492 = arith.addi %add3A_259, %add3A_491 : i32
          %get3A_493 = arith.constant 0 : i32
          %get3A_494 = arith.constant 0 : i32
          %get3A_495 = tpu.memref_slice %arg11[%scan3A_163, %get3A_493, %get3A_494] : memref<4x64x128xf32, #tpu.memory_space<vmem>> -> memref<1x64x128xf32, #tpu.memory_space<vmem>>
          %get3A_496 = tpu.memref_squeeze %get3A_495 : memref<1x64x128xf32, #tpu.memory_space<vmem>> -> memref<64x128xf32, #tpu.memory_space<vmem>>
          %get3A_497 = arith.index_cast %add3A_492 : i32 to index
          %get3A_498 = arith.constant 80 : index
          %get3A_499 = tpu.vector_load %get3A_496[%get3A_497, %get3A_498] {strides = array<i32>} : memref<64x128xf32, #tpu.memory_space<vmem>>, vector<16xf32>,
          %mul3A_500 = arith.mulf %get3A_499, %gather3A_405 : vector<16xf32>
          %swap3A_501 = arith.constant 0 : i32
          %swap3A_502 = arith.constant 0 : i32
          %swap3A_503 = tpu.memref_slice %arg11[%scan3A_163, %swap3A_501, %swap3A_502] : memref<4x64x128xf32, #tpu.memory_space<vmem>> -> memref<1x64x128xf32, #tpu.memory_space<vmem>>
          %swap3A_504 = tpu.memref_squeeze %swap3A_503 : memref<1x64x128xf32, #tpu.memory_space<vmem>> -> memref<64x128xf32, #tpu.memory_space<vmem>>
          %swap3A_505 = arith.index_cast %add3A_492 : i32 to index
          %swap3A_506 = arith.constant 80 : index
          %swap3A_507 = tpu.vector_load %swap3A_504[%swap3A_505, %swap3A_506] {strides = array<i32>} : memref<64x128xf32, #tpu.memory_space<vmem>>, vector<16xf32>,
          tpu.vector_store %swap3A_504[%swap3A_505, %swap3A_506], %mul3A_500 {strides = array<i32>} : memref<64x128xf32, #tpu.memory_space<vmem>>, vector<16xf32>,
          %add3A_508 = arith.constant 1 : i32
          %add3A_509 = arith.addi %add3A_259, %add3A_508 : i32
          %get3A_510 = arith.constant 0 : i32
          %get3A_511 = arith.constant 0 : i32
          %get3A_512 = tpu.memref_slice %arg11[%scan3A_163, %get3A_510, %get3A_511] : memref<4x64x128xf32, #tpu.memory_space<vmem>> -> memref<1x64x128xf32, #tpu.memory_space<vmem>>
          %get3A_513 = tpu.memref_squeeze %get3A_512 : memref<1x64x128xf32, #tpu.memory_space<vmem>> -> memref<64x128xf32, #tpu.memory_space<vmem>>
          %get3A_514 = arith.index_cast %add3A_509 : i32 to index
          %get3A_515 = arith.constant 96 : index
          %get3A_516 = tpu.vector_load %get3A_513[%get3A_514, %get3A_515] {strides = array<i32>} : memref<64x128xf32, #tpu.memory_space<vmem>>, vector<16xf32>,
          %mul3A_517 = arith.mulf %get3A_516, %gather3A_405 : vector<16xf32>
          %swap3A_518 = arith.constant 0 : i32
          %swap3A_519 = arith.constant 0 : i32
          %swap3A_520 = tpu.memref_slice %arg11[%scan3A_163, %swap3A_518, %swap3A_519] : memref<4x64x128xf32, #tpu.memory_space<vmem>> -> memref<1x64x128xf32, #tpu.memory_space<vmem>>
          %swap3A_521 = tpu.memref_squeeze %swap3A_520 : memref<1x64x128xf32, #tpu.memory_space<vmem>> -> memref<64x128xf32, #tpu.memory_space<vmem>>
          %swap3A_522 = arith.index_cast %add3A_509 : i32 to index
          %swap3A_523 = arith.constant 96 : index
          %swap3A_524 = tpu.vector_load %swap3A_521[%swap3A_522, %swap3A_523] {strides = array<i32>} : memref<64x128xf32, #tpu.memory_space<vmem>>, vector<16xf32>,
          tpu.vector_store %swap3A_521[%swap3A_522, %swap3A_523], %mul3A_517 {strides = array<i32>} : memref<64x128xf32, #tpu.memory_space<vmem>>, vector<16xf32>,
          %add3A_525 = arith.constant 1 : i32
          %add3A_526 = arith.addi %add3A_259, %add3A_525 : i32
          %get3A_527 = arith.constant 0 : i32
          %get3A_528 = arith.constant 0 : i32
          %get3A_529 = tpu.memref_slice %arg11[%scan3A_163, %get3A_527, %get3A_528] : memref<4x64x128xf32, #tpu.memory_space<vmem>> -> memref<1x64x128xf32, #tpu.memory_space<vmem>>
          %get3A_530 = tpu.memref_squeeze %get3A_529 : memref<1x64x128xf32, #tpu.memory_space<vmem>> -> memref<64x128xf32, #tpu.memory_space<vmem>>
          %get3A_531 = arith.index_cast %add3A_526 : i32 to index
          %get3A_532 = arith.constant 112 : index
          %get3A_533 = tpu.vector_load %get3A_530[%get3A_531, %get3A_532] {strides = array<i32>} : memref<64x128xf32, #tpu.memory_space<vmem>>, vector<16xf32>,
          %mul3A_534 = arith.mulf %get3A_533, %gather3A_405 : vector<16xf32>
          %swap3A_535 = arith.constant 0 : i32
          %swap3A_536 = arith.constant 0 : i32
          %swap3A_537 = tpu.memref_slice %arg11[%scan3A_163, %swap3A_535, %swap3A_536] : memref<4x64x128xf32, #tpu.memory_space<vmem>> -> memref<1x64x128xf32, #tpu.memory_space<vmem>>
          %swap3A_538 = tpu.memref_squeeze %swap3A_537 : memref<1x64x128xf32, #tpu.memory_space<vmem>> -> memref<64x128xf32, #tpu.memory_space<vmem>>
          %swap3A_539 = arith.index_cast %add3A_526 : i32 to index
          %swap3A_540 = arith.constant 112 : index
          %swap3A_541 = tpu.vector_load %swap3A_538[%swap3A_539, %swap3A_540] {strides = array<i32>} : memref<64x128xf32, #tpu.memory_space<vmem>>, vector<16xf32>,
          tpu.vector_store %swap3A_538[%swap3A_539, %swap3A_540], %mul3A_534 {strides = array<i32>} : memref<64x128xf32, #tpu.memory_space<vmem>>, vector<16xf32>,
          %mul3A_542 = arith.constant 64 : i32
          %mul3A_543 = arith.muli %add3A_151, %mul3A_542 : i32
          %add3A_544 = arith.addi %mul3A_543, %add3A_259 : i32
          %add3A_545 = arith.constant 2 : i32
          %add3A_546 = arith.addi %add3A_544, %add3A_545 : i32
          %broadcast_in_dim3A_547 = vector.broadcast %add3A_546 : i32 to vector<16xi32>
          %gather3A_548 = tpu.vector_load_idx %arg10[%broadcast_in_dim3A_547] : memref<2560xf32, #tpu.memory_space<vmem>>[vector<16xi32>], vector<16xf32>,
          %add3A_549 = arith.constant 2 : i32
          %add3A_550 = arith.addi %add3A_259, %add3A_549 : i32
          %get3A_551 = arith.constant 0 : i32
          %get3A_552 = arith.constant 0 : i32
          %get3A_553 = tpu.memref_slice %arg11[%scan3A_163, %get3A_551, %get3A_552] : memref<4x64x128xf32, #tpu.memory_space<vmem>> -> memref<1x64x128xf32, #tpu.memory_space<vmem>>
          %get3A_554 = tpu.memref_squeeze %get3A_553 : memref<1x64x128xf32, #tpu.memory_space<vmem>> -> memref<64x128xf32, #tpu.memory_space<vmem>>
          %get3A_555 = arith.index_cast %add3A_550 : i32 to index
          %get3A_556 = arith.constant 0 : index
          %get3A_557 = tpu.vector_load %get3A_554[%get3A_555, %get3A_556] {strides = array<i32>} : memref<64x128xf32, #tpu.memory_space<vmem>>, vector<16xf32>,
          %mul3A_558 = arith.mulf %get3A_557, %gather3A_548 : vector<16xf32>
          %swap3A_559 = arith.constant 0 : i32
          %swap3A_560 = arith.constant 0 : i32
          %swap3A_561 = tpu.memref_slice %arg11[%scan3A_163, %swap3A_559, %swap3A_560] : memref<4x64x128xf32, #tpu.memory_space<vmem>> -> memref<1x64x128xf32, #tpu.memory_space<vmem>>
          %swap3A_562 = tpu.memref_squeeze %swap3A_561 : memref<1x64x128xf32, #tpu.memory_space<vmem>> -> memref<64x128xf32, #tpu.memory_space<vmem>>
          %swap3A_563 = arith.index_cast %add3A_550 : i32 to index
          %swap3A_564 = arith.constant 0 : index
          %swap3A_565 = tpu.vector_load %swap3A_562[%swap3A_563, %swap3A_564] {strides = array<i32>} : memref<64x128xf32, #tpu.memory_space<vmem>>, vector<16xf32>,
          tpu.vector_store %swap3A_562[%swap3A_563, %swap3A_564], %mul3A_558 {strides = array<i32>} : memref<64x128xf32, #tpu.memory_space<vmem>>, vector<16xf32>,
          %add3A_566 = arith.constant 2 : i32
          %add3A_567 = arith.addi %add3A_259, %add3A_566 : i32
          %get3A_568 = arith.constant 0 : i32
          %get3A_569 = arith.constant 0 : i32
          %get3A_570 = tpu.memref_slice %arg11[%scan3A_163, %get3A_568, %get3A_569] : memref<4x64x128xf32, #tpu.memory_space<vmem>> -> memref<1x64x128xf32, #tpu.memory_space<vmem>>
          %get3A_571 = tpu.memref_squeeze %get3A_570 : memref<1x64x128xf32, #tpu.memory_space<vmem>> -> memref<64x128xf32, #tpu.memory_space<vmem>>
          %get3A_572 = arith.index_cast %add3A_567 : i32 to index
          %get3A_573 = arith.constant 16 : index
          %get3A_574 = tpu.vector_load %get3A_571[%get3A_572, %get3A_573] {strides = array<i32>} : memref<64x128xf32, #tpu.memory_space<vmem>>, vector<16xf32>,
          %mul3A_575 = arith.mulf %get3A_574, %gather3A_548 : vector<16xf32>
          %swap3A_576 = arith.constant 0 : i32
          %swap3A_577 = arith.constant 0 : i32
          %swap3A_578 = tpu.memref_slice %arg11[%scan3A_163, %swap3A_576, %swap3A_577] : memref<4x64x128xf32, #tpu.memory_space<vmem>> -> memref<1x64x128xf32, #tpu.memory_space<vmem>>
          %swap3A_579 = tpu.memref_squeeze %swap3A_578 : memref<1x64x128xf32, #tpu.memory_space<vmem>> -> memref<64x128xf32, #tpu.memory_space<vmem>>
          %swap3A_580 = arith.index_cast %add3A_567 : i32 to index
          %swap3A_581 = arith.constant 16 : index
          %swap3A_582 = tpu.vector_load %swap3A_579[%swap3A_580, %swap3A_581] {strides = array<i32>} : memref<64x128xf32, #tpu.memory_space<vmem>>, vector<16xf32>,
          tpu.vector_store %swap3A_579[%swap3A_580, %swap3A_581], %mul3A_575 {strides = array<i32>} : memref<64x128xf32, #tpu.memory_space<vmem>>, vector<16xf32>,
          %add3A_583 = arith.constant 2 : i32
          %add3A_584 = arith.addi %add3A_259, %add3A_583 : i32
          %get3A_585 = arith.constant 0 : i32
          %get3A_586 = arith.constant 0 : i32
          %get3A_587 = tpu.memref_slice %arg11[%scan3A_163, %get3A_585, %get3A_586] : memref<4x64x128xf32, #tpu.memory_space<vmem>> -> memref<1x64x128xf32, #tpu.memory_space<vmem>>
          %get3A_588 = tpu.memref_squeeze %get3A_587 : memref<1x64x128xf32, #tpu.memory_space<vmem>> -> memref<64x128xf32, #tpu.memory_space<vmem>>
          %get3A_589 = arith.index_cast %add3A_584 : i32 to index
          %get3A_590 = arith.constant 32 : index
          %get3A_591 = tpu.vector_load %get3A_588[%get3A_589, %get3A_590] {strides = array<i32>} : memref<64x128xf32, #tpu.memory_space<vmem>>, vector<16xf32>,
          %mul3A_592 = arith.mulf %get3A_591, %gather3A_548 : vector<16xf32>
          %swap3A_593 = arith.constant 0 : i32
          %swap3A_594 = arith.constant 0 : i32
          %swap3A_595 = tpu.memref_slice %arg11[%scan3A_163, %swap3A_593, %swap3A_594] : memref<4x64x128xf32, #tpu.memory_space<vmem>> -> memref<1x64x128xf32, #tpu.memory_space<vmem>>
          %swap3A_596 = tpu.memref_squeeze %swap3A_595 : memref<1x64x128xf32, #tpu.memory_space<vmem>> -> memref<64x128xf32, #tpu.memory_space<vmem>>
          %swap3A_597 = arith.index_cast %add3A_584 : i32 to index
          %swap3A_598 = arith.constant 32 : index
          %swap3A_599 = tpu.vector_load %swap3A_596[%swap3A_597, %swap3A_598] {strides = array<i32>} : memref<64x128xf32, #tpu.memory_space<vmem>>, vector<16xf32>,
          tpu.vector_store %swap3A_596[%swap3A_597, %swap3A_598], %mul3A_592 {strides = array<i32>} : memref<64x128xf32, #tpu.memory_space<vmem>>, vector<16xf32>,
          %add3A_600 = arith.constant 2 : i32
          %add3A_601 = arith.addi %add3A_259, %add3A_600 : i32
          %get3A_602 = arith.constant 0 : i32
          %get3A_603 = arith.constant 0 : i32
          %get3A_604 = tpu.memref_slice %arg11[%scan3A_163, %get3A_602, %get3A_603] : memref<4x64x128xf32, #tpu.memory_space<vmem>> -> memref<1x64x128xf32, #tpu.memory_space<vmem>>
          %get3A_605 = tpu.memref_squeeze %get3A_604 : memref<1x64x128xf32, #tpu.memory_space<vmem>> -> memref<64x128xf32, #tpu.memory_space<vmem>>
          %get3A_606 = arith.index_cast %add3A_601 : i32 to index
          %get3A_607 = arith.constant 48 : index
          %get3A_608 = tpu.vector_load %get3A_605[%get3A_606, %get3A_607] {strides = array<i32>} : memref<64x128xf32, #tpu.memory_space<vmem>>, vector<16xf32>,
          %mul3A_609 = arith.mulf %get3A_608, %gather3A_548 : vector<16xf32>
          %swap3A_610 = arith.constant 0 : i32
          %swap3A_611 = arith.constant 0 : i32
          %swap3A_612 = tpu.memref_slice %arg11[%scan3A_163, %swap3A_610, %swap3A_611] : memref<4x64x128xf32, #tpu.memory_space<vmem>> -> memref<1x64x128xf32, #tpu.memory_space<vmem>>
          %swap3A_613 = tpu.memref_squeeze %swap3A_612 : memref<1x64x128xf32, #tpu.memory_space<vmem>> -> memref<64x128xf32, #tpu.memory_space<vmem>>
          %swap3A_614 = arith.index_cast %add3A_601 : i32 to index
          %swap3A_615 = arith.constant 48 : index
          %swap3A_616 = tpu.vector_load %swap3A_613[%swap3A_614, %swap3A_615] {strides = array<i32>} : memref<64x128xf32, #tpu.memory_space<vmem>>, vector<16xf32>,
          tpu.vector_store %swap3A_613[%swap3A_614, %swap3A_615], %mul3A_609 {strides = array<i32>} : memref<64x128xf32, #tpu.memory_space<vmem>>, vector<16xf32>,
          %add3A_617 = arith.constant 2 : i32
          %add3A_618 = arith.addi %add3A_259, %add3A_617 : i32
          %get3A_619 = arith.constant 0 : i32
          %get3A_620 = arith.constant 0 : i32
          %get3A_621 = tpu.memref_slice %arg11[%scan3A_163, %get3A_619, %get3A_620] : memref<4x64x128xf32, #tpu.memory_space<vmem>> -> memref<1x64x128xf32, #tpu.memory_space<vmem>>
          %get3A_622 = tpu.memref_squeeze %get3A_621 : memref<1x64x128xf32, #tpu.memory_space<vmem>> -> memref<64x128xf32, #tpu.memory_space<vmem>>
          %get3A_623 = arith.index_cast %add3A_618 : i32 to index
          %get3A_624 = arith.constant 64 : index
          %get3A_625 = tpu.vector_load %get3A_622[%get3A_623, %get3A_624] {strides = array<i32>} : memref<64x128xf32, #tpu.memory_space<vmem>>, vector<16xf32>,
          %mul3A_626 = arith.mulf %get3A_625, %gather3A_548 : vector<16xf32>
          %swap3A_627 = arith.constant 0 : i32
          %swap3A_628 = arith.constant 0 : i32
          %swap3A_629 = tpu.memref_slice %arg11[%scan3A_163, %swap3A_627, %swap3A_628] : memref<4x64x128xf32, #tpu.memory_space<vmem>> -> memref<1x64x128xf32, #tpu.memory_space<vmem>>
          %swap3A_630 = tpu.memref_squeeze %swap3A_629 : memref<1x64x128xf32, #tpu.memory_space<vmem>> -> memref<64x128xf32, #tpu.memory_space<vmem>>
          %swap3A_631 = arith.index_cast %add3A_618 : i32 to index
          %swap3A_632 = arith.constant 64 : index
          %swap3A_633 = tpu.vector_load %swap3A_630[%swap3A_631, %swap3A_632] {strides = array<i32>} : memref<64x128xf32, #tpu.memory_space<vmem>>, vector<16xf32>,
          tpu.vector_store %swap3A_630[%swap3A_631, %swap3A_632], %mul3A_626 {strides = array<i32>} : memref<64x128xf32, #tpu.memory_space<vmem>>, vector<16xf32>,
          %add3A_634 = arith.constant 2 : i32
          %add3A_635 = arith.addi %add3A_259, %add3A_634 : i32
          %get3A_636 = arith.constant 0 : i32
          %get3A_637 = arith.constant 0 : i32
          %get3A_638 = tpu.memref_slice %arg11[%scan3A_163, %get3A_636, %get3A_637] : memref<4x64x128xf32, #tpu.memory_space<vmem>> -> memref<1x64x128xf32, #tpu.memory_space<vmem>>
          %get3A_639 = tpu.memref_squeeze %get3A_638 : memref<1x64x128xf32, #tpu.memory_space<vmem>> -> memref<64x128xf32, #tpu.memory_space<vmem>>
          %get3A_640 = arith.index_cast %add3A_635 : i32 to index
          %get3A_641 = arith.constant 80 : index
          %get3A_642 = tpu.vector_load %get3A_639[%get3A_640, %get3A_641] {strides = array<i32>} : memref<64x128xf32, #tpu.memory_space<vmem>>, vector<16xf32>,
          %mul3A_643 = arith.mulf %get3A_642, %gather3A_548 : vector<16xf32>
          %swap3A_644 = arith.constant 0 : i32
          %swap3A_645 = arith.constant 0 : i32
          %swap3A_646 = tpu.memref_slice %arg11[%scan3A_163, %swap3A_644, %swap3A_645] : memref<4x64x128xf32, #tpu.memory_space<vmem>> -> memref<1x64x128xf32, #tpu.memory_space<vmem>>
          %swap3A_647 = tpu.memref_squeeze %swap3A_646 : memref<1x64x128xf32, #tpu.memory_space<vmem>> -> memref<64x128xf32, #tpu.memory_space<vmem>>
          %swap3A_648 = arith.index_cast %add3A_635 : i32 to index
          %swap3A_649 = arith.constant 80 : index
          %swap3A_650 = tpu.vector_load %swap3A_647[%swap3A_648, %swap3A_649] {strides = array<i32>} : memref<64x128xf32, #tpu.memory_space<vmem>>, vector<16xf32>,
          tpu.vector_store %swap3A_647[%swap3A_648, %swap3A_649], %mul3A_643 {strides = array<i32>} : memref<64x128xf32, #tpu.memory_space<vmem>>, vector<16xf32>,
          %add3A_651 = arith.constant 2 : i32
          %add3A_652 = arith.addi %add3A_259, %add3A_651 : i32
          %get3A_653 = arith.constant 0 : i32
          %get3A_654 = arith.constant 0 : i32
          %get3A_655 = tpu.memref_slice %arg11[%scan3A_163, %get3A_653, %get3A_654] : memref<4x64x128xf32, #tpu.memory_space<vmem>> -> memref<1x64x128xf32, #tpu.memory_space<vmem>>
          %get3A_656 = tpu.memref_squeeze %get3A_655 : memref<1x64x128xf32, #tpu.memory_space<vmem>> -> memref<64x128xf32, #tpu.memory_space<vmem>>
          %get3A_657 = arith.index_cast %add3A_652 : i32 to index
          %get3A_658 = arith.constant 96 : index
          %get3A_659 = tpu.vector_load %get3A_656[%get3A_657, %get3A_658] {strides = array<i32>} : memref<64x128xf32, #tpu.memory_space<vmem>>, vector<16xf32>,
          %mul3A_660 = arith.mulf %get3A_659, %gather3A_548 : vector<16xf32>
          %swap3A_661 = arith.constant 0 : i32
          %swap3A_662 = arith.constant 0 : i32
          %swap3A_663 = tpu.memref_slice %arg11[%scan3A_163, %swap3A_661, %swap3A_662] : memref<4x64x128xf32, #tpu.memory_space<vmem>> -> memref<1x64x128xf32, #tpu.memory_space<vmem>>
          %swap3A_664 = tpu.memref_squeeze %swap3A_663 : memref<1x64x128xf32, #tpu.memory_space<vmem>> -> memref<64x128xf32, #tpu.memory_space<vmem>>
          %swap3A_665 = arith.index_cast %add3A_652 : i32 to index
          %swap3A_666 = arith.constant 96 : index
          %swap3A_667 = tpu.vector_load %swap3A_664[%swap3A_665, %swap3A_666] {strides = array<i32>} : memref<64x128xf32, #tpu.memory_space<vmem>>, vector<16xf32>,
          tpu.vector_store %swap3A_664[%swap3A_665, %swap3A_666], %mul3A_660 {strides = array<i32>} : memref<64x128xf32, #tpu.memory_space<vmem>>, vector<16xf32>,
          %add3A_668 = arith.constant 2 : i32
          %add3A_669 = arith.addi %add3A_259, %add3A_668 : i32
          %get3A_670 = arith.constant 0 : i32
          %get3A_671 = arith.constant 0 : i32
          %get3A_672 = tpu.memref_slice %arg11[%scan3A_163, %get3A_670, %get3A_671] : memref<4x64x128xf32, #tpu.memory_space<vmem>> -> memref<1x64x128xf32, #tpu.memory_space<vmem>>
          %get3A_673 = tpu.memref_squeeze %get3A_672 : memref<1x64x128xf32, #tpu.memory_space<vmem>> -> memref<64x128xf32, #tpu.memory_space<vmem>>
          %get3A_674 = arith.index_cast %add3A_669 : i32 to index
          %get3A_675 = arith.constant 112 : index
          %get3A_676 = tpu.vector_load %get3A_673[%get3A_674, %get3A_675] {strides = array<i32>} : memref<64x128xf32, #tpu.memory_space<vmem>>, vector<16xf32>,
          %mul3A_677 = arith.mulf %get3A_676, %gather3A_548 : vector<16xf32>
          %swap3A_678 = arith.constant 0 : i32
          %swap3A_679 = arith.constant 0 : i32
          %swap3A_680 = tpu.memref_slice %arg11[%scan3A_163, %swap3A_678, %swap3A_679] : memref<4x64x128xf32, #tpu.memory_space<vmem>> -> memref<1x64x128xf32, #tpu.memory_space<vmem>>
          %swap3A_681 = tpu.memref_squeeze %swap3A_680 : memref<1x64x128xf32, #tpu.memory_space<vmem>> -> memref<64x128xf32, #tpu.memory_space<vmem>>
          %swap3A_682 = arith.index_cast %add3A_669 : i32 to index
          %swap3A_683 = arith.constant 112 : index
          %swap3A_684 = tpu.vector_load %swap3A_681[%swap3A_682, %swap3A_683] {strides = array<i32>} : memref<64x128xf32, #tpu.memory_space<vmem>>, vector<16xf32>,
          tpu.vector_store %swap3A_681[%swap3A_682, %swap3A_683], %mul3A_677 {strides = array<i32>} : memref<64x128xf32, #tpu.memory_space<vmem>>, vector<16xf32>,
          %mul3A_685 = arith.constant 64 : i32
          %mul3A_686 = arith.muli %add3A_151, %mul3A_685 : i32
          %add3A_687 = arith.addi %mul3A_686, %add3A_259 : i32
          %add3A_688 = arith.constant 3 : i32
          %add3A_689 = arith.addi %add3A_687, %add3A_688 : i32
          %broadcast_in_dim3A_690 = vector.broadcast %add3A_689 : i32 to vector<16xi32>
          %gather3A_691 = tpu.vector_load_idx %arg10[%broadcast_in_dim3A_690] : memref<2560xf32, #tpu.memory_space<vmem>>[vector<16xi32>], vector<16xf32>,
          %add3A_692 = arith.constant 3 : i32
          %add3A_693 = arith.addi %add3A_259, %add3A_692 : i32
          %get3A_694 = arith.constant 0 : i32
          %get3A_695 = arith.constant 0 : i32
          %get3A_696 = tpu.memref_slice %arg11[%scan3A_163, %get3A_694, %get3A_695] : memref<4x64x128xf32, #tpu.memory_space<vmem>> -> memref<1x64x128xf32, #tpu.memory_space<vmem>>
          %get3A_697 = tpu.memref_squeeze %get3A_696 : memref<1x64x128xf32, #tpu.memory_space<vmem>> -> memref<64x128xf32, #tpu.memory_space<vmem>>
          %get3A_698 = arith.index_cast %add3A_693 : i32 to index
          %get3A_699 = arith.constant 0 : index
          %get3A_700 = tpu.vector_load %get3A_697[%get3A_698, %get3A_699] {strides = array<i32>} : memref<64x128xf32, #tpu.memory_space<vmem>>, vector<16xf32>,
          %mul3A_701 = arith.mulf %get3A_700, %gather3A_691 : vector<16xf32>
          %swap3A_702 = arith.constant 0 : i32
          %swap3A_703 = arith.constant 0 : i32
          %swap3A_704 = tpu.memref_slice %arg11[%scan3A_163, %swap3A_702, %swap3A_703] : memref<4x64x128xf32, #tpu.memory_space<vmem>> -> memref<1x64x128xf32, #tpu.memory_space<vmem>>
          %swap3A_705 = tpu.memref_squeeze %swap3A_704 : memref<1x64x128xf32, #tpu.memory_space<vmem>> -> memref<64x128xf32, #tpu.memory_space<vmem>>
          %swap3A_706 = arith.index_cast %add3A_693 : i32 to index
          %swap3A_707 = arith.constant 0 : index
          %swap3A_708 = tpu.vector_load %swap3A_705[%swap3A_706, %swap3A_707] {strides = array<i32>} : memref<64x128xf32, #tpu.memory_space<vmem>>, vector<16xf32>,
          tpu.vector_store %swap3A_705[%swap3A_706, %swap3A_707], %mul3A_701 {strides = array<i32>} : memref<64x128xf32, #tpu.memory_space<vmem>>, vector<16xf32>,
          %add3A_709 = arith.constant 3 : i32
          %add3A_710 = arith.addi %add3A_259, %add3A_709 : i32
          %get3A_711 = arith.constant 0 : i32
          %get3A_712 = arith.constant 0 : i32
          %get3A_713 = tpu.memref_slice %arg11[%scan3A_163, %get3A_711, %get3A_712] : memref<4x64x128xf32, #tpu.memory_space<vmem>> -> memref<1x64x128xf32, #tpu.memory_space<vmem>>
          %get3A_714 = tpu.memref_squeeze %get3A_713 : memref<1x64x128xf32, #tpu.memory_space<vmem>> -> memref<64x128xf32, #tpu.memory_space<vmem>>
          %get3A_715 = arith.index_cast %add3A_710 : i32 to index
          %get3A_716 = arith.constant 16 : index
          %get3A_717 = tpu.vector_load %get3A_714[%get3A_715, %get3A_716] {strides = array<i32>} : memref<64x128xf32, #tpu.memory_space<vmem>>, vector<16xf32>,
          %mul3A_718 = arith.mulf %get3A_717, %gather3A_691 : vector<16xf32>
          %swap3A_719 = arith.constant 0 : i32
          %swap3A_720 = arith.constant 0 : i32
          %swap3A_721 = tpu.memref_slice %arg11[%scan3A_163, %swap3A_719, %swap3A_720] : memref<4x64x128xf32, #tpu.memory_space<vmem>> -> memref<1x64x128xf32, #tpu.memory_space<vmem>>
          %swap3A_722 = tpu.memref_squeeze %swap3A_721 : memref<1x64x128xf32, #tpu.memory_space<vmem>> -> memref<64x128xf32, #tpu.memory_space<vmem>>
          %swap3A_723 = arith.index_cast %add3A_710 : i32 to index
          %swap3A_724 = arith.constant 16 : index
          %swap3A_725 = tpu.vector_load %swap3A_722[%swap3A_723, %swap3A_724] {strides = array<i32>} : memref<64x128xf32, #tpu.memory_space<vmem>>, vector<16xf32>,
          tpu.vector_store %swap3A_722[%swap3A_723, %swap3A_724], %mul3A_718 {strides = array<i32>} : memref<64x128xf32, #tpu.memory_space<vmem>>, vector<16xf32>,
          %add3A_726 = arith.constant 3 : i32
          %add3A_727 = arith.addi %add3A_259, %add3A_726 : i32
          %get3A_728 = arith.constant 0 : i32
          %get3A_729 = arith.constant 0 : i32
          %get3A_730 = tpu.memref_slice %arg11[%scan3A_163, %get3A_728, %get3A_729] : memref<4x64x128xf32, #tpu.memory_space<vmem>> -> memref<1x64x128xf32, #tpu.memory_space<vmem>>
          %get3A_731 = tpu.memref_squeeze %get3A_730 : memref<1x64x128xf32, #tpu.memory_space<vmem>> -> memref<64x128xf32, #tpu.memory_space<vmem>>
          %get3A_732 = arith.index_cast %add3A_727 : i32 to index
          %get3A_733 = arith.constant 32 : index
          %get3A_734 = tpu.vector_load %get3A_731[%get3A_732, %get3A_733] {strides = array<i32>} : memref<64x128xf32, #tpu.memory_space<vmem>>, vector<16xf32>,
          %mul3A_735 = arith.mulf %get3A_734, %gather3A_691 : vector<16xf32>
          %swap3A_736 = arith.constant 0 : i32
          %swap3A_737 = arith.constant 0 : i32
          %swap3A_738 = tpu.memref_slice %arg11[%scan3A_163, %swap3A_736, %swap3A_737] : memref<4x64x128xf32, #tpu.memory_space<vmem>> -> memref<1x64x128xf32, #tpu.memory_space<vmem>>
          %swap3A_739 = tpu.memref_squeeze %swap3A_738 : memref<1x64x128xf32, #tpu.memory_space<vmem>> -> memref<64x128xf32, #tpu.memory_space<vmem>>
          %swap3A_740 = arith.index_cast %add3A_727 : i32 to index
          %swap3A_741 = arith.constant 32 : index
          %swap3A_742 = tpu.vector_load %swap3A_739[%swap3A_740, %swap3A_741] {strides = array<i32>} : memref<64x128xf32, #tpu.memory_space<vmem>>, vector<16xf32>,
          tpu.vector_store %swap3A_739[%swap3A_740, %swap3A_741], %mul3A_735 {strides = array<i32>} : memref<64x128xf32, #tpu.memory_space<vmem>>, vector<16xf32>,
          %add3A_743 = arith.constant 3 : i32
          %add3A_744 = arith.addi %add3A_259, %add3A_743 : i32
          %get3A_745 = arith.constant 0 : i32
          %get3A_746 = arith.constant 0 : i32
          %get3A_747 = tpu.memref_slice %arg11[%scan3A_163, %get3A_745, %get3A_746] : memref<4x64x128xf32, #tpu.memory_space<vmem>> -> memref<1x64x128xf32, #tpu.memory_space<vmem>>
          %get3A_748 = tpu.memref_squeeze %get3A_747 : memref<1x64x128xf32, #tpu.memory_space<vmem>> -> memref<64x128xf32, #tpu.memory_space<vmem>>
          %get3A_749 = arith.index_cast %add3A_744 : i32 to index
          %get3A_750 = arith.constant 48 : index
          %get3A_751 = tpu.vector_load %get3A_748[%get3A_749, %get3A_750] {strides = array<i32>} : memref<64x128xf32, #tpu.memory_space<vmem>>, vector<16xf32>,
          %mul3A_752 = arith.mulf %get3A_751, %gather3A_691 : vector<16xf32>
          %swap3A_753 = arith.constant 0 : i32
          %swap3A_754 = arith.constant 0 : i32
          %swap3A_755 = tpu.memref_slice %arg11[%scan3A_163, %swap3A_753, %swap3A_754] : memref<4x64x128xf32, #tpu.memory_space<vmem>> -> memref<1x64x128xf32, #tpu.memory_space<vmem>>
          %swap3A_756 = tpu.memref_squeeze %swap3A_755 : memref<1x64x128xf32, #tpu.memory_space<vmem>> -> memref<64x128xf32, #tpu.memory_space<vmem>>
          %swap3A_757 = arith.index_cast %add3A_744 : i32 to index
          %swap3A_758 = arith.constant 48 : index
          %swap3A_759 = tpu.vector_load %swap3A_756[%swap3A_757, %swap3A_758] {strides = array<i32>} : memref<64x128xf32, #tpu.memory_space<vmem>>, vector<16xf32>,
          tpu.vector_store %swap3A_756[%swap3A_757, %swap3A_758], %mul3A_752 {strides = array<i32>} : memref<64x128xf32, #tpu.memory_space<vmem>>, vector<16xf32>,
          %add3A_760 = arith.constant 3 : i32
          %add3A_761 = arith.addi %add3A_259, %add3A_760 : i32
          %get3A_762 = arith.constant 0 : i32
          %get3A_763 = arith.constant 0 : i32
          %get3A_764 = tpu.memref_slice %arg11[%scan3A_163, %get3A_762, %get3A_763] : memref<4x64x128xf32, #tpu.memory_space<vmem>> -> memref<1x64x128xf32, #tpu.memory_space<vmem>>
          %get3A_765 = tpu.memref_squeeze %get3A_764 : memref<1x64x128xf32, #tpu.memory_space<vmem>> -> memref<64x128xf32, #tpu.memory_space<vmem>>
          %get3A_766 = arith.index_cast %add3A_761 : i32 to index
          %get3A_767 = arith.constant 64 : index
          %get3A_768 = tpu.vector_load %get3A_765[%get3A_766, %get3A_767] {strides = array<i32>} : memref<64x128xf32, #tpu.memory_space<vmem>>, vector<16xf32>,
          %mul3A_769 = arith.mulf %get3A_768, %gather3A_691 : vector<16xf32>
          %swap3A_770 = arith.constant 0 : i32
          %swap3A_771 = arith.constant 0 : i32
          %swap3A_772 = tpu.memref_slice %arg11[%scan3A_163, %swap3A_770, %swap3A_771] : memref<4x64x128xf32, #tpu.memory_space<vmem>> -> memref<1x64x128xf32, #tpu.memory_space<vmem>>
          %swap3A_773 = tpu.memref_squeeze %swap3A_772 : memref<1x64x128xf32, #tpu.memory_space<vmem>> -> memref<64x128xf32, #tpu.memory_space<vmem>>
          %swap3A_774 = arith.index_cast %add3A_761 : i32 to index
          %swap3A_775 = arith.constant 64 : index
          %swap3A_776 = tpu.vector_load %swap3A_773[%swap3A_774, %swap3A_775] {strides = array<i32>} : memref<64x128xf32, #tpu.memory_space<vmem>>, vector<16xf32>,
          tpu.vector_store %swap3A_773[%swap3A_774, %swap3A_775], %mul3A_769 {strides = array<i32>} : memref<64x128xf32, #tpu.memory_space<vmem>>, vector<16xf32>,
          %add3A_777 = arith.constant 3 : i32
          %add3A_778 = arith.addi %add3A_259, %add3A_777 : i32
          %get3A_779 = arith.constant 0 : i32
          %get3A_780 = arith.constant 0 : i32
          %get3A_781 = tpu.memref_slice %arg11[%scan3A_163, %get3A_779, %get3A_780] : memref<4x64x128xf32, #tpu.memory_space<vmem>> -> memref<1x64x128xf32, #tpu.memory_space<vmem>>
          %get3A_782 = tpu.memref_squeeze %get3A_781 : memref<1x64x128xf32, #tpu.memory_space<vmem>> -> memref<64x128xf32, #tpu.memory_space<vmem>>
          %get3A_783 = arith.index_cast %add3A_778 : i32 to index
          %get3A_784 = arith.constant 80 : index
          %get3A_785 = tpu.vector_load %get3A_782[%get3A_783, %get3A_784] {strides = array<i32>} : memref<64x128xf32, #tpu.memory_space<vmem>>, vector<16xf32>,
          %mul3A_786 = arith.mulf %get3A_785, %gather3A_691 : vector<16xf32>
          %swap3A_787 = arith.constant 0 : i32
          %swap3A_788 = arith.constant 0 : i32
          %swap3A_789 = tpu.memref_slice %arg11[%scan3A_163, %swap3A_787, %swap3A_788] : memref<4x64x128xf32, #tpu.memory_space<vmem>> -> memref<1x64x128xf32, #tpu.memory_space<vmem>>
          %swap3A_790 = tpu.memref_squeeze %swap3A_789 : memref<1x64x128xf32, #tpu.memory_space<vmem>> -> memref<64x128xf32, #tpu.memory_space<vmem>>
          %swap3A_791 = arith.index_cast %add3A_778 : i32 to index
          %swap3A_792 = arith.constant 80 : index
          %swap3A_793 = tpu.vector_load %swap3A_790[%swap3A_791, %swap3A_792] {strides = array<i32>} : memref<64x128xf32, #tpu.memory_space<vmem>>, vector<16xf32>,
          tpu.vector_store %swap3A_790[%swap3A_791, %swap3A_792], %mul3A_786 {strides = array<i32>} : memref<64x128xf32, #tpu.memory_space<vmem>>, vector<16xf32>,
          %add3A_794 = arith.constant 3 : i32
          %add3A_795 = arith.addi %add3A_259, %add3A_794 : i32
          %get3A_796 = arith.constant 0 : i32
          %get3A_797 = arith.constant 0 : i32
          %get3A_798 = tpu.memref_slice %arg11[%scan3A_163, %get3A_796, %get3A_797] : memref<4x64x128xf32, #tpu.memory_space<vmem>> -> memref<1x64x128xf32, #tpu.memory_space<vmem>>
          %get3A_799 = tpu.memref_squeeze %get3A_798 : memref<1x64x128xf32, #tpu.memory_space<vmem>> -> memref<64x128xf32, #tpu.memory_space<vmem>>
          %get3A_800 = arith.index_cast %add3A_795 : i32 to index
          %get3A_801 = arith.constant 96 : index
          %get3A_802 = tpu.vector_load %get3A_799[%get3A_800, %get3A_801] {strides = array<i32>} : memref<64x128xf32, #tpu.memory_space<vmem>>, vector<16xf32>,
          %mul3A_803 = arith.mulf %get3A_802, %gather3A_691 : vector<16xf32>
          %swap3A_804 = arith.constant 0 : i32
          %swap3A_805 = arith.constant 0 : i32
          %swap3A_806 = tpu.memref_slice %arg11[%scan3A_163, %swap3A_804, %swap3A_805] : memref<4x64x128xf32, #tpu.memory_space<vmem>> -> memref<1x64x128xf32, #tpu.memory_space<vmem>>
          %swap3A_807 = tpu.memref_squeeze %swap3A_806 : memref<1x64x128xf32, #tpu.memory_space<vmem>> -> memref<64x128xf32, #tpu.memory_space<vmem>>
          %swap3A_808 = arith.index_cast %add3A_795 : i32 to index
          %swap3A_809 = arith.constant 96 : index
          %swap3A_810 = tpu.vector_load %swap3A_807[%swap3A_808, %swap3A_809] {strides = array<i32>} : memref<64x128xf32, #tpu.memory_space<vmem>>, vector<16xf32>,
          tpu.vector_store %swap3A_807[%swap3A_808, %swap3A_809], %mul3A_803 {strides = array<i32>} : memref<64x128xf32, #tpu.memory_space<vmem>>, vector<16xf32>,
          %add3A_811 = arith.constant 3 : i32
          %add3A_812 = arith.addi %add3A_259, %add3A_811 : i32
          %get3A_813 = arith.constant 0 : i32
          %get3A_814 = arith.constant 0 : i32
          %get3A_815 = tpu.memref_slice %arg11[%scan3A_163, %get3A_813, %get3A_814] : memref<4x64x128xf32, #tpu.memory_space<vmem>> -> memref<1x64x128xf32, #tpu.memory_space<vmem>>
          %get3A_816 = tpu.memref_squeeze %get3A_815 : memref<1x64x128xf32, #tpu.memory_space<vmem>> -> memref<64x128xf32, #tpu.memory_space<vmem>>
          %get3A_817 = arith.index_cast %add3A_812 : i32 to index
          %get3A_818 = arith.constant 112 : index
          %get3A_819 = tpu.vector_load %get3A_816[%get3A_817, %get3A_818] {strides = array<i32>} : memref<64x128xf32, #tpu.memory_space<vmem>>, vector<16xf32>,
          %mul3A_820 = arith.mulf %get3A_819, %gather3A_691 : vector<16xf32>
          %swap3A_821 = arith.constant 0 : i32
          %swap3A_822 = arith.constant 0 : i32
          %swap3A_823 = tpu.memref_slice %arg11[%scan3A_163, %swap3A_821, %swap3A_822] : memref<4x64x128xf32, #tpu.memory_space<vmem>> -> memref<1x64x128xf32, #tpu.memory_space<vmem>>
          %swap3A_824 = tpu.memref_squeeze %swap3A_823 : memref<1x64x128xf32, #tpu.memory_space<vmem>> -> memref<64x128xf32, #tpu.memory_space<vmem>>
          %swap3A_825 = arith.index_cast %add3A_812 : i32 to index
          %swap3A_826 = arith.constant 112 : index
          %swap3A_827 = tpu.vector_load %swap3A_824[%swap3A_825, %swap3A_826] {strides = array<i32>} : memref<64x128xf32, #tpu.memory_space<vmem>>, vector<16xf32>,
          tpu.vector_store %swap3A_824[%swap3A_825, %swap3A_826], %mul3A_820 {strides = array<i32>} : memref<64x128xf32, #tpu.memory_space<vmem>>, vector<16xf32>,
        }
        %scan3A_168 = arith.constant 16 : i32
        %dma_start3A_169 = arith.constant 1 : i32
        %dma_start3A_170 = arith.constant 0 : i32
        %dma_start3A_171 = arith.constant 0 : i32
        %dma_start3A_172 = tpu.memref_slice %arg11[%dma_start3A_169, %dma_start3A_170, %dma_start3A_171] : memref<4x64x128xf32, #tpu.memory_space<vmem>> -> memref<1x64x128xf32, #tpu.memory_space<vmem>>
        %dma_start3A_173 = tpu.memref_squeeze %dma_start3A_172 : memref<1x64x128xf32, #tpu.memory_space<vmem>> -> memref<64x128xf32, #tpu.memory_space<vmem>>
        %dma_start3A_174 = arith.constant 0 : i32
        %dma_start3A_175 = tpu.memref_slice %arg9[%add3A_151, %dma_start3A_174] : memref<40x64xi32, #tpu.memory_space<vmem>> -> memref<1x64xi32, #tpu.memory_space<vmem>>
        %dma_start3A_176 = tpu.memref_squeeze %dma_start3A_175 : memref<1x64xi32, #tpu.memory_space<vmem>> -> memref<64xi32, #tpu.memory_space<vmem>>
        %dma_start3A_177 = arith.constant 0 : i32
        %dma_start3A_178 = arith.constant 0 : i32
        %dma_start3A_179 = tpu.memref_slice %arg12[%dma_start3A_177, %dma_start3A_178] : memref<10112x128xf32, #tpu.memory_space<vmem_shared>> -> memref<10112x128xf32, #tpu.memory_space<vmem_shared>>
        tpu.enqueue_indirect_dma source(%dma_start3A_173 : memref<64x128xf32, #tpu.memory_space<vmem>>) target(%dma_start3A_179 : memref<10112x128xf32, #tpu.memory_space<vmem_shared>>) offsets(%dma_start3A_176 : memref<64xi32, #tpu.memory_space<vmem>>) semaphore(%arg18 : memref<!tpu.dma_semaphore, #tpu.memory_space<semaphore_mem>>) {add = true}
        %ge3A_180 = arith.constant 1 : i32
        %ge3A_181 = arith.cmpi sge, %add3A_151, %ge3A_180 : i32
        %convert_element_type3A_182 = arith.extui %ge3A_181 : i1 to i32
        %cond3A_183 = arith.constant 0 : i32
        %cond3A_184 = arith.cmpi ne, %convert_element_type3A_182, %cond3A_183 : i32
        scf.if %cond3A_184 {
          %sub3A = arith.constant 1 : i32
          %sub3A_255 = arith.subi %add3A_151, %sub3A : i32
          %dma_wait3A_256 = arith.constant 0 : i32
          %dma_wait3A_257 = arith.constant 0 : i32
          %dma_wait3A_258 = arith.constant 0 : i32
          %dma_wait3A_259 = tpu.memref_slice %arg11[%dma_wait3A_256, %dma_wait3A_257, %dma_wait3A_258] : memref<4x64x128xf32, #tpu.memory_space<vmem>> -> memref<1x64x128xf32, #tpu.memory_space<vmem>>
          %dma_wait3A_260 = tpu.memref_squeeze %dma_wait3A_259 : memref<1x64x128xf32, #tpu.memory_space<vmem>> -> memref<64x128xf32, #tpu.memory_space<vmem>>
          %dma_wait3A_261 = arith.constant 0 : i32
          %dma_wait3A_262 = tpu.memref_slice %arg9[%sub3A_255, %dma_wait3A_261] : memref<40x64xi32, #tpu.memory_space<vmem>> -> memref<1x64xi32, #tpu.memory_space<vmem>>
          %dma_wait3A_263 = tpu.memref_squeeze %dma_wait3A_262 : memref<1x64xi32, #tpu.memory_space<vmem>> -> memref<64xi32, #tpu.memory_space<vmem>>
          %dma_wait3A_264 = arith.constant 0 : i32
          %dma_wait3A_265 = arith.constant 0 : i32
          %dma_wait3A_266 = tpu.memref_slice %arg12[%dma_wait3A_264, %dma_wait3A_265] : memref<10112x128xf32, #tpu.memory_space<vmem_shared>> -> memref<10112x128xf32, #tpu.memory_space<vmem_shared>>
          tpu.wait_indirect_dma semaphore(%arg17 : memref<!tpu.dma_semaphore, #tpu.memory_space<semaphore_mem>>) src(%dma_wait3A_260 : memref<64x128xf32, #tpu.memory_space<vmem>>) dst(%dma_wait3A_266 : memref<10112x128xf32, #tpu.memory_space<vmem_shared>>)
          %add3A_267 = arith.constant 3 : i32
          %add3A_268 = arith.addi %add3A_151, %add3A_267 : i32
          %lt3A = arith.constant 40 : i32
          %lt3A_269 = arith.cmpi slt, %add3A_268, %lt3A : i32
          %convert_element_type3A_270 = arith.extui %lt3A_269 : i1 to i32
          %cond3A_271 = arith.constant 0 : i32
          %cond3A_272 = arith.cmpi ne, %convert_element_type3A_270, %cond3A_271 : i32
          scf.if %cond3A_272 {
            %add3A_273 = arith.constant 3 : i32
            %add3A_274 = arith.addi %add3A_151, %add3A_273 : i32
            %mul3A_275 = arith.constant 64 : i32
            %mul3A_276 = arith.muli %add3A_274, %mul3A_275 : i32
            %dma_start3A_277 = arith.constant 0 : i32
            %dma_start3A_278 = arith.constant 0 : i32
            %dma_start3A_279 = arith.constant 0 : i32
            %dma_start3A_280 = tpu.memref_slice %arg11[%dma_start3A_277, %dma_start3A_278, %dma_start3A_279] : memref<4x64x128xf32, #tpu.memory_space<vmem>> -> memref<1x64x128xf32, #tpu.memory_space<vmem>>
            %dma_start3A_281 = tpu.memref_squeeze %dma_start3A_280 : memref<1x64x128xf32, #tpu.memory_space<vmem>> -> memref<64x128xf32, #tpu.memory_space<vmem>>
            %dma_start3A_282 = tpu.memref_slice %arg8[%mul3A_276] : memref<2560xi32, #tpu.memory_space<vmem>> -> memref<64xi32, #tpu.memory_space<vmem>>
            %dma_start3A_283 = arith.constant 0 : i32
            %dma_start3A_284 = arith.constant 0 : i32
            %dma_start3A_285 = tpu.memref_slice %arg2[%dma_start3A_283, %dma_start3A_284] : memref<10000x128xf32, #tpu.memory_space<hbm>> -> memref<10000x128xf32, #tpu.memory_space<hbm>>
            tpu.enqueue_indirect_dma source(%dma_start3A_285 : memref<10000x128xf32, #tpu.memory_space<hbm>>) target(%dma_start3A_281 : memref<64x128xf32, #tpu.memory_space<vmem>>) offsets(%dma_start3A_282 : memref<64xi32, #tpu.memory_space<vmem>>) semaphore(%arg13 : memref<!tpu.dma_semaphore, #tpu.memory_space<semaphore_mem>>)
          } else {
          }
        } else {
        }
        %add3A_185 = arith.constant 2 : i32
        %add3A_186 = arith.addi %add3A_117, %add3A_185 : i32
        %mul3A_187 = arith.constant 64 : i32
        %mul3A_188 = arith.muli %add3A_186, %mul3A_187 : i32
        %dma_wait3A_189 = arith.constant 2 : i32
        %dma_wait3A_190 = arith.constant 0 : i32
        %dma_wait3A_191 = arith.constant 0 : i32
        %dma_wait3A_192 = tpu.memref_slice %arg11[%dma_wait3A_189, %dma_wait3A_190, %dma_wait3A_191] : memref<4x64x128xf32, #tpu.memory_space<vmem>> -> memref<1x64x128xf32, #tpu.memory_space<vmem>>
        %dma_wait3A_193 = tpu.memref_squeeze %dma_wait3A_192 : memref<1x64x128xf32, #tpu.memory_space<vmem>> -> memref<64x128xf32, #tpu.memory_space<vmem>>
        %dma_wait3A_194 = tpu.memref_slice %arg8[%mul3A_188] : memref<2560xi32, #tpu.memory_space<vmem>> -> memref<64xi32, #tpu.memory_space<vmem>>
        %dma_wait3A_195 = arith.constant 0 : i32
        %dma_wait3A_196 = arith.constant 0 : i32
        %dma_wait3A_197 = tpu.memref_slice %arg2[%dma_wait3A_195, %dma_wait3A_196] : memref<10000x128xf32, #tpu.memory_space<hbm>> -> memref<10000x128xf32, #tpu.memory_space<hbm>>
        tpu.wait_indirect_dma semaphore(%arg15 : memref<!tpu.dma_semaphore, #tpu.memory_space<semaphore_mem>>) src(%dma_wait3A_197 : memref<10000x128xf32, #tpu.memory_space<hbm>>) dst(%dma_wait3A_193 : memref<64x128xf32, #tpu.memory_space<vmem>>)
        %scan3A_198 = arith.constant 2 : i32
        %scan3A_199 = arith.constant 0 : i32
        %scan3A_200 = arith.constant 16 : i32
        %scan3A_201 = arith.addi %scan3A_199, %scan3A_200 : i32
        %scan3A_202 = arith.constant 1 : i32
        scf.for %scan3A_255 = %scan3A_199 to %scan3A_201 step %scan3A_202  : i32 {
          %mul3A_256 = arith.constant 4 : i32
          %mul3A_257 = arith.muli %scan3A_255, %mul3A_256 : i32
          %add3A_258 = arith.constant 0 : i32
          %add3A_259 = arith.addi %add3A_258, %mul3A_257 : i32
          %mul3A_260 = arith.constant 64 : i32
          %mul3A_261 = arith.muli %add3A_186, %mul3A_260 : i32
          %add3A_262 = arith.addi %mul3A_261, %add3A_259 : i32
          %add3A_263 = arith.constant 0 : i32
          %add3A_264 = arith.addi %add3A_262, %add3A_263 : i32
          %broadcast_in_dim3A = vector.broadcast %add3A_264 : i32 to vector<16xi32>
          %gather3A = tpu.vector_load_idx %arg10[%broadcast_in_dim3A] : memref<2560xf32, #tpu.memory_space<vmem>>[vector<16xi32>], vector<16xf32>,
          %add3A_265 = arith.constant 0 : i32
          %add3A_266 = arith.addi %add3A_259, %add3A_265 : i32
          %get3A = arith.constant 0 : i32
          %get3A_267 = arith.constant 0 : i32
          %get3A_268 = tpu.memref_slice %arg11[%scan3A_198, %get3A, %get3A_267] : memref<4x64x128xf32, #tpu.memory_space<vmem>> -> memref<1x64x128xf32, #tpu.memory_space<vmem>>
          %get3A_269 = tpu.memref_squeeze %get3A_268 : memref<1x64x128xf32, #tpu.memory_space<vmem>> -> memref<64x128xf32, #tpu.memory_space<vmem>>
          %get3A_270 = arith.index_cast %add3A_266 : i32 to index
          %get3A_271 = arith.constant 0 : index
          %get3A_272 = tpu.vector_load %get3A_269[%get3A_270, %get3A_271] {strides = array<i32>} : memref<64x128xf32, #tpu.memory_space<vmem>>, vector<16xf32>,
          %mul3A_273 = arith.mulf %get3A_272, %gather3A : vector<16xf32>
          %swap3A = arith.constant 0 : i32
          %swap3A_274 = arith.constant 0 : i32
          %swap3A_275 = tpu.memref_slice %arg11[%scan3A_198, %swap3A, %swap3A_274] : memref<4x64x128xf32, #tpu.memory_space<vmem>> -> memref<1x64x128xf32, #tpu.memory_space<vmem>>
          %swap3A_276 = tpu.memref_squeeze %swap3A_275 : memref<1x64x128xf32, #tpu.memory_space<vmem>> -> memref<64x128xf32, #tpu.memory_space<vmem>>
          %swap3A_277 = arith.index_cast %add3A_266 : i32 to index
          %swap3A_278 = arith.constant 0 : index
          %swap3A_279 = tpu.vector_load %swap3A_276[%swap3A_277, %swap3A_278] {strides = array<i32>} : memref<64x128xf32, #tpu.memory_space<vmem>>, vector<16xf32>,
          tpu.vector_store %swap3A_276[%swap3A_277, %swap3A_278], %mul3A_273 {strides = array<i32>} : memref<64x128xf32, #tpu.memory_space<vmem>>, vector<16xf32>,
          %add3A_280 = arith.constant 0 : i32
          %add3A_281 = arith.addi %add3A_259, %add3A_280 : i32
          %get3A_282 = arith.constant 0 : i32
          %get3A_283 = arith.constant 0 : i32
          %get3A_284 = tpu.memref_slice %arg11[%scan3A_198, %get3A_282, %get3A_283] : memref<4x64x128xf32, #tpu.memory_space<vmem>> -> memref<1x64x128xf32, #tpu.memory_space<vmem>>
          %get3A_285 = tpu.memref_squeeze %get3A_284 : memref<1x64x128xf32, #tpu.memory_space<vmem>> -> memref<64x128xf32, #tpu.memory_space<vmem>>
          %get3A_286 = arith.index_cast %add3A_281 : i32 to index
          %get3A_287 = arith.constant 16 : index
          %get3A_288 = tpu.vector_load %get3A_285[%get3A_286, %get3A_287] {strides = array<i32>} : memref<64x128xf32, #tpu.memory_space<vmem>>, vector<16xf32>,
          %mul3A_289 = arith.mulf %get3A_288, %gather3A : vector<16xf32>
          %swap3A_290 = arith.constant 0 : i32
          %swap3A_291 = arith.constant 0 : i32
          %swap3A_292 = tpu.memref_slice %arg11[%scan3A_198, %swap3A_290, %swap3A_291] : memref<4x64x128xf32, #tpu.memory_space<vmem>> -> memref<1x64x128xf32, #tpu.memory_space<vmem>>
          %swap3A_293 = tpu.memref_squeeze %swap3A_292 : memref<1x64x128xf32, #tpu.memory_space<vmem>> -> memref<64x128xf32, #tpu.memory_space<vmem>>
          %swap3A_294 = arith.index_cast %add3A_281 : i32 to index
          %swap3A_295 = arith.constant 16 : index
          %swap3A_296 = tpu.vector_load %swap3A_293[%swap3A_294, %swap3A_295] {strides = array<i32>} : memref<64x128xf32, #tpu.memory_space<vmem>>, vector<16xf32>,
          tpu.vector_store %swap3A_293[%swap3A_294, %swap3A_295], %mul3A_289 {strides = array<i32>} : memref<64x128xf32, #tpu.memory_space<vmem>>, vector<16xf32>,
          %add3A_297 = arith.constant 0 : i32
          %add3A_298 = arith.addi %add3A_259, %add3A_297 : i32
          %get3A_299 = arith.constant 0 : i32
          %get3A_300 = arith.constant 0 : i32
          %get3A_301 = tpu.memref_slice %arg11[%scan3A_198, %get3A_299, %get3A_300] : memref<4x64x128xf32, #tpu.memory_space<vmem>> -> memref<1x64x128xf32, #tpu.memory_space<vmem>>
          %get3A_302 = tpu.memref_squeeze %get3A_301 : memref<1x64x128xf32, #tpu.memory_space<vmem>> -> memref<64x128xf32, #tpu.memory_space<vmem>>
          %get3A_303 = arith.index_cast %add3A_298 : i32 to index
          %get3A_304 = arith.constant 32 : index
          %get3A_305 = tpu.vector_load %get3A_302[%get3A_303, %get3A_304] {strides = array<i32>} : memref<64x128xf32, #tpu.memory_space<vmem>>, vector<16xf32>,
          %mul3A_306 = arith.mulf %get3A_305, %gather3A : vector<16xf32>
          %swap3A_307 = arith.constant 0 : i32
          %swap3A_308 = arith.constant 0 : i32
          %swap3A_309 = tpu.memref_slice %arg11[%scan3A_198, %swap3A_307, %swap3A_308] : memref<4x64x128xf32, #tpu.memory_space<vmem>> -> memref<1x64x128xf32, #tpu.memory_space<vmem>>
          %swap3A_310 = tpu.memref_squeeze %swap3A_309 : memref<1x64x128xf32, #tpu.memory_space<vmem>> -> memref<64x128xf32, #tpu.memory_space<vmem>>
          %swap3A_311 = arith.index_cast %add3A_298 : i32 to index
          %swap3A_312 = arith.constant 32 : index
          %swap3A_313 = tpu.vector_load %swap3A_310[%swap3A_311, %swap3A_312] {strides = array<i32>} : memref<64x128xf32, #tpu.memory_space<vmem>>, vector<16xf32>,
          tpu.vector_store %swap3A_310[%swap3A_311, %swap3A_312], %mul3A_306 {strides = array<i32>} : memref<64x128xf32, #tpu.memory_space<vmem>>, vector<16xf32>,
          %add3A_314 = arith.constant 0 : i32
          %add3A_315 = arith.addi %add3A_259, %add3A_314 : i32
          %get3A_316 = arith.constant 0 : i32
          %get3A_317 = arith.constant 0 : i32
          %get3A_318 = tpu.memref_slice %arg11[%scan3A_198, %get3A_316, %get3A_317] : memref<4x64x128xf32, #tpu.memory_space<vmem>> -> memref<1x64x128xf32, #tpu.memory_space<vmem>>
          %get3A_319 = tpu.memref_squeeze %get3A_318 : memref<1x64x128xf32, #tpu.memory_space<vmem>> -> memref<64x128xf32, #tpu.memory_space<vmem>>
          %get3A_320 = arith.index_cast %add3A_315 : i32 to index
          %get3A_321 = arith.constant 48 : index
          %get3A_322 = tpu.vector_load %get3A_319[%get3A_320, %get3A_321] {strides = array<i32>} : memref<64x128xf32, #tpu.memory_space<vmem>>, vector<16xf32>,
          %mul3A_323 = arith.mulf %get3A_322, %gather3A : vector<16xf32>
          %swap3A_324 = arith.constant 0 : i32
          %swap3A_325 = arith.constant 0 : i32
          %swap3A_326 = tpu.memref_slice %arg11[%scan3A_198, %swap3A_324, %swap3A_325] : memref<4x64x128xf32, #tpu.memory_space<vmem>> -> memref<1x64x128xf32, #tpu.memory_space<vmem>>
          %swap3A_327 = tpu.memref_squeeze %swap3A_326 : memref<1x64x128xf32, #tpu.memory_space<vmem>> -> memref<64x128xf32, #tpu.memory_space<vmem>>
          %swap3A_328 = arith.index_cast %add3A_315 : i32 to index
          %swap3A_329 = arith.constant 48 : index
          %swap3A_330 = tpu.vector_load %swap3A_327[%swap3A_328, %swap3A_329] {strides = array<i32>} : memref<64x128xf32, #tpu.memory_space<vmem>>, vector<16xf32>,
          tpu.vector_store %swap3A_327[%swap3A_328, %swap3A_329], %mul3A_323 {strides = array<i32>} : memref<64x128xf32, #tpu.memory_space<vmem>>, vector<16xf32>,
          %add3A_331 = arith.constant 0 : i32
          %add3A_332 = arith.addi %add3A_259, %add3A_331 : i32
          %get3A_333 = arith.constant 0 : i32
          %get3A_334 = arith.constant 0 : i32
          %get3A_335 = tpu.memref_slice %arg11[%scan3A_198, %get3A_333, %get3A_334] : memref<4x64x128xf32, #tpu.memory_space<vmem>> -> memref<1x64x128xf32, #tpu.memory_space<vmem>>
          %get3A_336 = tpu.memref_squeeze %get3A_335 : memref<1x64x128xf32, #tpu.memory_space<vmem>> -> memref<64x128xf32, #tpu.memory_space<vmem>>
          %get3A_337 = arith.index_cast %add3A_332 : i32 to index
          %get3A_338 = arith.constant 64 : index
          %get3A_339 = tpu.vector_load %get3A_336[%get3A_337, %get3A_338] {strides = array<i32>} : memref<64x128xf32, #tpu.memory_space<vmem>>, vector<16xf32>,
          %mul3A_340 = arith.mulf %get3A_339, %gather3A : vector<16xf32>
          %swap3A_341 = arith.constant 0 : i32
          %swap3A_342 = arith.constant 0 : i32
          %swap3A_343 = tpu.memref_slice %arg11[%scan3A_198, %swap3A_341, %swap3A_342] : memref<4x64x128xf32, #tpu.memory_space<vmem>> -> memref<1x64x128xf32, #tpu.memory_space<vmem>>
          %swap3A_344 = tpu.memref_squeeze %swap3A_343 : memref<1x64x128xf32, #tpu.memory_space<vmem>> -> memref<64x128xf32, #tpu.memory_space<vmem>>
          %swap3A_345 = arith.index_cast %add3A_332 : i32 to index
          %swap3A_346 = arith.constant 64 : index
          %swap3A_347 = tpu.vector_load %swap3A_344[%swap3A_345, %swap3A_346] {strides = array<i32>} : memref<64x128xf32, #tpu.memory_space<vmem>>, vector<16xf32>,
          tpu.vector_store %swap3A_344[%swap3A_345, %swap3A_346], %mul3A_340 {strides = array<i32>} : memref<64x128xf32, #tpu.memory_space<vmem>>, vector<16xf32>,
          %add3A_348 = arith.constant 0 : i32
          %add3A_349 = arith.addi %add3A_259, %add3A_348 : i32
          %get3A_350 = arith.constant 0 : i32
          %get3A_351 = arith.constant 0 : i32
          %get3A_352 = tpu.memref_slice %arg11[%scan3A_198, %get3A_350, %get3A_351] : memref<4x64x128xf32, #tpu.memory_space<vmem>> -> memref<1x64x128xf32, #tpu.memory_space<vmem>>
          %get3A_353 = tpu.memref_squeeze %get3A_352 : memref<1x64x128xf32, #tpu.memory_space<vmem>> -> memref<64x128xf32, #tpu.memory_space<vmem>>
          %get3A_354 = arith.index_cast %add3A_349 : i32 to index
          %get3A_355 = arith.constant 80 : index
          %get3A_356 = tpu.vector_load %get3A_353[%get3A_354, %get3A_355] {strides = array<i32>} : memref<64x128xf32, #tpu.memory_space<vmem>>, vector<16xf32>,
          %mul3A_357 = arith.mulf %get3A_356, %gather3A : vector<16xf32>
          %swap3A_358 = arith.constant 0 : i32
          %swap3A_359 = arith.constant 0 : i32
          %swap3A_360 = tpu.memref_slice %arg11[%scan3A_198, %swap3A_358, %swap3A_359] : memref<4x64x128xf32, #tpu.memory_space<vmem>> -> memref<1x64x128xf32, #tpu.memory_space<vmem>>
          %swap3A_361 = tpu.memref_squeeze %swap3A_360 : memref<1x64x128xf32, #tpu.memory_space<vmem>> -> memref<64x128xf32, #tpu.memory_space<vmem>>
          %swap3A_362 = arith.index_cast %add3A_349 : i32 to index
          %swap3A_363 = arith.constant 80 : index
          %swap3A_364 = tpu.vector_load %swap3A_361[%swap3A_362, %swap3A_363] {strides = array<i32>} : memref<64x128xf32, #tpu.memory_space<vmem>>, vector<16xf32>,
          tpu.vector_store %swap3A_361[%swap3A_362, %swap3A_363], %mul3A_357 {strides = array<i32>} : memref<64x128xf32, #tpu.memory_space<vmem>>, vector<16xf32>,
          %add3A_365 = arith.constant 0 : i32
          %add3A_366 = arith.addi %add3A_259, %add3A_365 : i32
          %get3A_367 = arith.constant 0 : i32
          %get3A_368 = arith.constant 0 : i32
          %get3A_369 = tpu.memref_slice %arg11[%scan3A_198, %get3A_367, %get3A_368] : memref<4x64x128xf32, #tpu.memory_space<vmem>> -> memref<1x64x128xf32, #tpu.memory_space<vmem>>
          %get3A_370 = tpu.memref_squeeze %get3A_369 : memref<1x64x128xf32, #tpu.memory_space<vmem>> -> memref<64x128xf32, #tpu.memory_space<vmem>>
          %get3A_371 = arith.index_cast %add3A_366 : i32 to index
          %get3A_372 = arith.constant 96 : index
          %get3A_373 = tpu.vector_load %get3A_370[%get3A_371, %get3A_372] {strides = array<i32>} : memref<64x128xf32, #tpu.memory_space<vmem>>, vector<16xf32>,
          %mul3A_374 = arith.mulf %get3A_373, %gather3A : vector<16xf32>
          %swap3A_375 = arith.constant 0 : i32
          %swap3A_376 = arith.constant 0 : i32
          %swap3A_377 = tpu.memref_slice %arg11[%scan3A_198, %swap3A_375, %swap3A_376] : memref<4x64x128xf32, #tpu.memory_space<vmem>> -> memref<1x64x128xf32, #tpu.memory_space<vmem>>
          %swap3A_378 = tpu.memref_squeeze %swap3A_377 : memref<1x64x128xf32, #tpu.memory_space<vmem>> -> memref<64x128xf32, #tpu.memory_space<vmem>>
          %swap3A_379 = arith.index_cast %add3A_366 : i32 to index
          %swap3A_380 = arith.constant 96 : index
          %swap3A_381 = tpu.vector_load %swap3A_378[%swap3A_379, %swap3A_380] {strides = array<i32>} : memref<64x128xf32, #tpu.memory_space<vmem>>, vector<16xf32>,
          tpu.vector_store %swap3A_378[%swap3A_379, %swap3A_380], %mul3A_374 {strides = array<i32>} : memref<64x128xf32, #tpu.memory_space<vmem>>, vector<16xf32>,
          %add3A_382 = arith.constant 0 : i32
          %add3A_383 = arith.addi %add3A_259, %add3A_382 : i32
          %get3A_384 = arith.constant 0 : i32
          %get3A_385 = arith.constant 0 : i32
          %get3A_386 = tpu.memref_slice %arg11[%scan3A_198, %get3A_384, %get3A_385] : memref<4x64x128xf32, #tpu.memory_space<vmem>> -> memref<1x64x128xf32, #tpu.memory_space<vmem>>
          %get3A_387 = tpu.memref_squeeze %get3A_386 : memref<1x64x128xf32, #tpu.memory_space<vmem>> -> memref<64x128xf32, #tpu.memory_space<vmem>>
          %get3A_388 = arith.index_cast %add3A_383 : i32 to index
          %get3A_389 = arith.constant 112 : index
          %get3A_390 = tpu.vector_load %get3A_387[%get3A_388, %get3A_389] {strides = array<i32>} : memref<64x128xf32, #tpu.memory_space<vmem>>, vector<16xf32>,
          %mul3A_391 = arith.mulf %get3A_390, %gather3A : vector<16xf32>
          %swap3A_392 = arith.constant 0 : i32
          %swap3A_393 = arith.constant 0 : i32
          %swap3A_394 = tpu.memref_slice %arg11[%scan3A_198, %swap3A_392, %swap3A_393] : memref<4x64x128xf32, #tpu.memory_space<vmem>> -> memref<1x64x128xf32, #tpu.memory_space<vmem>>
          %swap3A_395 = tpu.memref_squeeze %swap3A_394 : memref<1x64x128xf32, #tpu.memory_space<vmem>> -> memref<64x128xf32, #tpu.memory_space<vmem>>
          %swap3A_396 = arith.index_cast %add3A_383 : i32 to index
          %swap3A_397 = arith.constant 112 : index
          %swap3A_398 = tpu.vector_load %swap3A_395[%swap3A_396, %swap3A_397] {strides = array<i32>} : memref<64x128xf32, #tpu.memory_space<vmem>>, vector<16xf32>,
          tpu.vector_store %swap3A_395[%swap3A_396, %swap3A_397], %mul3A_391 {strides = array<i32>} : memref<64x128xf32, #tpu.memory_space<vmem>>, vector<16xf32>,
          %mul3A_399 = arith.constant 64 : i32
          %mul3A_400 = arith.muli %add3A_186, %mul3A_399 : i32
          %add3A_401 = arith.addi %mul3A_400, %add3A_259 : i32
          %add3A_402 = arith.constant 1 : i32
          %add3A_403 = arith.addi %add3A_401, %add3A_402 : i32
          %broadcast_in_dim3A_404 = vector.broadcast %add3A_403 : i32 to vector<16xi32>
          %gather3A_405 = tpu.vector_load_idx %arg10[%broadcast_in_dim3A_404] : memref<2560xf32, #tpu.memory_space<vmem>>[vector<16xi32>], vector<16xf32>,
          %add3A_406 = arith.constant 1 : i32
          %add3A_407 = arith.addi %add3A_259, %add3A_406 : i32
          %get3A_408 = arith.constant 0 : i32
          %get3A_409 = arith.constant 0 : i32
          %get3A_410 = tpu.memref_slice %arg11[%scan3A_198, %get3A_408, %get3A_409] : memref<4x64x128xf32, #tpu.memory_space<vmem>> -> memref<1x64x128xf32, #tpu.memory_space<vmem>>
          %get3A_411 = tpu.memref_squeeze %get3A_410 : memref<1x64x128xf32, #tpu.memory_space<vmem>> -> memref<64x128xf32, #tpu.memory_space<vmem>>
          %get3A_412 = arith.index_cast %add3A_407 : i32 to index
          %get3A_413 = arith.constant 0 : index
          %get3A_414 = tpu.vector_load %get3A_411[%get3A_412, %get3A_413] {strides = array<i32>} : memref<64x128xf32, #tpu.memory_space<vmem>>, vector<16xf32>,
          %mul3A_415 = arith.mulf %get3A_414, %gather3A_405 : vector<16xf32>
          %swap3A_416 = arith.constant 0 : i32
          %swap3A_417 = arith.constant 0 : i32
          %swap3A_418 = tpu.memref_slice %arg11[%scan3A_198, %swap3A_416, %swap3A_417] : memref<4x64x128xf32, #tpu.memory_space<vmem>> -> memref<1x64x128xf32, #tpu.memory_space<vmem>>
          %swap3A_419 = tpu.memref_squeeze %swap3A_418 : memref<1x64x128xf32, #tpu.memory_space<vmem>> -> memref<64x128xf32, #tpu.memory_space<vmem>>
          %swap3A_420 = arith.index_cast %add3A_407 : i32 to index
          %swap3A_421 = arith.constant 0 : index
          %swap3A_422 = tpu.vector_load %swap3A_419[%swap3A_420, %swap3A_421] {strides = array<i32>} : memref<64x128xf32, #tpu.memory_space<vmem>>, vector<16xf32>,
          tpu.vector_store %swap3A_419[%swap3A_420, %swap3A_421], %mul3A_415 {strides = array<i32>} : memref<64x128xf32, #tpu.memory_space<vmem>>, vector<16xf32>,
          %add3A_423 = arith.constant 1 : i32
          %add3A_424 = arith.addi %add3A_259, %add3A_423 : i32
          %get3A_425 = arith.constant 0 : i32
          %get3A_426 = arith.constant 0 : i32
          %get3A_427 = tpu.memref_slice %arg11[%scan3A_198, %get3A_425, %get3A_426] : memref<4x64x128xf32, #tpu.memory_space<vmem>> -> memref<1x64x128xf32, #tpu.memory_space<vmem>>
          %get3A_428 = tpu.memref_squeeze %get3A_427 : memref<1x64x128xf32, #tpu.memory_space<vmem>> -> memref<64x128xf32, #tpu.memory_space<vmem>>
          %get3A_429 = arith.index_cast %add3A_424 : i32 to index
          %get3A_430 = arith.constant 16 : index
          %get3A_431 = tpu.vector_load %get3A_428[%get3A_429, %get3A_430] {strides = array<i32>} : memref<64x128xf32, #tpu.memory_space<vmem>>, vector<16xf32>,
          %mul3A_432 = arith.mulf %get3A_431, %gather3A_405 : vector<16xf32>
          %swap3A_433 = arith.constant 0 : i32
          %swap3A_434 = arith.constant 0 : i32
          %swap3A_435 = tpu.memref_slice %arg11[%scan3A_198, %swap3A_433, %swap3A_434] : memref<4x64x128xf32, #tpu.memory_space<vmem>> -> memref<1x64x128xf32, #tpu.memory_space<vmem>>
          %swap3A_436 = tpu.memref_squeeze %swap3A_435 : memref<1x64x128xf32, #tpu.memory_space<vmem>> -> memref<64x128xf32, #tpu.memory_space<vmem>>
          %swap3A_437 = arith.index_cast %add3A_424 : i32 to index
          %swap3A_438 = arith.constant 16 : index
          %swap3A_439 = tpu.vector_load %swap3A_436[%swap3A_437, %swap3A_438] {strides = array<i32>} : memref<64x128xf32, #tpu.memory_space<vmem>>, vector<16xf32>,
          tpu.vector_store %swap3A_436[%swap3A_437, %swap3A_438], %mul3A_432 {strides = array<i32>} : memref<64x128xf32, #tpu.memory_space<vmem>>, vector<16xf32>,
          %add3A_440 = arith.constant 1 : i32
          %add3A_441 = arith.addi %add3A_259, %add3A_440 : i32
          %get3A_442 = arith.constant 0 : i32
          %get3A_443 = arith.constant 0 : i32
          %get3A_444 = tpu.memref_slice %arg11[%scan3A_198, %get3A_442, %get3A_443] : memref<4x64x128xf32, #tpu.memory_space<vmem>> -> memref<1x64x128xf32, #tpu.memory_space<vmem>>
          %get3A_445 = tpu.memref_squeeze %get3A_444 : memref<1x64x128xf32, #tpu.memory_space<vmem>> -> memref<64x128xf32, #tpu.memory_space<vmem>>
          %get3A_446 = arith.index_cast %add3A_441 : i32 to index
          %get3A_447 = arith.constant 32 : index
          %get3A_448 = tpu.vector_load %get3A_445[%get3A_446, %get3A_447] {strides = array<i32>} : memref<64x128xf32, #tpu.memory_space<vmem>>, vector<16xf32>,
          %mul3A_449 = arith.mulf %get3A_448, %gather3A_405 : vector<16xf32>
          %swap3A_450 = arith.constant 0 : i32
          %swap3A_451 = arith.constant 0 : i32
          %swap3A_452 = tpu.memref_slice %arg11[%scan3A_198, %swap3A_450, %swap3A_451] : memref<4x64x128xf32, #tpu.memory_space<vmem>> -> memref<1x64x128xf32, #tpu.memory_space<vmem>>
          %swap3A_453 = tpu.memref_squeeze %swap3A_452 : memref<1x64x128xf32, #tpu.memory_space<vmem>> -> memref<64x128xf32, #tpu.memory_space<vmem>>
          %swap3A_454 = arith.index_cast %add3A_441 : i32 to index
          %swap3A_455 = arith.constant 32 : index
          %swap3A_456 = tpu.vector_load %swap3A_453[%swap3A_454, %swap3A_455] {strides = array<i32>} : memref<64x128xf32, #tpu.memory_space<vmem>>, vector<16xf32>,
          tpu.vector_store %swap3A_453[%swap3A_454, %swap3A_455], %mul3A_449 {strides = array<i32>} : memref<64x128xf32, #tpu.memory_space<vmem>>, vector<16xf32>,
          %add3A_457 = arith.constant 1 : i32
          %add3A_458 = arith.addi %add3A_259, %add3A_457 : i32
          %get3A_459 = arith.constant 0 : i32
          %get3A_460 = arith.constant 0 : i32
          %get3A_461 = tpu.memref_slice %arg11[%scan3A_198, %get3A_459, %get3A_460] : memref<4x64x128xf32, #tpu.memory_space<vmem>> -> memref<1x64x128xf32, #tpu.memory_space<vmem>>
          %get3A_462 = tpu.memref_squeeze %get3A_461 : memref<1x64x128xf32, #tpu.memory_space<vmem>> -> memref<64x128xf32, #tpu.memory_space<vmem>>
          %get3A_463 = arith.index_cast %add3A_458 : i32 to index
          %get3A_464 = arith.constant 48 : index
          %get3A_465 = tpu.vector_load %get3A_462[%get3A_463, %get3A_464] {strides = array<i32>} : memref<64x128xf32, #tpu.memory_space<vmem>>, vector<16xf32>,
          %mul3A_466 = arith.mulf %get3A_465, %gather3A_405 : vector<16xf32>
          %swap3A_467 = arith.constant 0 : i32
          %swap3A_468 = arith.constant 0 : i32
          %swap3A_469 = tpu.memref_slice %arg11[%scan3A_198, %swap3A_467, %swap3A_468] : memref<4x64x128xf32, #tpu.memory_space<vmem>> -> memref<1x64x128xf32, #tpu.memory_space<vmem>>
          %swap3A_470 = tpu.memref_squeeze %swap3A_469 : memref<1x64x128xf32, #tpu.memory_space<vmem>> -> memref<64x128xf32, #tpu.memory_space<vmem>>
          %swap3A_471 = arith.index_cast %add3A_458 : i32 to index
          %swap3A_472 = arith.constant 48 : index
          %swap3A_473 = tpu.vector_load %swap3A_470[%swap3A_471, %swap3A_472] {strides = array<i32>} : memref<64x128xf32, #tpu.memory_space<vmem>>, vector<16xf32>,
          tpu.vector_store %swap3A_470[%swap3A_471, %swap3A_472], %mul3A_466 {strides = array<i32>} : memref<64x128xf32, #tpu.memory_space<vmem>>, vector<16xf32>,
          %add3A_474 = arith.constant 1 : i32
          %add3A_475 = arith.addi %add3A_259, %add3A_474 : i32
          %get3A_476 = arith.constant 0 : i32
          %get3A_477 = arith.constant 0 : i32
          %get3A_478 = tpu.memref_slice %arg11[%scan3A_198, %get3A_476, %get3A_477] : memref<4x64x128xf32, #tpu.memory_space<vmem>> -> memref<1x64x128xf32, #tpu.memory_space<vmem>>
          %get3A_479 = tpu.memref_squeeze %get3A_478 : memref<1x64x128xf32, #tpu.memory_space<vmem>> -> memref<64x128xf32, #tpu.memory_space<vmem>>
          %get3A_480 = arith.index_cast %add3A_475 : i32 to index
          %get3A_481 = arith.constant 64 : index
          %get3A_482 = tpu.vector_load %get3A_479[%get3A_480, %get3A_481] {strides = array<i32>} : memref<64x128xf32, #tpu.memory_space<vmem>>, vector<16xf32>,
          %mul3A_483 = arith.mulf %get3A_482, %gather3A_405 : vector<16xf32>
          %swap3A_484 = arith.constant 0 : i32
          %swap3A_485 = arith.constant 0 : i32
          %swap3A_486 = tpu.memref_slice %arg11[%scan3A_198, %swap3A_484, %swap3A_485] : memref<4x64x128xf32, #tpu.memory_space<vmem>> -> memref<1x64x128xf32, #tpu.memory_space<vmem>>
          %swap3A_487 = tpu.memref_squeeze %swap3A_486 : memref<1x64x128xf32, #tpu.memory_space<vmem>> -> memref<64x128xf32, #tpu.memory_space<vmem>>
          %swap3A_488 = arith.index_cast %add3A_475 : i32 to index
          %swap3A_489 = arith.constant 64 : index
          %swap3A_490 = tpu.vector_load %swap3A_487[%swap3A_488, %swap3A_489] {strides = array<i32>} : memref<64x128xf32, #tpu.memory_space<vmem>>, vector<16xf32>,
          tpu.vector_store %swap3A_487[%swap3A_488, %swap3A_489], %mul3A_483 {strides = array<i32>} : memref<64x128xf32, #tpu.memory_space<vmem>>, vector<16xf32>,
          %add3A_491 = arith.constant 1 : i32
          %add3A_492 = arith.addi %add3A_259, %add3A_491 : i32
          %get3A_493 = arith.constant 0 : i32
          %get3A_494 = arith.constant 0 : i32
          %get3A_495 = tpu.memref_slice %arg11[%scan3A_198, %get3A_493, %get3A_494] : memref<4x64x128xf32, #tpu.memory_space<vmem>> -> memref<1x64x128xf32, #tpu.memory_space<vmem>>
          %get3A_496 = tpu.memref_squeeze %get3A_495 : memref<1x64x128xf32, #tpu.memory_space<vmem>> -> memref<64x128xf32, #tpu.memory_space<vmem>>
          %get3A_497 = arith.index_cast %add3A_492 : i32 to index
          %get3A_498 = arith.constant 80 : index
          %get3A_499 = tpu.vector_load %get3A_496[%get3A_497, %get3A_498] {strides = array<i32>} : memref<64x128xf32, #tpu.memory_space<vmem>>, vector<16xf32>,
          %mul3A_500 = arith.mulf %get3A_499, %gather3A_405 : vector<16xf32>
          %swap3A_501 = arith.constant 0 : i32
          %swap3A_502 = arith.constant 0 : i32
          %swap3A_503 = tpu.memref_slice %arg11[%scan3A_198, %swap3A_501, %swap3A_502] : memref<4x64x128xf32, #tpu.memory_space<vmem>> -> memref<1x64x128xf32, #tpu.memory_space<vmem>>
          %swap3A_504 = tpu.memref_squeeze %swap3A_503 : memref<1x64x128xf32, #tpu.memory_space<vmem>> -> memref<64x128xf32, #tpu.memory_space<vmem>>
          %swap3A_505 = arith.index_cast %add3A_492 : i32 to index
          %swap3A_506 = arith.constant 80 : index
          %swap3A_507 = tpu.vector_load %swap3A_504[%swap3A_505, %swap3A_506] {strides = array<i32>} : memref<64x128xf32, #tpu.memory_space<vmem>>, vector<16xf32>,
          tpu.vector_store %swap3A_504[%swap3A_505, %swap3A_506], %mul3A_500 {strides = array<i32>} : memref<64x128xf32, #tpu.memory_space<vmem>>, vector<16xf32>,
          %add3A_508 = arith.constant 1 : i32
          %add3A_509 = arith.addi %add3A_259, %add3A_508 : i32
          %get3A_510 = arith.constant 0 : i32
          %get3A_511 = arith.constant 0 : i32
          %get3A_512 = tpu.memref_slice %arg11[%scan3A_198, %get3A_510, %get3A_511] : memref<4x64x128xf32, #tpu.memory_space<vmem>> -> memref<1x64x128xf32, #tpu.memory_space<vmem>>
          %get3A_513 = tpu.memref_squeeze %get3A_512 : memref<1x64x128xf32, #tpu.memory_space<vmem>> -> memref<64x128xf32, #tpu.memory_space<vmem>>
          %get3A_514 = arith.index_cast %add3A_509 : i32 to index
          %get3A_515 = arith.constant 96 : index
          %get3A_516 = tpu.vector_load %get3A_513[%get3A_514, %get3A_515] {strides = array<i32>} : memref<64x128xf32, #tpu.memory_space<vmem>>, vector<16xf32>,
          %mul3A_517 = arith.mulf %get3A_516, %gather3A_405 : vector<16xf32>
          %swap3A_518 = arith.constant 0 : i32
          %swap3A_519 = arith.constant 0 : i32
          %swap3A_520 = tpu.memref_slice %arg11[%scan3A_198, %swap3A_518, %swap3A_519] : memref<4x64x128xf32, #tpu.memory_space<vmem>> -> memref<1x64x128xf32, #tpu.memory_space<vmem>>
          %swap3A_521 = tpu.memref_squeeze %swap3A_520 : memref<1x64x128xf32, #tpu.memory_space<vmem>> -> memref<64x128xf32, #tpu.memory_space<vmem>>
          %swap3A_522 = arith.index_cast %add3A_509 : i32 to index
          %swap3A_523 = arith.constant 96 : index
          %swap3A_524 = tpu.vector_load %swap3A_521[%swap3A_522, %swap3A_523] {strides = array<i32>} : memref<64x128xf32, #tpu.memory_space<vmem>>, vector<16xf32>,
          tpu.vector_store %swap3A_521[%swap3A_522, %swap3A_523], %mul3A_517 {strides = array<i32>} : memref<64x128xf32, #tpu.memory_space<vmem>>, vector<16xf32>,
          %add3A_525 = arith.constant 1 : i32
          %add3A_526 = arith.addi %add3A_259, %add3A_525 : i32
          %get3A_527 = arith.constant 0 : i32
          %get3A_528 = arith.constant 0 : i32
          %get3A_529 = tpu.memref_slice %arg11[%scan3A_198, %get3A_527, %get3A_528] : memref<4x64x128xf32, #tpu.memory_space<vmem>> -> memref<1x64x128xf32, #tpu.memory_space<vmem>>
          %get3A_530 = tpu.memref_squeeze %get3A_529 : memref<1x64x128xf32, #tpu.memory_space<vmem>> -> memref<64x128xf32, #tpu.memory_space<vmem>>
          %get3A_531 = arith.index_cast %add3A_526 : i32 to index
          %get3A_532 = arith.constant 112 : index
          %get3A_533 = tpu.vector_load %get3A_530[%get3A_531, %get3A_532] {strides = array<i32>} : memref<64x128xf32, #tpu.memory_space<vmem>>, vector<16xf32>,
          %mul3A_534 = arith.mulf %get3A_533, %gather3A_405 : vector<16xf32>
          %swap3A_535 = arith.constant 0 : i32
          %swap3A_536 = arith.constant 0 : i32
          %swap3A_537 = tpu.memref_slice %arg11[%scan3A_198, %swap3A_535, %swap3A_536] : memref<4x64x128xf32, #tpu.memory_space<vmem>> -> memref<1x64x128xf32, #tpu.memory_space<vmem>>
          %swap3A_538 = tpu.memref_squeeze %swap3A_537 : memref<1x64x128xf32, #tpu.memory_space<vmem>> -> memref<64x128xf32, #tpu.memory_space<vmem>>
          %swap3A_539 = arith.index_cast %add3A_526 : i32 to index
          %swap3A_540 = arith.constant 112 : index
          %swap3A_541 = tpu.vector_load %swap3A_538[%swap3A_539, %swap3A_540] {strides = array<i32>} : memref<64x128xf32, #tpu.memory_space<vmem>>, vector<16xf32>,
          tpu.vector_store %swap3A_538[%swap3A_539, %swap3A_540], %mul3A_534 {strides = array<i32>} : memref<64x128xf32, #tpu.memory_space<vmem>>, vector<16xf32>,
          %mul3A_542 = arith.constant 64 : i32
          %mul3A_543 = arith.muli %add3A_186, %mul3A_542 : i32
          %add3A_544 = arith.addi %mul3A_543, %add3A_259 : i32
          %add3A_545 = arith.constant 2 : i32
          %add3A_546 = arith.addi %add3A_544, %add3A_545 : i32
          %broadcast_in_dim3A_547 = vector.broadcast %add3A_546 : i32 to vector<16xi32>
          %gather3A_548 = tpu.vector_load_idx %arg10[%broadcast_in_dim3A_547] : memref<2560xf32, #tpu.memory_space<vmem>>[vector<16xi32>], vector<16xf32>,
          %add3A_549 = arith.constant 2 : i32
          %add3A_550 = arith.addi %add3A_259, %add3A_549 : i32
          %get3A_551 = arith.constant 0 : i32
          %get3A_552 = arith.constant 0 : i32
          %get3A_553 = tpu.memref_slice %arg11[%scan3A_198, %get3A_551, %get3A_552] : memref<4x64x128xf32, #tpu.memory_space<vmem>> -> memref<1x64x128xf32, #tpu.memory_space<vmem>>
          %get3A_554 = tpu.memref_squeeze %get3A_553 : memref<1x64x128xf32, #tpu.memory_space<vmem>> -> memref<64x128xf32, #tpu.memory_space<vmem>>
          %get3A_555 = arith.index_cast %add3A_550 : i32 to index
          %get3A_556 = arith.constant 0 : index
          %get3A_557 = tpu.vector_load %get3A_554[%get3A_555, %get3A_556] {strides = array<i32>} : memref<64x128xf32, #tpu.memory_space<vmem>>, vector<16xf32>,
          %mul3A_558 = arith.mulf %get3A_557, %gather3A_548 : vector<16xf32>
          %swap3A_559 = arith.constant 0 : i32
          %swap3A_560 = arith.constant 0 : i32
          %swap3A_561 = tpu.memref_slice %arg11[%scan3A_198, %swap3A_559, %swap3A_560] : memref<4x64x128xf32, #tpu.memory_space<vmem>> -> memref<1x64x128xf32, #tpu.memory_space<vmem>>
          %swap3A_562 = tpu.memref_squeeze %swap3A_561 : memref<1x64x128xf32, #tpu.memory_space<vmem>> -> memref<64x128xf32, #tpu.memory_space<vmem>>
          %swap3A_563 = arith.index_cast %add3A_550 : i32 to index
          %swap3A_564 = arith.constant 0 : index
          %swap3A_565 = tpu.vector_load %swap3A_562[%swap3A_563, %swap3A_564] {strides = array<i32>} : memref<64x128xf32, #tpu.memory_space<vmem>>, vector<16xf32>,
          tpu.vector_store %swap3A_562[%swap3A_563, %swap3A_564], %mul3A_558 {strides = array<i32>} : memref<64x128xf32, #tpu.memory_space<vmem>>, vector<16xf32>,
          %add3A_566 = arith.constant 2 : i32
          %add3A_567 = arith.addi %add3A_259, %add3A_566 : i32
          %get3A_568 = arith.constant 0 : i32
          %get3A_569 = arith.constant 0 : i32
          %get3A_570 = tpu.memref_slice %arg11[%scan3A_198, %get3A_568, %get3A_569] : memref<4x64x128xf32, #tpu.memory_space<vmem>> -> memref<1x64x128xf32, #tpu.memory_space<vmem>>
          %get3A_571 = tpu.memref_squeeze %get3A_570 : memref<1x64x128xf32, #tpu.memory_space<vmem>> -> memref<64x128xf32, #tpu.memory_space<vmem>>
          %get3A_572 = arith.index_cast %add3A_567 : i32 to index
          %get3A_573 = arith.constant 16 : index
          %get3A_574 = tpu.vector_load %get3A_571[%get3A_572, %get3A_573] {strides = array<i32>} : memref<64x128xf32, #tpu.memory_space<vmem>>, vector<16xf32>,
          %mul3A_575 = arith.mulf %get3A_574, %gather3A_548 : vector<16xf32>
          %swap3A_576 = arith.constant 0 : i32
          %swap3A_577 = arith.constant 0 : i32
          %swap3A_578 = tpu.memref_slice %arg11[%scan3A_198, %swap3A_576, %swap3A_577] : memref<4x64x128xf32, #tpu.memory_space<vmem>> -> memref<1x64x128xf32, #tpu.memory_space<vmem>>
          %swap3A_579 = tpu.memref_squeeze %swap3A_578 : memref<1x64x128xf32, #tpu.memory_space<vmem>> -> memref<64x128xf32, #tpu.memory_space<vmem>>
          %swap3A_580 = arith.index_cast %add3A_567 : i32 to index
          %swap3A_581 = arith.constant 16 : index
          %swap3A_582 = tpu.vector_load %swap3A_579[%swap3A_580, %swap3A_581] {strides = array<i32>} : memref<64x128xf32, #tpu.memory_space<vmem>>, vector<16xf32>,
          tpu.vector_store %swap3A_579[%swap3A_580, %swap3A_581], %mul3A_575 {strides = array<i32>} : memref<64x128xf32, #tpu.memory_space<vmem>>, vector<16xf32>,
          %add3A_583 = arith.constant 2 : i32
          %add3A_584 = arith.addi %add3A_259, %add3A_583 : i32
          %get3A_585 = arith.constant 0 : i32
          %get3A_586 = arith.constant 0 : i32
          %get3A_587 = tpu.memref_slice %arg11[%scan3A_198, %get3A_585, %get3A_586] : memref<4x64x128xf32, #tpu.memory_space<vmem>> -> memref<1x64x128xf32, #tpu.memory_space<vmem>>
          %get3A_588 = tpu.memref_squeeze %get3A_587 : memref<1x64x128xf32, #tpu.memory_space<vmem>> -> memref<64x128xf32, #tpu.memory_space<vmem>>
          %get3A_589 = arith.index_cast %add3A_584 : i32 to index
          %get3A_590 = arith.constant 32 : index
          %get3A_591 = tpu.vector_load %get3A_588[%get3A_589, %get3A_590] {strides = array<i32>} : memref<64x128xf32, #tpu.memory_space<vmem>>, vector<16xf32>,
          %mul3A_592 = arith.mulf %get3A_591, %gather3A_548 : vector<16xf32>
          %swap3A_593 = arith.constant 0 : i32
          %swap3A_594 = arith.constant 0 : i32
          %swap3A_595 = tpu.memref_slice %arg11[%scan3A_198, %swap3A_593, %swap3A_594] : memref<4x64x128xf32, #tpu.memory_space<vmem>> -> memref<1x64x128xf32, #tpu.memory_space<vmem>>
          %swap3A_596 = tpu.memref_squeeze %swap3A_595 : memref<1x64x128xf32, #tpu.memory_space<vmem>> -> memref<64x128xf32, #tpu.memory_space<vmem>>
          %swap3A_597 = arith.index_cast %add3A_584 : i32 to index
          %swap3A_598 = arith.constant 32 : index
          %swap3A_599 = tpu.vector_load %swap3A_596[%swap3A_597, %swap3A_598] {strides = array<i32>} : memref<64x128xf32, #tpu.memory_space<vmem>>, vector<16xf32>,
          tpu.vector_store %swap3A_596[%swap3A_597, %swap3A_598], %mul3A_592 {strides = array<i32>} : memref<64x128xf32, #tpu.memory_space<vmem>>, vector<16xf32>,
          %add3A_600 = arith.constant 2 : i32
          %add3A_601 = arith.addi %add3A_259, %add3A_600 : i32
          %get3A_602 = arith.constant 0 : i32
          %get3A_603 = arith.constant 0 : i32
          %get3A_604 = tpu.memref_slice %arg11[%scan3A_198, %get3A_602, %get3A_603] : memref<4x64x128xf32, #tpu.memory_space<vmem>> -> memref<1x64x128xf32, #tpu.memory_space<vmem>>
          %get3A_605 = tpu.memref_squeeze %get3A_604 : memref<1x64x128xf32, #tpu.memory_space<vmem>> -> memref<64x128xf32, #tpu.memory_space<vmem>>
          %get3A_606 = arith.index_cast %add3A_601 : i32 to index
          %get3A_607 = arith.constant 48 : index
          %get3A_608 = tpu.vector_load %get3A_605[%get3A_606, %get3A_607] {strides = array<i32>} : memref<64x128xf32, #tpu.memory_space<vmem>>, vector<16xf32>,
          %mul3A_609 = arith.mulf %get3A_608, %gather3A_548 : vector<16xf32>
          %swap3A_610 = arith.constant 0 : i32
          %swap3A_611 = arith.constant 0 : i32
          %swap3A_612 = tpu.memref_slice %arg11[%scan3A_198, %swap3A_610, %swap3A_611] : memref<4x64x128xf32, #tpu.memory_space<vmem>> -> memref<1x64x128xf32, #tpu.memory_space<vmem>>
          %swap3A_613 = tpu.memref_squeeze %swap3A_612 : memref<1x64x128xf32, #tpu.memory_space<vmem>> -> memref<64x128xf32, #tpu.memory_space<vmem>>
          %swap3A_614 = arith.index_cast %add3A_601 : i32 to index
          %swap3A_615 = arith.constant 48 : index
          %swap3A_616 = tpu.vector_load %swap3A_613[%swap3A_614, %swap3A_615] {strides = array<i32>} : memref<64x128xf32, #tpu.memory_space<vmem>>, vector<16xf32>,
          tpu.vector_store %swap3A_613[%swap3A_614, %swap3A_615], %mul3A_609 {strides = array<i32>} : memref<64x128xf32, #tpu.memory_space<vmem>>, vector<16xf32>,
          %add3A_617 = arith.constant 2 : i32
          %add3A_618 = arith.addi %add3A_259, %add3A_617 : i32
          %get3A_619 = arith.constant 0 : i32
          %get3A_620 = arith.constant 0 : i32
          %get3A_621 = tpu.memref_slice %arg11[%scan3A_198, %get3A_619, %get3A_620] : memref<4x64x128xf32, #tpu.memory_space<vmem>> -> memref<1x64x128xf32, #tpu.memory_space<vmem>>
          %get3A_622 = tpu.memref_squeeze %get3A_621 : memref<1x64x128xf32, #tpu.memory_space<vmem>> -> memref<64x128xf32, #tpu.memory_space<vmem>>
          %get3A_623 = arith.index_cast %add3A_618 : i32 to index
          %get3A_624 = arith.constant 64 : index
          %get3A_625 = tpu.vector_load %get3A_622[%get3A_623, %get3A_624] {strides = array<i32>} : memref<64x128xf32, #tpu.memory_space<vmem>>, vector<16xf32>,
          %mul3A_626 = arith.mulf %get3A_625, %gather3A_548 : vector<16xf32>
          %swap3A_627 = arith.constant 0 : i32
          %swap3A_628 = arith.constant 0 : i32
          %swap3A_629 = tpu.memref_slice %arg11[%scan3A_198, %swap3A_627, %swap3A_628] : memref<4x64x128xf32, #tpu.memory_space<vmem>> -> memref<1x64x128xf32, #tpu.memory_space<vmem>>
          %swap3A_630 = tpu.memref_squeeze %swap3A_629 : memref<1x64x128xf32, #tpu.memory_space<vmem>> -> memref<64x128xf32, #tpu.memory_space<vmem>>
          %swap3A_631 = arith.index_cast %add3A_618 : i32 to index
          %swap3A_632 = arith.constant 64 : index
          %swap3A_633 = tpu.vector_load %swap3A_630[%swap3A_631, %swap3A_632] {strides = array<i32>} : memref<64x128xf32, #tpu.memory_space<vmem>>, vector<16xf32>,
          tpu.vector_store %swap3A_630[%swap3A_631, %swap3A_632], %mul3A_626 {strides = array<i32>} : memref<64x128xf32, #tpu.memory_space<vmem>>, vector<16xf32>,
          %add3A_634 = arith.constant 2 : i32
          %add3A_635 = arith.addi %add3A_259, %add3A_634 : i32
          %get3A_636 = arith.constant 0 : i32
          %get3A_637 = arith.constant 0 : i32
          %get3A_638 = tpu.memref_slice %arg11[%scan3A_198, %get3A_636, %get3A_637] : memref<4x64x128xf32, #tpu.memory_space<vmem>> -> memref<1x64x128xf32, #tpu.memory_space<vmem>>
          %get3A_639 = tpu.memref_squeeze %get3A_638 : memref<1x64x128xf32, #tpu.memory_space<vmem>> -> memref<64x128xf32, #tpu.memory_space<vmem>>
          %get3A_640 = arith.index_cast %add3A_635 : i32 to index
          %get3A_641 = arith.constant 80 : index
          %get3A_642 = tpu.vector_load %get3A_639[%get3A_640, %get3A_641] {strides = array<i32>} : memref<64x128xf32, #tpu.memory_space<vmem>>, vector<16xf32>,
          %mul3A_643 = arith.mulf %get3A_642, %gather3A_548 : vector<16xf32>
          %swap3A_644 = arith.constant 0 : i32
          %swap3A_645 = arith.constant 0 : i32
          %swap3A_646 = tpu.memref_slice %arg11[%scan3A_198, %swap3A_644, %swap3A_645] : memref<4x64x128xf32, #tpu.memory_space<vmem>> -> memref<1x64x128xf32, #tpu.memory_space<vmem>>
          %swap3A_647 = tpu.memref_squeeze %swap3A_646 : memref<1x64x128xf32, #tpu.memory_space<vmem>> -> memref<64x128xf32, #tpu.memory_space<vmem>>
          %swap3A_648 = arith.index_cast %add3A_635 : i32 to index
          %swap3A_649 = arith.constant 80 : index
          %swap3A_650 = tpu.vector_load %swap3A_647[%swap3A_648, %swap3A_649] {strides = array<i32>} : memref<64x128xf32, #tpu.memory_space<vmem>>, vector<16xf32>,
          tpu.vector_store %swap3A_647[%swap3A_648, %swap3A_649], %mul3A_643 {strides = array<i32>} : memref<64x128xf32, #tpu.memory_space<vmem>>, vector<16xf32>,
          %add3A_651 = arith.constant 2 : i32
          %add3A_652 = arith.addi %add3A_259, %add3A_651 : i32
          %get3A_653 = arith.constant 0 : i32
          %get3A_654 = arith.constant 0 : i32
          %get3A_655 = tpu.memref_slice %arg11[%scan3A_198, %get3A_653, %get3A_654] : memref<4x64x128xf32, #tpu.memory_space<vmem>> -> memref<1x64x128xf32, #tpu.memory_space<vmem>>
          %get3A_656 = tpu.memref_squeeze %get3A_655 : memref<1x64x128xf32, #tpu.memory_space<vmem>> -> memref<64x128xf32, #tpu.memory_space<vmem>>
          %get3A_657 = arith.index_cast %add3A_652 : i32 to index
          %get3A_658 = arith.constant 96 : index
          %get3A_659 = tpu.vector_load %get3A_656[%get3A_657, %get3A_658] {strides = array<i32>} : memref<64x128xf32, #tpu.memory_space<vmem>>, vector<16xf32>,
          %mul3A_660 = arith.mulf %get3A_659, %gather3A_548 : vector<16xf32>
          %swap3A_661 = arith.constant 0 : i32
          %swap3A_662 = arith.constant 0 : i32
          %swap3A_663 = tpu.memref_slice %arg11[%scan3A_198, %swap3A_661, %swap3A_662] : memref<4x64x128xf32, #tpu.memory_space<vmem>> -> memref<1x64x128xf32, #tpu.memory_space<vmem>>
          %swap3A_664 = tpu.memref_squeeze %swap3A_663 : memref<1x64x128xf32, #tpu.memory_space<vmem>> -> memref<64x128xf32, #tpu.memory_space<vmem>>
          %swap3A_665 = arith.index_cast %add3A_652 : i32 to index
          %swap3A_666 = arith.constant 96 : index
          %swap3A_667 = tpu.vector_load %swap3A_664[%swap3A_665, %swap3A_666] {strides = array<i32>} : memref<64x128xf32, #tpu.memory_space<vmem>>, vector<16xf32>,
          tpu.vector_store %swap3A_664[%swap3A_665, %swap3A_666], %mul3A_660 {strides = array<i32>} : memref<64x128xf32, #tpu.memory_space<vmem>>, vector<16xf32>,
          %add3A_668 = arith.constant 2 : i32
          %add3A_669 = arith.addi %add3A_259, %add3A_668 : i32
          %get3A_670 = arith.constant 0 : i32
          %get3A_671 = arith.constant 0 : i32
          %get3A_672 = tpu.memref_slice %arg11[%scan3A_198, %get3A_670, %get3A_671] : memref<4x64x128xf32, #tpu.memory_space<vmem>> -> memref<1x64x128xf32, #tpu.memory_space<vmem>>
          %get3A_673 = tpu.memref_squeeze %get3A_672 : memref<1x64x128xf32, #tpu.memory_space<vmem>> -> memref<64x128xf32, #tpu.memory_space<vmem>>
          %get3A_674 = arith.index_cast %add3A_669 : i32 to index
          %get3A_675 = arith.constant 112 : index
          %get3A_676 = tpu.vector_load %get3A_673[%get3A_674, %get3A_675] {strides = array<i32>} : memref<64x128xf32, #tpu.memory_space<vmem>>, vector<16xf32>,
          %mul3A_677 = arith.mulf %get3A_676, %gather3A_548 : vector<16xf32>
          %swap3A_678 = arith.constant 0 : i32
          %swap3A_679 = arith.constant 0 : i32
          %swap3A_680 = tpu.memref_slice %arg11[%scan3A_198, %swap3A_678, %swap3A_679] : memref<4x64x128xf32, #tpu.memory_space<vmem>> -> memref<1x64x128xf32, #tpu.memory_space<vmem>>
          %swap3A_681 = tpu.memref_squeeze %swap3A_680 : memref<1x64x128xf32, #tpu.memory_space<vmem>> -> memref<64x128xf32, #tpu.memory_space<vmem>>
          %swap3A_682 = arith.index_cast %add3A_669 : i32 to index
          %swap3A_683 = arith.constant 112 : index
          %swap3A_684 = tpu.vector_load %swap3A_681[%swap3A_682, %swap3A_683] {strides = array<i32>} : memref<64x128xf32, #tpu.memory_space<vmem>>, vector<16xf32>,
          tpu.vector_store %swap3A_681[%swap3A_682, %swap3A_683], %mul3A_677 {strides = array<i32>} : memref<64x128xf32, #tpu.memory_space<vmem>>, vector<16xf32>,
          %mul3A_685 = arith.constant 64 : i32
          %mul3A_686 = arith.muli %add3A_186, %mul3A_685 : i32
          %add3A_687 = arith.addi %mul3A_686, %add3A_259 : i32
          %add3A_688 = arith.constant 3 : i32
          %add3A_689 = arith.addi %add3A_687, %add3A_688 : i32
          %broadcast_in_dim3A_690 = vector.broadcast %add3A_689 : i32 to vector<16xi32>
          %gather3A_691 = tpu.vector_load_idx %arg10[%broadcast_in_dim3A_690] : memref<2560xf32, #tpu.memory_space<vmem>>[vector<16xi32>], vector<16xf32>,
          %add3A_692 = arith.constant 3 : i32
          %add3A_693 = arith.addi %add3A_259, %add3A_692 : i32
          %get3A_694 = arith.constant 0 : i32
          %get3A_695 = arith.constant 0 : i32
          %get3A_696 = tpu.memref_slice %arg11[%scan3A_198, %get3A_694, %get3A_695] : memref<4x64x128xf32, #tpu.memory_space<vmem>> -> memref<1x64x128xf32, #tpu.memory_space<vmem>>
          %get3A_697 = tpu.memref_squeeze %get3A_696 : memref<1x64x128xf32, #tpu.memory_space<vmem>> -> memref<64x128xf32, #tpu.memory_space<vmem>>
          %get3A_698 = arith.index_cast %add3A_693 : i32 to index
          %get3A_699 = arith.constant 0 : index
          %get3A_700 = tpu.vector_load %get3A_697[%get3A_698, %get3A_699] {strides = array<i32>} : memref<64x128xf32, #tpu.memory_space<vmem>>, vector<16xf32>,
          %mul3A_701 = arith.mulf %get3A_700, %gather3A_691 : vector<16xf32>
          %swap3A_702 = arith.constant 0 : i32
          %swap3A_703 = arith.constant 0 : i32
          %swap3A_704 = tpu.memref_slice %arg11[%scan3A_198, %swap3A_702, %swap3A_703] : memref<4x64x128xf32, #tpu.memory_space<vmem>> -> memref<1x64x128xf32, #tpu.memory_space<vmem>>
          %swap3A_705 = tpu.memref_squeeze %swap3A_704 : memref<1x64x128xf32, #tpu.memory_space<vmem>> -> memref<64x128xf32, #tpu.memory_space<vmem>>
          %swap3A_706 = arith.index_cast %add3A_693 : i32 to index
          %swap3A_707 = arith.constant 0 : index
          %swap3A_708 = tpu.vector_load %swap3A_705[%swap3A_706, %swap3A_707] {strides = array<i32>} : memref<64x128xf32, #tpu.memory_space<vmem>>, vector<16xf32>,
          tpu.vector_store %swap3A_705[%swap3A_706, %swap3A_707], %mul3A_701 {strides = array<i32>} : memref<64x128xf32, #tpu.memory_space<vmem>>, vector<16xf32>,
          %add3A_709 = arith.constant 3 : i32
          %add3A_710 = arith.addi %add3A_259, %add3A_709 : i32
          %get3A_711 = arith.constant 0 : i32
          %get3A_712 = arith.constant 0 : i32
          %get3A_713 = tpu.memref_slice %arg11[%scan3A_198, %get3A_711, %get3A_712] : memref<4x64x128xf32, #tpu.memory_space<vmem>> -> memref<1x64x128xf32, #tpu.memory_space<vmem>>
          %get3A_714 = tpu.memref_squeeze %get3A_713 : memref<1x64x128xf32, #tpu.memory_space<vmem>> -> memref<64x128xf32, #tpu.memory_space<vmem>>
          %get3A_715 = arith.index_cast %add3A_710 : i32 to index
          %get3A_716 = arith.constant 16 : index
          %get3A_717 = tpu.vector_load %get3A_714[%get3A_715, %get3A_716] {strides = array<i32>} : memref<64x128xf32, #tpu.memory_space<vmem>>, vector<16xf32>,
          %mul3A_718 = arith.mulf %get3A_717, %gather3A_691 : vector<16xf32>
          %swap3A_719 = arith.constant 0 : i32
          %swap3A_720 = arith.constant 0 : i32
          %swap3A_721 = tpu.memref_slice %arg11[%scan3A_198, %swap3A_719, %swap3A_720] : memref<4x64x128xf32, #tpu.memory_space<vmem>> -> memref<1x64x128xf32, #tpu.memory_space<vmem>>
          %swap3A_722 = tpu.memref_squeeze %swap3A_721 : memref<1x64x128xf32, #tpu.memory_space<vmem>> -> memref<64x128xf32, #tpu.memory_space<vmem>>
          %swap3A_723 = arith.index_cast %add3A_710 : i32 to index
          %swap3A_724 = arith.constant 16 : index
          %swap3A_725 = tpu.vector_load %swap3A_722[%swap3A_723, %swap3A_724] {strides = array<i32>} : memref<64x128xf32, #tpu.memory_space<vmem>>, vector<16xf32>,
          tpu.vector_store %swap3A_722[%swap3A_723, %swap3A_724], %mul3A_718 {strides = array<i32>} : memref<64x128xf32, #tpu.memory_space<vmem>>, vector<16xf32>,
          %add3A_726 = arith.constant 3 : i32
          %add3A_727 = arith.addi %add3A_259, %add3A_726 : i32
          %get3A_728 = arith.constant 0 : i32
          %get3A_729 = arith.constant 0 : i32
          %get3A_730 = tpu.memref_slice %arg11[%scan3A_198, %get3A_728, %get3A_729] : memref<4x64x128xf32, #tpu.memory_space<vmem>> -> memref<1x64x128xf32, #tpu.memory_space<vmem>>
          %get3A_731 = tpu.memref_squeeze %get3A_730 : memref<1x64x128xf32, #tpu.memory_space<vmem>> -> memref<64x128xf32, #tpu.memory_space<vmem>>
          %get3A_732 = arith.index_cast %add3A_727 : i32 to index
          %get3A_733 = arith.constant 32 : index
          %get3A_734 = tpu.vector_load %get3A_731[%get3A_732, %get3A_733] {strides = array<i32>} : memref<64x128xf32, #tpu.memory_space<vmem>>, vector<16xf32>,
          %mul3A_735 = arith.mulf %get3A_734, %gather3A_691 : vector<16xf32>
          %swap3A_736 = arith.constant 0 : i32
          %swap3A_737 = arith.constant 0 : i32
          %swap3A_738 = tpu.memref_slice %arg11[%scan3A_198, %swap3A_736, %swap3A_737] : memref<4x64x128xf32, #tpu.memory_space<vmem>> -> memref<1x64x128xf32, #tpu.memory_space<vmem>>
          %swap3A_739 = tpu.memref_squeeze %swap3A_738 : memref<1x64x128xf32, #tpu.memory_space<vmem>> -> memref<64x128xf32, #tpu.memory_space<vmem>>
          %swap3A_740 = arith.index_cast %add3A_727 : i32 to index
          %swap3A_741 = arith.constant 32 : index
          %swap3A_742 = tpu.vector_load %swap3A_739[%swap3A_740, %swap3A_741] {strides = array<i32>} : memref<64x128xf32, #tpu.memory_space<vmem>>, vector<16xf32>,
          tpu.vector_store %swap3A_739[%swap3A_740, %swap3A_741], %mul3A_735 {strides = array<i32>} : memref<64x128xf32, #tpu.memory_space<vmem>>, vector<16xf32>,
          %add3A_743 = arith.constant 3 : i32
          %add3A_744 = arith.addi %add3A_259, %add3A_743 : i32
          %get3A_745 = arith.constant 0 : i32
          %get3A_746 = arith.constant 0 : i32
          %get3A_747 = tpu.memref_slice %arg11[%scan3A_198, %get3A_745, %get3A_746] : memref<4x64x128xf32, #tpu.memory_space<vmem>> -> memref<1x64x128xf32, #tpu.memory_space<vmem>>
          %get3A_748 = tpu.memref_squeeze %get3A_747 : memref<1x64x128xf32, #tpu.memory_space<vmem>> -> memref<64x128xf32, #tpu.memory_space<vmem>>
          %get3A_749 = arith.index_cast %add3A_744 : i32 to index
          %get3A_750 = arith.constant 48 : index
          %get3A_751 = tpu.vector_load %get3A_748[%get3A_749, %get3A_750] {strides = array<i32>} : memref<64x128xf32, #tpu.memory_space<vmem>>, vector<16xf32>,
          %mul3A_752 = arith.mulf %get3A_751, %gather3A_691 : vector<16xf32>
          %swap3A_753 = arith.constant 0 : i32
          %swap3A_754 = arith.constant 0 : i32
          %swap3A_755 = tpu.memref_slice %arg11[%scan3A_198, %swap3A_753, %swap3A_754] : memref<4x64x128xf32, #tpu.memory_space<vmem>> -> memref<1x64x128xf32, #tpu.memory_space<vmem>>
          %swap3A_756 = tpu.memref_squeeze %swap3A_755 : memref<1x64x128xf32, #tpu.memory_space<vmem>> -> memref<64x128xf32, #tpu.memory_space<vmem>>
          %swap3A_757 = arith.index_cast %add3A_744 : i32 to index
          %swap3A_758 = arith.constant 48 : index
          %swap3A_759 = tpu.vector_load %swap3A_756[%swap3A_757, %swap3A_758] {strides = array<i32>} : memref<64x128xf32, #tpu.memory_space<vmem>>, vector<16xf32>,
          tpu.vector_store %swap3A_756[%swap3A_757, %swap3A_758], %mul3A_752 {strides = array<i32>} : memref<64x128xf32, #tpu.memory_space<vmem>>, vector<16xf32>,
          %add3A_760 = arith.constant 3 : i32
          %add3A_761 = arith.addi %add3A_259, %add3A_760 : i32
          %get3A_762 = arith.constant 0 : i32
          %get3A_763 = arith.constant 0 : i32
          %get3A_764 = tpu.memref_slice %arg11[%scan3A_198, %get3A_762, %get3A_763] : memref<4x64x128xf32, #tpu.memory_space<vmem>> -> memref<1x64x128xf32, #tpu.memory_space<vmem>>
          %get3A_765 = tpu.memref_squeeze %get3A_764 : memref<1x64x128xf32, #tpu.memory_space<vmem>> -> memref<64x128xf32, #tpu.memory_space<vmem>>
          %get3A_766 = arith.index_cast %add3A_761 : i32 to index
          %get3A_767 = arith.constant 64 : index
          %get3A_768 = tpu.vector_load %get3A_765[%get3A_766, %get3A_767] {strides = array<i32>} : memref<64x128xf32, #tpu.memory_space<vmem>>, vector<16xf32>,
          %mul3A_769 = arith.mulf %get3A_768, %gather3A_691 : vector<16xf32>
          %swap3A_770 = arith.constant 0 : i32
          %swap3A_771 = arith.constant 0 : i32
          %swap3A_772 = tpu.memref_slice %arg11[%scan3A_198, %swap3A_770, %swap3A_771] : memref<4x64x128xf32, #tpu.memory_space<vmem>> -> memref<1x64x128xf32, #tpu.memory_space<vmem>>
          %swap3A_773 = tpu.memref_squeeze %swap3A_772 : memref<1x64x128xf32, #tpu.memory_space<vmem>> -> memref<64x128xf32, #tpu.memory_space<vmem>>
          %swap3A_774 = arith.index_cast %add3A_761 : i32 to index
          %swap3A_775 = arith.constant 64 : index
          %swap3A_776 = tpu.vector_load %swap3A_773[%swap3A_774, %swap3A_775] {strides = array<i32>} : memref<64x128xf32, #tpu.memory_space<vmem>>, vector<16xf32>,
          tpu.vector_store %swap3A_773[%swap3A_774, %swap3A_775], %mul3A_769 {strides = array<i32>} : memref<64x128xf32, #tpu.memory_space<vmem>>, vector<16xf32>,
          %add3A_777 = arith.constant 3 : i32
          %add3A_778 = arith.addi %add3A_259, %add3A_777 : i32
          %get3A_779 = arith.constant 0 : i32
          %get3A_780 = arith.constant 0 : i32
          %get3A_781 = tpu.memref_slice %arg11[%scan3A_198, %get3A_779, %get3A_780] : memref<4x64x128xf32, #tpu.memory_space<vmem>> -> memref<1x64x128xf32, #tpu.memory_space<vmem>>
          %get3A_782 = tpu.memref_squeeze %get3A_781 : memref<1x64x128xf32, #tpu.memory_space<vmem>> -> memref<64x128xf32, #tpu.memory_space<vmem>>
          %get3A_783 = arith.index_cast %add3A_778 : i32 to index
          %get3A_784 = arith.constant 80 : index
          %get3A_785 = tpu.vector_load %get3A_782[%get3A_783, %get3A_784] {strides = array<i32>} : memref<64x128xf32, #tpu.memory_space<vmem>>, vector<16xf32>,
          %mul3A_786 = arith.mulf %get3A_785, %gather3A_691 : vector<16xf32>
          %swap3A_787 = arith.constant 0 : i32
          %swap3A_788 = arith.constant 0 : i32
          %swap3A_789 = tpu.memref_slice %arg11[%scan3A_198, %swap3A_787, %swap3A_788] : memref<4x64x128xf32, #tpu.memory_space<vmem>> -> memref<1x64x128xf32, #tpu.memory_space<vmem>>
          %swap3A_790 = tpu.memref_squeeze %swap3A_789 : memref<1x64x128xf32, #tpu.memory_space<vmem>> -> memref<64x128xf32, #tpu.memory_space<vmem>>
          %swap3A_791 = arith.index_cast %add3A_778 : i32 to index
          %swap3A_792 = arith.constant 80 : index
          %swap3A_793 = tpu.vector_load %swap3A_790[%swap3A_791, %swap3A_792] {strides = array<i32>} : memref<64x128xf32, #tpu.memory_space<vmem>>, vector<16xf32>,
          tpu.vector_store %swap3A_790[%swap3A_791, %swap3A_792], %mul3A_786 {strides = array<i32>} : memref<64x128xf32, #tpu.memory_space<vmem>>, vector<16xf32>,
          %add3A_794 = arith.constant 3 : i32
          %add3A_795 = arith.addi %add3A_259, %add3A_794 : i32
          %get3A_796 = arith.constant 0 : i32
          %get3A_797 = arith.constant 0 : i32
          %get3A_798 = tpu.memref_slice %arg11[%scan3A_198, %get3A_796, %get3A_797] : memref<4x64x128xf32, #tpu.memory_space<vmem>> -> memref<1x64x128xf32, #tpu.memory_space<vmem>>
          %get3A_799 = tpu.memref_squeeze %get3A_798 : memref<1x64x128xf32, #tpu.memory_space<vmem>> -> memref<64x128xf32, #tpu.memory_space<vmem>>
          %get3A_800 = arith.index_cast %add3A_795 : i32 to index
          %get3A_801 = arith.constant 96 : index
          %get3A_802 = tpu.vector_load %get3A_799[%get3A_800, %get3A_801] {strides = array<i32>} : memref<64x128xf32, #tpu.memory_space<vmem>>, vector<16xf32>,
          %mul3A_803 = arith.mulf %get3A_802, %gather3A_691 : vector<16xf32>
          %swap3A_804 = arith.constant 0 : i32
          %swap3A_805 = arith.constant 0 : i32
          %swap3A_806 = tpu.memref_slice %arg11[%scan3A_198, %swap3A_804, %swap3A_805] : memref<4x64x128xf32, #tpu.memory_space<vmem>> -> memref<1x64x128xf32, #tpu.memory_space<vmem>>
          %swap3A_807 = tpu.memref_squeeze %swap3A_806 : memref<1x64x128xf32, #tpu.memory_space<vmem>> -> memref<64x128xf32, #tpu.memory_space<vmem>>
          %swap3A_808 = arith.index_cast %add3A_795 : i32 to index
          %swap3A_809 = arith.constant 96 : index
          %swap3A_810 = tpu.vector_load %swap3A_807[%swap3A_808, %swap3A_809] {strides = array<i32>} : memref<64x128xf32, #tpu.memory_space<vmem>>, vector<16xf32>,
          tpu.vector_store %swap3A_807[%swap3A_808, %swap3A_809], %mul3A_803 {strides = array<i32>} : memref<64x128xf32, #tpu.memory_space<vmem>>, vector<16xf32>,
          %add3A_811 = arith.constant 3 : i32
          %add3A_812 = arith.addi %add3A_259, %add3A_811 : i32
          %get3A_813 = arith.constant 0 : i32
          %get3A_814 = arith.constant 0 : i32
          %get3A_815 = tpu.memref_slice %arg11[%scan3A_198, %get3A_813, %get3A_814] : memref<4x64x128xf32, #tpu.memory_space<vmem>> -> memref<1x64x128xf32, #tpu.memory_space<vmem>>
          %get3A_816 = tpu.memref_squeeze %get3A_815 : memref<1x64x128xf32, #tpu.memory_space<vmem>> -> memref<64x128xf32, #tpu.memory_space<vmem>>
          %get3A_817 = arith.index_cast %add3A_812 : i32 to index
          %get3A_818 = arith.constant 112 : index
          %get3A_819 = tpu.vector_load %get3A_816[%get3A_817, %get3A_818] {strides = array<i32>} : memref<64x128xf32, #tpu.memory_space<vmem>>, vector<16xf32>,
          %mul3A_820 = arith.mulf %get3A_819, %gather3A_691 : vector<16xf32>
          %swap3A_821 = arith.constant 0 : i32
          %swap3A_822 = arith.constant 0 : i32
          %swap3A_823 = tpu.memref_slice %arg11[%scan3A_198, %swap3A_821, %swap3A_822] : memref<4x64x128xf32, #tpu.memory_space<vmem>> -> memref<1x64x128xf32, #tpu.memory_space<vmem>>
          %swap3A_824 = tpu.memref_squeeze %swap3A_823 : memref<1x64x128xf32, #tpu.memory_space<vmem>> -> memref<64x128xf32, #tpu.memory_space<vmem>>
          %swap3A_825 = arith.index_cast %add3A_812 : i32 to index
          %swap3A_826 = arith.constant 112 : index
          %swap3A_827 = tpu.vector_load %swap3A_824[%swap3A_825, %swap3A_826] {strides = array<i32>} : memref<64x128xf32, #tpu.memory_space<vmem>>, vector<16xf32>,
          tpu.vector_store %swap3A_824[%swap3A_825, %swap3A_826], %mul3A_820 {strides = array<i32>} : memref<64x128xf32, #tpu.memory_space<vmem>>, vector<16xf32>,
        }
        %scan3A_203 = arith.constant 16 : i32
        %dma_start3A_204 = arith.constant 2 : i32
        %dma_start3A_205 = arith.constant 0 : i32
        %dma_start3A_206 = arith.constant 0 : i32
        %dma_start3A_207 = tpu.memref_slice %arg11[%dma_start3A_204, %dma_start3A_205, %dma_start3A_206] : memref<4x64x128xf32, #tpu.memory_space<vmem>> -> memref<1x64x128xf32, #tpu.memory_space<vmem>>
        %dma_start3A_208 = tpu.memref_squeeze %dma_start3A_207 : memref<1x64x128xf32, #tpu.memory_space<vmem>> -> memref<64x128xf32, #tpu.memory_space<vmem>>
        %dma_start3A_209 = arith.constant 0 : i32
        %dma_start3A_210 = tpu.memref_slice %arg9[%add3A_186, %dma_start3A_209] : memref<40x64xi32, #tpu.memory_space<vmem>> -> memref<1x64xi32, #tpu.memory_space<vmem>>
        %dma_start3A_211 = tpu.memref_squeeze %dma_start3A_210 : memref<1x64xi32, #tpu.memory_space<vmem>> -> memref<64xi32, #tpu.memory_space<vmem>>
        %dma_start3A_212 = arith.constant 0 : i32
        %dma_start3A_213 = arith.constant 0 : i32
        %dma_start3A_214 = tpu.memref_slice %arg12[%dma_start3A_212, %dma_start3A_213] : memref<10112x128xf32, #tpu.memory_space<vmem_shared>> -> memref<10112x128xf32, #tpu.memory_space<vmem_shared>>
        tpu.enqueue_indirect_dma source(%dma_start3A_208 : memref<64x128xf32, #tpu.memory_space<vmem>>) target(%dma_start3A_214 : memref<10112x128xf32, #tpu.memory_space<vmem_shared>>) offsets(%dma_start3A_211 : memref<64xi32, #tpu.memory_space<vmem>>) semaphore(%arg19 : memref<!tpu.dma_semaphore, #tpu.memory_space<semaphore_mem>>) {add = true}
        %ge3A_215 = arith.constant 1 : i32
        %ge3A_216 = arith.cmpi sge, %add3A_186, %ge3A_215 : i32
        %convert_element_type3A_217 = arith.extui %ge3A_216 : i1 to i32
        %cond3A_218 = arith.constant 0 : i32
        %cond3A_219 = arith.cmpi ne, %convert_element_type3A_217, %cond3A_218 : i32
        scf.if %cond3A_219 {
          %sub3A = arith.constant 1 : i32
          %sub3A_255 = arith.subi %add3A_186, %sub3A : i32
          %dma_wait3A_256 = arith.constant 1 : i32
          %dma_wait3A_257 = arith.constant 0 : i32
          %dma_wait3A_258 = arith.constant 0 : i32
          %dma_wait3A_259 = tpu.memref_slice %arg11[%dma_wait3A_256, %dma_wait3A_257, %dma_wait3A_258] : memref<4x64x128xf32, #tpu.memory_space<vmem>> -> memref<1x64x128xf32, #tpu.memory_space<vmem>>
          %dma_wait3A_260 = tpu.memref_squeeze %dma_wait3A_259 : memref<1x64x128xf32, #tpu.memory_space<vmem>> -> memref<64x128xf32, #tpu.memory_space<vmem>>
          %dma_wait3A_261 = arith.constant 0 : i32
          %dma_wait3A_262 = tpu.memref_slice %arg9[%sub3A_255, %dma_wait3A_261] : memref<40x64xi32, #tpu.memory_space<vmem>> -> memref<1x64xi32, #tpu.memory_space<vmem>>
          %dma_wait3A_263 = tpu.memref_squeeze %dma_wait3A_262 : memref<1x64xi32, #tpu.memory_space<vmem>> -> memref<64xi32, #tpu.memory_space<vmem>>
          %dma_wait3A_264 = arith.constant 0 : i32
          %dma_wait3A_265 = arith.constant 0 : i32
          %dma_wait3A_266 = tpu.memref_slice %arg12[%dma_wait3A_264, %dma_wait3A_265] : memref<10112x128xf32, #tpu.memory_space<vmem_shared>> -> memref<10112x128xf32, #tpu.memory_space<vmem_shared>>
          tpu.wait_indirect_dma semaphore(%arg18 : memref<!tpu.dma_semaphore, #tpu.memory_space<semaphore_mem>>) src(%dma_wait3A_260 : memref<64x128xf32, #tpu.memory_space<vmem>>) dst(%dma_wait3A_266 : memref<10112x128xf32, #tpu.memory_space<vmem_shared>>)
          %add3A_267 = arith.constant 3 : i32
          %add3A_268 = arith.addi %add3A_186, %add3A_267 : i32
          %lt3A = arith.constant 40 : i32
          %lt3A_269 = arith.cmpi slt, %add3A_268, %lt3A : i32
          %convert_element_type3A_270 = arith.extui %lt3A_269 : i1 to i32
          %cond3A_271 = arith.constant 0 : i32
          %cond3A_272 = arith.cmpi ne, %convert_element_type3A_270, %cond3A_271 : i32
          scf.if %cond3A_272 {
            %add3A_273 = arith.constant 3 : i32
            %add3A_274 = arith.addi %add3A_186, %add3A_273 : i32
            %mul3A_275 = arith.constant 64 : i32
            %mul3A_276 = arith.muli %add3A_274, %mul3A_275 : i32
            %dma_start3A_277 = arith.constant 1 : i32
            %dma_start3A_278 = arith.constant 0 : i32
            %dma_start3A_279 = arith.constant 0 : i32
            %dma_start3A_280 = tpu.memref_slice %arg11[%dma_start3A_277, %dma_start3A_278, %dma_start3A_279] : memref<4x64x128xf32, #tpu.memory_space<vmem>> -> memref<1x64x128xf32, #tpu.memory_space<vmem>>
            %dma_start3A_281 = tpu.memref_squeeze %dma_start3A_280 : memref<1x64x128xf32, #tpu.memory_space<vmem>> -> memref<64x128xf32, #tpu.memory_space<vmem>>
            %dma_start3A_282 = tpu.memref_slice %arg8[%mul3A_276] : memref<2560xi32, #tpu.memory_space<vmem>> -> memref<64xi32, #tpu.memory_space<vmem>>
            %dma_start3A_283 = arith.constant 0 : i32
            %dma_start3A_284 = arith.constant 0 : i32
            %dma_start3A_285 = tpu.memref_slice %arg2[%dma_start3A_283, %dma_start3A_284] : memref<10000x128xf32, #tpu.memory_space<hbm>> -> memref<10000x128xf32, #tpu.memory_space<hbm>>
            tpu.enqueue_indirect_dma source(%dma_start3A_285 : memref<10000x128xf32, #tpu.memory_space<hbm>>) target(%dma_start3A_281 : memref<64x128xf32, #tpu.memory_space<vmem>>) offsets(%dma_start3A_282 : memref<64xi32, #tpu.memory_space<vmem>>) semaphore(%arg14 : memref<!tpu.dma_semaphore, #tpu.memory_space<semaphore_mem>>)
          } else {
          }
        } else {
        }
        %add3A_220 = arith.constant 3 : i32
        %add3A_221 = arith.addi %add3A_117, %add3A_220 : i32
        %mul3A_222 = arith.constant 64 : i32
        %mul3A_223 = arith.muli %add3A_221, %mul3A_222 : i32
        %dma_wait3A_224 = arith.constant 3 : i32
        %dma_wait3A_225 = arith.constant 0 : i32
        %dma_wait3A_226 = arith.constant 0 : i32
        %dma_wait3A_227 = tpu.memref_slice %arg11[%dma_wait3A_224, %dma_wait3A_225, %dma_wait3A_226] : memref<4x64x128xf32, #tpu.memory_space<vmem>> -> memref<1x64x128xf32, #tpu.memory_space<vmem>>
        %dma_wait3A_228 = tpu.memref_squeeze %dma_wait3A_227 : memref<1x64x128xf32, #tpu.memory_space<vmem>> -> memref<64x128xf32, #tpu.memory_space<vmem>>
        %dma_wait3A_229 = tpu.memref_slice %arg8[%mul3A_223] : memref<2560xi32, #tpu.memory_space<vmem>> -> memref<64xi32, #tpu.memory_space<vmem>>
        %dma_wait3A_230 = arith.constant 0 : i32
        %dma_wait3A_231 = arith.constant 0 : i32
        %dma_wait3A_232 = tpu.memref_slice %arg2[%dma_wait3A_230, %dma_wait3A_231] : memref<10000x128xf32, #tpu.memory_space<hbm>> -> memref<10000x128xf32, #tpu.memory_space<hbm>>
        tpu.wait_indirect_dma semaphore(%arg16 : memref<!tpu.dma_semaphore, #tpu.memory_space<semaphore_mem>>) src(%dma_wait3A_232 : memref<10000x128xf32, #tpu.memory_space<hbm>>) dst(%dma_wait3A_228 : memref<64x128xf32, #tpu.memory_space<vmem>>)
        %scan3A_233 = arith.constant 3 : i32
        %scan3A_234 = arith.constant 0 : i32
        %scan3A_235 = arith.constant 16 : i32
        %scan3A_236 = arith.addi %scan3A_234, %scan3A_235 : i32
        %scan3A_237 = arith.constant 1 : i32
        scf.for %scan3A_255 = %scan3A_234 to %scan3A_236 step %scan3A_237  : i32 {
          %mul3A_256 = arith.constant 4 : i32
          %mul3A_257 = arith.muli %scan3A_255, %mul3A_256 : i32
          %add3A_258 = arith.constant 0 : i32
          %add3A_259 = arith.addi %add3A_258, %mul3A_257 : i32
          %mul3A_260 = arith.constant 64 : i32
          %mul3A_261 = arith.muli %add3A_221, %mul3A_260 : i32
          %add3A_262 = arith.addi %mul3A_261, %add3A_259 : i32
          %add3A_263 = arith.constant 0 : i32
          %add3A_264 = arith.addi %add3A_262, %add3A_263 : i32
          %broadcast_in_dim3A = vector.broadcast %add3A_264 : i32 to vector<16xi32>
          %gather3A = tpu.vector_load_idx %arg10[%broadcast_in_dim3A] : memref<2560xf32, #tpu.memory_space<vmem>>[vector<16xi32>], vector<16xf32>,
          %add3A_265 = arith.constant 0 : i32
          %add3A_266 = arith.addi %add3A_259, %add3A_265 : i32
          %get3A = arith.constant 0 : i32
          %get3A_267 = arith.constant 0 : i32
          %get3A_268 = tpu.memref_slice %arg11[%scan3A_233, %get3A, %get3A_267] : memref<4x64x128xf32, #tpu.memory_space<vmem>> -> memref<1x64x128xf32, #tpu.memory_space<vmem>>
          %get3A_269 = tpu.memref_squeeze %get3A_268 : memref<1x64x128xf32, #tpu.memory_space<vmem>> -> memref<64x128xf32, #tpu.memory_space<vmem>>
          %get3A_270 = arith.index_cast %add3A_266 : i32 to index
          %get3A_271 = arith.constant 0 : index
          %get3A_272 = tpu.vector_load %get3A_269[%get3A_270, %get3A_271] {strides = array<i32>} : memref<64x128xf32, #tpu.memory_space<vmem>>, vector<16xf32>,
          %mul3A_273 = arith.mulf %get3A_272, %gather3A : vector<16xf32>
          %swap3A = arith.constant 0 : i32
          %swap3A_274 = arith.constant 0 : i32
          %swap3A_275 = tpu.memref_slice %arg11[%scan3A_233, %swap3A, %swap3A_274] : memref<4x64x128xf32, #tpu.memory_space<vmem>> -> memref<1x64x128xf32, #tpu.memory_space<vmem>>
          %swap3A_276 = tpu.memref_squeeze %swap3A_275 : memref<1x64x128xf32, #tpu.memory_space<vmem>> -> memref<64x128xf32, #tpu.memory_space<vmem>>
          %swap3A_277 = arith.index_cast %add3A_266 : i32 to index
          %swap3A_278 = arith.constant 0 : index
          %swap3A_279 = tpu.vector_load %swap3A_276[%swap3A_277, %swap3A_278] {strides = array<i32>} : memref<64x128xf32, #tpu.memory_space<vmem>>, vector<16xf32>,
          tpu.vector_store %swap3A_276[%swap3A_277, %swap3A_278], %mul3A_273 {strides = array<i32>} : memref<64x128xf32, #tpu.memory_space<vmem>>, vector<16xf32>,
          %add3A_280 = arith.constant 0 : i32
          %add3A_281 = arith.addi %add3A_259, %add3A_280 : i32
          %get3A_282 = arith.constant 0 : i32
          %get3A_283 = arith.constant 0 : i32
          %get3A_284 = tpu.memref_slice %arg11[%scan3A_233, %get3A_282, %get3A_283] : memref<4x64x128xf32, #tpu.memory_space<vmem>> -> memref<1x64x128xf32, #tpu.memory_space<vmem>>
          %get3A_285 = tpu.memref_squeeze %get3A_284 : memref<1x64x128xf32, #tpu.memory_space<vmem>> -> memref<64x128xf32, #tpu.memory_space<vmem>>
          %get3A_286 = arith.index_cast %add3A_281 : i32 to index
          %get3A_287 = arith.constant 16 : index
          %get3A_288 = tpu.vector_load %get3A_285[%get3A_286, %get3A_287] {strides = array<i32>} : memref<64x128xf32, #tpu.memory_space<vmem>>, vector<16xf32>,
          %mul3A_289 = arith.mulf %get3A_288, %gather3A : vector<16xf32>
          %swap3A_290 = arith.constant 0 : i32
          %swap3A_291 = arith.constant 0 : i32
          %swap3A_292 = tpu.memref_slice %arg11[%scan3A_233, %swap3A_290, %swap3A_291] : memref<4x64x128xf32, #tpu.memory_space<vmem>> -> memref<1x64x128xf32, #tpu.memory_space<vmem>>
          %swap3A_293 = tpu.memref_squeeze %swap3A_292 : memref<1x64x128xf32, #tpu.memory_space<vmem>> -> memref<64x128xf32, #tpu.memory_space<vmem>>
          %swap3A_294 = arith.index_cast %add3A_281 : i32 to index
          %swap3A_295 = arith.constant 16 : index
          %swap3A_296 = tpu.vector_load %swap3A_293[%swap3A_294, %swap3A_295] {strides = array<i32>} : memref<64x128xf32, #tpu.memory_space<vmem>>, vector<16xf32>,
          tpu.vector_store %swap3A_293[%swap3A_294, %swap3A_295], %mul3A_289 {strides = array<i32>} : memref<64x128xf32, #tpu.memory_space<vmem>>, vector<16xf32>,
          %add3A_297 = arith.constant 0 : i32
          %add3A_298 = arith.addi %add3A_259, %add3A_297 : i32
          %get3A_299 = arith.constant 0 : i32
          %get3A_300 = arith.constant 0 : i32
          %get3A_301 = tpu.memref_slice %arg11[%scan3A_233, %get3A_299, %get3A_300] : memref<4x64x128xf32, #tpu.memory_space<vmem>> -> memref<1x64x128xf32, #tpu.memory_space<vmem>>
          %get3A_302 = tpu.memref_squeeze %get3A_301 : memref<1x64x128xf32, #tpu.memory_space<vmem>> -> memref<64x128xf32, #tpu.memory_space<vmem>>
          %get3A_303 = arith.index_cast %add3A_298 : i32 to index
          %get3A_304 = arith.constant 32 : index
          %get3A_305 = tpu.vector_load %get3A_302[%get3A_303, %get3A_304] {strides = array<i32>} : memref<64x128xf32, #tpu.memory_space<vmem>>, vector<16xf32>,
          %mul3A_306 = arith.mulf %get3A_305, %gather3A : vector<16xf32>
          %swap3A_307 = arith.constant 0 : i32
          %swap3A_308 = arith.constant 0 : i32
          %swap3A_309 = tpu.memref_slice %arg11[%scan3A_233, %swap3A_307, %swap3A_308] : memref<4x64x128xf32, #tpu.memory_space<vmem>> -> memref<1x64x128xf32, #tpu.memory_space<vmem>>
          %swap3A_310 = tpu.memref_squeeze %swap3A_309 : memref<1x64x128xf32, #tpu.memory_space<vmem>> -> memref<64x128xf32, #tpu.memory_space<vmem>>
          %swap3A_311 = arith.index_cast %add3A_298 : i32 to index
          %swap3A_312 = arith.constant 32 : index
          %swap3A_313 = tpu.vector_load %swap3A_310[%swap3A_311, %swap3A_312] {strides = array<i32>} : memref<64x128xf32, #tpu.memory_space<vmem>>, vector<16xf32>,
          tpu.vector_store %swap3A_310[%swap3A_311, %swap3A_312], %mul3A_306 {strides = array<i32>} : memref<64x128xf32, #tpu.memory_space<vmem>>, vector<16xf32>,
          %add3A_314 = arith.constant 0 : i32
          %add3A_315 = arith.addi %add3A_259, %add3A_314 : i32
          %get3A_316 = arith.constant 0 : i32
          %get3A_317 = arith.constant 0 : i32
          %get3A_318 = tpu.memref_slice %arg11[%scan3A_233, %get3A_316, %get3A_317] : memref<4x64x128xf32, #tpu.memory_space<vmem>> -> memref<1x64x128xf32, #tpu.memory_space<vmem>>
          %get3A_319 = tpu.memref_squeeze %get3A_318 : memref<1x64x128xf32, #tpu.memory_space<vmem>> -> memref<64x128xf32, #tpu.memory_space<vmem>>
          %get3A_320 = arith.index_cast %add3A_315 : i32 to index
          %get3A_321 = arith.constant 48 : index
          %get3A_322 = tpu.vector_load %get3A_319[%get3A_320, %get3A_321] {strides = array<i32>} : memref<64x128xf32, #tpu.memory_space<vmem>>, vector<16xf32>,
          %mul3A_323 = arith.mulf %get3A_322, %gather3A : vector<16xf32>
          %swap3A_324 = arith.constant 0 : i32
          %swap3A_325 = arith.constant 0 : i32
          %swap3A_326 = tpu.memref_slice %arg11[%scan3A_233, %swap3A_324, %swap3A_325] : memref<4x64x128xf32, #tpu.memory_space<vmem>> -> memref<1x64x128xf32, #tpu.memory_space<vmem>>
          %swap3A_327 = tpu.memref_squeeze %swap3A_326 : memref<1x64x128xf32, #tpu.memory_space<vmem>> -> memref<64x128xf32, #tpu.memory_space<vmem>>
          %swap3A_328 = arith.index_cast %add3A_315 : i32 to index
          %swap3A_329 = arith.constant 48 : index
          %swap3A_330 = tpu.vector_load %swap3A_327[%swap3A_328, %swap3A_329] {strides = array<i32>} : memref<64x128xf32, #tpu.memory_space<vmem>>, vector<16xf32>,
          tpu.vector_store %swap3A_327[%swap3A_328, %swap3A_329], %mul3A_323 {strides = array<i32>} : memref<64x128xf32, #tpu.memory_space<vmem>>, vector<16xf32>,
          %add3A_331 = arith.constant 0 : i32
          %add3A_332 = arith.addi %add3A_259, %add3A_331 : i32
          %get3A_333 = arith.constant 0 : i32
          %get3A_334 = arith.constant 0 : i32
          %get3A_335 = tpu.memref_slice %arg11[%scan3A_233, %get3A_333, %get3A_334] : memref<4x64x128xf32, #tpu.memory_space<vmem>> -> memref<1x64x128xf32, #tpu.memory_space<vmem>>
          %get3A_336 = tpu.memref_squeeze %get3A_335 : memref<1x64x128xf32, #tpu.memory_space<vmem>> -> memref<64x128xf32, #tpu.memory_space<vmem>>
          %get3A_337 = arith.index_cast %add3A_332 : i32 to index
          %get3A_338 = arith.constant 64 : index
          %get3A_339 = tpu.vector_load %get3A_336[%get3A_337, %get3A_338] {strides = array<i32>} : memref<64x128xf32, #tpu.memory_space<vmem>>, vector<16xf32>,
          %mul3A_340 = arith.mulf %get3A_339, %gather3A : vector<16xf32>
          %swap3A_341 = arith.constant 0 : i32
          %swap3A_342 = arith.constant 0 : i32
          %swap3A_343 = tpu.memref_slice %arg11[%scan3A_233, %swap3A_341, %swap3A_342] : memref<4x64x128xf32, #tpu.memory_space<vmem>> -> memref<1x64x128xf32, #tpu.memory_space<vmem>>
          %swap3A_344 = tpu.memref_squeeze %swap3A_343 : memref<1x64x128xf32, #tpu.memory_space<vmem>> -> memref<64x128xf32, #tpu.memory_space<vmem>>
          %swap3A_345 = arith.index_cast %add3A_332 : i32 to index
          %swap3A_346 = arith.constant 64 : index
          %swap3A_347 = tpu.vector_load %swap3A_344[%swap3A_345, %swap3A_346] {strides = array<i32>} : memref<64x128xf32, #tpu.memory_space<vmem>>, vector<16xf32>,
          tpu.vector_store %swap3A_344[%swap3A_345, %swap3A_346], %mul3A_340 {strides = array<i32>} : memref<64x128xf32, #tpu.memory_space<vmem>>, vector<16xf32>,
          %add3A_348 = arith.constant 0 : i32
          %add3A_349 = arith.addi %add3A_259, %add3A_348 : i32
          %get3A_350 = arith.constant 0 : i32
          %get3A_351 = arith.constant 0 : i32
          %get3A_352 = tpu.memref_slice %arg11[%scan3A_233, %get3A_350, %get3A_351] : memref<4x64x128xf32, #tpu.memory_space<vmem>> -> memref<1x64x128xf32, #tpu.memory_space<vmem>>
          %get3A_353 = tpu.memref_squeeze %get3A_352 : memref<1x64x128xf32, #tpu.memory_space<vmem>> -> memref<64x128xf32, #tpu.memory_space<vmem>>
          %get3A_354 = arith.index_cast %add3A_349 : i32 to index
          %get3A_355 = arith.constant 80 : index
          %get3A_356 = tpu.vector_load %get3A_353[%get3A_354, %get3A_355] {strides = array<i32>} : memref<64x128xf32, #tpu.memory_space<vmem>>, vector<16xf32>,
          %mul3A_357 = arith.mulf %get3A_356, %gather3A : vector<16xf32>
          %swap3A_358 = arith.constant 0 : i32
          %swap3A_359 = arith.constant 0 : i32
          %swap3A_360 = tpu.memref_slice %arg11[%scan3A_233, %swap3A_358, %swap3A_359] : memref<4x64x128xf32, #tpu.memory_space<vmem>> -> memref<1x64x128xf32, #tpu.memory_space<vmem>>
          %swap3A_361 = tpu.memref_squeeze %swap3A_360 : memref<1x64x128xf32, #tpu.memory_space<vmem>> -> memref<64x128xf32, #tpu.memory_space<vmem>>
          %swap3A_362 = arith.index_cast %add3A_349 : i32 to index
          %swap3A_363 = arith.constant 80 : index
          %swap3A_364 = tpu.vector_load %swap3A_361[%swap3A_362, %swap3A_363] {strides = array<i32>} : memref<64x128xf32, #tpu.memory_space<vmem>>, vector<16xf32>,
          tpu.vector_store %swap3A_361[%swap3A_362, %swap3A_363], %mul3A_357 {strides = array<i32>} : memref<64x128xf32, #tpu.memory_space<vmem>>, vector<16xf32>,
          %add3A_365 = arith.constant 0 : i32
          %add3A_366 = arith.addi %add3A_259, %add3A_365 : i32
          %get3A_367 = arith.constant 0 : i32
          %get3A_368 = arith.constant 0 : i32
          %get3A_369 = tpu.memref_slice %arg11[%scan3A_233, %get3A_367, %get3A_368] : memref<4x64x128xf32, #tpu.memory_space<vmem>> -> memref<1x64x128xf32, #tpu.memory_space<vmem>>
          %get3A_370 = tpu.memref_squeeze %get3A_369 : memref<1x64x128xf32, #tpu.memory_space<vmem>> -> memref<64x128xf32, #tpu.memory_space<vmem>>
          %get3A_371 = arith.index_cast %add3A_366 : i32 to index
          %get3A_372 = arith.constant 96 : index
          %get3A_373 = tpu.vector_load %get3A_370[%get3A_371, %get3A_372] {strides = array<i32>} : memref<64x128xf32, #tpu.memory_space<vmem>>, vector<16xf32>,
          %mul3A_374 = arith.mulf %get3A_373, %gather3A : vector<16xf32>
          %swap3A_375 = arith.constant 0 : i32
          %swap3A_376 = arith.constant 0 : i32
          %swap3A_377 = tpu.memref_slice %arg11[%scan3A_233, %swap3A_375, %swap3A_376] : memref<4x64x128xf32, #tpu.memory_space<vmem>> -> memref<1x64x128xf32, #tpu.memory_space<vmem>>
          %swap3A_378 = tpu.memref_squeeze %swap3A_377 : memref<1x64x128xf32, #tpu.memory_space<vmem>> -> memref<64x128xf32, #tpu.memory_space<vmem>>
          %swap3A_379 = arith.index_cast %add3A_366 : i32 to index
          %swap3A_380 = arith.constant 96 : index
          %swap3A_381 = tpu.vector_load %swap3A_378[%swap3A_379, %swap3A_380] {strides = array<i32>} : memref<64x128xf32, #tpu.memory_space<vmem>>, vector<16xf32>,
          tpu.vector_store %swap3A_378[%swap3A_379, %swap3A_380], %mul3A_374 {strides = array<i32>} : memref<64x128xf32, #tpu.memory_space<vmem>>, vector<16xf32>,
          %add3A_382 = arith.constant 0 : i32
          %add3A_383 = arith.addi %add3A_259, %add3A_382 : i32
          %get3A_384 = arith.constant 0 : i32
          %get3A_385 = arith.constant 0 : i32
          %get3A_386 = tpu.memref_slice %arg11[%scan3A_233, %get3A_384, %get3A_385] : memref<4x64x128xf32, #tpu.memory_space<vmem>> -> memref<1x64x128xf32, #tpu.memory_space<vmem>>
          %get3A_387 = tpu.memref_squeeze %get3A_386 : memref<1x64x128xf32, #tpu.memory_space<vmem>> -> memref<64x128xf32, #tpu.memory_space<vmem>>
          %get3A_388 = arith.index_cast %add3A_383 : i32 to index
          %get3A_389 = arith.constant 112 : index
          %get3A_390 = tpu.vector_load %get3A_387[%get3A_388, %get3A_389] {strides = array<i32>} : memref<64x128xf32, #tpu.memory_space<vmem>>, vector<16xf32>,
          %mul3A_391 = arith.mulf %get3A_390, %gather3A : vector<16xf32>
          %swap3A_392 = arith.constant 0 : i32
          %swap3A_393 = arith.constant 0 : i32
          %swap3A_394 = tpu.memref_slice %arg11[%scan3A_233, %swap3A_392, %swap3A_393] : memref<4x64x128xf32, #tpu.memory_space<vmem>> -> memref<1x64x128xf32, #tpu.memory_space<vmem>>
          %swap3A_395 = tpu.memref_squeeze %swap3A_394 : memref<1x64x128xf32, #tpu.memory_space<vmem>> -> memref<64x128xf32, #tpu.memory_space<vmem>>
          %swap3A_396 = arith.index_cast %add3A_383 : i32 to index
          %swap3A_397 = arith.constant 112 : index
          %swap3A_398 = tpu.vector_load %swap3A_395[%swap3A_396, %swap3A_397] {strides = array<i32>} : memref<64x128xf32, #tpu.memory_space<vmem>>, vector<16xf32>,
          tpu.vector_store %swap3A_395[%swap3A_396, %swap3A_397], %mul3A_391 {strides = array<i32>} : memref<64x128xf32, #tpu.memory_space<vmem>>, vector<16xf32>,
          %mul3A_399 = arith.constant 64 : i32
          %mul3A_400 = arith.muli %add3A_221, %mul3A_399 : i32
          %add3A_401 = arith.addi %mul3A_400, %add3A_259 : i32
          %add3A_402 = arith.constant 1 : i32
          %add3A_403 = arith.addi %add3A_401, %add3A_402 : i32
          %broadcast_in_dim3A_404 = vector.broadcast %add3A_403 : i32 to vector<16xi32>
          %gather3A_405 = tpu.vector_load_idx %arg10[%broadcast_in_dim3A_404] : memref<2560xf32, #tpu.memory_space<vmem>>[vector<16xi32>], vector<16xf32>,
          %add3A_406 = arith.constant 1 : i32
          %add3A_407 = arith.addi %add3A_259, %add3A_406 : i32
          %get3A_408 = arith.constant 0 : i32
          %get3A_409 = arith.constant 0 : i32
          %get3A_410 = tpu.memref_slice %arg11[%scan3A_233, %get3A_408, %get3A_409] : memref<4x64x128xf32, #tpu.memory_space<vmem>> -> memref<1x64x128xf32, #tpu.memory_space<vmem>>
          %get3A_411 = tpu.memref_squeeze %get3A_410 : memref<1x64x128xf32, #tpu.memory_space<vmem>> -> memref<64x128xf32, #tpu.memory_space<vmem>>
          %get3A_412 = arith.index_cast %add3A_407 : i32 to index
          %get3A_413 = arith.constant 0 : index
          %get3A_414 = tpu.vector_load %get3A_411[%get3A_412, %get3A_413] {strides = array<i32>} : memref<64x128xf32, #tpu.memory_space<vmem>>, vector<16xf32>,
          %mul3A_415 = arith.mulf %get3A_414, %gather3A_405 : vector<16xf32>
          %swap3A_416 = arith.constant 0 : i32
          %swap3A_417 = arith.constant 0 : i32
          %swap3A_418 = tpu.memref_slice %arg11[%scan3A_233, %swap3A_416, %swap3A_417] : memref<4x64x128xf32, #tpu.memory_space<vmem>> -> memref<1x64x128xf32, #tpu.memory_space<vmem>>
          %swap3A_419 = tpu.memref_squeeze %swap3A_418 : memref<1x64x128xf32, #tpu.memory_space<vmem>> -> memref<64x128xf32, #tpu.memory_space<vmem>>
          %swap3A_420 = arith.index_cast %add3A_407 : i32 to index
          %swap3A_421 = arith.constant 0 : index
          %swap3A_422 = tpu.vector_load %swap3A_419[%swap3A_420, %swap3A_421] {strides = array<i32>} : memref<64x128xf32, #tpu.memory_space<vmem>>, vector<16xf32>,
          tpu.vector_store %swap3A_419[%swap3A_420, %swap3A_421], %mul3A_415 {strides = array<i32>} : memref<64x128xf32, #tpu.memory_space<vmem>>, vector<16xf32>,
          %add3A_423 = arith.constant 1 : i32
          %add3A_424 = arith.addi %add3A_259, %add3A_423 : i32
          %get3A_425 = arith.constant 0 : i32
          %get3A_426 = arith.constant 0 : i32
          %get3A_427 = tpu.memref_slice %arg11[%scan3A_233, %get3A_425, %get3A_426] : memref<4x64x128xf32, #tpu.memory_space<vmem>> -> memref<1x64x128xf32, #tpu.memory_space<vmem>>
          %get3A_428 = tpu.memref_squeeze %get3A_427 : memref<1x64x128xf32, #tpu.memory_space<vmem>> -> memref<64x128xf32, #tpu.memory_space<vmem>>
          %get3A_429 = arith.index_cast %add3A_424 : i32 to index
          %get3A_430 = arith.constant 16 : index
          %get3A_431 = tpu.vector_load %get3A_428[%get3A_429, %get3A_430] {strides = array<i32>} : memref<64x128xf32, #tpu.memory_space<vmem>>, vector<16xf32>,
          %mul3A_432 = arith.mulf %get3A_431, %gather3A_405 : vector<16xf32>
          %swap3A_433 = arith.constant 0 : i32
          %swap3A_434 = arith.constant 0 : i32
          %swap3A_435 = tpu.memref_slice %arg11[%scan3A_233, %swap3A_433, %swap3A_434] : memref<4x64x128xf32, #tpu.memory_space<vmem>> -> memref<1x64x128xf32, #tpu.memory_space<vmem>>
          %swap3A_436 = tpu.memref_squeeze %swap3A_435 : memref<1x64x128xf32, #tpu.memory_space<vmem>> -> memref<64x128xf32, #tpu.memory_space<vmem>>
          %swap3A_437 = arith.index_cast %add3A_424 : i32 to index
          %swap3A_438 = arith.constant 16 : index
          %swap3A_439 = tpu.vector_load %swap3A_436[%swap3A_437, %swap3A_438] {strides = array<i32>} : memref<64x128xf32, #tpu.memory_space<vmem>>, vector<16xf32>,
          tpu.vector_store %swap3A_436[%swap3A_437, %swap3A_438], %mul3A_432 {strides = array<i32>} : memref<64x128xf32, #tpu.memory_space<vmem>>, vector<16xf32>,
          %add3A_440 = arith.constant 1 : i32
          %add3A_441 = arith.addi %add3A_259, %add3A_440 : i32
          %get3A_442 = arith.constant 0 : i32
          %get3A_443 = arith.constant 0 : i32
          %get3A_444 = tpu.memref_slice %arg11[%scan3A_233, %get3A_442, %get3A_443] : memref<4x64x128xf32, #tpu.memory_space<vmem>> -> memref<1x64x128xf32, #tpu.memory_space<vmem>>
          %get3A_445 = tpu.memref_squeeze %get3A_444 : memref<1x64x128xf32, #tpu.memory_space<vmem>> -> memref<64x128xf32, #tpu.memory_space<vmem>>
          %get3A_446 = arith.index_cast %add3A_441 : i32 to index
          %get3A_447 = arith.constant 32 : index
          %get3A_448 = tpu.vector_load %get3A_445[%get3A_446, %get3A_447] {strides = array<i32>} : memref<64x128xf32, #tpu.memory_space<vmem>>, vector<16xf32>,
          %mul3A_449 = arith.mulf %get3A_448, %gather3A_405 : vector<16xf32>
          %swap3A_450 = arith.constant 0 : i32
          %swap3A_451 = arith.constant 0 : i32
          %swap3A_452 = tpu.memref_slice %arg11[%scan3A_233, %swap3A_450, %swap3A_451] : memref<4x64x128xf32, #tpu.memory_space<vmem>> -> memref<1x64x128xf32, #tpu.memory_space<vmem>>
          %swap3A_453 = tpu.memref_squeeze %swap3A_452 : memref<1x64x128xf32, #tpu.memory_space<vmem>> -> memref<64x128xf32, #tpu.memory_space<vmem>>
          %swap3A_454 = arith.index_cast %add3A_441 : i32 to index
          %swap3A_455 = arith.constant 32 : index
          %swap3A_456 = tpu.vector_load %swap3A_453[%swap3A_454, %swap3A_455] {strides = array<i32>} : memref<64x128xf32, #tpu.memory_space<vmem>>, vector<16xf32>,
          tpu.vector_store %swap3A_453[%swap3A_454, %swap3A_455], %mul3A_449 {strides = array<i32>} : memref<64x128xf32, #tpu.memory_space<vmem>>, vector<16xf32>,
          %add3A_457 = arith.constant 1 : i32
          %add3A_458 = arith.addi %add3A_259, %add3A_457 : i32
          %get3A_459 = arith.constant 0 : i32
          %get3A_460 = arith.constant 0 : i32
          %get3A_461 = tpu.memref_slice %arg11[%scan3A_233, %get3A_459, %get3A_460] : memref<4x64x128xf32, #tpu.memory_space<vmem>> -> memref<1x64x128xf32, #tpu.memory_space<vmem>>
          %get3A_462 = tpu.memref_squeeze %get3A_461 : memref<1x64x128xf32, #tpu.memory_space<vmem>> -> memref<64x128xf32, #tpu.memory_space<vmem>>
          %get3A_463 = arith.index_cast %add3A_458 : i32 to index
          %get3A_464 = arith.constant 48 : index
          %get3A_465 = tpu.vector_load %get3A_462[%get3A_463, %get3A_464] {strides = array<i32>} : memref<64x128xf32, #tpu.memory_space<vmem>>, vector<16xf32>,
          %mul3A_466 = arith.mulf %get3A_465, %gather3A_405 : vector<16xf32>
          %swap3A_467 = arith.constant 0 : i32
          %swap3A_468 = arith.constant 0 : i32
          %swap3A_469 = tpu.memref_slice %arg11[%scan3A_233, %swap3A_467, %swap3A_468] : memref<4x64x128xf32, #tpu.memory_space<vmem>> -> memref<1x64x128xf32, #tpu.memory_space<vmem>>
          %swap3A_470 = tpu.memref_squeeze %swap3A_469 : memref<1x64x128xf32, #tpu.memory_space<vmem>> -> memref<64x128xf32, #tpu.memory_space<vmem>>
          %swap3A_471 = arith.index_cast %add3A_458 : i32 to index
          %swap3A_472 = arith.constant 48 : index
          %swap3A_473 = tpu.vector_load %swap3A_470[%swap3A_471, %swap3A_472] {strides = array<i32>} : memref<64x128xf32, #tpu.memory_space<vmem>>, vector<16xf32>,
          tpu.vector_store %swap3A_470[%swap3A_471, %swap3A_472], %mul3A_466 {strides = array<i32>} : memref<64x128xf32, #tpu.memory_space<vmem>>, vector<16xf32>,
          %add3A_474 = arith.constant 1 : i32
          %add3A_475 = arith.addi %add3A_259, %add3A_474 : i32
          %get3A_476 = arith.constant 0 : i32
          %get3A_477 = arith.constant 0 : i32
          %get3A_478 = tpu.memref_slice %arg11[%scan3A_233, %get3A_476, %get3A_477] : memref<4x64x128xf32, #tpu.memory_space<vmem>> -> memref<1x64x128xf32, #tpu.memory_space<vmem>>
          %get3A_479 = tpu.memref_squeeze %get3A_478 : memref<1x64x128xf32, #tpu.memory_space<vmem>> -> memref<64x128xf32, #tpu.memory_space<vmem>>
          %get3A_480 = arith.index_cast %add3A_475 : i32 to index
          %get3A_481 = arith.constant 64 : index
          %get3A_482 = tpu.vector_load %get3A_479[%get3A_480, %get3A_481] {strides = array<i32>} : memref<64x128xf32, #tpu.memory_space<vmem>>, vector<16xf32>,
          %mul3A_483 = arith.mulf %get3A_482, %gather3A_405 : vector<16xf32>
          %swap3A_484 = arith.constant 0 : i32
          %swap3A_485 = arith.constant 0 : i32
          %swap3A_486 = tpu.memref_slice %arg11[%scan3A_233, %swap3A_484, %swap3A_485] : memref<4x64x128xf32, #tpu.memory_space<vmem>> -> memref<1x64x128xf32, #tpu.memory_space<vmem>>
          %swap3A_487 = tpu.memref_squeeze %swap3A_486 : memref<1x64x128xf32, #tpu.memory_space<vmem>> -> memref<64x128xf32, #tpu.memory_space<vmem>>
          %swap3A_488 = arith.index_cast %add3A_475 : i32 to index
          %swap3A_489 = arith.constant 64 : index
          %swap3A_490 = tpu.vector_load %swap3A_487[%swap3A_488, %swap3A_489] {strides = array<i32>} : memref<64x128xf32, #tpu.memory_space<vmem>>, vector<16xf32>,
          tpu.vector_store %swap3A_487[%swap3A_488, %swap3A_489], %mul3A_483 {strides = array<i32>} : memref<64x128xf32, #tpu.memory_space<vmem>>, vector<16xf32>,
          %add3A_491 = arith.constant 1 : i32
          %add3A_492 = arith.addi %add3A_259, %add3A_491 : i32
          %get3A_493 = arith.constant 0 : i32
          %get3A_494 = arith.constant 0 : i32
          %get3A_495 = tpu.memref_slice %arg11[%scan3A_233, %get3A_493, %get3A_494] : memref<4x64x128xf32, #tpu.memory_space<vmem>> -> memref<1x64x128xf32, #tpu.memory_space<vmem>>
          %get3A_496 = tpu.memref_squeeze %get3A_495 : memref<1x64x128xf32, #tpu.memory_space<vmem>> -> memref<64x128xf32, #tpu.memory_space<vmem>>
          %get3A_497 = arith.index_cast %add3A_492 : i32 to index
          %get3A_498 = arith.constant 80 : index
          %get3A_499 = tpu.vector_load %get3A_496[%get3A_497, %get3A_498] {strides = array<i32>} : memref<64x128xf32, #tpu.memory_space<vmem>>, vector<16xf32>,
          %mul3A_500 = arith.mulf %get3A_499, %gather3A_405 : vector<16xf32>
          %swap3A_501 = arith.constant 0 : i32
          %swap3A_502 = arith.constant 0 : i32
          %swap3A_503 = tpu.memref_slice %arg11[%scan3A_233, %swap3A_501, %swap3A_502] : memref<4x64x128xf32, #tpu.memory_space<vmem>> -> memref<1x64x128xf32, #tpu.memory_space<vmem>>
          %swap3A_504 = tpu.memref_squeeze %swap3A_503 : memref<1x64x128xf32, #tpu.memory_space<vmem>> -> memref<64x128xf32, #tpu.memory_space<vmem>>
          %swap3A_505 = arith.index_cast %add3A_492 : i32 to index
          %swap3A_506 = arith.constant 80 : index
          %swap3A_507 = tpu.vector_load %swap3A_504[%swap3A_505, %swap3A_506] {strides = array<i32>} : memref<64x128xf32, #tpu.memory_space<vmem>>, vector<16xf32>,
          tpu.vector_store %swap3A_504[%swap3A_505, %swap3A_506], %mul3A_500 {strides = array<i32>} : memref<64x128xf32, #tpu.memory_space<vmem>>, vector<16xf32>,
          %add3A_508 = arith.constant 1 : i32
          %add3A_509 = arith.addi %add3A_259, %add3A_508 : i32
          %get3A_510 = arith.constant 0 : i32
          %get3A_511 = arith.constant 0 : i32
          %get3A_512 = tpu.memref_slice %arg11[%scan3A_233, %get3A_510, %get3A_511] : memref<4x64x128xf32, #tpu.memory_space<vmem>> -> memref<1x64x128xf32, #tpu.memory_space<vmem>>
          %get3A_513 = tpu.memref_squeeze %get3A_512 : memref<1x64x128xf32, #tpu.memory_space<vmem>> -> memref<64x128xf32, #tpu.memory_space<vmem>>
          %get3A_514 = arith.index_cast %add3A_509 : i32 to index
          %get3A_515 = arith.constant 96 : index
          %get3A_516 = tpu.vector_load %get3A_513[%get3A_514, %get3A_515] {strides = array<i32>} : memref<64x128xf32, #tpu.memory_space<vmem>>, vector<16xf32>,
          %mul3A_517 = arith.mulf %get3A_516, %gather3A_405 : vector<16xf32>
          %swap3A_518 = arith.constant 0 : i32
          %swap3A_519 = arith.constant 0 : i32
          %swap3A_520 = tpu.memref_slice %arg11[%scan3A_233, %swap3A_518, %swap3A_519] : memref<4x64x128xf32, #tpu.memory_space<vmem>> -> memref<1x64x128xf32, #tpu.memory_space<vmem>>
          %swap3A_521 = tpu.memref_squeeze %swap3A_520 : memref<1x64x128xf32, #tpu.memory_space<vmem>> -> memref<64x128xf32, #tpu.memory_space<vmem>>
          %swap3A_522 = arith.index_cast %add3A_509 : i32 to index
          %swap3A_523 = arith.constant 96 : index
          %swap3A_524 = tpu.vector_load %swap3A_521[%swap3A_522, %swap3A_523] {strides = array<i32>} : memref<64x128xf32, #tpu.memory_space<vmem>>, vector<16xf32>,
          tpu.vector_store %swap3A_521[%swap3A_522, %swap3A_523], %mul3A_517 {strides = array<i32>} : memref<64x128xf32, #tpu.memory_space<vmem>>, vector<16xf32>,
          %add3A_525 = arith.constant 1 : i32
          %add3A_526 = arith.addi %add3A_259, %add3A_525 : i32
          %get3A_527 = arith.constant 0 : i32
          %get3A_528 = arith.constant 0 : i32
          %get3A_529 = tpu.memref_slice %arg11[%scan3A_233, %get3A_527, %get3A_528] : memref<4x64x128xf32, #tpu.memory_space<vmem>> -> memref<1x64x128xf32, #tpu.memory_space<vmem>>
          %get3A_530 = tpu.memref_squeeze %get3A_529 : memref<1x64x128xf32, #tpu.memory_space<vmem>> -> memref<64x128xf32, #tpu.memory_space<vmem>>
          %get3A_531 = arith.index_cast %add3A_526 : i32 to index
          %get3A_532 = arith.constant 112 : index
          %get3A_533 = tpu.vector_load %get3A_530[%get3A_531, %get3A_532] {strides = array<i32>} : memref<64x128xf32, #tpu.memory_space<vmem>>, vector<16xf32>,
          %mul3A_534 = arith.mulf %get3A_533, %gather3A_405 : vector<16xf32>
          %swap3A_535 = arith.constant 0 : i32
          %swap3A_536 = arith.constant 0 : i32
          %swap3A_537 = tpu.memref_slice %arg11[%scan3A_233, %swap3A_535, %swap3A_536] : memref<4x64x128xf32, #tpu.memory_space<vmem>> -> memref<1x64x128xf32, #tpu.memory_space<vmem>>
          %swap3A_538 = tpu.memref_squeeze %swap3A_537 : memref<1x64x128xf32, #tpu.memory_space<vmem>> -> memref<64x128xf32, #tpu.memory_space<vmem>>
          %swap3A_539 = arith.index_cast %add3A_526 : i32 to index
          %swap3A_540 = arith.constant 112 : index
          %swap3A_541 = tpu.vector_load %swap3A_538[%swap3A_539, %swap3A_540] {strides = array<i32>} : memref<64x128xf32, #tpu.memory_space<vmem>>, vector<16xf32>,
          tpu.vector_store %swap3A_538[%swap3A_539, %swap3A_540], %mul3A_534 {strides = array<i32>} : memref<64x128xf32, #tpu.memory_space<vmem>>, vector<16xf32>,
          %mul3A_542 = arith.constant 64 : i32
          %mul3A_543 = arith.muli %add3A_221, %mul3A_542 : i32
          %add3A_544 = arith.addi %mul3A_543, %add3A_259 : i32
          %add3A_545 = arith.constant 2 : i32
          %add3A_546 = arith.addi %add3A_544, %add3A_545 : i32
          %broadcast_in_dim3A_547 = vector.broadcast %add3A_546 : i32 to vector<16xi32>
          %gather3A_548 = tpu.vector_load_idx %arg10[%broadcast_in_dim3A_547] : memref<2560xf32, #tpu.memory_space<vmem>>[vector<16xi32>], vector<16xf32>,
          %add3A_549 = arith.constant 2 : i32
          %add3A_550 = arith.addi %add3A_259, %add3A_549 : i32
          %get3A_551 = arith.constant 0 : i32
          %get3A_552 = arith.constant 0 : i32
          %get3A_553 = tpu.memref_slice %arg11[%scan3A_233, %get3A_551, %get3A_552] : memref<4x64x128xf32, #tpu.memory_space<vmem>> -> memref<1x64x128xf32, #tpu.memory_space<vmem>>
          %get3A_554 = tpu.memref_squeeze %get3A_553 : memref<1x64x128xf32, #tpu.memory_space<vmem>> -> memref<64x128xf32, #tpu.memory_space<vmem>>
          %get3A_555 = arith.index_cast %add3A_550 : i32 to index
          %get3A_556 = arith.constant 0 : index
          %get3A_557 = tpu.vector_load %get3A_554[%get3A_555, %get3A_556] {strides = array<i32>} : memref<64x128xf32, #tpu.memory_space<vmem>>, vector<16xf32>,
          %mul3A_558 = arith.mulf %get3A_557, %gather3A_548 : vector<16xf32>
          %swap3A_559 = arith.constant 0 : i32
          %swap3A_560 = arith.constant 0 : i32
          %swap3A_561 = tpu.memref_slice %arg11[%scan3A_233, %swap3A_559, %swap3A_560] : memref<4x64x128xf32, #tpu.memory_space<vmem>> -> memref<1x64x128xf32, #tpu.memory_space<vmem>>
          %swap3A_562 = tpu.memref_squeeze %swap3A_561 : memref<1x64x128xf32, #tpu.memory_space<vmem>> -> memref<64x128xf32, #tpu.memory_space<vmem>>
          %swap3A_563 = arith.index_cast %add3A_550 : i32 to index
          %swap3A_564 = arith.constant 0 : index
          %swap3A_565 = tpu.vector_load %swap3A_562[%swap3A_563, %swap3A_564] {strides = array<i32>} : memref<64x128xf32, #tpu.memory_space<vmem>>, vector<16xf32>,
          tpu.vector_store %swap3A_562[%swap3A_563, %swap3A_564], %mul3A_558 {strides = array<i32>} : memref<64x128xf32, #tpu.memory_space<vmem>>, vector<16xf32>,
          %add3A_566 = arith.constant 2 : i32
          %add3A_567 = arith.addi %add3A_259, %add3A_566 : i32
          %get3A_568 = arith.constant 0 : i32
          %get3A_569 = arith.constant 0 : i32
          %get3A_570 = tpu.memref_slice %arg11[%scan3A_233, %get3A_568, %get3A_569] : memref<4x64x128xf32, #tpu.memory_space<vmem>> -> memref<1x64x128xf32, #tpu.memory_space<vmem>>
          %get3A_571 = tpu.memref_squeeze %get3A_570 : memref<1x64x128xf32, #tpu.memory_space<vmem>> -> memref<64x128xf32, #tpu.memory_space<vmem>>
          %get3A_572 = arith.index_cast %add3A_567 : i32 to index
          %get3A_573 = arith.constant 16 : index
          %get3A_574 = tpu.vector_load %get3A_571[%get3A_572, %get3A_573] {strides = array<i32>} : memref<64x128xf32, #tpu.memory_space<vmem>>, vector<16xf32>,
          %mul3A_575 = arith.mulf %get3A_574, %gather3A_548 : vector<16xf32>
          %swap3A_576 = arith.constant 0 : i32
          %swap3A_577 = arith.constant 0 : i32
          %swap3A_578 = tpu.memref_slice %arg11[%scan3A_233, %swap3A_576, %swap3A_577] : memref<4x64x128xf32, #tpu.memory_space<vmem>> -> memref<1x64x128xf32, #tpu.memory_space<vmem>>
          %swap3A_579 = tpu.memref_squeeze %swap3A_578 : memref<1x64x128xf32, #tpu.memory_space<vmem>> -> memref<64x128xf32, #tpu.memory_space<vmem>>
          %swap3A_580 = arith.index_cast %add3A_567 : i32 to index
          %swap3A_581 = arith.constant 16 : index
          %swap3A_582 = tpu.vector_load %swap3A_579[%swap3A_580, %swap3A_581] {strides = array<i32>} : memref<64x128xf32, #tpu.memory_space<vmem>>, vector<16xf32>,
          tpu.vector_store %swap3A_579[%swap3A_580, %swap3A_581], %mul3A_575 {strides = array<i32>} : memref<64x128xf32, #tpu.memory_space<vmem>>, vector<16xf32>,
          %add3A_583 = arith.constant 2 : i32
          %add3A_584 = arith.addi %add3A_259, %add3A_583 : i32
          %get3A_585 = arith.constant 0 : i32
          %get3A_586 = arith.constant 0 : i32
          %get3A_587 = tpu.memref_slice %arg11[%scan3A_233, %get3A_585, %get3A_586] : memref<4x64x128xf32, #tpu.memory_space<vmem>> -> memref<1x64x128xf32, #tpu.memory_space<vmem>>
          %get3A_588 = tpu.memref_squeeze %get3A_587 : memref<1x64x128xf32, #tpu.memory_space<vmem>> -> memref<64x128xf32, #tpu.memory_space<vmem>>
          %get3A_589 = arith.index_cast %add3A_584 : i32 to index
          %get3A_590 = arith.constant 32 : index
          %get3A_591 = tpu.vector_load %get3A_588[%get3A_589, %get3A_590] {strides = array<i32>} : memref<64x128xf32, #tpu.memory_space<vmem>>, vector<16xf32>,
          %mul3A_592 = arith.mulf %get3A_591, %gather3A_548 : vector<16xf32>
          %swap3A_593 = arith.constant 0 : i32
          %swap3A_594 = arith.constant 0 : i32
          %swap3A_595 = tpu.memref_slice %arg11[%scan3A_233, %swap3A_593, %swap3A_594] : memref<4x64x128xf32, #tpu.memory_space<vmem>> -> memref<1x64x128xf32, #tpu.memory_space<vmem>>
          %swap3A_596 = tpu.memref_squeeze %swap3A_595 : memref<1x64x128xf32, #tpu.memory_space<vmem>> -> memref<64x128xf32, #tpu.memory_space<vmem>>
          %swap3A_597 = arith.index_cast %add3A_584 : i32 to index
          %swap3A_598 = arith.constant 32 : index
          %swap3A_599 = tpu.vector_load %swap3A_596[%swap3A_597, %swap3A_598] {strides = array<i32>} : memref<64x128xf32, #tpu.memory_space<vmem>>, vector<16xf32>,
          tpu.vector_store %swap3A_596[%swap3A_597, %swap3A_598], %mul3A_592 {strides = array<i32>} : memref<64x128xf32, #tpu.memory_space<vmem>>, vector<16xf32>,
          %add3A_600 = arith.constant 2 : i32
          %add3A_601 = arith.addi %add3A_259, %add3A_600 : i32
          %get3A_602 = arith.constant 0 : i32
          %get3A_603 = arith.constant 0 : i32
          %get3A_604 = tpu.memref_slice %arg11[%scan3A_233, %get3A_602, %get3A_603] : memref<4x64x128xf32, #tpu.memory_space<vmem>> -> memref<1x64x128xf32, #tpu.memory_space<vmem>>
          %get3A_605 = tpu.memref_squeeze %get3A_604 : memref<1x64x128xf32, #tpu.memory_space<vmem>> -> memref<64x128xf32, #tpu.memory_space<vmem>>
          %get3A_606 = arith.index_cast %add3A_601 : i32 to index
          %get3A_607 = arith.constant 48 : index
          %get3A_608 = tpu.vector_load %get3A_605[%get3A_606, %get3A_607] {strides = array<i32>} : memref<64x128xf32, #tpu.memory_space<vmem>>, vector<16xf32>,
          %mul3A_609 = arith.mulf %get3A_608, %gather3A_548 : vector<16xf32>
          %swap3A_610 = arith.constant 0 : i32
          %swap3A_611 = arith.constant 0 : i32
          %swap3A_612 = tpu.memref_slice %arg11[%scan3A_233, %swap3A_610, %swap3A_611] : memref<4x64x128xf32, #tpu.memory_space<vmem>> -> memref<1x64x128xf32, #tpu.memory_space<vmem>>
          %swap3A_613 = tpu.memref_squeeze %swap3A_612 : memref<1x64x128xf32, #tpu.memory_space<vmem>> -> memref<64x128xf32, #tpu.memory_space<vmem>>
          %swap3A_614 = arith.index_cast %add3A_601 : i32 to index
          %swap3A_615 = arith.constant 48 : index
          %swap3A_616 = tpu.vector_load %swap3A_613[%swap3A_614, %swap3A_615] {strides = array<i32>} : memref<64x128xf32, #tpu.memory_space<vmem>>, vector<16xf32>,
          tpu.vector_store %swap3A_613[%swap3A_614, %swap3A_615], %mul3A_609 {strides = array<i32>} : memref<64x128xf32, #tpu.memory_space<vmem>>, vector<16xf32>,
          %add3A_617 = arith.constant 2 : i32
          %add3A_618 = arith.addi %add3A_259, %add3A_617 : i32
          %get3A_619 = arith.constant 0 : i32
          %get3A_620 = arith.constant 0 : i32
          %get3A_621 = tpu.memref_slice %arg11[%scan3A_233, %get3A_619, %get3A_620] : memref<4x64x128xf32, #tpu.memory_space<vmem>> -> memref<1x64x128xf32, #tpu.memory_space<vmem>>
          %get3A_622 = tpu.memref_squeeze %get3A_621 : memref<1x64x128xf32, #tpu.memory_space<vmem>> -> memref<64x128xf32, #tpu.memory_space<vmem>>
          %get3A_623 = arith.index_cast %add3A_618 : i32 to index
          %get3A_624 = arith.constant 64 : index
          %get3A_625 = tpu.vector_load %get3A_622[%get3A_623, %get3A_624] {strides = array<i32>} : memref<64x128xf32, #tpu.memory_space<vmem>>, vector<16xf32>,
          %mul3A_626 = arith.mulf %get3A_625, %gather3A_548 : vector<16xf32>
          %swap3A_627 = arith.constant 0 : i32
          %swap3A_628 = arith.constant 0 : i32
          %swap3A_629 = tpu.memref_slice %arg11[%scan3A_233, %swap3A_627, %swap3A_628] : memref<4x64x128xf32, #tpu.memory_space<vmem>> -> memref<1x64x128xf32, #tpu.memory_space<vmem>>
          %swap3A_630 = tpu.memref_squeeze %swap3A_629 : memref<1x64x128xf32, #tpu.memory_space<vmem>> -> memref<64x128xf32, #tpu.memory_space<vmem>>
          %swap3A_631 = arith.index_cast %add3A_618 : i32 to index
          %swap3A_632 = arith.constant 64 : index
          %swap3A_633 = tpu.vector_load %swap3A_630[%swap3A_631, %swap3A_632] {strides = array<i32>} : memref<64x128xf32, #tpu.memory_space<vmem>>, vector<16xf32>,
          tpu.vector_store %swap3A_630[%swap3A_631, %swap3A_632], %mul3A_626 {strides = array<i32>} : memref<64x128xf32, #tpu.memory_space<vmem>>, vector<16xf32>,
          %add3A_634 = arith.constant 2 : i32
          %add3A_635 = arith.addi %add3A_259, %add3A_634 : i32
          %get3A_636 = arith.constant 0 : i32
          %get3A_637 = arith.constant 0 : i32
          %get3A_638 = tpu.memref_slice %arg11[%scan3A_233, %get3A_636, %get3A_637] : memref<4x64x128xf32, #tpu.memory_space<vmem>> -> memref<1x64x128xf32, #tpu.memory_space<vmem>>
          %get3A_639 = tpu.memref_squeeze %get3A_638 : memref<1x64x128xf32, #tpu.memory_space<vmem>> -> memref<64x128xf32, #tpu.memory_space<vmem>>
          %get3A_640 = arith.index_cast %add3A_635 : i32 to index
          %get3A_641 = arith.constant 80 : index
          %get3A_642 = tpu.vector_load %get3A_639[%get3A_640, %get3A_641] {strides = array<i32>} : memref<64x128xf32, #tpu.memory_space<vmem>>, vector<16xf32>,
          %mul3A_643 = arith.mulf %get3A_642, %gather3A_548 : vector<16xf32>
          %swap3A_644 = arith.constant 0 : i32
          %swap3A_645 = arith.constant 0 : i32
          %swap3A_646 = tpu.memref_slice %arg11[%scan3A_233, %swap3A_644, %swap3A_645] : memref<4x64x128xf32, #tpu.memory_space<vmem>> -> memref<1x64x128xf32, #tpu.memory_space<vmem>>
          %swap3A_647 = tpu.memref_squeeze %swap3A_646 : memref<1x64x128xf32, #tpu.memory_space<vmem>> -> memref<64x128xf32, #tpu.memory_space<vmem>>
          %swap3A_648 = arith.index_cast %add3A_635 : i32 to index
          %swap3A_649 = arith.constant 80 : index
          %swap3A_650 = tpu.vector_load %swap3A_647[%swap3A_648, %swap3A_649] {strides = array<i32>} : memref<64x128xf32, #tpu.memory_space<vmem>>, vector<16xf32>,
          tpu.vector_store %swap3A_647[%swap3A_648, %swap3A_649], %mul3A_643 {strides = array<i32>} : memref<64x128xf32, #tpu.memory_space<vmem>>, vector<16xf32>,
          %add3A_651 = arith.constant 2 : i32
          %add3A_652 = arith.addi %add3A_259, %add3A_651 : i32
          %get3A_653 = arith.constant 0 : i32
          %get3A_654 = arith.constant 0 : i32
          %get3A_655 = tpu.memref_slice %arg11[%scan3A_233, %get3A_653, %get3A_654] : memref<4x64x128xf32, #tpu.memory_space<vmem>> -> memref<1x64x128xf32, #tpu.memory_space<vmem>>
          %get3A_656 = tpu.memref_squeeze %get3A_655 : memref<1x64x128xf32, #tpu.memory_space<vmem>> -> memref<64x128xf32, #tpu.memory_space<vmem>>
          %get3A_657 = arith.index_cast %add3A_652 : i32 to index
          %get3A_658 = arith.constant 96 : index
          %get3A_659 = tpu.vector_load %get3A_656[%get3A_657, %get3A_658] {strides = array<i32>} : memref<64x128xf32, #tpu.memory_space<vmem>>, vector<16xf32>,
          %mul3A_660 = arith.mulf %get3A_659, %gather3A_548 : vector<16xf32>
          %swap3A_661 = arith.constant 0 : i32
          %swap3A_662 = arith.constant 0 : i32
          %swap3A_663 = tpu.memref_slice %arg11[%scan3A_233, %swap3A_661, %swap3A_662] : memref<4x64x128xf32, #tpu.memory_space<vmem>> -> memref<1x64x128xf32, #tpu.memory_space<vmem>>
          %swap3A_664 = tpu.memref_squeeze %swap3A_663 : memref<1x64x128xf32, #tpu.memory_space<vmem>> -> memref<64x128xf32, #tpu.memory_space<vmem>>
          %swap3A_665 = arith.index_cast %add3A_652 : i32 to index
          %swap3A_666 = arith.constant 96 : index
          %swap3A_667 = tpu.vector_load %swap3A_664[%swap3A_665, %swap3A_666] {strides = array<i32>} : memref<64x128xf32, #tpu.memory_space<vmem>>, vector<16xf32>,
          tpu.vector_store %swap3A_664[%swap3A_665, %swap3A_666], %mul3A_660 {strides = array<i32>} : memref<64x128xf32, #tpu.memory_space<vmem>>, vector<16xf32>,
          %add3A_668 = arith.constant 2 : i32
          %add3A_669 = arith.addi %add3A_259, %add3A_668 : i32
          %get3A_670 = arith.constant 0 : i32
          %get3A_671 = arith.constant 0 : i32
          %get3A_672 = tpu.memref_slice %arg11[%scan3A_233, %get3A_670, %get3A_671] : memref<4x64x128xf32, #tpu.memory_space<vmem>> -> memref<1x64x128xf32, #tpu.memory_space<vmem>>
          %get3A_673 = tpu.memref_squeeze %get3A_672 : memref<1x64x128xf32, #tpu.memory_space<vmem>> -> memref<64x128xf32, #tpu.memory_space<vmem>>
          %get3A_674 = arith.index_cast %add3A_669 : i32 to index
          %get3A_675 = arith.constant 112 : index
          %get3A_676 = tpu.vector_load %get3A_673[%get3A_674, %get3A_675] {strides = array<i32>} : memref<64x128xf32, #tpu.memory_space<vmem>>, vector<16xf32>,
          %mul3A_677 = arith.mulf %get3A_676, %gather3A_548 : vector<16xf32>
          %swap3A_678 = arith.constant 0 : i32
          %swap3A_679 = arith.constant 0 : i32
          %swap3A_680 = tpu.memref_slice %arg11[%scan3A_233, %swap3A_678, %swap3A_679] : memref<4x64x128xf32, #tpu.memory_space<vmem>> -> memref<1x64x128xf32, #tpu.memory_space<vmem>>
          %swap3A_681 = tpu.memref_squeeze %swap3A_680 : memref<1x64x128xf32, #tpu.memory_space<vmem>> -> memref<64x128xf32, #tpu.memory_space<vmem>>
          %swap3A_682 = arith.index_cast %add3A_669 : i32 to index
          %swap3A_683 = arith.constant 112 : index
          %swap3A_684 = tpu.vector_load %swap3A_681[%swap3A_682, %swap3A_683] {strides = array<i32>} : memref<64x128xf32, #tpu.memory_space<vmem>>, vector<16xf32>,
          tpu.vector_store %swap3A_681[%swap3A_682, %swap3A_683], %mul3A_677 {strides = array<i32>} : memref<64x128xf32, #tpu.memory_space<vmem>>, vector<16xf32>,
          %mul3A_685 = arith.constant 64 : i32
          %mul3A_686 = arith.muli %add3A_221, %mul3A_685 : i32
          %add3A_687 = arith.addi %mul3A_686, %add3A_259 : i32
          %add3A_688 = arith.constant 3 : i32
          %add3A_689 = arith.addi %add3A_687, %add3A_688 : i32
          %broadcast_in_dim3A_690 = vector.broadcast %add3A_689 : i32 to vector<16xi32>
          %gather3A_691 = tpu.vector_load_idx %arg10[%broadcast_in_dim3A_690] : memref<2560xf32, #tpu.memory_space<vmem>>[vector<16xi32>], vector<16xf32>,
          %add3A_692 = arith.constant 3 : i32
          %add3A_693 = arith.addi %add3A_259, %add3A_692 : i32
          %get3A_694 = arith.constant 0 : i32
          %get3A_695 = arith.constant 0 : i32
          %get3A_696 = tpu.memref_slice %arg11[%scan3A_233, %get3A_694, %get3A_695] : memref<4x64x128xf32, #tpu.memory_space<vmem>> -> memref<1x64x128xf32, #tpu.memory_space<vmem>>
          %get3A_697 = tpu.memref_squeeze %get3A_696 : memref<1x64x128xf32, #tpu.memory_space<vmem>> -> memref<64x128xf32, #tpu.memory_space<vmem>>
          %get3A_698 = arith.index_cast %add3A_693 : i32 to index
          %get3A_699 = arith.constant 0 : index
          %get3A_700 = tpu.vector_load %get3A_697[%get3A_698, %get3A_699] {strides = array<i32>} : memref<64x128xf32, #tpu.memory_space<vmem>>, vector<16xf32>,
          %mul3A_701 = arith.mulf %get3A_700, %gather3A_691 : vector<16xf32>
          %swap3A_702 = arith.constant 0 : i32
          %swap3A_703 = arith.constant 0 : i32
          %swap3A_704 = tpu.memref_slice %arg11[%scan3A_233, %swap3A_702, %swap3A_703] : memref<4x64x128xf32, #tpu.memory_space<vmem>> -> memref<1x64x128xf32, #tpu.memory_space<vmem>>
          %swap3A_705 = tpu.memref_squeeze %swap3A_704 : memref<1x64x128xf32, #tpu.memory_space<vmem>> -> memref<64x128xf32, #tpu.memory_space<vmem>>
          %swap3A_706 = arith.index_cast %add3A_693 : i32 to index
          %swap3A_707 = arith.constant 0 : index
          %swap3A_708 = tpu.vector_load %swap3A_705[%swap3A_706, %swap3A_707] {strides = array<i32>} : memref<64x128xf32, #tpu.memory_space<vmem>>, vector<16xf32>,
          tpu.vector_store %swap3A_705[%swap3A_706, %swap3A_707], %mul3A_701 {strides = array<i32>} : memref<64x128xf32, #tpu.memory_space<vmem>>, vector<16xf32>,
          %add3A_709 = arith.constant 3 : i32
          %add3A_710 = arith.addi %add3A_259, %add3A_709 : i32
          %get3A_711 = arith.constant 0 : i32
          %get3A_712 = arith.constant 0 : i32
          %get3A_713 = tpu.memref_slice %arg11[%scan3A_233, %get3A_711, %get3A_712] : memref<4x64x128xf32, #tpu.memory_space<vmem>> -> memref<1x64x128xf32, #tpu.memory_space<vmem>>
          %get3A_714 = tpu.memref_squeeze %get3A_713 : memref<1x64x128xf32, #tpu.memory_space<vmem>> -> memref<64x128xf32, #tpu.memory_space<vmem>>
          %get3A_715 = arith.index_cast %add3A_710 : i32 to index
          %get3A_716 = arith.constant 16 : index
          %get3A_717 = tpu.vector_load %get3A_714[%get3A_715, %get3A_716] {strides = array<i32>} : memref<64x128xf32, #tpu.memory_space<vmem>>, vector<16xf32>,
          %mul3A_718 = arith.mulf %get3A_717, %gather3A_691 : vector<16xf32>
          %swap3A_719 = arith.constant 0 : i32
          %swap3A_720 = arith.constant 0 : i32
          %swap3A_721 = tpu.memref_slice %arg11[%scan3A_233, %swap3A_719, %swap3A_720] : memref<4x64x128xf32, #tpu.memory_space<vmem>> -> memref<1x64x128xf32, #tpu.memory_space<vmem>>
          %swap3A_722 = tpu.memref_squeeze %swap3A_721 : memref<1x64x128xf32, #tpu.memory_space<vmem>> -> memref<64x128xf32, #tpu.memory_space<vmem>>
          %swap3A_723 = arith.index_cast %add3A_710 : i32 to index
          %swap3A_724 = arith.constant 16 : index
          %swap3A_725 = tpu.vector_load %swap3A_722[%swap3A_723, %swap3A_724] {strides = array<i32>} : memref<64x128xf32, #tpu.memory_space<vmem>>, vector<16xf32>,
          tpu.vector_store %swap3A_722[%swap3A_723, %swap3A_724], %mul3A_718 {strides = array<i32>} : memref<64x128xf32, #tpu.memory_space<vmem>>, vector<16xf32>,
          %add3A_726 = arith.constant 3 : i32
          %add3A_727 = arith.addi %add3A_259, %add3A_726 : i32
          %get3A_728 = arith.constant 0 : i32
          %get3A_729 = arith.constant 0 : i32
          %get3A_730 = tpu.memref_slice %arg11[%scan3A_233, %get3A_728, %get3A_729] : memref<4x64x128xf32, #tpu.memory_space<vmem>> -> memref<1x64x128xf32, #tpu.memory_space<vmem>>
          %get3A_731 = tpu.memref_squeeze %get3A_730 : memref<1x64x128xf32, #tpu.memory_space<vmem>> -> memref<64x128xf32, #tpu.memory_space<vmem>>
          %get3A_732 = arith.index_cast %add3A_727 : i32 to index
          %get3A_733 = arith.constant 32 : index
          %get3A_734 = tpu.vector_load %get3A_731[%get3A_732, %get3A_733] {strides = array<i32>} : memref<64x128xf32, #tpu.memory_space<vmem>>, vector<16xf32>,
          %mul3A_735 = arith.mulf %get3A_734, %gather3A_691 : vector<16xf32>
          %swap3A_736 = arith.constant 0 : i32
          %swap3A_737 = arith.constant 0 : i32
          %swap3A_738 = tpu.memref_slice %arg11[%scan3A_233, %swap3A_736, %swap3A_737] : memref<4x64x128xf32, #tpu.memory_space<vmem>> -> memref<1x64x128xf32, #tpu.memory_space<vmem>>
          %swap3A_739 = tpu.memref_squeeze %swap3A_738 : memref<1x64x128xf32, #tpu.memory_space<vmem>> -> memref<64x128xf32, #tpu.memory_space<vmem>>
          %swap3A_740 = arith.index_cast %add3A_727 : i32 to index
          %swap3A_741 = arith.constant 32 : index
          %swap3A_742 = tpu.vector_load %swap3A_739[%swap3A_740, %swap3A_741] {strides = array<i32>} : memref<64x128xf32, #tpu.memory_space<vmem>>, vector<16xf32>,
          tpu.vector_store %swap3A_739[%swap3A_740, %swap3A_741], %mul3A_735 {strides = array<i32>} : memref<64x128xf32, #tpu.memory_space<vmem>>, vector<16xf32>,
          %add3A_743 = arith.constant 3 : i32
          %add3A_744 = arith.addi %add3A_259, %add3A_743 : i32
          %get3A_745 = arith.constant 0 : i32
          %get3A_746 = arith.constant 0 : i32
          %get3A_747 = tpu.memref_slice %arg11[%scan3A_233, %get3A_745, %get3A_746] : memref<4x64x128xf32, #tpu.memory_space<vmem>> -> memref<1x64x128xf32, #tpu.memory_space<vmem>>
          %get3A_748 = tpu.memref_squeeze %get3A_747 : memref<1x64x128xf32, #tpu.memory_space<vmem>> -> memref<64x128xf32, #tpu.memory_space<vmem>>
          %get3A_749 = arith.index_cast %add3A_744 : i32 to index
          %get3A_750 = arith.constant 48 : index
          %get3A_751 = tpu.vector_load %get3A_748[%get3A_749, %get3A_750] {strides = array<i32>} : memref<64x128xf32, #tpu.memory_space<vmem>>, vector<16xf32>,
          %mul3A_752 = arith.mulf %get3A_751, %gather3A_691 : vector<16xf32>
          %swap3A_753 = arith.constant 0 : i32
          %swap3A_754 = arith.constant 0 : i32
          %swap3A_755 = tpu.memref_slice %arg11[%scan3A_233, %swap3A_753, %swap3A_754] : memref<4x64x128xf32, #tpu.memory_space<vmem>> -> memref<1x64x128xf32, #tpu.memory_space<vmem>>
          %swap3A_756 = tpu.memref_squeeze %swap3A_755 : memref<1x64x128xf32, #tpu.memory_space<vmem>> -> memref<64x128xf32, #tpu.memory_space<vmem>>
          %swap3A_757 = arith.index_cast %add3A_744 : i32 to index
          %swap3A_758 = arith.constant 48 : index
          %swap3A_759 = tpu.vector_load %swap3A_756[%swap3A_757, %swap3A_758] {strides = array<i32>} : memref<64x128xf32, #tpu.memory_space<vmem>>, vector<16xf32>,
          tpu.vector_store %swap3A_756[%swap3A_757, %swap3A_758], %mul3A_752 {strides = array<i32>} : memref<64x128xf32, #tpu.memory_space<vmem>>, vector<16xf32>,
          %add3A_760 = arith.constant 3 : i32
          %add3A_761 = arith.addi %add3A_259, %add3A_760 : i32
          %get3A_762 = arith.constant 0 : i32
          %get3A_763 = arith.constant 0 : i32
          %get3A_764 = tpu.memref_slice %arg11[%scan3A_233, %get3A_762, %get3A_763] : memref<4x64x128xf32, #tpu.memory_space<vmem>> -> memref<1x64x128xf32, #tpu.memory_space<vmem>>
          %get3A_765 = tpu.memref_squeeze %get3A_764 : memref<1x64x128xf32, #tpu.memory_space<vmem>> -> memref<64x128xf32, #tpu.memory_space<vmem>>
          %get3A_766 = arith.index_cast %add3A_761 : i32 to index
          %get3A_767 = arith.constant 64 : index
          %get3A_768 = tpu.vector_load %get3A_765[%get3A_766, %get3A_767] {strides = array<i32>} : memref<64x128xf32, #tpu.memory_space<vmem>>, vector<16xf32>,
          %mul3A_769 = arith.mulf %get3A_768, %gather3A_691 : vector<16xf32>
          %swap3A_770 = arith.constant 0 : i32
          %swap3A_771 = arith.constant 0 : i32
          %swap3A_772 = tpu.memref_slice %arg11[%scan3A_233, %swap3A_770, %swap3A_771] : memref<4x64x128xf32, #tpu.memory_space<vmem>> -> memref<1x64x128xf32, #tpu.memory_space<vmem>>
          %swap3A_773 = tpu.memref_squeeze %swap3A_772 : memref<1x64x128xf32, #tpu.memory_space<vmem>> -> memref<64x128xf32, #tpu.memory_space<vmem>>
          %swap3A_774 = arith.index_cast %add3A_761 : i32 to index
          %swap3A_775 = arith.constant 64 : index
          %swap3A_776 = tpu.vector_load %swap3A_773[%swap3A_774, %swap3A_775] {strides = array<i32>} : memref<64x128xf32, #tpu.memory_space<vmem>>, vector<16xf32>,
          tpu.vector_store %swap3A_773[%swap3A_774, %swap3A_775], %mul3A_769 {strides = array<i32>} : memref<64x128xf32, #tpu.memory_space<vmem>>, vector<16xf32>,
          %add3A_777 = arith.constant 3 : i32
          %add3A_778 = arith.addi %add3A_259, %add3A_777 : i32
          %get3A_779 = arith.constant 0 : i32
          %get3A_780 = arith.constant 0 : i32
          %get3A_781 = tpu.memref_slice %arg11[%scan3A_233, %get3A_779, %get3A_780] : memref<4x64x128xf32, #tpu.memory_space<vmem>> -> memref<1x64x128xf32, #tpu.memory_space<vmem>>
          %get3A_782 = tpu.memref_squeeze %get3A_781 : memref<1x64x128xf32, #tpu.memory_space<vmem>> -> memref<64x128xf32, #tpu.memory_space<vmem>>
          %get3A_783 = arith.index_cast %add3A_778 : i32 to index
          %get3A_784 = arith.constant 80 : index
          %get3A_785 = tpu.vector_load %get3A_782[%get3A_783, %get3A_784] {strides = array<i32>} : memref<64x128xf32, #tpu.memory_space<vmem>>, vector<16xf32>,
          %mul3A_786 = arith.mulf %get3A_785, %gather3A_691 : vector<16xf32>
          %swap3A_787 = arith.constant 0 : i32
          %swap3A_788 = arith.constant 0 : i32
          %swap3A_789 = tpu.memref_slice %arg11[%scan3A_233, %swap3A_787, %swap3A_788] : memref<4x64x128xf32, #tpu.memory_space<vmem>> -> memref<1x64x128xf32, #tpu.memory_space<vmem>>
          %swap3A_790 = tpu.memref_squeeze %swap3A_789 : memref<1x64x128xf32, #tpu.memory_space<vmem>> -> memref<64x128xf32, #tpu.memory_space<vmem>>
          %swap3A_791 = arith.index_cast %add3A_778 : i32 to index
          %swap3A_792 = arith.constant 80 : index
          %swap3A_793 = tpu.vector_load %swap3A_790[%swap3A_791, %swap3A_792] {strides = array<i32>} : memref<64x128xf32, #tpu.memory_space<vmem>>, vector<16xf32>,
          tpu.vector_store %swap3A_790[%swap3A_791, %swap3A_792], %mul3A_786 {strides = array<i32>} : memref<64x128xf32, #tpu.memory_space<vmem>>, vector<16xf32>,
          %add3A_794 = arith.constant 3 : i32
          %add3A_795 = arith.addi %add3A_259, %add3A_794 : i32
          %get3A_796 = arith.constant 0 : i32
          %get3A_797 = arith.constant 0 : i32
          %get3A_798 = tpu.memref_slice %arg11[%scan3A_233, %get3A_796, %get3A_797] : memref<4x64x128xf32, #tpu.memory_space<vmem>> -> memref<1x64x128xf32, #tpu.memory_space<vmem>>
          %get3A_799 = tpu.memref_squeeze %get3A_798 : memref<1x64x128xf32, #tpu.memory_space<vmem>> -> memref<64x128xf32, #tpu.memory_space<vmem>>
          %get3A_800 = arith.index_cast %add3A_795 : i32 to index
          %get3A_801 = arith.constant 96 : index
          %get3A_802 = tpu.vector_load %get3A_799[%get3A_800, %get3A_801] {strides = array<i32>} : memref<64x128xf32, #tpu.memory_space<vmem>>, vector<16xf32>,
          %mul3A_803 = arith.mulf %get3A_802, %gather3A_691 : vector<16xf32>
          %swap3A_804 = arith.constant 0 : i32
          %swap3A_805 = arith.constant 0 : i32
          %swap3A_806 = tpu.memref_slice %arg11[%scan3A_233, %swap3A_804, %swap3A_805] : memref<4x64x128xf32, #tpu.memory_space<vmem>> -> memref<1x64x128xf32, #tpu.memory_space<vmem>>
          %swap3A_807 = tpu.memref_squeeze %swap3A_806 : memref<1x64x128xf32, #tpu.memory_space<vmem>> -> memref<64x128xf32, #tpu.memory_space<vmem>>
          %swap3A_808 = arith.index_cast %add3A_795 : i32 to index
          %swap3A_809 = arith.constant 96 : index
          %swap3A_810 = tpu.vector_load %swap3A_807[%swap3A_808, %swap3A_809] {strides = array<i32>} : memref<64x128xf32, #tpu.memory_space<vmem>>, vector<16xf32>,
          tpu.vector_store %swap3A_807[%swap3A_808, %swap3A_809], %mul3A_803 {strides = array<i32>} : memref<64x128xf32, #tpu.memory_space<vmem>>, vector<16xf32>,
          %add3A_811 = arith.constant 3 : i32
          %add3A_812 = arith.addi %add3A_259, %add3A_811 : i32
          %get3A_813 = arith.constant 0 : i32
          %get3A_814 = arith.constant 0 : i32
          %get3A_815 = tpu.memref_slice %arg11[%scan3A_233, %get3A_813, %get3A_814] : memref<4x64x128xf32, #tpu.memory_space<vmem>> -> memref<1x64x128xf32, #tpu.memory_space<vmem>>
          %get3A_816 = tpu.memref_squeeze %get3A_815 : memref<1x64x128xf32, #tpu.memory_space<vmem>> -> memref<64x128xf32, #tpu.memory_space<vmem>>
          %get3A_817 = arith.index_cast %add3A_812 : i32 to index
          %get3A_818 = arith.constant 112 : index
          %get3A_819 = tpu.vector_load %get3A_816[%get3A_817, %get3A_818] {strides = array<i32>} : memref<64x128xf32, #tpu.memory_space<vmem>>, vector<16xf32>,
          %mul3A_820 = arith.mulf %get3A_819, %gather3A_691 : vector<16xf32>
          %swap3A_821 = arith.constant 0 : i32
          %swap3A_822 = arith.constant 0 : i32
          %swap3A_823 = tpu.memref_slice %arg11[%scan3A_233, %swap3A_821, %swap3A_822] : memref<4x64x128xf32, #tpu.memory_space<vmem>> -> memref<1x64x128xf32, #tpu.memory_space<vmem>>
          %swap3A_824 = tpu.memref_squeeze %swap3A_823 : memref<1x64x128xf32, #tpu.memory_space<vmem>> -> memref<64x128xf32, #tpu.memory_space<vmem>>
          %swap3A_825 = arith.index_cast %add3A_812 : i32 to index
          %swap3A_826 = arith.constant 112 : index
          %swap3A_827 = tpu.vector_load %swap3A_824[%swap3A_825, %swap3A_826] {strides = array<i32>} : memref<64x128xf32, #tpu.memory_space<vmem>>, vector<16xf32>,
          tpu.vector_store %swap3A_824[%swap3A_825, %swap3A_826], %mul3A_820 {strides = array<i32>} : memref<64x128xf32, #tpu.memory_space<vmem>>, vector<16xf32>,
        }
        %scan3A_238 = arith.constant 16 : i32
        %dma_start3A_239 = arith.constant 3 : i32
        %dma_start3A_240 = arith.constant 0 : i32
        %dma_start3A_241 = arith.constant 0 : i32
        %dma_start3A_242 = tpu.memref_slice %arg11[%dma_start3A_239, %dma_start3A_240, %dma_start3A_241] : memref<4x64x128xf32, #tpu.memory_space<vmem>> -> memref<1x64x128xf32, #tpu.memory_space<vmem>>
        %dma_start3A_243 = tpu.memref_squeeze %dma_start3A_242 : memref<1x64x128xf32, #tpu.memory_space<vmem>> -> memref<64x128xf32, #tpu.memory_space<vmem>>
        %dma_start3A_244 = arith.constant 0 : i32
        %dma_start3A_245 = tpu.memref_slice %arg9[%add3A_221, %dma_start3A_244] : memref<40x64xi32, #tpu.memory_space<vmem>> -> memref<1x64xi32, #tpu.memory_space<vmem>>
        %dma_start3A_246 = tpu.memref_squeeze %dma_start3A_245 : memref<1x64xi32, #tpu.memory_space<vmem>> -> memref<64xi32, #tpu.memory_space<vmem>>
        %dma_start3A_247 = arith.constant 0 : i32
        %dma_start3A_248 = arith.constant 0 : i32
        %dma_start3A_249 = tpu.memref_slice %arg12[%dma_start3A_247, %dma_start3A_248] : memref<10112x128xf32, #tpu.memory_space<vmem_shared>> -> memref<10112x128xf32, #tpu.memory_space<vmem_shared>>
        tpu.enqueue_indirect_dma source(%dma_start3A_243 : memref<64x128xf32, #tpu.memory_space<vmem>>) target(%dma_start3A_249 : memref<10112x128xf32, #tpu.memory_space<vmem_shared>>) offsets(%dma_start3A_246 : memref<64xi32, #tpu.memory_space<vmem>>) semaphore(%arg20 : memref<!tpu.dma_semaphore, #tpu.memory_space<semaphore_mem>>) {add = true}
        %ge3A_250 = arith.constant 1 : i32
        %ge3A_251 = arith.cmpi sge, %add3A_221, %ge3A_250 : i32
        %convert_element_type3A_252 = arith.extui %ge3A_251 : i1 to i32
        %cond3A_253 = arith.constant 0 : i32
        %cond3A_254 = arith.cmpi ne, %convert_element_type3A_252, %cond3A_253 : i32
        scf.if %cond3A_254 {
          %sub3A = arith.constant 1 : i32
          %sub3A_255 = arith.subi %add3A_221, %sub3A : i32
          %dma_wait3A_256 = arith.constant 2 : i32
          %dma_wait3A_257 = arith.constant 0 : i32
          %dma_wait3A_258 = arith.constant 0 : i32
          %dma_wait3A_259 = tpu.memref_slice %arg11[%dma_wait3A_256, %dma_wait3A_257, %dma_wait3A_258] : memref<4x64x128xf32, #tpu.memory_space<vmem>> -> memref<1x64x128xf32, #tpu.memory_space<vmem>>
          %dma_wait3A_260 = tpu.memref_squeeze %dma_wait3A_259 : memref<1x64x128xf32, #tpu.memory_space<vmem>> -> memref<64x128xf32, #tpu.memory_space<vmem>>
          %dma_wait3A_261 = arith.constant 0 : i32
          %dma_wait3A_262 = tpu.memref_slice %arg9[%sub3A_255, %dma_wait3A_261] : memref<40x64xi32, #tpu.memory_space<vmem>> -> memref<1x64xi32, #tpu.memory_space<vmem>>
          %dma_wait3A_263 = tpu.memref_squeeze %dma_wait3A_262 : memref<1x64xi32, #tpu.memory_space<vmem>> -> memref<64xi32, #tpu.memory_space<vmem>>
          %dma_wait3A_264 = arith.constant 0 : i32
          %dma_wait3A_265 = arith.constant 0 : i32
          %dma_wait3A_266 = tpu.memref_slice %arg12[%dma_wait3A_264, %dma_wait3A_265] : memref<10112x128xf32, #tpu.memory_space<vmem_shared>> -> memref<10112x128xf32, #tpu.memory_space<vmem_shared>>
          tpu.wait_indirect_dma semaphore(%arg19 : memref<!tpu.dma_semaphore, #tpu.memory_space<semaphore_mem>>) src(%dma_wait3A_260 : memref<64x128xf32, #tpu.memory_space<vmem>>) dst(%dma_wait3A_266 : memref<10112x128xf32, #tpu.memory_space<vmem_shared>>)
          %add3A_267 = arith.constant 3 : i32
          %add3A_268 = arith.addi %add3A_221, %add3A_267 : i32
          %lt3A = arith.constant 40 : i32
          %lt3A_269 = arith.cmpi slt, %add3A_268, %lt3A : i32
          %convert_element_type3A_270 = arith.extui %lt3A_269 : i1 to i32
          %cond3A_271 = arith.constant 0 : i32
          %cond3A_272 = arith.cmpi ne, %convert_element_type3A_270, %cond3A_271 : i32
          scf.if %cond3A_272 {
            %add3A_273 = arith.constant 3 : i32
            %add3A_274 = arith.addi %add3A_221, %add3A_273 : i32
            %mul3A_275 = arith.constant 64 : i32
            %mul3A_276 = arith.muli %add3A_274, %mul3A_275 : i32
            %dma_start3A_277 = arith.constant 2 : i32
            %dma_start3A_278 = arith.constant 0 : i32
            %dma_start3A_279 = arith.constant 0 : i32
            %dma_start3A_280 = tpu.memref_slice %arg11[%dma_start3A_277, %dma_start3A_278, %dma_start3A_279] : memref<4x64x128xf32, #tpu.memory_space<vmem>> -> memref<1x64x128xf32, #tpu.memory_space<vmem>>
            %dma_start3A_281 = tpu.memref_squeeze %dma_start3A_280 : memref<1x64x128xf32, #tpu.memory_space<vmem>> -> memref<64x128xf32, #tpu.memory_space<vmem>>
            %dma_start3A_282 = tpu.memref_slice %arg8[%mul3A_276] : memref<2560xi32, #tpu.memory_space<vmem>> -> memref<64xi32, #tpu.memory_space<vmem>>
            %dma_start3A_283 = arith.constant 0 : i32
            %dma_start3A_284 = arith.constant 0 : i32
            %dma_start3A_285 = tpu.memref_slice %arg2[%dma_start3A_283, %dma_start3A_284] : memref<10000x128xf32, #tpu.memory_space<hbm>> -> memref<10000x128xf32, #tpu.memory_space<hbm>>
            tpu.enqueue_indirect_dma source(%dma_start3A_285 : memref<10000x128xf32, #tpu.memory_space<hbm>>) target(%dma_start3A_281 : memref<64x128xf32, #tpu.memory_space<vmem>>) offsets(%dma_start3A_282 : memref<64xi32, #tpu.memory_space<vmem>>) semaphore(%arg15 : memref<!tpu.dma_semaphore, #tpu.memory_space<semaphore_mem>>)
          } else {
          }
        } else {
        }
      }
      %scan3A_100 = arith.constant 10 : i32
      %dma_wait3A_101 = arith.constant 3 : i32
      %dma_wait3A_102 = arith.constant 39 : i32
      %dma_wait3A_103 = arith.constant 0 : i32
      %dma_wait3A_104 = arith.constant 0 : i32
      %dma_wait3A_105 = tpu.memref_slice %arg11[%dma_wait3A_101, %dma_wait3A_103, %dma_wait3A_104] : memref<4x64x128xf32, #tpu.memory_space<vmem>> -> memref<1x64x128xf32, #tpu.memory_space<vmem>>
      %dma_wait3A_106 = tpu.memref_squeeze %dma_wait3A_105 : memref<1x64x128xf32, #tpu.memory_space<vmem>> -> memref<64x128xf32, #tpu.memory_space<vmem>>
      %dma_wait3A_107 = arith.constant 0 : i32
      %dma_wait3A_108 = tpu.memref_slice %arg9[%dma_wait3A_102, %dma_wait3A_107] : memref<40x64xi32, #tpu.memory_space<vmem>> -> memref<1x64xi32, #tpu.memory_space<vmem>>
      %dma_wait3A_109 = tpu.memref_squeeze %dma_wait3A_108 : memref<1x64xi32, #tpu.memory_space<vmem>> -> memref<64xi32, #tpu.memory_space<vmem>>
      %dma_wait3A_110 = arith.constant 0 : i32
      %dma_wait3A_111 = arith.constant 0 : i32
      %dma_wait3A_112 = tpu.memref_slice %arg12[%dma_wait3A_110, %dma_wait3A_111] : memref<10112x128xf32, #tpu.memory_space<vmem_shared>> -> memref<10112x128xf32, #tpu.memory_space<vmem_shared>>
      tpu.wait_indirect_dma semaphore(%arg20 : memref<!tpu.dma_semaphore, #tpu.memory_space<semaphore_mem>>) src(%dma_wait3A_106 : memref<64x128xf32, #tpu.memory_space<vmem>>) dst(%dma_wait3A_112 : memref<10112x128xf32, #tpu.memory_space<vmem_shared>>)
    }
    %scan3A_6 = arith.constant 4 : i32
    %barrier3A_7 = arith.constant 0 : index
    tpu.barrier barrier_id(%barrier3A_7)
    %mul3A_8 = arith.constant 10112 : i32
    %mul3A_9 = arith.muli %arg0, %mul3A_8 : i32
    %mul3A_10 = arith.constant 632 : i32
    %mul3A_11 = arith.muli %arg1, %mul3A_10 : i32
    %add3A_12 = arith.addi %mul3A_9, %mul3A_11 : i32
    "tpu.region"() ({
      %run_scoped3A = tpu.sem_alloc : memref<!tpu.dma_semaphore, #tpu.memory_space<semaphore_mem>>
      %dma_start3A = arith.constant 0 : i32
      %dma_start3A_13 = tpu.memref_slice %arg7[%add3A_12, %dma_start3A] : memref<20224x128xf32, #tpu.memory_space<hbm>> -> memref<632x128xf32, #tpu.memory_space<hbm>>
      %dma_start3A_14 = arith.constant 0 : i32
      %dma_start3A_15 = tpu.memref_slice %arg12[%mul3A_0, %dma_start3A_14] : memref<10112x128xf32, #tpu.memory_space<vmem_shared>> -> memref<632x128xf32, #tpu.memory_space<vmem_shared>>
      tpu.enqueue_dma source(%dma_start3A_15 : memref<632x128xf32, #tpu.memory_space<vmem_shared>>) target(%dma_start3A_13 : memref<632x128xf32, #tpu.memory_space<hbm>>) target_semaphore(%run_scoped3A : memref<!tpu.dma_semaphore, #tpu.memory_space<semaphore_mem>>)
      %dma_wait3A = arith.constant 0 : i32
      %dma_wait3A_16 = tpu.memref_slice %arg7[%add3A_12, %dma_wait3A] : memref<20224x128xf32, #tpu.memory_space<hbm>> -> memref<632x128xf32, #tpu.memory_space<hbm>>
      %dma_wait3A_17 = arith.constant 0 : i32
      %dma_wait3A_18 = tpu.memref_slice %arg12[%mul3A_0, %dma_wait3A_17] : memref<10112x128xf32, #tpu.memory_space<vmem_shared>> -> memref<632x128xf32, #tpu.memory_space<vmem_shared>>
      tpu.wait_dma2 semaphore(%run_scoped3A : memref<!tpu.dma_semaphore, #tpu.memory_space<semaphore_mem>>) src(%dma_wait3A_18 : memref<632x128xf32, #tpu.memory_space<vmem_shared>>) dst(%dma_wait3A_16 : memref<632x128xf32, #tpu.memory_space<hbm>>)
      tpu.yield
    }) : () -> ()
    return
  }
}

module attributes {stable_mosaic.version = 14 : i64} {
  func.func @body(%arg0: i32, %arg1: memref<2000x128xf32, #tpu.memory_space<vmem>>, %arg2: memref<128x128xf32, #tpu.memory_space<vmem>>, %arg3: memref<2000x128xf32, #tpu.memory_space<vmem>>) attributes {dimension_semantics = [#tpu.dimension_semantics<arbitrary>], iteration_bounds = array<i64: 5>, scalar_prefetch = 0 : i64, scratch_operands = 0 : i64, tpu.core_type = #tpu.core_type<tc>, window_params = [{transform_indices = @transform_0, window_bounds = array<i64: 2000, 128>}, {pipeline_mode = #tpu.pipeline_mode<synchronous>, transform_indices = @transform_1, window_bounds = array<i64: 128, 128>}, {transform_indices = @transform_2, window_bounds = array<i64: 2000, 128>}]} {
    %get3A = arith.constant 0 : index
    %get3A_0 = arith.constant 0 : index
    %get3A_1 = vector.load %arg1[%get3A, %get3A_0] : memref<2000x128xf32, #tpu.memory_space<vmem>>, vector<2000x128xf32>
    %get3A_2 = arith.constant 0 : index
    %get3A_3 = arith.constant 0 : index
    %get3A_4 = vector.load %arg2[%get3A_2, %get3A_3] : memref<128x128xf32, #tpu.memory_space<vmem>>, vector<128x128xf32>
    %dot_general3A = arith.constant dense<0.000000e+00> : vector<2000x128xf32>
    %dot_general3A_5 = tpu.matmul %get3A_1, %get3A_4, %dot_general3A {dimension_numbers = #tpu.dot_dimension_numbers<[1], [0], [0], [1], [0, 0, 1, 1], [], []>, precision = #tpu.contract_precision<fp32>, transpose_lhs_hint = false} : vector<2000x128xf32>, vector<128x128xf32>, vector<2000x128xf32> -> vector<2000x128xf32>
    %swap3A = arith.constant 0 : index
    %swap3A_6 = arith.constant 0 : index
    %swap3A_7 = vector.load %arg3[%swap3A, %swap3A_6] : memref<2000x128xf32, #tpu.memory_space<vmem>>, vector<2000x128xf32>
    tpu.vector_store %arg3[%swap3A, %swap3A_6], %dot_general3A_5 {strides = array<i32>} : memref<2000x128xf32, #tpu.memory_space<vmem>>, vector<2000x128xf32>,
    return
  }
  func.func @transform_0(%arg0: i32) -> (i32, i32) {
    %c0_i32 = arith.constant 0 : i32
    %c0_i32_0 = arith.constant 0 : i32
    return %arg0, %c0_i32 : i32, i32
  }
  func.func @transform_1(%arg0: i32) -> (i32, i32) {
    %c0_i32 = arith.constant 0 : i32
    %c0_i32_0 = arith.constant 0 : i32
    %c0_i32_1 = arith.constant 0 : i32
    return %c0_i32, %c0_i32_0 : i32, i32
  }
  func.func @transform_2(%arg0: i32) -> (i32, i32) {
    %c0_i32 = arith.constant 0 : i32
    %c0_i32_0 = arith.constant 0 : i32
    return %arg0, %c0_i32 : i32, i32
  }
}

module attributes {stable_mosaic.version = 14 : i64} {
  func.func @body(%arg0: i32, %arg1: memref<2x2000x128xf32, #tpu.memory_space<vmem>>, %arg2: memref<2000x128xf32, #tpu.memory_space<vmem>>) attributes {dimension_semantics = [#tpu.dimension_semantics<arbitrary>], iteration_bounds = array<i64: 5>, scalar_prefetch = 0 : i64, scratch_operands = 0 : i64, tpu.core_type = #tpu.core_type<tc>, window_params = [{transform_indices = @transform_0, window_bounds = array<i64: 2, 2000, 128>}, {transform_indices = @transform_1, window_bounds = array<i64: 2000, 128>}]} {
    %get3A = arith.constant 0 : index
    %get3A_0 = arith.constant 0 : index
    %get3A_1 = arith.constant 0 : index
    %get3A_2 = vector.load %arg1[%get3A, %get3A_0, %get3A_1] : memref<2x2000x128xf32, #tpu.memory_space<vmem>>, vector<1x2000x128xf32>
    %get3A_3 = vector.shape_cast %get3A_2 : vector<1x2000x128xf32> to vector<2000x128xf32>
    %get3A_4 = arith.constant 1 : index
    %get3A_5 = arith.constant 0 : index
    %get3A_6 = arith.constant 0 : index
    %get3A_7 = vector.load %arg1[%get3A_4, %get3A_5, %get3A_6] : memref<2x2000x128xf32, #tpu.memory_space<vmem>>, vector<1x2000x128xf32>
    %get3A_8 = vector.shape_cast %get3A_7 : vector<1x2000x128xf32> to vector<2000x128xf32>
    %add3A = arith.addf %get3A_3, %get3A_8 : vector<2000x128xf32>
    %max3A = arith.constant 0.000000e+00 : f32
    %max3A_9 = vector.broadcast %max3A : f32 to vector<2000x128xf32>
    %max3A_10 = arith.maximumf %add3A, %max3A_9 : vector<2000x128xf32>
    %swap3A = arith.constant 0 : index
    %swap3A_11 = arith.constant 0 : index
    %swap3A_12 = vector.load %arg2[%swap3A, %swap3A_11] : memref<2000x128xf32, #tpu.memory_space<vmem>>, vector<2000x128xf32>
    tpu.vector_store %arg2[%swap3A, %swap3A_11], %max3A_10 {strides = array<i32>} : memref<2000x128xf32, #tpu.memory_space<vmem>>, vector<2000x128xf32>,
    return
  }
  func.func @transform_0(%arg0: i32) -> (i32, i32, i32) {
    %c0_i32 = arith.constant 0 : i32
    %c0_i32_0 = arith.constant 0 : i32
    %c0_i32_1 = arith.constant 0 : i32
    return %c0_i32, %arg0, %c0_i32_0 : i32, i32, i32
  }
  func.func @transform_1(%arg0: i32) -> (i32, i32) {
    %c0_i32 = arith.constant 0 : i32
    %c0_i32_0 = arith.constant 0 : i32
    return %arg0, %c0_i32 : i32, i32
  }
}

</mosaic_0001>

<sc_bundles>
// kernel: kernel.5.cloned.1.call-start
scs
__scs_entry_jumppad:
0x0: {  	(pc) =	sbr.rel $0x88, $3  }
0x1: {  	(tag) =	ssettag $0x0;
	lr =	simm.s32 $0x1  }
0x2: {  	[smem:$0x3F9D] =	sst lr;
	_ =	strace $0xD0000000  }
0x3: {  	_ = 	snop  }
0x4: {  	_ = 	snop  }
0x5: {  	_ = 	snop  }
0x6: {  	_ = 	snop  }
0x7: {  	_ = 	snop  }
__scs_overlays_trampoline_lowered:
0x8: {  	[smem:$0x3FAC] =	sst s0  }
0x9: {  	[smem:$0x3FAD] =	sst s1  }
0xa: {  	[smem:$0x3FAE] =	sst s2  }
0xb: {  	[smem:$0x3FAF] =	sst s3  }
0xc: {  	[smem:$0x3FB0] =	sst s4  }
0xd: {  	[smem:$0x3FB1] =	sst s5  }
0xe: {  	[smem:$0x3FB2] =	sst s6  }
0xf: {  	[smem:$0x3FB3] =	sst s7  }
0x10: {  	[smem:$0x3FB4] =	sst s8  }
0x11: {  	[smem:$0x3FB5] =	sst s9;
	s0 =	simm.s32 @!p0 $0x0  }
0x12: {  	s1 =	sld [smem:$0x3F9B];
	s0 =	simm.s32 @p0 $0x1  }
0x13: {  	[smem:$0x3FB6] =	sst s0;
	s0 =	simm.s32 @!p1 $0x0  }
0x14: {  	s2 =	sld [smem:$0x3F9A];
	s0 =	simm.s32 @p1 $0x1  }
0x15: {  	[smem:$0x3FB7] =	sst s0;
	s0 =	simm.s32 @!p2 $0x0  }
0x16: {  	s3 =	sld [smem:$0x3FDB];
	s0 =	simm.s32 @p2 $0x1  }
0x17: {  	s4 =	simm.s32 $0x1BF5;
	[smem:$0x3FB9] =	sst s0  }
0x18: {  	s0 =	sld [smem:$0x3F9C];
	_ =	swait.ge [sflag:s4], $0x0  }
0x19: {  	s7 =	sld [smem:$0x3F9D]  }
0x1a: {  	s8 =	sadd.s32 $0xFFFFE003, lr  }
0x1b: {  	s9 =	sadd.s32 $0xFFFFFEF7, lr;
	s5 =	simm.s32 $0xFFFFFFFF;
	p2 =	slt.u32 s8, $0xFFFFF086  }
0x1c: {  	p1 =	slt.u32 s9, $0xF7A;
	s5 =	simm.s32 @!p2 $0x0  }
0x1d: {  	s5 =	simm.s32 @p1 $0x1;
	p0 =	seq.s32 s7, s2  }
0x1e: {  	s7 =	smul.u32 @!p0 $0xF7A, s2;
	p2 =	seq.s32 @!p0 s5, $0x0  }
0x1f: {  	s9 =	smul.u32 $0xF7A, s1;
	s8 =	simm.s32 @!p0 $0x1BF5;
	p2 =	por !p2, p0  }
0x20: {  	[sflag:s8] =	ssyncset.s32 @!p0 $0xFFFFF086;
	s6 =	sadd.s32 @!p0 s3, s7;
	s7 =	simm.s32 @!p0 $0x108  }
0x21: {  	s3 =	sadd.s32 s3, s9;
	s6 =	sadd.s32 @!p0 $0x88, s6;
	s7 =	simm.s32 @p2 $0x1082  }
0x22: {  	[simem:s7], [sflag:s8] =	dma.local @!p0 [hbm:s6], $0xF7A  }
0x23: {  	s9 =	sor.u32 $0xD0000000, s2;
	s6 =	simm.s32 $0x108;
	_ =	swait.ge @!p0 [sflag:s8], $0x0  }
0x24: {  	s3 =	sadd.s32 $0x88, s3;
	s6 =	simm.s32 @!p1 $0x1082;
	[sflag:s4] =	ssyncset.s32 $0xFFFFF086  }
0x25: {  	[simem:s6], [sflag:s4] =	dma.local [hbm:s3], $0xF7A  }
0x26: {  	[smem:$0x3F9D] =	sst s1;
	(tag) =	ssettag s2;
	_ =	strace s9  }
0x27: {  	s1 =	sld [smem:$0x3FAD]  }
0x28: {  	s2 =	sld [smem:$0x3FAE]  }
0x29: {  	s4 =	sld [smem:$0x3FB0]  }
0x2a: {  	p0 =	seq.s32 s5, $0x0;
	s5 =	sld [smem:$0x3FB1]  }
0x2b: {  	s6 =	sld [smem:$0x3FB2]  }
0x2c: {  	s7 =	sld [smem:$0x3FB3]  }
0x2d: {  	s3 =	simm.s32 $0x108;
	s8 =	sld [smem:$0x3FB4]  }
0x2e: {  	s3 =	simm.s32 @!p0 $0x1082;
	s9 =	sld [smem:$0x3FB5]  }
0x2f: {  	lr =	sadd.s32 s0, s3;
	s0 =	sld [smem:$0x3FAC]  }
0x30: {  	s3 =	sld [smem:$0x3FAF]  }
0x31: {  	[smem:$0x3FB8] =	sst s10  }
0x32: {  	s10 =	sld [smem:$0x3FB6];
	_ =	sdelay $0x3  }
0x33: {  	p0 =	seq.s32 s10, $0x1;
	s10 =	sld [smem:$0x3FB8];
	_ =	sdelay $0x3  }
0x34: {  	[smem:$0x3FB8] =	sst s10  }
0x35: {  	s10 =	sld [smem:$0x3FB7];
	_ =	sdelay $0x3  }
0x36: {  	p1 =	seq.s32 s10, $0x1;
	s10 =	sld [smem:$0x3FB8];
	_ =	sdelay $0x3  }
0x37: {  	[smem:$0x3FB8] =	sst s10  }
0x38: {  	s10 =	sld [smem:$0x3FB9]  }
0x39: {  	_ = 	snop;
	(pc) =	sbr.ind lr, $3  }
0x3a: {  	_ = 	snop  }
0x3b: {  	_ = 	snop  }
0x3c: {  	p2 =	seq.s32 s10, $0x1;
	s10 =	sld [smem:$0x3FB8]  }
0x3d: {  	_ =	shalt  }
0x3e: {  	_ =	shalt  }
0x3f: {  	_ =	shalt  }
0x40: {  	_ =	shalt  }
0x41: {  	_ =	shalt  }
0x42: {  	_ =	shalt  }
0x43: {  	_ =	shalt  }
0x44: {  	_ =	shalt  }
0x45: {  	_ =	shalt  }
0x46: {  	_ =	shalt  }
0x47: {  	_ =	shalt  }
0x48: {  	_ =	shalt  }
0x49: {  	_ =	shalt  }
0x4a: {  	_ =	shalt  }
0x4b: {  	_ =	shalt  }
0x4c: {  	_ =	shalt  }
0x4d: {  	_ =	shalt  }
0x4e: {  	_ =	shalt  }
0x4f: {  	_ =	shalt  }
0x50: {  	_ =	shalt  }
0x51: {  	_ =	shalt  }
0x52: {  	_ =	shalt  }
0x53: {  	_ =	shalt  }
0x54: {  	_ =	shalt  }
0x55: {  	_ =	shalt  }
0x56: {  	_ =	shalt  }
0x57: {  	_ =	shalt  }
0x58: {  	_ =	shalt  }
0x59: {  	_ =	shalt  }
0x5a: {  	_ =	shalt  }
0x5b: {  	_ =	shalt  }
0x5c: {  	_ =	shalt  }
0x5d: {  	_ =	shalt  }
0x5e: {  	_ =	shalt  }
0x5f: {  	_ =	shalt  }
0x60: {  	_ =	shalt  }
0x61: {  	_ =	shalt  }
0x62: {  	_ =	shalt  }
0x63: {  	_ =	shalt  }
0x64: {  	_ =	shalt  }
0x65: {  	_ =	shalt  }
0x66: {  	_ =	shalt  }
0x67: {  	_ =	shalt  }
0x68: {  	_ =	shalt  }
0x69: {  	_ =	shalt  }
0x6a: {  	_ =	shalt  }
0x6b: {  	_ =	shalt  }
0x6c: {  	_ =	shalt  }
0x6d: {  	_ =	shalt  }
0x6e: {  	_ =	shalt  }
0x6f: {  	_ =	shalt  }
0x70: {  	_ =	shalt  }
0x71: {  	_ =	shalt  }
0x72: {  	_ =	shalt  }
0x73: {  	_ =	shalt  }
0x74: {  	_ =	shalt  }
0x75: {  	_ =	shalt  }
0x76: {  	_ =	shalt  }
0x77: {  	_ =	shalt  }
0x78: {  	_ =	shalt  }
0x79: {  	_ =	shalt  }
0x7a: {  	_ =	shalt  }
0x7b: {  	_ =	shalt  }
0x7c: {  	_ =	shalt  }
0x7d: {  	_ =	shalt  }
0x7e: {  	_ =	shalt  }
0x7f: {  	_ =	shalt  }
0x80: {  	_ =	shalt  }
0x81: {  	_ =	shalt  }
0x82: {  	_ =	shalt  }
0x83: {  	_ =	shalt  }
0x84: {  	_ =	shalt  }
0x85: {  	_ =	shalt  }
0x86: {  	_ =	shalt  }
0x87: {  	_ =	shalt  }
.Lfunc_end0:
.L_simem_size_0:
called_computation_lowered:
.L_overlay_start_0:
0x88: {  	s2 =	sld [smem:$0x3FD9]  }
0x89: {  	s3 =	sld [smem:$0x3FFE];
	_ =	sdelay $0x1  }
0x8a: {  	s1 =	srdreg.scid  }
0x8b: {  	s0 =	sand.u32 $0x1, s1  }
0x8c: {  	s17 =	sshll.u32 s0, $0xA;
	s2 =	sadd.s32 s3, s2  }
0x8d: {  	s2 =	sadd.s32 s2, s17  }
0x8e: {  	[smem:$0x3FC4] =	sst s2  }
0x8f: {  	_ = 	snop  }
0x90: {  	s2 =	sld [smem:$0x3FD0];
	(tm) =	ssettm $0x1  }
0x91: {  	s18 =	sld [smem:$0x3FFB];
	_ =	sdelay $0x3  }
0x92: {  	_ =	strace s18  }
0x93: {  	s3 =	sld [smem:$0x3FFC];
	_ =	sdelay $0x3  }
0x94: {  	_ =	strace s3  }
0x95: {  	s3 =	sld [smem:$0x3FFD];
	_ =	sdelay $0x3  }
0x96: {  	_ =	strace s3  }
0x97: {  	_ =	strace $0x8FFFFFFF  }
0x98: {  	s19 =	sld [smem:$0x3FDB];
	_ =	sdelay $0x1  }
0x99: {  	s4 =	simm.s32 $_scs_section_size  }
0x9a: {  	s5 =	simm.s32 $_size__tile_overlayer_lowered;
	s6 =	simm.s32 $_tile_overlayer_lowered  }
0x9b: {  	s22 =	simm.s32 $0x1BFF;
	s21 =	sshll.u32 s6, $0x1;
	s3 =	sadd.s32 s4, s19  }
0x9c: {  	s7 =	simm.s32 $0x0;
	s20 =	sshll.u32 s5, $0x1;
	s5 =	sadd.s32 s21, s3  }
0x9d: {  	[timem:s7], [sflag:s22] =	dma.local [hbm:s5], s20  }
0x9e: {  	_ =	swait.ge [sflag:s22], s20  }
0x9f: {  	s4 =	ssub.s32 $0x0, s20;
	[sflag:s22] =	ssyncset.done $0x0  }
0xa0: {  	[sflag:s22] =	ssyncadd.s32 s4;
	_ =	sdelay $0x1  }
0xa1: {  	s23 =	simm.s32 $0x1B8B  }
0xa2: {  	_ =	swait.ge [sflag:s23], $0x1  }
0xa3: {  	[sflag:s23] =	ssyncset.done $0x0  }
0xa4: {  	s25 =	simm.s32 $0x1B8E;
	s24 =	sld [smem:$0x3FFE];
	[sflag:s23] =	ssyncadd.s32 $0xFFFFFFFF  }
0xa5: {  	s26 =	simm.s32 $execute0_lowered;
	[smem:$0x3FD2] =	sst s25  }
0xa6: {  	s5 =	sshll.u32 s26, $0x1;
	_ =	strace $0x80000046;
	[dreg:$0x1] =	wrdreg $0xFFFFFFFF  }
0xa7: {  	s28 =	simm.s32 $_size_execute0_lowered;
	s3 =	sadd.s32 s3, s5;
	[dreg:$0x0] =	wrdreg $0x0  }
0xa8: {  	s5 =	sshll.u32 s28, $0x1;
	[dreg:$0x2] =	wrdreg s3  }
0xa9: {  	[dreg:$0x3] =	wrdreg s5  }
0xaa: {  	[dreg:$0x4] =	wrdreg $0xC0  }
0xab: {  	_ =	task [dreg:s7], $0x5FFFF  }
0xac: {  	[dreg:$0x1] =	wrdreg $0xFFFFFFFF  }
0xad: {  	[dreg:$0x0] =	wrdreg $0x60  }
0xae: {  	[dreg:$0x2] =	wrdreg s2  }
0xaf: {  	[dreg:$0x3] =	wrdreg s24  }
0xb0: {  	[dreg:$0x4] =	wrdreg $0xA8000  }
0xb1: {  	[dreg:$0x5] =	wrdreg $0x9  }
0xb2: {  	_ =	task.clear_ibuf [dreg:s7], $0x6FFFF;
	_ =	strace $0x90000046  }
0xb3: {  	s29 =	simm.s32 $0x9;
	_ =	strace $0x80000048  }
0xb4: {  	_ =	swait.ge [sflag:s29], $0x1  }
0xb5: {  	[sflag:s29] =	ssyncadd.s32 $0xFFFFFFFF  }
0xb6: {  	_ =	strace $0x90000048  }
0xb7: {  	_ =	sfence  }
0xb8: {  	s30 =	sld [smem:$0x0];
	_ =	sdelay $0x2  }
0xb9: {  	s31 =	sshll.u32 s1, $0xD;
	s1 =	sshrl.u32 s1, $0x2  }
0xba: {  	s3 =	sand.u32 $0x4000, s31;
	s1 =	sadd.s32 s1, s30  }
0xbb: {  	s0 =	sor.u32 s3, s0;
	s1 =	sshll.u32 s1, $0x11  }
0xbc: {  	s0 =	sor.u32 s1, s0  }
0xbd: {  	s0 =	sadd.s32 $0x8F2B, s0  }
0xbe: {  	[sflag:s0] =	ssyncadd.remote.s32 $0x1  }
0xbf: {  	_ =	sfence.sel $0xFFFF  }
0xc0: {  	[dreg:$0x0] =	wrdreg $0xFFFFFFFF;
	(pc) =	sbr.abs _section_cstart, $3  }
0xc1: {  	[dreg:$0x1] =	wrdreg $0xFFFFFFFF  }
0xc2: {  	_ =	task.clear_ibuf [dreg:s7], $0x2FFFF;
	_ =	strace $0x9FFFFFFF  }
0xc3: {  	(tm) =	ssettm $0x7FFFFFFF  }
tec
execute0_lowered:
.L_overlay_start_1:
0x0: {  	(tag) =	ssettag $0x1  }
0x1: {  	s1 =	rddreg [dreg:$0x0]  }
0x2: {  	s0 =	rddreg [dreg:$0x1]  }
0x3: {  	s3 =	rddreg [dreg:$0x2]  }
0x4: {  	s9 =	simm.s32 $0x0;
	s8 =	stileid.u32;
	s2 =	srdreg.scid  }
0x5: {  	s28 =	simm.s32 $0x1;
	s29 =	simm.s32 $0x2;
	s30 =	simm.s32 $0x5  }
0x6: {  	s31 =	simm.s32 $0x3;
	s12 =	simm.s32 $0x8;
	[smem:$0x7FF] =	sst s9  }
0x7: {  	s4 =	smul.u32 $0x2780, s8;
	s2 =	sand.u32 $0x1, s2;
	s6 =	sadd.s32 $0xAE00, s0  }
0x8: {  	s19 =	sadd.s32 $0x14E00, s0;
	s20 =	sadd.s32 $0xE00, s0;
	s7 =	smul.u32 $0x4F000, s8  }
0x9: {  	s24 =	sshll.u32 s8, $0x1;
	_ =	strace $0x80000047;
	[dreg:$0x5] =	wrdreg s6  }
0xa: {  	s8 =	sshll.u32 s8, $0x6;
	s5 =	smul.u32 $0x27800, s2;
	[dreg:$0x6] =	wrdreg s19  }
0xb: {  	[dreg:$0x7] =	wrdreg s20;
	s21 =	ssub.s32 $0x2, s2;
	s2 =	sor.u32 s2, s24  }
0xc: {  	s19 =	simm.s32 $0x1E00;
	s20 =	simm.s32 $0x9;
	s24 =	simm.s32 $0x6800  }
0xd: {  	s22 =	sshrl.u32 s21, $0x1;
	s23 =	sshrl.u32 s7, $0x2;
	s25 =	smul.u32 $0x2800, s2  }
0xe: {  	s7 =	sor.u32 $0x1C0A, s8;
	s2 =	smul.u32 $0x5000, s2;
	s8 =	simm.s32 $0x7  }
0xf: {  	s5 =	sadd.s32 s4, s5;
	s4 =	sadd.s32 s4, s0;
	s6 =	sadd.s32 s23, s3  }
0x10: {  	s23 =	simm.s32 $0x4800;
	[dreg:$0x9] =	wrdreg s7;
	s0 =	sadd.s32 s5, s0  }
0x11: {  	s5 =	ssub.s32 s21, s22;
	s4 =	sadd.s32 $0x28E00, s4;
	[dreg:$0xa] =	wrdreg s25  }
.Ltmp0:
0x12: {  	[dreg:$0xb] =	wrdreg s2;
	s21 =	simm.s32 $0x40;
	(pc) =	sbr.rel .LBB2_1-.Ltmp0, $4  }
0x13: {  	s22 =	simm.s32 $0x2800;
	[dreg:$0x8] =	wrdreg s4;
	s0 =	sadd.s32 $0x50600, s0  }
0x14: {  	s2 =	simm.s32 $0x4;
	s26 =	smax.u32 s5, $0x1;
	[dreg:$0xc] =	wrdreg s0  }
0x15: {  	s5 =	sshrl.u32 s6, $0x3;
	s6 =	simm.s32 $0xA;
	[dreg:$0xd] =	wrdreg s26  }
0x16: {  	s26 =	simm.s32 $0x8800;
	s0 =	simm.s32 $0x6;
	[dreg:$0xe] =	wrdreg s5  }
.LBB2_14:
0x17: {  	[bflag:$0x0] =	sbarrier.arrive $0xFFFF  }
0x18: {  	s7 =	rddreg [dreg:$0x9]  }
0x19: {  	s4 =	rddreg [dreg:$0xc]  }
0x1a: {  	s6 =	simm.s32 $0xA;
	s5 =	rddreg [dreg:$0xe]  }
0x1b: {  	[hbm:s4], [sflag:s7] =	dma.local [spmem:s5], $0x2780  }
0x1c: {  	_ =	swait.ge [sflag:s6], $0x2780  }
0x1d: {  	s9 =	rddreg [dreg:$0x4]  }
0x1e: {  	s25 =	rddreg [dreg:$0xd];
	s9 =	sadd.s32 $0x1, s9  }
0x1f: {  	p0 =	sne.s32 s9, s25  }
.Ltmp1:
0x20: {  	_ = 	snop;
	(pc) =	sbr.rel @!p0 .LBB2_15-.Ltmp1, $3  }
0x21: {  	_ =	sdelay $0x1  }
0x22: {  	[sflag:s6] =	ssyncset.done $0x0  }
0x23: {  	[sflag:s6] =	ssyncadd.s32 $0xFFFFD880  }
.LBB2_1:
0x24: {  	[dreg:$0x4] =	wrdreg s9  }
0x25: {  	s4 =	rddreg [dreg:$0x8]  }
0x26: {  	[spmem:s5], [sflag:s7] =	dma.local [hbm:s4], $0x2780  }
.Ltmp2:
0x27: {  	_ =	swait.ge [sflag:s6], $0x2780;
	(pc) =	sbr.rel .LBB2_2-.Ltmp2, $4  }
0x28: {  	[sflag:s6] =	ssyncset.done $0x0  }
0x29: {  	[sflag:s6] =	ssyncadd.s32 $0xFFFFD880  }
0x2a: {  	[bflag:$0x0] =	sbarrier.arrive $0xFFFF  }
0x2b: {  	s13 =	simm.s32 $0x0  }
.LBB2_13:
0x2c: {  	s13 =	sadd.s32 $0x1, s13  }
0x2d: {  	p0 =	sne.s32 s13, $0x4  }
.Ltmp3:
0x2e: {  	_ = 	snop;
	(pc) =	sbr.rel @!p0 .LBB2_14-.Ltmp3, $4  }
0x2f: {  	_ = 	snop  }
0x30: {  	_ =	swait.ge [sflag:s12], $0x2000  }
0x31: {  	[sflag:s12] =	ssyncset.done $0x0  }
0x32: {  	[sflag:s12] =	ssyncadd.s32 $0xFFFFE000  }
.LBB2_2:
0x33: {  	s4 =	sshll.u32 s13, $0x7;
	s5 =	rddreg [dreg:$0xa]  }
0x34: {  	s14 =	rddreg [dreg:$0x5];
	s9 =	simm.s32 $0x0;
	s4 =	sadd.s32 s5, s4  }
0x35: {  	s6 =	smul.u32 $0x1400, s13;
	s7 =	simm.s32 $0x80;
	s4 =	sshrl.u32 s4, $0x3  }
0x36: {  	s10 =	simm.s32 $0x200;
	s15 =	rddreg [dreg:$0xb];
	s5 =	sadd.s32 s14, s4  }
0x37: {  	[tilespmem:s9], [sflag:$0x9] =	stream.strided.gather [hbm4b:s5+s7], $0xA00, s10, s7, $0x38;
	[tilespmem:$0x1E400] =	vst v63  }
0x38: {  	s5 =	sadd.s32 s15, s6  }
0x39: {  	s16 =	rddreg [dreg:$0x6];
	s5 =	sshrl.u32 s5, $0x3  }
0x3a: {  	s17 =	simm.s32 $0xA00;
	s18 =	rddreg [dreg:$0x7];
	s5 =	sadd.s32 s16, s5  }
0x3b: {  	[tilespmem:s17], [sflag:$0x9] =	stream.linear.gather [hbm4b:s5+s9], $0x1400, $0x38;
	[tilespmem:$0x1E400] =	vst v63  }
0x3c: {  	s4 =	sadd.s32 s18, s4  }
0x3d: {  	[tilespmem:s19], [sflag:$0x9] =	stream.strided.gather [hbm4b:s4+s7], $0xA00, s10, s7, $0x38;
	[tilespmem:$0x1E400] =	vst v63  }
0x3e: {  	_ =	swait.ge [sflag:s20], $0xA00  }
0x3f: {  	[sflag:s20] =	ssyncset.done $0x0  }
0x40: {  	[sflag:s20] =	ssyncadd.s32 $0xFFFFF600  }
0x41: {  	_ =	swait.ge [sflag:s20], $0x1400  }
0x42: {  	[sflag:s20] =	ssyncset.done $0x0  }
0x43: {  	[sflag:s20] =	ssyncadd.s32 $0xFFFFEC00  }
0x44: {  	_ =	swait.ge [sflag:s20], $0xA00  }
0x45: {  	[sflag:s20] =	ssyncset.done $0x0  }
0x46: {  	[sflag:s20] =	ssyncadd.s32 $0xFFFFF600  }
0x47: {  	[tilespmem:s22], [sflag:$0x1] =	stream.indirect.gather [hbm4b:s1+s21], $0x80, s9, s21, $0xb8;
	[tilespmem:$0x1E400] =	vst v63  }
0x48: {  	_ = 	snop  }
0x49: {  	[tilespmem:s23], [sflag:$0x2] =	stream.indirect.gather [hbm4b:s1+s21], $0x80, s21, s21, $0xb8;
	[tilespmem:$0x1E400] =	vst v63  }
0x4a: {  	s25 =	simm.s32 $0xC0  }
0x4b: {  	[tilespmem:s24], [sflag:$0x3] =	stream.indirect.gather [hbm4b:s1+s21], $0x80, s7, s21, $0xb8;
	[tilespmem:$0x1E400] =	vst v63  }
0x4c: {  	s11 =	simm.s32 $0x83;
	s15 =	simm.s32 $0xC3;
	s4 =	simm.s32 $0x0  }
0x4d: {  	[tilespmem:s26], [sflag:$0x4] =	stream.indirect.gather [hbm4b:s1+s21], $0x80, s25, s21, $0xb8;
	[tilespmem:$0x1E400] =	vst v63  }
.LBB2_3:
0x4e: {  	s7 =	sadd.s32 $0x0, s9  }
0x4f: {  	v0 =	vmov s7  }
0x50: {  	v0 =	vand.u32 $0xFFFFFFFC, v0  }
0x51: {  	v0 =	vbroadcast v0, $0x0;
	_ =	sdelay $0x1  }
0x52: {  	_ =	swait.ge [sflag:s28], $0x2000  }
0x53: {  	[sflag:s28] =	ssyncset.done $0x0  }
0x54: {  	s5 =	simm.s32 $0x2900;
	[sflag:s28] =	ssyncadd.s32 $0xFFFFE000  }
0x55: {  	v1 =	vld [tilespmem:s5+$0xFFFFFF70]  }
0x56: {  	v0 =	vld.idx.msk [tilespmem:v0+s19+$0x0], $0xffff  }
0x57: {  	v2 =	vld [tilespmem:s5+$0xFFFFFF00]  }
0x58: {  	v3 =	vld [tilespmem:s5+$0xFFFFFF20]  }
0x59: {  	v4 =	vld [tilespmem:s5+$0xFFFFFF50]  }
0x5a: {  	v5 =	vld [tilespmem:s5+$0xFFFFFF40]  }
0x5b: {  	v6 =	vld [tilespmem:s5+$0xFFFFFF60];
	v1 =	vmul.f32 v1, v0  }
0x5c: {  	s6 =	sadd.s32 $0x1, s7;
	v7 =	vld [tilespmem:s5+$0xFFFFFF30];
	v2 =	vmul.f32 v2, v0  }
0x5d: {  	v8 =	vmov s6;
	v9 =	vld [tilespmem:s5+$0xFFFFFF10];
	v3 =	vmul.f32 v3, v0;
	[tilespmem:s5+$0xFFFFFF70] =	vst v1  }
0x5e: {  	v4 =	vmul.f32 v4, v0;
	v1 =	vand.u32 $0xFFFFFFFD, v8;
	[tilespmem:s5+$0xFFFFFF00] =	vst v2  }
0x5f: {  	v2 =	vmul.f32 v5, v0;
	[tilespmem:s5+$0xFFFFFF20] =	vst v3;
	v1 =	vbroadcast v1, $0x0  }
0x60: {  	v3 =	vmul.f32 v6, v0;
	[tilespmem:s5+$0xFFFFFF50] =	vst v4  }
0x61: {  	v4 =	vmul.f32 v7, v0;
	[tilespmem:s5+$0xFFFFFF40] =	vst v2  }
0x62: {  	v0 =	vmul.f32 v9, v0;
	[tilespmem:s5+$0xFFFFFF60] =	vst v3  }
0x63: {  	[tilespmem:s5+$0xFFFFFF30] =	vst v4  }
0x64: {  	[tilespmem:s5+$0xFFFFFF10] =	vst v0;
	v0 =	vld [tilespmem:s5+$0xFFFFFF90]  }
0x65: {  	v2 =	vld.idx.msk [tilespmem:v1+s19+$0x0], $0xffff  }
0x66: {  	v1 =	vld [tilespmem:s5+$0xFFFFFFA0]  }
0x67: {  	v3 =	vld [tilespmem:s5+$0xFFFFFF80]  }
0x68: {  	v4 =	vld [tilespmem:s5+$0xFFFFFFB0]  }
0x69: {  	v5 =	vld [tilespmem:s5+$0xFFFFFFC0]  }
0x6a: {  	v6 =	vld [tilespmem:s5+$0xFFFFFFD0];
	v0 =	vmul.f32 v0, v2  }
0x6b: {  	s25 =	sadd.s32 $0x2, s7;
	v7 =	vld [tilespmem:s5+$0xFFFFFFF0];
	v1 =	vmul.f32 v1, v2  }
0x6c: {  	v63 =	vld [tilespmem:s5+$0xFFFFFFE0];
	v8 =	vmov s25;
	v3 =	vmul.f32 v3, v2;
	[tilespmem:s5+$0xFFFFFF90] =	vst v0  }
0x6d: {  	v4 =	vmul.f32 v4, v2;
	v0 =	vand.u32 $0xFFFFFFFE, v8;
	[tilespmem:s5+$0xFFFFFFA0] =	vst v1  }
0x6e: {  	v1 =	vmul.f32 v5, v2;
	[tilespmem:s5+$0xFFFFFF80] =	vst v3;
	v5 =	vld [tilespmem:s5+$0x60];
	v8 =	vbroadcast v0, $0x0  }
0x6f: {  	v3 =	vmul.f32 v6, v2;
	[tilespmem:s5+$0xFFFFFFB0] =	vst v4;
	v6 =	vld [tilespmem:s5+$0x0]  }
0x70: {  	v4 =	vmul.f32 v7, v2;
	v0 =	vld [tilespmem:s5+$0x20];
	[tilespmem:s5+$0xFFFFFFC0] =	vst v1  }
0x71: {  	v2 =	vmul.f32 v63, v2;
	v1 =	vld [tilespmem:s5+$0x30];
	[tilespmem:s5+$0xFFFFFFD0] =	vst v3  }
0x72: {  	[tilespmem:s5+$0xFFFFFFF0] =	vst v4;
	v3 =	vld [tilespmem:s5+$0x40]  }
0x73: {  	[tilespmem:s5+$0xFFFFFFE0] =	vst v2;
	v4 =	vld [tilespmem:s5+$0x10]  }
0x74: {  	s10 =	sadd.s32 $0x3, s7;
	s7 =	simm.s32 $0x2900;
	s6 =	simm.s32 $0x4;
	v2 =	vld.idx.msk [tilespmem:v8+s19+$0x0], $0xffff  }
.LBB2_4:
0x75: {  	p0 =	sne.s32 s6, $0x3C  }
0x76: {  	v7 =	vld [tilespmem:s5+$0x50];
	s7 =	sadd.s32 $0x200, s7;
	s14 =	smov.u32 s6;
	s6 =	sadd.s32 $0x4, s6  }
0x77: {  	v8 =	vld [tilespmem:s5+$0x70];
	_ =	sdelay $0x1  }
0x78: {  	v5 =	vmul.f32 v5, v2;
	v6 =	vmul.f32 v6, v2  }
0x79: {  	v3 =	vmul.f32 v3, v2;
	v4 =	vmul.f32 v4, v2  }
0x7a: {  	v0 =	vmul.f32 v0, v2;
	v1 =	vmul.f32 v1, v2;
	[tilespmem:s5+$0x60] =	vst v5  }
0x7b: {  	[tilespmem:s5+$0x40] =	vst v3;
	v3 =	vmul.f32 v7, v2;
	v2 =	vmul.f32 v8, v2  }
0x7c: {  	[tilespmem:s5+$0x20] =	vst v0;
	v5 =	vld [tilespmem:s5+$0x80]  }
0x7d: {  	v0 =	vld [tilespmem:s7+$0x20];
	[tilespmem:s5+$0x0] =	vst v6;
	v6 =	vmov s10  }
0x7e: {  	[tilespmem:s5+$0x50] =	vst v3;
	v3 =	vld [tilespmem:s5+$0xE0]  }
0x7f: {  	[tilespmem:s5+$0x30] =	vst v1;
	v7 =	vld [tilespmem:s5+$0xC0]  }
0x80: {  	v1 =	vld [tilespmem:s7+$0x30];
	[tilespmem:s5+$0x10] =	vst v4  }
0x81: {  	[tilespmem:s5+$0x70] =	vst v2;
	v2 =	vld [tilespmem:s5+$0xA0]  }
0x82: {  	v4 =	vld.idx.msk [tilespmem:v6+s19+$0x0], $0xffff  }
0x83: {  	v6 =	vld [tilespmem:s5+$0x90]  }
0x84: {  	v8 =	vld [tilespmem:s5+$0xB0]  }
0x85: {  	v9 =	vld [tilespmem:s5+$0xD0]  }
0x86: {  	v10 =	vld [tilespmem:s5+$0xF0];
	_ =	sdelay $0x1  }
0x87: {  	v5 =	vmul.f32 v5, v4;
	v6 =	vmul.f32 v6, v4  }
0x88: {  	s10 =	sadd.s32 s14, s9;
	v2 =	vmul.f32 v2, v4;
	v8 =	vmul.f32 v8, v4  }
0x89: {  	v11 =	vmov s10;
	s14 =	sadd.s32 $0x1, s10;
	s17 =	sadd.s32 $0x2, s10;
	s10 =	sadd.s32 $0x3, s10;
	[tilespmem:s5+$0x80] =	vst v5;
	v5 =	vmul.f32 v7, v4;
	v7 =	vmul.f32 v9, v4  }
0x8a: {  	v9 =	vand.u32 $0xFFFFFFFC, v11;
	[tilespmem:s5+$0xA0] =	vst v2;
	v2 =	vmul.f32 v3, v4;
	v3 =	vmul.f32 v10, v4  }
0x8b: {  	v4 =	vbroadcast v9, $0x0;
	v9 =	vmov s14;
	v10 =	vmov s17;
	[tilespmem:s5+$0xC0] =	vst v5  }
0x8c: {  	v5 =	vand.u32 $0xFFFFFFFD, v9;
	v9 =	vand.u32 $0xFFFFFFFE, v10;
	[tilespmem:s5+$0xF0] =	vst v3  }
0x8d: {  	v3 =	vld [tilespmem:s7+$0xFFFFFF40];
	[tilespmem:s5+$0xE0] =	vst v2  }
0x8e: {  	v2 =	vld [tilespmem:s7+$0xFFFFFF50];
	[tilespmem:s5+$0x90] =	vst v6  }
0x8f: {  	v6 =	vld [tilespmem:s7+$0xFFFFFF60];
	[tilespmem:s5+$0xB0] =	vst v8  }
0x90: {  	v8 =	vld [tilespmem:s7+$0xFFFFFF70];
	[tilespmem:s5+$0xD0] =	vst v7;
	s5 =	smov.u32 s7  }
0x91: {  	v4 =	vld.idx.msk [tilespmem:v4+s19+$0x0], $0xffff  }
0x92: {  	v7 =	vld [tilespmem:s7+$0xFFFFFF00]  }
0x93: {  	v10 =	vld [tilespmem:s7+$0xFFFFFF20]  }
0x94: {  	v11 =	vld [tilespmem:s7+$0xFFFFFF10]  }
0x95: {  	v12 =	vld [tilespmem:s7+$0xFFFFFF30];
	_ =	sdelay $0x1  }
0x96: {  	v8 =	vmul.f32 v8, v4;
	v7 =	vmul.f32 v7, v4  }
0x97: {  	v6 =	vmul.f32 v6, v4;
	v10 =	vmul.f32 v10, v4  }
0x98: {  	v2 =	vmul.f32 v2, v4;
	v11 =	vmul.f32 v11, v4;
	[tilespmem:s7+$0xFFFFFF70] =	vst v8  }
0x99: {  	v3 =	vmul.f32 v3, v4;
	[tilespmem:s7+$0xFFFFFF00] =	vst v7;
	v7 =	vmul.f32 v12, v4  }
0x9a: {  	v4 =	vbroadcast v5, $0x0;
	[tilespmem:s7+$0xFFFFFF20] =	vst v10  }
0x9b: {  	[tilespmem:s7+$0xFFFFFF50] =	vst v2  }
0x9c: {  	[tilespmem:s7+$0xFFFFFF40] =	vst v3;
	v2 =	vld [tilespmem:s7+$0xFFFFFFF0]  }
0x9d: {  	[tilespmem:s7+$0xFFFFFF60] =	vst v6;
	v3 =	vld [tilespmem:s7+$0xFFFFFFC0]  }
0x9e: {  	[tilespmem:s7+$0xFFFFFF30] =	vst v7;
	v5 =	vld [tilespmem:s7+$0xFFFFFFD0]  }
0x9f: {  	[tilespmem:s7+$0xFFFFFF10] =	vst v11;
	v6 =	vld [tilespmem:s7+$0xFFFFFF90]  }
0xa0: {  	v4 =	vld.idx.msk [tilespmem:v4+s19+$0x0], $0xffff  }
0xa1: {  	v7 =	vld [tilespmem:s7+$0xFFFFFF80]  }
0xa2: {  	v8 =	vld [tilespmem:s7+$0xFFFFFFA0]  }
0xa3: {  	v10 =	vld [tilespmem:s7+$0xFFFFFFB0]  }
0xa4: {  	v11 =	vld [tilespmem:s7+$0xFFFFFFE0];
	_ =	sdelay $0x1  }
0xa5: {  	v6 =	vmul.f32 v6, v4;
	v7 =	vmul.f32 v7, v4  }
0xa6: {  	v5 =	vmul.f32 v5, v4;
	v8 =	vmul.f32 v8, v4  }
0xa7: {  	v3 =	vmul.f32 v3, v4;
	[tilespmem:s7+$0xFFFFFF90] =	vst v6;
	v6 =	vmul.f32 v10, v4  }
0xa8: {  	v2 =	vmul.f32 v2, v4;
	[tilespmem:s7+$0xFFFFFFA0] =	vst v8;
	v8 =	vmul.f32 v11, v4  }
0xa9: {  	v4 =	vbroadcast v9, $0x0;
	[tilespmem:s7+$0xFFFFFF80] =	vst v7  }
0xaa: {  	[tilespmem:s7+$0xFFFFFFB0] =	vst v6  }
0xab: {  	[tilespmem:s7+$0xFFFFFFC0] =	vst v3  }
0xac: {  	[tilespmem:s7+$0xFFFFFFD0] =	vst v5  }
.Ltmp4:
0xad: {  	[tilespmem:s7+$0xFFFFFFF0] =	vst v2;
	v3 =	vld [tilespmem:s7+$0x40];
	(pc) =	sbr.rel @p0 .LBB2_4-.Ltmp4, $4  }
0xae: {  	[tilespmem:s7+$0xFFFFFFE0] =	vst v8;
	v5 =	vld [tilespmem:s7+$0x60]  }
0xaf: {  	v2 =	vld.idx.msk [tilespmem:v4+s19+$0x0], $0xffff  }
0xb0: {  	v6 =	vld [tilespmem:s7+$0x0]  }
0xb1: {  	v4 =	vld [tilespmem:s7+$0x10]  }
0xb2: {  	_ =	sdelay $0x1  }
0xb3: {  	v5 =	vmul.f32 v5, v2  }
0xb4: {  	v7 =	vld [tilespmem:s5+$0x50];
	v3 =	vmul.f32 v3, v2  }
0xb5: {  	v8 =	vld [tilespmem:s5+$0x70];
	v0 =	vmul.f32 v0, v2;
	[tilespmem:s5+$0x60] =	vst v5  }
0xb6: {  	v5 =	vmul.f32 v6, v2;
	[tilespmem:s5+$0x40] =	vst v3  }
0xb7: {  	[tilespmem:s5+$0x20] =	vst v0;
	v0 =	vmul.f32 v1, v2  }
0xb8: {  	v4 =	vmul.f32 v4, v2;
	[tilespmem:s5+$0x0] =	vst v5;
	v5 =	vmov s10  }
0xb9: {  	v3 =	vmul.f32 v7, v2;
	[tilespmem:s5+$0x30] =	vst v0  }
0xba: {  	v2 =	vmul.f32 v8, v2;
	[tilespmem:s5+$0x10] =	vst v4  }
0xbb: {  	[tilespmem:s5+$0x50] =	vst v3  }
0xbc: {  	v1 =	vld [tilespmem:s5+$0x80];
	[tilespmem:s5+$0x70] =	vst v2  }
0xbd: {  	v0 =	vld.idx.msk [tilespmem:v5+s19+$0x0], $0xffff  }
0xbe: {  	v2 =	vld [tilespmem:s5+$0xA0]  }
0xbf: {  	v3 =	vld [tilespmem:s5+$0xC0]  }
0xc0: {  	v4 =	vld [tilespmem:s5+$0xF0]  }
0xc1: {  	v5 =	vld [tilespmem:s5+$0xE0]  }
0xc2: {  	v6 =	vld [tilespmem:s5+$0x90];
	v1 =	vmul.f32 v1, v0  }
0xc3: {  	v7 =	vld [tilespmem:s5+$0xB0];
	v2 =	vmul.f32 v2, v0  }
0xc4: {  	v8 =	vld [tilespmem:s5+$0xD0];
	[tilespmem:s5+$0x80] =	vst v1;
	v1 =	vmul.f32 v3, v0  }
0xc5: {  	[tilespmem:s5+$0xA0] =	vst v2;
	v2 =	vmul.f32 v4, v0  }
0xc6: {  	v3 =	vmul.f32 v5, v0;
	[tilespmem:s5+$0xC0] =	vst v1  }
0xc7: {  	v1 =	vmul.f32 v6, v0;
	[tilespmem:s5+$0xF0] =	vst v2  }
0xc8: {  	v2 =	vmul.f32 v7, v0;
	[tilespmem:s5+$0xE0] =	vst v3  }
0xc9: {  	s6 =	sshll.u32 s4, $0x9;
	v0 =	vmul.f32 v8, v0;
	[tilespmem:s5+$0x90] =	vst v1  }
0xca: {  	p0 =	seq.s32 s4, $0x0;
	s6 =	sand.u32 $0x3FFFFE00, s6;
	[tilespmem:s5+$0xB0] =	vst v2  }
0xcb: {  	s7 =	sadd.s32 $0xFFFFFFC0, s9;
	s16 =	sadd.s32 $0xA00, s6;
	[tilespmem:s5+$0xD0] =	vst v0;
	s5 =	simm.s32 @!p0 $0x8  }
0xcc: {  	[spmem:s3] =	stream.indirect.scatter.add.f32 [tilespmem:s22], [sflag:$0x5], $0x80, s16, s21, $0xb8;
	[tilespmem:$0x1E400] =	vst v63  }
0xcd: {  	s17 =	sadd.s32 $0x80, s7;
	_ =	swait.ge @!p0 [sflag:s5], $0x2000  }
0xce: {  	s10 =	sshll.u32 @!p0 s4, $0x8;
	v0 =	vmov s17;
	[sflag:s5] =	ssyncset.done @!p0 $0x0  }
0xcf: {  	v0 =	vand.u32 $0xFFFFFFFC, v0;
	[sflag:s5] =	ssyncadd.s32 @!p0 $0xFFFFE000;
	s5 =	sand.u32 @!p0 $0x3FFFFF00, s10  }
0xd0: {  	s6 =	simm.s32 @!p0 $0x40;
	v0 =	vbroadcast v0, $0x0;
	s10 =	simm.s32 @!p0 $0x8800;
	s5 =	sor.u32 @!p0 $0xC0, s5  }
0xd1: {  	[tilespmem:s10], [sflag:$0x4] =	stream.indirect.gather @!p0 [hbm4b:s1+s6], $0x80, s5, s6, $0xb8;
	[tilespmem:$0x1E400] =	vst v63  }
0xd2: {  	_ =	swait.ge [sflag:s29], $0x2000  }
0xd3: {  	[sflag:s29] =	ssyncset.done $0x0  }
0xd4: {  	s5 =	simm.s32 $0x49F0;
	[sflag:s29] =	ssyncadd.s32 $0xFFFFE000  }
0xd5: {  	v1 =	vld [tilespmem:s5+$0xFFFFFE80]  }
0xd6: {  	v0 =	vld.idx.msk [tilespmem:v0+s19+$0x0], $0xffff  }
0xd7: {  	v2 =	vld [tilespmem:s5+$0xFFFFFE10]  }
0xd8: {  	v3 =	vld [tilespmem:s5+$0xFFFFFE30]  }
0xd9: {  	v4 =	vld [tilespmem:s5+$0xFFFFFE60]  }
0xda: {  	v5 =	vld [tilespmem:s5+$0xFFFFFE50]  }
0xdb: {  	v6 =	vld [tilespmem:s5+$0xFFFFFE70];
	v1 =	vmul.f32 v1, v0  }
0xdc: {  	s18 =	sadd.s32 $0x81, s7;
	v7 =	vld [tilespmem:s5+$0xFFFFFE40];
	v2 =	vmul.f32 v2, v0  }
0xdd: {  	v8 =	vmov s18;
	v9 =	vld [tilespmem:s5+$0xFFFFFE20];
	v3 =	vmul.f32 v3, v0;
	[tilespmem:s5+$0xFFFFFE80] =	vst v1  }
0xde: {  	v4 =	vmul.f32 v4, v0;
	v1 =	vand.u32 $0xFFFFFFFD, v8;
	[tilespmem:s5+$0xFFFFFE10] =	vst v2  }
0xdf: {  	v2 =	vmul.f32 v5, v0;
	[tilespmem:s5+$0xFFFFFE30] =	vst v3;
	v1 =	vbroadcast v1, $0x0  }
0xe0: {  	v3 =	vmul.f32 v6, v0;
	[tilespmem:s5+$0xFFFFFE60] =	vst v4  }
0xe1: {  	v4 =	vmul.f32 v7, v0;
	[tilespmem:s5+$0xFFFFFE50] =	vst v2  }
0xe2: {  	v0 =	vmul.f32 v9, v0;
	[tilespmem:s5+$0xFFFFFE70] =	vst v3  }
0xe3: {  	[tilespmem:s5+$0xFFFFFE40] =	vst v4  }
0xe4: {  	[tilespmem:s5+$0xFFFFFE20] =	vst v0;
	v0 =	vld [tilespmem:s5+$0xFFFFFEA0]  }
0xe5: {  	v2 =	vld.idx.msk [tilespmem:v1+s19+$0x0], $0xffff  }
0xe6: {  	v1 =	vld [tilespmem:s5+$0xFFFFFEB0]  }
0xe7: {  	v3 =	vld [tilespmem:s5+$0xFFFFFE90]  }
0xe8: {  	v4 =	vld [tilespmem:s5+$0xFFFFFEC0]  }
0xe9: {  	v5 =	vld [tilespmem:s5+$0xFFFFFED0]  }
0xea: {  	v6 =	vld [tilespmem:s5+$0xFFFFFEE0];
	v0 =	vmul.f32 v0, v2  }
0xeb: {  	s25 =	sadd.s32 $0x82, s7;
	v7 =	vld [tilespmem:s5+$0xFFFFFF00];
	v1 =	vmul.f32 v1, v2  }
0xec: {  	v63 =	vld [tilespmem:s5+$0xFFFFFEF0];
	v8 =	vmov s25;
	v3 =	vmul.f32 v3, v2;
	[tilespmem:s5+$0xFFFFFEA0] =	vst v0  }
0xed: {  	v4 =	vmul.f32 v4, v2;
	v0 =	vand.u32 $0xFFFFFFFE, v8;
	[tilespmem:s5+$0xFFFFFEB0] =	vst v1  }
0xee: {  	v1 =	vmul.f32 v5, v2;
	[tilespmem:s5+$0xFFFFFE90] =	vst v3;
	v5 =	vld [tilespmem:s5+$0xFFFFFF70];
	v8 =	vbroadcast v0, $0x0  }
0xef: {  	v3 =	vmul.f32 v6, v2;
	[tilespmem:s5+$0xFFFFFEC0] =	vst v4;
	v6 =	vld [tilespmem:s5+$0xFFFFFF10]  }
0xf0: {  	v4 =	vmul.f32 v7, v2;
	v0 =	vld [tilespmem:s5+$0xFFFFFF30];
	[tilespmem:s5+$0xFFFFFED0] =	vst v1  }
0xf1: {  	v2 =	vmul.f32 v63, v2;
	v1 =	vld [tilespmem:s5+$0xFFFFFF40];
	[tilespmem:s5+$0xFFFFFEE0] =	vst v3  }
0xf2: {  	[tilespmem:s5+$0xFFFFFF00] =	vst v4;
	v3 =	vld [tilespmem:s5+$0xFFFFFF50]  }
0xf3: {  	s14 =	sadd.s32 $0x83, s7;
	s18 =	sshll.u32 s4, $0x2;
	[tilespmem:s5+$0xFFFFFEF0] =	vst v2;
	v4 =	vld [tilespmem:s5+$0xFFFFFF20]  }
0xf4: {  	s7 =	simm.s32 $0x49F0;
	s6 =	sor.u32 $0x1, s18;
	s10 =	simm.s32 $0xFFFFFFC4;
	v2 =	vld.idx.msk [tilespmem:v8+s19+$0x0], $0xffff  }
.LBB2_6:
0xf5: {  	p0 =	sne.s32 s10, $0xFFFFFFFC  }
0xf6: {  	v7 =	vld [tilespmem:s5+$0xFFFFFF60];
	s7 =	sadd.s32 $0x200, s7;
	s17 =	smov.u32 s10;
	s10 =	sadd.s32 $0x4, s10  }
0xf7: {  	v8 =	vld [tilespmem:s5+$0xFFFFFF80];
	_ =	sdelay $0x1  }
0xf8: {  	v5 =	vmul.f32 v5, v2;
	v6 =	vmul.f32 v6, v2  }
0xf9: {  	v3 =	vmul.f32 v3, v2;
	v4 =	vmul.f32 v4, v2  }
0xfa: {  	v0 =	vmul.f32 v0, v2;
	v1 =	vmul.f32 v1, v2;
	[tilespmem:s5+$0xFFFFFF70] =	vst v5  }
0xfb: {  	[tilespmem:s5+$0xFFFFFF50] =	vst v3;
	v3 =	vmul.f32 v7, v2;
	v2 =	vmul.f32 v8, v2  }
0xfc: {  	[tilespmem:s5+$0xFFFFFF30] =	vst v0;
	v5 =	vld [tilespmem:s5+$0xFFFFFFF0]  }
0xfd: {  	v0 =	vld [tilespmem:s7+$0xFFFFFF30];
	[tilespmem:s5+$0xFFFFFF10] =	vst v6;
	v6 =	vmov s14  }
0xfe: {  	[tilespmem:s5+$0xFFFFFF60] =	vst v3;
	v3 =	vld [tilespmem:s5+$0xFFFFFF90]  }
0xff: {  	[tilespmem:s5+$0xFFFFFF40] =	vst v1;
	v7 =	vld [tilespmem:s5+$0xFFFFFFD0]  }
0x100: {  	v1 =	vld [tilespmem:s7+$0xFFFFFF40];
	[tilespmem:s5+$0xFFFFFF20] =	vst v4  }
0x101: {  	[tilespmem:s5+$0xFFFFFF80] =	vst v2;
	v2 =	vld [tilespmem:s5+$0xFFFFFFB0]  }
0x102: {  	v4 =	vld.idx.msk [tilespmem:v6+s19+$0x0], $0xffff  }
0x103: {  	v6 =	vld [tilespmem:s5+$0xFFFFFFA0]  }
0x104: {  	v8 =	vld [tilespmem:s5+$0xFFFFFFC0]  }
0x105: {  	v9 =	vld [tilespmem:s5+$0xFFFFFFE0]  }
0x106: {  	v10 =	vld [tilespmem:s5+$0x0];
	_ =	sdelay $0x1  }
0x107: {  	s14 =	sadd.s32 s17, s9;
	v3 =	vmul.f32 v3, v4;
	v6 =	vmul.f32 v6, v4  }
0x108: {  	s17 =	sadd.s32 $0x80, s14;
	s25 =	sadd.s32 $0x81, s14;
	s16 =	sadd.s32 $0x82, s14;
	v2 =	vmul.f32 v2, v4;
	v8 =	vmul.f32 v8, v4  }
0x109: {  	s14 =	sadd.s32 $0x83, s14;
	v11 =	vmov s17;
	[tilespmem:s5+$0xFFFFFF90] =	vst v3;
	v3 =	vmul.f32 v7, v4;
	v7 =	vmul.f32 v9, v4  }
0x10a: {  	v9 =	vand.u32 $0xFFFFFFFC, v11;
	[tilespmem:s5+$0xFFFFFFB0] =	vst v2;
	v2 =	vmul.f32 v5, v4;
	v4 =	vmul.f32 v10, v4  }
0x10b: {  	v5 =	vbroadcast v9, $0x0;
	v9 =	vmov s25;
	v10 =	vmov s16;
	[tilespmem:s5+$0xFFFFFFD0] =	vst v3  }
0x10c: {  	v3 =	vand.u32 $0xFFFFFFFD, v9;
	v9 =	vand.u32 $0xFFFFFFFE, v10;
	[tilespmem:s5+$0x0] =	vst v4  }
0x10d: {  	v4 =	vld [tilespmem:s7+$0xFFFFFE50];
	[tilespmem:s5+$0xFFFFFFF0] =	vst v2  }
0x10e: {  	v2 =	vld [tilespmem:s7+$0xFFFFFE60];
	[tilespmem:s5+$0xFFFFFFA0] =	vst v6  }
0x10f: {  	v6 =	vld [tilespmem:s7+$0xFFFFFE70];
	[tilespmem:s5+$0xFFFFFFC0] =	vst v8  }
0x110: {  	v8 =	vld [tilespmem:s7+$0xFFFFFE80];
	[tilespmem:s5+$0xFFFFFFE0] =	vst v7;
	s5 =	smov.u32 s7  }
0x111: {  	v5 =	vld.idx.msk [tilespmem:v5+s19+$0x0], $0xffff  }
0x112: {  	v7 =	vld [tilespmem:s7+$0xFFFFFE10]  }
0x113: {  	v10 =	vld [tilespmem:s7+$0xFFFFFE30]  }
0x114: {  	v11 =	vld [tilespmem:s7+$0xFFFFFE20]  }
0x115: {  	v12 =	vld [tilespmem:s7+$0xFFFFFE40];
	_ =	sdelay $0x1  }
0x116: {  	v8 =	vmul.f32 v8, v5;
	v7 =	vmul.f32 v7, v5  }
0x117: {  	v6 =	vmul.f32 v6, v5;
	v10 =	vmul.f32 v10, v5  }
0x118: {  	v2 =	vmul.f32 v2, v5;
	v11 =	vmul.f32 v11, v5;
	[tilespmem:s7+$0xFFFFFE80] =	vst v8  }
0x119: {  	v4 =	vmul.f32 v4, v5;
	[tilespmem:s7+$0xFFFFFE10] =	vst v7;
	v7 =	vmul.f32 v12, v5  }
0x11a: {  	v3 =	vbroadcast v3, $0x0;
	[tilespmem:s7+$0xFFFFFE30] =	vst v10  }
0x11b: {  	[tilespmem:s7+$0xFFFFFE60] =	vst v2  }
0x11c: {  	[tilespmem:s7+$0xFFFFFE50] =	vst v4;
	v2 =	vld [tilespmem:s7+$0xFFFFFF00]  }
0x11d: {  	[tilespmem:s7+$0xFFFFFE70] =	vst v6;
	v4 =	vld [tilespmem:s7+$0xFFFFFED0]  }
0x11e: {  	[tilespmem:s7+$0xFFFFFE40] =	vst v7;
	v5 =	vld [tilespmem:s7+$0xFFFFFEE0]  }
0x11f: {  	[tilespmem:s7+$0xFFFFFE20] =	vst v11;
	v6 =	vld [tilespmem:s7+$0xFFFFFEA0]  }
0x120: {  	v3 =	vld.idx.msk [tilespmem:v3+s19+$0x0], $0xffff  }
0x121: {  	v7 =	vld [tilespmem:s7+$0xFFFFFE90]  }
0x122: {  	v8 =	vld [tilespmem:s7+$0xFFFFFEB0]  }
0x123: {  	v10 =	vld [tilespmem:s7+$0xFFFFFEC0]  }
0x124: {  	v11 =	vld [tilespmem:s7+$0xFFFFFEF0];
	_ =	sdelay $0x1  }
0x125: {  	v6 =	vmul.f32 v6, v3;
	v7 =	vmul.f32 v7, v3  }
0x126: {  	v5 =	vmul.f32 v5, v3;
	v8 =	vmul.f32 v8, v3  }
0x127: {  	v4 =	vmul.f32 v4, v3;
	[tilespmem:s7+$0xFFFFFEA0] =	vst v6;
	v6 =	vmul.f32 v10, v3  }
0x128: {  	v2 =	vmul.f32 v2, v3;
	[tilespmem:s7+$0xFFFFFEB0] =	vst v8;
	v8 =	vmul.f32 v11, v3  }
0x129: {  	[tilespmem:s7+$0xFFFFFE90] =	vst v7;
	v7 =	vbroadcast v9, $0x0  }
0x12a: {  	[tilespmem:s7+$0xFFFFFEC0] =	vst v6  }
0x12b: {  	[tilespmem:s7+$0xFFFFFED0] =	vst v4  }
0x12c: {  	[tilespmem:s7+$0xFFFFFEE0] =	vst v5  }
.Ltmp5:
0x12d: {  	[tilespmem:s7+$0xFFFFFF00] =	vst v2;
	v3 =	vld [tilespmem:s7+$0xFFFFFF50];
	(pc) =	sbr.rel @p0 .LBB2_6-.Ltmp5, $4  }
0x12e: {  	[tilespmem:s7+$0xFFFFFEF0] =	vst v8;
	v5 =	vld [tilespmem:s7+$0xFFFFFF70]  }
0x12f: {  	v2 =	vld.idx.msk [tilespmem:v7+s19+$0x0], $0xffff  }
0x130: {  	v6 =	vld [tilespmem:s7+$0xFFFFFF10]  }
0x131: {  	v4 =	vld [tilespmem:s7+$0xFFFFFF20]  }
0x132: {  	_ =	sdelay $0x1  }
0x133: {  	v5 =	vmul.f32 v5, v2  }
0x134: {  	v7 =	vld [tilespmem:s5+$0xFFFFFF60];
	v3 =	vmul.f32 v3, v2  }
0x135: {  	v8 =	vld [tilespmem:s5+$0xFFFFFF80];
	v0 =	vmul.f32 v0, v2;
	[tilespmem:s5+$0xFFFFFF70] =	vst v5  }
0x136: {  	v5 =	vmul.f32 v6, v2;
	[tilespmem:s5+$0xFFFFFF50] =	vst v3  }
0x137: {  	[tilespmem:s5+$0xFFFFFF30] =	vst v0;
	v0 =	vmul.f32 v1, v2  }
0x138: {  	v1 =	vmov s14;
	v4 =	vmul.f32 v4, v2;
	[tilespmem:s5+$0xFFFFFF10] =	vst v5  }
0x139: {  	v3 =	vmul.f32 v7, v2;
	[tilespmem:s5+$0xFFFFFF40] =	vst v0  }
0x13a: {  	v2 =	vmul.f32 v8, v2;
	[tilespmem:s5+$0xFFFFFF20] =	vst v4  }
0x13b: {  	[tilespmem:s5+$0xFFFFFF60] =	vst v3  }
0x13c: {  	v0 =	vld [tilespmem:s5+$0xFFFFFF90];
	[tilespmem:s5+$0xFFFFFF80] =	vst v2  }
0x13d: {  	v1 =	vld.idx.msk [tilespmem:v1+s19+$0x0], $0xffff  }
0x13e: {  	v2 =	vld [tilespmem:s5+$0xFFFFFFB0]  }
0x13f: {  	v3 =	vld [tilespmem:s5+$0xFFFFFFD0]  }
0x140: {  	v4 =	vld [tilespmem:s5+$0x0]  }
0x141: {  	v5 =	vld [tilespmem:s5+$0xFFFFFFF0]  }
0x142: {  	v6 =	vld [tilespmem:s5+$0xFFFFFFA0];
	v0 =	vmul.f32 v0, v1  }
0x143: {  	v7 =	vld [tilespmem:s5+$0xFFFFFFC0];
	v2 =	vmul.f32 v2, v1  }
0x144: {  	v62 =	vld [tilespmem:s5+$0xFFFFFFE0];
	[tilespmem:s5+$0xFFFFFF90] =	vst v0;
	v0 =	vmul.f32 v3, v1  }
0x145: {  	[tilespmem:s5+$0xFFFFFFB0] =	vst v2;
	v2 =	vmul.f32 v4, v1  }
0x146: {  	v3 =	vmul.f32 v5, v1;
	[tilespmem:s5+$0xFFFFFFD0] =	vst v0  }
0x147: {  	v0 =	vmul.f32 v6, v1;
	[tilespmem:s5+$0x0] =	vst v2  }
0x148: {  	v2 =	vmul.f32 v7, v1;
	[tilespmem:s5+$0xFFFFFFF0] =	vst v3  }
0x149: {  	s6 =	sshll.u32 s6, $0x7;
	v1 =	vmul.f32 v62, v1;
	[tilespmem:s5+$0xFFFFFFA0] =	vst v0  }
0x14a: {  	s6 =	sand.u32 $0x3FFFFF80, s6;
	[tilespmem:s5+$0xFFFFFFC0] =	vst v2  }
0x14b: {  	p0 =	seq.s32 s4, $0x9;
	s10 =	sadd.s32 $0xA00, s6;
	s14 =	sadd.s32 $0xFFFFFFFD, s11;
	[tilespmem:s5+$0xFFFFFFE0] =	vst v1  }
0x14c: {  	[spmem:s3] =	stream.indirect.scatter.add.f32 [tilespmem:s23], [sflag:$0x6], $0x80, s10, s21, $0xb8;
	[tilespmem:$0x1E400] =	vst v63  }
0x14d: {  	s5 =	sshll.u32 @!p0 s4, $0x8;
	v0 =	vmov s14;
	_ =	swait.ge [sflag:s30], $0x2000  }
0x14e: {  	s7 =	simm.s32 @!p0 $0x2800;
	s25 =	sand.u32 @!p0 $0x3FFFFF00, s5;
	v0 =	vand.u32 $0xFFFFFFFC, v0;
	[sflag:s30] =	ssyncset.done $0x0  }
0x14f: {  	s6 =	simm.s32 @!p0 $0x40;
	s5 =	sadd.s32 @!p0 $0x100, s25;
	v0 =	vbroadcast v0, $0x0;
	[sflag:s30] =	ssyncadd.s32 $0xFFFFE000  }
0x150: {  	[tilespmem:s7], [sflag:$0x1] =	stream.indirect.gather @!p0 [hbm4b:s1+s6], $0x80, s5, s6, $0xb8;
	[tilespmem:$0x1E400] =	vst v63  }
0x151: {  	_ =	swait.ge [sflag:s31], $0x2000  }
0x152: {  	[sflag:s31] =	ssyncset.done $0x0  }
0x153: {  	s5 =	simm.s32 $0x0;
	[sflag:s31] =	ssyncadd.s32 $0xFFFFE000  }
0x154: {  	v1 =	vld [tilespmem:s5+$0x6840]  }
0x155: {  	v3 =	vld.idx.msk [tilespmem:v0+s19+$0x0], $0xffff  }
0x156: {  	v0 =	vld [tilespmem:s5+$0x6870]  }
0x157: {  	v4 =	vld [tilespmem:s5+$0x6850]  }
0x158: {  	v6 =	vld [tilespmem:s5+$0x6820]  }
0x159: {  	v5 =	vld [tilespmem:s5+$0x6800]  }
0x15a: {  	v7 =	vld [tilespmem:s5+$0x6810]  }
0x15b: {  	v0 =	vmul.f32 v0, v3  }
0x15c: {  	v1 =	vmul.f32 v1, v3  }
0x15d: {  	v2 =	vld [tilespmem:s5+$0x6830];
	[tilespmem:s5+$0x6870] =	vst v0;
	v0 =	vmul.f32 v6, v3  }
0x15e: {  	s16 =	sadd.s32 $0xFFFFFFFE, s11;
	v63 =	vld [tilespmem:s5+$0x6860];
	[tilespmem:s5+$0x6840] =	vst v1;
	v1 =	vmul.f32 v4, v3  }
0x15f: {  	v4 =	vmul.f32 v5, v3;
	v5 =	vmul.f32 v7, v3;
	[tilespmem:s5+$0x6820] =	vst v0;
	v0 =	vmov s16  }
0x160: {  	v7 =	vand.u32 $0xFFFFFFFD, v0  }
0x161: {  	s17 =	sadd.s32 $0xFFFFFFFF, s11;
	[tilespmem:s5+$0x6810] =	vst v5;
	v5 =	vbroadcast v7, $0x0  }
0x162: {  	s14 =	smov.u32 s11;
	v6 =	vmov s17;
	[tilespmem:s5+$0x6850] =	vst v1;
	v1 =	vld [tilespmem:s5+$0x68F0]  }
0x163: {  	s10 =	simm.s32 $0x800;
	s6 =	sor.u32 $0x2, s18;
	s7 =	smov.u32 s11;
	[tilespmem:s5+$0x6800] =	vst v4;
	v4 =	vmul.f32 v63, v3;
	v3 =	vmul.f32 v2, v3;
	v2 =	vld [tilespmem:s5+$0x68E0];
	v0 =	vand.u32 $0xFFFFFFFE, v6  }
.LBB2_8:
0x164: {  	p1 =	sne.s32 s10, $0x7800  }
0x165: {  	[tilespmem:s5+$0x6860] =	vst v4;
	v4 =	vld [tilespmem:s5+$0x68B0];
	s7 =	sadd.s32 $0x4, s7;
	s17 =	smov.u32 s10;
	s10 =	sadd.s32 $0x800, s10  }
0x166: {  	s16 =	sadd.s32 $0xFFFFFFFF, s7;
	[tilespmem:s5+$0x6830] =	vst v3;
	v3 =	vld [tilespmem:s5+$0x6890]  }
0x167: {  	v6 =	vmov s16;
	v5 =	vld.idx.msk [tilespmem:v5+s19+$0x0], $0xffff  }
0x168: {  	v6 =	vand.u32 $0xFFFFFFFE, v6;
	v7 =	vld [tilespmem:s5+$0x6880]  }
0x169: {  	v8 =	vld [tilespmem:s5+$0x68A0]  }
0x16a: {  	v9 =	vld [tilespmem:s5+$0x68C0]  }
0x16b: {  	v10 =	vld [tilespmem:s5+$0x68D0];
	_ =	sdelay $0x1  }
0x16c: {  	v3 =	vmul.f32 v3, v5;
	v7 =	vmul.f32 v7, v5  }
0x16d: {  	v4 =	vmul.f32 v4, v5;
	v8 =	vmul.f32 v8, v5  }
0x16e: {  	v2 =	vmul.f32 v2, v5;
	[tilespmem:s5+$0x6880] =	vst v7;
	v7 =	vmul.f32 v9, v5  }
0x16f: {  	v1 =	vmul.f32 v1, v5;
	[tilespmem:s5+$0x68B0] =	vst v4;
	v4 =	vmul.f32 v10, v5  }
0x170: {  	v5 =	vbroadcast v0, $0x0;
	v0 =	vmov v6;
	[tilespmem:s5+$0x68A0] =	vst v8  }
0x171: {  	[tilespmem:s5+$0x6890] =	vst v3  }
0x172: {  	[tilespmem:s5+$0x68F0] =	vst v1  }
0x173: {  	[tilespmem:s5+$0x68C0] =	vst v7;
	v1 =	vld [tilespmem:s5+$0x6950]  }
0x174: {  	[tilespmem:s5+$0x68E0] =	vst v2;
	v2 =	vld [tilespmem:s5+$0x6930]  }
0x175: {  	[tilespmem:s5+$0x68D0] =	vst v4;
	v3 =	vld [tilespmem:s5+$0x6910]  }
0x176: {  	v4 =	vld.idx.msk [tilespmem:v5+s19+$0x0], $0xffff  }
0x177: {  	v5 =	vld [tilespmem:s5+$0x6900]  }
0x178: {  	v6 =	vld [tilespmem:s5+$0x6940]  }
0x179: {  	s16 =	sadd.s32 $0xFFFFFFFD, s7;
	v7 =	vld [tilespmem:s5+$0x6920]  }
0x17a: {  	v8 =	vmov s16;
	v9 =	vld [tilespmem:s5+$0x6960]  }
0x17b: {  	v8 =	vand.u32 $0xFFFFFFFC, v8;
	v10 =	vld [tilespmem:s5+$0x6970]  }
0x17c: {  	v8 =	vbroadcast v8, $0x0;
	v5 =	vmul.f32 v5, v4  }
0x17d: {  	v3 =	vmul.f32 v3, v4;
	v6 =	vmul.f32 v6, v4  }
0x17e: {  	v2 =	vmul.f32 v2, v4;
	[tilespmem:s5+$0x6900] =	vst v5;
	v5 =	vmul.f32 v7, v4  }
0x17f: {  	v1 =	vmul.f32 v1, v4;
	[tilespmem:s5+$0x6910] =	vst v3;
	v3 =	vmul.f32 v9, v4;
	v7 =	vld [tilespmem:s5+$0x69C0]  }
0x180: {  	[tilespmem:s5+$0x6920] =	vst v5;
	v4 =	vmul.f32 v10, v4;
	v5 =	vld [tilespmem:s5+$0x69B0]  }
0x181: {  	[tilespmem:s5+$0x6930] =	vst v2;
	v2 =	vld [tilespmem:s5+$0x6980]  }
0x182: {  	s16 =	sshra.s32 s17, $0x2;
	[tilespmem:s5+$0x6950] =	vst v1;
	v1 =	vmov s14;
	v9 =	vld [tilespmem:s5+$0x69E0];
	s14 =	smov.u32 s7  }
0x183: {  	v10 =	vld [tilespmem:s16+$0x6840];
	[tilespmem:s5+$0x6940] =	vst v6  }
0x184: {  	v6 =	vld [tilespmem:s16+$0x6830];
	[tilespmem:s5+$0x6960] =	vst v3  }
0x185: {  	v11 =	vld [tilespmem:s16+$0x6810];
	[tilespmem:s5+$0x6970] =	vst v4  }
0x186: {  	v12 =	vld [tilespmem:s16+$0x6800]  }
0x187: {  	v1 =	vld.idx.msk [tilespmem:v1+s19+$0x0], $0xffff  }
0x188: {  	v3 =	vld [tilespmem:s5+$0x6990]  }
0x189: {  	v4 =	vld [tilespmem:s5+$0x69A0]  }
0x18a: {  	v13 =	vld [tilespmem:s5+$0x69D0]  }
0x18b: {  	v14 =	vld [tilespmem:s5+$0x69F0]  }
0x18c: {  	v15 =	vld [tilespmem:s16+$0x6870]  }
0x18d: {  	v2 =	vmul.f32 v2, v1;
	v16 =	vld [tilespmem:s16+$0x6860];
	v3 =	vmul.f32 v3, v1  }
0x18e: {  	v5 =	vmul.f32 v5, v1;
	v4 =	vmul.f32 v4, v1  }
0x18f: {  	[tilespmem:s5+$0x6980] =	vst v2;
	v2 =	vmul.f32 v7, v1;
	v7 =	vmul.f32 v13, v1  }
0x190: {  	[tilespmem:s5+$0x69A0] =	vst v4;
	v4 =	vmul.f32 v9, v1;
	v1 =	vmul.f32 v14, v1  }
0x191: {  	[tilespmem:s5+$0x69B0] =	vst v5  }
0x192: {  	[tilespmem:s5+$0x69C0] =	vst v2  }
0x193: {  	[tilespmem:s5+$0x69D0] =	vst v7  }
0x194: {  	[tilespmem:s5+$0x69E0] =	vst v4  }
0x195: {  	[tilespmem:s5+$0x69F0] =	vst v1  }
0x196: {  	[tilespmem:s5+$0x6990] =	vst v3;
	s5 =	smov.u32 s16  }
0x197: {  	v1 =	vld.idx.msk [tilespmem:v8+s19+$0x0], $0xffff;
	_ =	sdelay $0x2  }
0x198: {  	v2 =	vld [tilespmem:s5+$0x6850]  }
0x199: {  	v5 =	vld [tilespmem:s5+$0x6820];
	_ =	sdelay $0x1  }
0x19a: {  	v7 =	vmul.f32 v10, v1;
	v4 =	vmul.f32 v16, v1  }
0x19b: {  	s16 =	sadd.s32 $0xFFFFFFFE, s7;
	v3 =	vmul.f32 v6, v1;
	v6 =	vmul.f32 v15, v1  }
0x19c: {  	v8 =	vmul.f32 v11, v1;
	[tilespmem:s5+$0x6840] =	vst v7;
	v2 =	vmul.f32 v2, v1;
	v7 =	vmov s16  }
.Ltmp6:
0x19d: {  	v9 =	vmul.f32 v12, v1;
	v1 =	vmul.f32 v5, v1;
	[tilespmem:s5+$0x6870] =	vst v6;
	v5 =	vand.u32 $0xFFFFFFFD, v7;
	(pc) =	sbr.rel @p1 .LBB2_8-.Ltmp6, $4  }
0x19e: {  	[tilespmem:s5+$0x6850] =	vst v2;
	v5 =	vbroadcast v5, $0x0  }
0x19f: {  	[tilespmem:s5+$0x6800] =	vst v9  }
0x1a0: {  	[tilespmem:s5+$0x6820] =	vst v1;
	v1 =	vld [tilespmem:s5+$0x68F0]  }
0x1a1: {  	[tilespmem:s5+$0x6810] =	vst v8;
	v2 =	vld [tilespmem:s5+$0x68E0]  }
0x1a2: {  	_ =	sdelay $0x1  }
0x1a3: {  	[tilespmem:s5+$0x6860] =	vst v4  }
0x1a4: {  	[tilespmem:s5+$0x6830] =	vst v3  }
0x1a5: {  	v3 =	vld.idx.msk [tilespmem:v5+s19+$0x0], $0xffff  }
0x1a6: {  	v5 =	vld [tilespmem:s5+$0x6880]  }
0x1a7: {  	v4 =	vld [tilespmem:s5+$0x68B0]  }
0x1a8: {  	v6 =	vld [tilespmem:s5+$0x68A0];
	_ =	sdelay $0x1  }
0x1a9: {  	v7 =	vld [tilespmem:s5+$0x6890]  }
0x1aa: {  	v8 =	vld [tilespmem:s5+$0x68C0];
	v5 =	vmul.f32 v5, v3  }
0x1ab: {  	v4 =	vmul.f32 v4, v3  }
0x1ac: {  	v9 =	vld [tilespmem:s5+$0x68D0];
	v6 =	vmul.f32 v6, v3;
	[tilespmem:s5+$0x6880] =	vst v5  }
0x1ad: {  	v1 =	vmul.f32 v1, v3;
	[tilespmem:s5+$0x68B0] =	vst v4  }
0x1ae: {  	v0 =	vbroadcast v0, $0x0;
	v5 =	vmul.f32 v7, v3;
	[tilespmem:s5+$0x68A0] =	vst v6  }
0x1af: {  	v4 =	vmul.f32 v8, v3;
	[tilespmem:s5+$0x68F0] =	vst v1  }
0x1b0: {  	v1 =	vmul.f32 v2, v3;
	[tilespmem:s5+$0x6890] =	vst v5  }
0x1b1: {  	v3 =	vmul.f32 v9, v3;
	[tilespmem:s5+$0x68C0] =	vst v4  }
0x1b2: {  	[tilespmem:s5+$0x68E0] =	vst v1  }
0x1b3: {  	[tilespmem:s5+$0x68D0] =	vst v3;
	v3 =	vld [tilespmem:s5+$0x6900]  }
0x1b4: {  	v0 =	vld.idx.msk [tilespmem:v0+s19+$0x0], $0xffff  }
0x1b5: {  	v4 =	vld [tilespmem:s5+$0x6910]  }
0x1b6: {  	v1 =	vld [tilespmem:s5+$0x6930]  }
0x1b7: {  	v2 =	vld [tilespmem:s5+$0x6950]  }
0x1b8: {  	v5 =	vld [tilespmem:s5+$0x6920]  }
0x1b9: {  	v6 =	vld [tilespmem:s5+$0x6940];
	v3 =	vmul.f32 v3, v0  }
0x1ba: {  	v7 =	vld [tilespmem:s5+$0x6960];
	v4 =	vmul.f32 v4, v0  }
0x1bb: {  	v61 =	vld [tilespmem:s5+$0x6970];
	v1 =	vmul.f32 v1, v0;
	[tilespmem:s5+$0x6900] =	vst v3  }
0x1bc: {  	v2 =	vmul.f32 v2, v0;
	[tilespmem:s5+$0x6910] =	vst v4  }
0x1bd: {  	v3 =	vmul.f32 v5, v0;
	[tilespmem:s5+$0x6930] =	vst v1  }
0x1be: {  	v5 =	vmul.f32 v6, v0;
	[tilespmem:s5+$0x6950] =	vst v2;
	v2 =	vmov s14  }
0x1bf: {  	v6 =	vmul.f32 v7, v0;
	[tilespmem:s5+$0x6920] =	vst v3  }
0x1c0: {  	v0 =	vmul.f32 v61, v0;
	[tilespmem:s5+$0x6940] =	vst v5  }
0x1c1: {  	[tilespmem:s5+$0x6960] =	vst v6  }
0x1c2: {  	v1 =	vld [tilespmem:s5+$0x6980];
	[tilespmem:s5+$0x6970] =	vst v0  }
0x1c3: {  	v0 =	vld.idx.msk [tilespmem:v2+s19+$0x0], $0xffff  }
0x1c4: {  	v2 =	vld [tilespmem:s5+$0x69A0]  }
0x1c5: {  	v3 =	vld [tilespmem:s5+$0x69B0]  }
0x1c6: {  	v4 =	vld [tilespmem:s5+$0x69C0]  }
0x1c7: {  	v5 =	vld [tilespmem:s5+$0x69D0]  }
0x1c8: {  	v7 =	vld [tilespmem:s5+$0x69E0];
	v1 =	vmul.f32 v1, v0  }
0x1c9: {  	v62 =	vld [tilespmem:s5+$0x69F0];
	v2 =	vmul.f32 v2, v0  }
0x1ca: {  	v6 =	vld [tilespmem:s5+$0x6990];
	v3 =	vmul.f32 v3, v0;
	[tilespmem:s5+$0x6980] =	vst v1  }
0x1cb: {  	v1 =	vmul.f32 v4, v0;
	[tilespmem:s5+$0x69A0] =	vst v2  }
0x1cc: {  	v2 =	vmul.f32 v5, v0;
	[tilespmem:s5+$0x69B0] =	vst v3  }
0x1cd: {  	v3 =	vmul.f32 v7, v0;
	[tilespmem:s5+$0x69C0] =	vst v1  }
0x1ce: {  	v1 =	vmul.f32 v62, v0;
	[tilespmem:s5+$0x69D0] =	vst v2  }
0x1cf: {  	s6 =	sshll.u32 s6, $0x7;
	v0 =	vmul.f32 v6, v0;
	[tilespmem:s5+$0x69E0] =	vst v3  }
0x1d0: {  	s6 =	sand.u32 $0x3FFFFF80, s6;
	[tilespmem:s5+$0x69F0] =	vst v1  }
0x1d1: {  	s16 =	sadd.s32 $0xFFFFFFFD, s15;
	s14 =	sadd.s32 $0xA00, s6;
	[tilespmem:s5+$0x6990] =	vst v0  }
0x1d2: {  	[spmem:s3] =	stream.indirect.scatter.add.f32 [tilespmem:s24], [sflag:$0x7], $0x80, s14, s21, $0xb8;
	[tilespmem:$0x1E400] =	vst v63  }
0x1d3: {  	v0 =	vmov s16;
	_ =	swait.ge [sflag:s0], $0x2000  }
0x1d4: {  	s7 =	simm.s32 @!p0 $0x4800;
	v0 =	vand.u32 $0xFFFFFFFC, v0;
	[sflag:s0] =	ssyncset.done $0x0  }
0x1d5: {  	s6 =	simm.s32 @!p0 $0x40;
	s5 =	sadd.s32 @!p0 $0x140, s25;
	v0 =	vbroadcast v0, $0x0;
	[sflag:s0] =	ssyncadd.s32 $0xFFFFE000  }
0x1d6: {  	[tilespmem:s7], [sflag:$0x2] =	stream.indirect.gather @!p0 [hbm4b:s1+s6], $0x80, s5, s6, $0xb8;
	[tilespmem:$0x1E400] =	vst v63  }
0x1d7: {  	_ =	swait.ge [sflag:s2], $0x2000  }
0x1d8: {  	[sflag:s2] =	ssyncset.done $0x0  }
0x1d9: {  	s5 =	simm.s32 $0x0;
	[sflag:s2] =	ssyncadd.s32 $0xFFFFE000  }
0x1da: {  	v1 =	vld [tilespmem:s5+$0x8840]  }
0x1db: {  	v3 =	vld.idx.msk [tilespmem:v0+s19+$0x0], $0xffff  }
0x1dc: {  	v0 =	vld [tilespmem:s5+$0x8870]  }
0x1dd: {  	v4 =	vld [tilespmem:s5+$0x8850]  }
0x1de: {  	v6 =	vld [tilespmem:s5+$0x8820]  }
0x1df: {  	v5 =	vld [tilespmem:s5+$0x8800]  }
0x1e0: {  	v7 =	vld [tilespmem:s5+$0x8810]  }
0x1e1: {  	v0 =	vmul.f32 v0, v3  }
0x1e2: {  	v1 =	vmul.f32 v1, v3  }
0x1e3: {  	v2 =	vld [tilespmem:s5+$0x8830];
	[tilespmem:s5+$0x8870] =	vst v0;
	v0 =	vmul.f32 v6, v3  }
0x1e4: {  	s17 =	sadd.s32 $0xFFFFFFFE, s15;
	v63 =	vld [tilespmem:s5+$0x8860];
	[tilespmem:s5+$0x8840] =	vst v1;
	v1 =	vmul.f32 v4, v3  }
0x1e5: {  	v4 =	vmul.f32 v5, v3;
	v5 =	vmul.f32 v7, v3;
	[tilespmem:s5+$0x8820] =	vst v0;
	v0 =	vmov s17  }
0x1e6: {  	v7 =	vand.u32 $0xFFFFFFFD, v0  }
0x1e7: {  	s25 =	sadd.s32 $0xFFFFFFFF, s15;
	[tilespmem:s5+$0x8810] =	vst v5;
	v5 =	vbroadcast v7, $0x0  }
0x1e8: {  	s10 =	simm.s32 $0x800;
	v6 =	vmov s25;
	[tilespmem:s5+$0x8850] =	vst v1;
	v1 =	vld [tilespmem:s5+$0x88F0]  }
0x1e9: {  	s14 =	smov.u32 s15;
	s6 =	sor.u32 $0x3, s18;
	s7 =	smov.u32 s15;
	[tilespmem:s5+$0x8800] =	vst v4;
	v4 =	vmul.f32 v63, v3;
	v3 =	vmul.f32 v2, v3;
	v2 =	vld [tilespmem:s5+$0x88E0];
	v0 =	vand.u32 $0xFFFFFFFE, v6  }
.LBB2_10:
0x1ea: {  	p1 =	sne.s32 s10, $0x7800  }
0x1eb: {  	[tilespmem:s5+$0x8860] =	vst v4;
	v4 =	vld [tilespmem:s5+$0x88B0];
	s7 =	sadd.s32 $0x4, s7;
	s17 =	smov.u32 s10;
	s10 =	sadd.s32 $0x800, s10  }
0x1ec: {  	s16 =	sadd.s32 $0xFFFFFFFF, s7;
	[tilespmem:s5+$0x8830] =	vst v3;
	v3 =	vld [tilespmem:s5+$0x8890]  }
0x1ed: {  	v6 =	vmov s16;
	v5 =	vld.idx.msk [tilespmem:v5+s19+$0x0], $0xffff  }
0x1ee: {  	v6 =	vand.u32 $0xFFFFFFFE, v6;
	v7 =	vld [tilespmem:s5+$0x8880]  }
0x1ef: {  	v8 =	vld [tilespmem:s5+$0x88A0]  }
0x1f0: {  	v9 =	vld [tilespmem:s5+$0x88C0]  }
0x1f1: {  	v10 =	vld [tilespmem:s5+$0x88D0];
	_ =	sdelay $0x1  }
0x1f2: {  	v3 =	vmul.f32 v3, v5;
	v7 =	vmul.f32 v7, v5  }
0x1f3: {  	v4 =	vmul.f32 v4, v5;
	v8 =	vmul.f32 v8, v5  }
0x1f4: {  	v2 =	vmul.f32 v2, v5;
	[tilespmem:s5+$0x8880] =	vst v7;
	v7 =	vmul.f32 v9, v5  }
0x1f5: {  	v1 =	vmul.f32 v1, v5;
	[tilespmem:s5+$0x88B0] =	vst v4;
	v4 =	vmul.f32 v10, v5  }
0x1f6: {  	v5 =	vbroadcast v0, $0x0;
	v0 =	vmov v6;
	[tilespmem:s5+$0x88A0] =	vst v8  }
0x1f7: {  	[tilespmem:s5+$0x8890] =	vst v3  }
0x1f8: {  	[tilespmem:s5+$0x88F0] =	vst v1  }
0x1f9: {  	[tilespmem:s5+$0x88C0] =	vst v7;
	v1 =	vld [tilespmem:s5+$0x8950]  }
0x1fa: {  	[tilespmem:s5+$0x88E0] =	vst v2;
	v2 =	vld [tilespmem:s5+$0x8930]  }
0x1fb: {  	[tilespmem:s5+$0x88D0] =	vst v4;
	v3 =	vld [tilespmem:s5+$0x8910]  }
0x1fc: {  	v4 =	vld.idx.msk [tilespmem:v5+s19+$0x0], $0xffff  }
0x1fd: {  	v5 =	vld [tilespmem:s5+$0x8900]  }
0x1fe: {  	v6 =	vld [tilespmem:s5+$0x8940]  }
0x1ff: {  	s16 =	sadd.s32 $0xFFFFFFFD, s7;
	v7 =	vld [tilespmem:s5+$0x8920]  }
0x200: {  	v8 =	vmov s16;
	v9 =	vld [tilespmem:s5+$0x8960]  }
0x201: {  	v8 =	vand.u32 $0xFFFFFFFC, v8;
	v10 =	vld [tilespmem:s5+$0x8970]  }
0x202: {  	v8 =	vbroadcast v8, $0x0;
	v5 =	vmul.f32 v5, v4  }
0x203: {  	v3 =	vmul.f32 v3, v4;
	v6 =	vmul.f32 v6, v4  }
0x204: {  	v2 =	vmul.f32 v2, v4;
	[tilespmem:s5+$0x8900] =	vst v5;
	v5 =	vmul.f32 v7, v4  }
0x205: {  	v1 =	vmul.f32 v1, v4;
	[tilespmem:s5+$0x8910] =	vst v3;
	v3 =	vmul.f32 v9, v4;
	v7 =	vld [tilespmem:s5+$0x89C0]  }
0x206: {  	[tilespmem:s5+$0x8920] =	vst v5;
	v4 =	vmul.f32 v10, v4;
	v5 =	vld [tilespmem:s5+$0x89B0]  }
0x207: {  	[tilespmem:s5+$0x8930] =	vst v2;
	v2 =	vld [tilespmem:s5+$0x8980]  }
0x208: {  	s16 =	sshra.s32 s17, $0x2;
	[tilespmem:s5+$0x8950] =	vst v1;
	v1 =	vmov s14;
	v9 =	vld [tilespmem:s5+$0x89E0];
	s14 =	smov.u32 s7  }
0x209: {  	v10 =	vld [tilespmem:s16+$0x8840];
	[tilespmem:s5+$0x8940] =	vst v6  }
0x20a: {  	v6 =	vld [tilespmem:s16+$0x8830];
	[tilespmem:s5+$0x8960] =	vst v3  }
0x20b: {  	v11 =	vld [tilespmem:s16+$0x8810];
	[tilespmem:s5+$0x8970] =	vst v4  }
0x20c: {  	v12 =	vld [tilespmem:s16+$0x8800]  }
0x20d: {  	v1 =	vld.idx.msk [tilespmem:v1+s19+$0x0], $0xffff  }
0x20e: {  	v3 =	vld [tilespmem:s5+$0x8990]  }
0x20f: {  	v4 =	vld [tilespmem:s5+$0x89A0]  }
0x210: {  	v13 =	vld [tilespmem:s5+$0x89D0]  }
0x211: {  	v14 =	vld [tilespmem:s5+$0x89F0]  }
0x212: {  	v15 =	vld [tilespmem:s16+$0x8870]  }
0x213: {  	v2 =	vmul.f32 v2, v1;
	v16 =	vld [tilespmem:s16+$0x8860];
	v3 =	vmul.f32 v3, v1  }
0x214: {  	v5 =	vmul.f32 v5, v1;
	v4 =	vmul.f32 v4, v1  }
0x215: {  	[tilespmem:s5+$0x8980] =	vst v2;
	v2 =	vmul.f32 v7, v1;
	v7 =	vmul.f32 v13, v1  }
0x216: {  	[tilespmem:s5+$0x89A0] =	vst v4;
	v4 =	vmul.f32 v9, v1;
	v1 =	vmul.f32 v14, v1  }
0x217: {  	[tilespmem:s5+$0x89B0] =	vst v5  }
0x218: {  	[tilespmem:s5+$0x89C0] =	vst v2  }
0x219: {  	[tilespmem:s5+$0x89D0] =	vst v7  }
0x21a: {  	[tilespmem:s5+$0x89E0] =	vst v4  }
0x21b: {  	[tilespmem:s5+$0x89F0] =	vst v1  }
0x21c: {  	[tilespmem:s5+$0x8990] =	vst v3;
	s5 =	smov.u32 s16  }
0x21d: {  	v1 =	vld.idx.msk [tilespmem:v8+s19+$0x0], $0xffff;
	_ =	sdelay $0x2  }
0x21e: {  	v2 =	vld [tilespmem:s5+$0x8850]  }
0x21f: {  	v5 =	vld [tilespmem:s5+$0x8820];
	_ =	sdelay $0x1  }
0x220: {  	v7 =	vmul.f32 v10, v1;
	v4 =	vmul.f32 v16, v1  }
0x221: {  	s16 =	sadd.s32 $0xFFFFFFFE, s7;
	v3 =	vmul.f32 v6, v1;
	v6 =	vmul.f32 v15, v1  }
0x222: {  	v8 =	vmul.f32 v11, v1;
	[tilespmem:s5+$0x8840] =	vst v7;
	v2 =	vmul.f32 v2, v1;
	v7 =	vmov s16  }
.Ltmp7:
0x223: {  	v9 =	vmul.f32 v12, v1;
	v1 =	vmul.f32 v5, v1;
	[tilespmem:s5+$0x8870] =	vst v6;
	v5 =	vand.u32 $0xFFFFFFFD, v7;
	(pc) =	sbr.rel @p1 .LBB2_10-.Ltmp7, $4  }
0x224: {  	[tilespmem:s5+$0x8850] =	vst v2;
	v5 =	vbroadcast v5, $0x0  }
0x225: {  	[tilespmem:s5+$0x8800] =	vst v9  }
0x226: {  	[tilespmem:s5+$0x8820] =	vst v1;
	v1 =	vld [tilespmem:s5+$0x88F0]  }
0x227: {  	[tilespmem:s5+$0x8810] =	vst v8;
	v2 =	vld [tilespmem:s5+$0x88E0]  }
0x228: {  	_ =	sdelay $0x1  }
0x229: {  	[tilespmem:s5+$0x8860] =	vst v4  }
0x22a: {  	[tilespmem:s5+$0x8830] =	vst v3;
	v36 =	vld [tilespmem:s5+$0x8880]  }
0x22b: {  	v3 =	vld.idx.msk [tilespmem:v5+s19+$0x0], $0xffff  }
0x22c: {  	v35 =	vld [tilespmem:s5+$0x88B0]  }
0x22d: {  	v6 =	vld [tilespmem:s5+$0x88A0]  }
0x22e: {  	v7 =	vld [tilespmem:s5+$0x8890];
	_ =	sdelay $0x1  }
0x22f: {  	v8 =	vld [tilespmem:s5+$0x88C0];
	v5 =	vmul.f32 v36, v3  }
0x230: {  	v4 =	vmul.f32 v35, v3  }
0x231: {  	v9 =	vld [tilespmem:s5+$0x88D0];
	v6 =	vmul.f32 v6, v3;
	[tilespmem:s5+$0x8880] =	vst v5  }
0x232: {  	v37 =	vmul.f32 v7, v3;
	[tilespmem:s5+$0x88B0] =	vst v4  }
0x233: {  	v0 =	vbroadcast v0, $0x0;
	v1 =	vmul.f32 v1, v3;
	[tilespmem:s5+$0x88A0] =	vst v6  }
0x234: {  	v38 =	vmul.f32 v8, v3;
	[tilespmem:s5+$0x8890] =	vst v37  }
0x235: {  	v39 =	vmul.f32 v2, v3;
	[tilespmem:s5+$0x88F0] =	vst v1  }
0x236: {  	v3 =	vmul.f32 v9, v3;
	[tilespmem:s5+$0x88C0] =	vst v38  }
0x237: {  	[tilespmem:s5+$0x88E0] =	vst v39  }
0x238: {  	v42 =	vld [tilespmem:s5+$0x8900];
	[tilespmem:s5+$0x88D0] =	vst v3  }
0x239: {  	v0 =	vld.idx.msk [tilespmem:v0+s19+$0x0], $0xffff  }
0x23a: {  	v43 =	vld [tilespmem:s5+$0x8910]  }
0x23b: {  	v44 =	vld [tilespmem:s5+$0x8920]  }
0x23c: {  	v41 =	vld [tilespmem:s5+$0x8930]  }
0x23d: {  	v40 =	vld [tilespmem:s5+$0x8950]  }
0x23e: {  	v45 =	vld [tilespmem:s5+$0x8940];
	v3 =	vmul.f32 v42, v0  }
0x23f: {  	v46 =	vld [tilespmem:s5+$0x8960];
	v4 =	vmul.f32 v43, v0  }
0x240: {  	v47 =	vld [tilespmem:s5+$0x8970];
	v48 =	vmul.f32 v44, v0;
	[tilespmem:s5+$0x8900] =	vst v3  }
0x241: {  	v1 =	vmul.f32 v41, v0;
	[tilespmem:s5+$0x8910] =	vst v4  }
0x242: {  	v2 =	vmul.f32 v40, v0;
	[tilespmem:s5+$0x8920] =	vst v48  }
0x243: {  	v53 =	vmov s14;
	v52 =	vmul.f32 v45, v0;
	[tilespmem:s5+$0x8930] =	vst v1  }
0x244: {  	v54 =	vmul.f32 v46, v0;
	[tilespmem:s5+$0x8950] =	vst v2  }
0x245: {  	v0 =	vmul.f32 v47, v0;
	[tilespmem:s5+$0x8940] =	vst v52  }
0x246: {  	[tilespmem:s5+$0x8960] =	vst v54  }
0x247: {  	v51 =	vld [tilespmem:s5+$0x8980];
	[tilespmem:s5+$0x8970] =	vst v0  }
0x248: {  	v0 =	vld.idx.msk [tilespmem:v53+s19+$0x0], $0xffff  }
0x249: {  	v56 =	vld [tilespmem:s5+$0x89A0]  }
0x24a: {  	v50 =	vld [tilespmem:s5+$0x89B0]  }
0x24b: {  	v49 =	vld [tilespmem:s5+$0x89C0]  }
0x24c: {  	v57 =	vld [tilespmem:s5+$0x89D0]  }
0x24d: {  	v55 =	vld [tilespmem:s5+$0x89E0];
	v1 =	vmul.f32 v51, v0  }
0x24e: {  	v59 =	vld [tilespmem:s5+$0x89F0];
	v2 =	vmul.f32 v56, v0  }
0x24f: {  	v58 =	vld [tilespmem:s5+$0x8990];
	v3 =	vmul.f32 v50, v0;
	[tilespmem:s5+$0x8980] =	vst v1  }
0x250: {  	v60 =	vmul.f32 v49, v0;
	[tilespmem:s5+$0x89A0] =	vst v2  }
0x251: {  	v61 =	vmul.f32 v57, v0;
	[tilespmem:s5+$0x89B0] =	vst v3  }
0x252: {  	v62 =	vmul.f32 v55, v0;
	[tilespmem:s5+$0x89C0] =	vst v60  }
0x253: {  	v63 =	vmul.f32 v59, v0;
	[tilespmem:s5+$0x89D0] =	vst v61  }
0x254: {  	s6 =	sshll.u32 s6, $0x7;
	v0 =	vmul.f32 v58, v0;
	[tilespmem:s5+$0x89E0] =	vst v62  }
0x255: {  	s6 =	sand.u32 $0x3FFFFF80, s6;
	[tilespmem:s5+$0x89F0] =	vst v63  }
.Ltmp8:
0x256: {  	s25 =	sadd.s32 $0xA00, s6;
	[tilespmem:s5+$0x8990] =	vst v0;
	(pc) =	sbr.rel @p0 .LBB2_13-.Ltmp8, $4  }
0x257: {  	[spmem:s3] =	stream.indirect.scatter.add.f32 [tilespmem:s26], [sflag:$0x8], $0x80, s25, s21, $0xb8;
	[tilespmem:$0x1E400] =	vst v63  }
0x258: {  	_ =	swait.ge [sflag:s8], $0x2000  }
0x259: {  	[sflag:s8] =	ssyncset.done $0x0  }
0x25a: {  	[sflag:s8] =	ssyncadd.s32 $0xFFFFE000  }
.Ltmp9:
0x25b: {  	(pc) =	sbr.rel .LBB2_3-.Ltmp9, $4  }
0x25c: {  	s5 =	sshll.u32 s4, $0x8  }
0x25d: {  	s4 =	sadd.s32 $0x1, s4;
	s9 =	sadd.s32 $0x100, s9;
	s5 =	sand.u32 $0x3FFFFF00, s5  }
0x25e: {  	s11 =	sadd.s32 $0x100, s11;
	s15 =	sadd.s32 $0x100, s15;
	s5 =	sadd.s32 $0x180, s5  }
0x25f: {  	[tilespmem:s24], [sflag:$0x3] =	stream.indirect.gather [hbm4b:s1+s21], $0x80, s5, s21, $0xb8;
	[tilespmem:$0x1E400] =	vst v63  }
.LBB2_15:
0x260: {  	_ =	sfence.sel $0x180000  }
0x261: {  	[bflag:$0x0] =	sbarrier.arrive $0xFFFF  }
0x262: {  	_ =	strace $0x90000047  }
0x263: {  	s0 =	stileid.u32;
	[bflag:$0x2] =	sbarrier.arrive $0xFFFF  }
0x264: {  	p0 =	sne.s32 s0, $0x0;
	s0 =	rddreg [dreg:$0x3]  }
0x265: {  	s0 =	sadd.s32 @!p0 $0x100000, s0  }
0x266: {  	[sflag:s0] =	ssyncadd.tile.s32 @!p0 $0x1;
	_ =	shalt  }
.Lfunc_end2:
_tile_overlayer_lowered:
.L_overlay_start_2:
0x267: {  	(tag) =	ssettag $0x2  }
0x268: {  	s0 =	rddreg [dreg:$0x0];
	s2 =	stileid.u32  }
0x269: {  	s1 =	rddreg [dreg:$0x1];
	p0 =	sne.s32 s2, $0x0  }
0x26a: {  	s3 =	rddreg [dreg:$0x2];
	[bflag:$0x3] =	sbarrier.arrive $0xFFFF;
	s2 =	simm.s32 @!p0 $0x1C0A  }
0x26b: {  	[timem:s3], [sflag:s2] =	dma.local @!p0 [hbm:s0], s1  }
0x26c: {  	s0 =	simm.s32 @!p0 $0xA  }
0x26d: {  	_ =	swait.ge @!p0 [sflag:s0], s1  }
0x26e: {  	s1 =	ssub.s32 @!p0 $0x0, s1;
	[sflag:s0] =	ssyncset.done @!p0 $0x0  }
0x26f: {  	[sflag:s0] =	ssyncadd.s32 @!p0 s1  }
0x270: {  	[bflag:$0x3] =	sbarrier.arrive $0xFFFF  }
0x271: {  	_ =	shalt  }

</sc_bundles>
